<compile_context>
chip_gen: v7x
topology: tpu7x:2x2x1
jax: 0.10.2.dev20260603
libtpu: 0.0.44.dev20260713+nightly
codegen_flags: <defaults>
</compile_context>

<pallas_src>
import functools

import jax
import jax.numpy as jnp
from jax import lax
from jax.experimental import pallas as pl
from jax.experimental.pallas import tpu as pltpu
from jax.experimental.pallas import tpu_sc as plsc

N_NODES = 10000
N_SUBCORES = 16
EDGES_PER_TILE = 10112
CHUNK = 128
N_CHUNKS = EDGES_PER_TILE // CHUNK
WIDTH = 64
DEGW = 16
ACC_ROWS = 10112
ZROWS = ACC_ROWS // N_SUBCORES
TROWS = 632


def _make_segsum(tabs_per_core, with_deg, nbuf=2):
    mesh = plsc.VectorSubcoreMesh(core_axis_name="c", subcore_axis_name="s")
    n_tabs = 2 * tabs_per_core
    n_in = n_tabs + 3 + (2 if with_deg else 0)
    n_out = n_tabs + (2 if with_deg else 0)

    scratch = (
        [pltpu.VMEM((N_CHUNKS, CHUNK), jnp.int32),
         pltpu.VMEM((N_CHUNKS, CHUNK), jnp.int32)]
        + [pltpu.VMEM((CHUNK, WIDTH), jnp.float32)] * nbuf
        + [pltpu.VMEM_SHARED((N_NODES, WIDTH), jnp.float32),
           pltpu.VMEM_SHARED((ACC_ROWS, WIDTH), jnp.float32)]
        + [pltpu.SemaphoreType.DMA] * (2 * nbuf)
    )
    if with_deg:
        scratch += [
            pltpu.VMEM((CHUNK, DEGW), jnp.float32),
            pltpu.VMEM_SHARED((ACC_ROWS, DEGW), jnp.float32),
        ]

    @functools.partial(
        pl.kernel,
        out_type=[jax.ShapeDtypeStruct(
            (ACC_ROWS, DEGW if with_deg and i >= n_tabs else WIDTH),
            jnp.float32) for i in range(n_out)],
        mesh=mesh,
        compiler_params=pltpu.CompilerParams(use_tc_tiling_on_sc=False),
        scratch_types=scratch,
    )
    def segsum(*args):
        tabs = args[:n_tabs]
        srcs, dsts, zeros = args[n_tabs:n_tabs + 3]
        if with_deg:
            ones, zeros_d = args[n_tabs + 3:n_in]
        outs = args[n_in:n_in + n_tabs]
        rest = args[n_in + n_tabs:]
        if with_deg:
            deg_outs = rest[:2]
            rest = rest[2:]
        src_v, dst_v = rest[:2]
        gb = rest[2:2 + nbuf]
        tab_s, acc = rest[2 + nbuf:4 + nbuf]
        gsem = rest[4 + nbuf:4 + 2 * nbuf]
        ssem = rest[4 + 2 * nbuf:4 + 3 * nbuf]
        if with_deg:
            ones_v, acc_d = rest[4 + 3 * nbuf:]
        c = lax.axis_index("c")
        s = lax.axis_index("s")
        pltpu.sync_copy(srcs.at[s], src_v)
        pltpu.sync_copy(dsts.at[s], dst_v)

        def stage(tab):
            @pl.when(s < N_SUBCORES - 1)
            def _():
                pltpu.sync_copy(tab.at[pl.ds(s * TROWS, TROWS)],
                                tab_s.at[pl.ds(s * TROWS, TROWS)])

            @pl.when(s == N_SUBCORES - 1)
            def _():
                pltpu.sync_copy(
                    tab.at[pl.ds((N_SUBCORES - 1) * TROWS,
                                 N_NODES - (N_SUBCORES - 1) * TROWS)],
                    tab_s.at[pl.ds((N_SUBCORES - 1) * TROWS,
                                   N_NODES - (N_SUBCORES - 1) * TROWS)])

        def gather(j, b):
            pltpu.async_copy(tab_s.at[src_v.at[j]], gb[b], gsem[b])

        def gwait(b):
            pltpu.make_async_copy(tab_s.at[src_v.at[0]], gb[b],
                                  gsem[b]).wait()

        def swait(b):
            pltpu.make_async_copy(gb[b], acc.at[dst_v.at[0]],
                                  ssem[b]).wait()

        def one_pass(tab, out):
            stage(tab)
            pltpu.sync_copy(zeros, acc.at[pl.ds(s * ZROWS, ZROWS)])
            plsc.subcore_barrier()

            if nbuf == 2:
                gather(0, 0)

                def body(i, carry):
                    j = 2 * i
                    gather(j + 1, 1)
                    gwait(0)
                    pltpu.sync_copy(gb[0], acc.at[dst_v.at[j]], add=True)
                    gather(j + 2, 0)
                    gwait(1)
                    pltpu.sync_copy(gb[1], acc.at[dst_v.at[j + 1]], add=True)
                    return carry

                lax.fori_loop(0, N_CHUNKS // 2, body, 0)
                gwait(0)
                pltpu.sync_copy(gb[0], acc.at[dst_v.at[N_CHUNKS - 1]],
                                add=True)
            else:
                gather(0, 0)
                gather(1, 1)

                def body(i, carry):
                    for k in range(3):
                        j = 3 * i + k
                        gwait(k)
                        pltpu.async_copy(gb[k], acc.at[dst_v.at[j]],
                                         ssem[k], add=True)

                        @pl.when(j >= 1)
                        def _(k=k):
                            swait((k + 2) % 3)

                        @pl.when(j + 2 < N_CHUNKS)
                        def _(j=j, k=k):
                            gather(j + 2, (k + 2) % 3)
                    return carry

                lax.fori_loop(0, N_CHUNKS // 3, body, 0)
                gwait(0)
                pltpu.async_copy(gb[0], acc.at[dst_v.at[N_CHUNKS - 1]],
                                 ssem[0], add=True)
                swait(2)
                swait(0)
            plsc.subcore_barrier()
            pltpu.sync_copy(acc.at[pl.ds(s * ZROWS, ZROWS)],
                            out.at[pl.ds(s * ZROWS, ZROWS)])

        def deg_pass(lo, hi, out_d):
            pltpu.sync_copy(ones, ones_v)
            pltpu.sync_copy(zeros_d, acc_d.at[pl.ds(s * ZROWS, ZROWS)])
            plsc.subcore_barrier()

            def body(j, carry):
                pltpu.sync_copy(ones_v, acc_d.at[dst_v.at[j]], add=True)
                return carry

            lax.fori_loop(lo, hi, body, 0)
            plsc.subcore_barrier()
            pltpu.sync_copy(acc_d.at[pl.ds(s * ZROWS, ZROWS)],
                            out_d.at[pl.ds(s * ZROWS, ZROWS)])

        for t in range(tabs_per_core):
            @pl.when(c == 0)
            def _(t=t):
                one_pass(tabs[t], outs[t])

            @pl.when(c == 1)
            def _(t=t):
                one_pass(tabs[tabs_per_core + t], outs[tabs_per_core + t])
            plsc.subcore_barrier()

        if with_deg:
            half = N_CHUNKS // 2

            @pl.when(c == 0)
            def _():
                deg_pass(0, half, deg_outs[0])

            @pl.when(c == 1)
            def _():
                deg_pass(half, N_CHUNKS, deg_outs[1])

    return segsum


def _dense_body(n_agg, n_xr, n_out, relu, *refs):
    aggs = refs[:n_agg]
    d0_ref, d1_ref = refs[n_agg:n_agg + 2]
    xrs = refs[n_agg + 2:n_agg + 2 + n_xr]
    wl_ref, wr_ref, b_ref = refs[n_agg + 2 + n_xr:n_agg + 5 + n_xr]
    outs = refs[n_agg + 5 + n_xr:]
    deg = d0_ref[:, 0:1] + d1_ref[:, 0:1]
    inv = 1.0 / jnp.maximum(deg, 1.0)
    mean = jnp.concatenate([a[...] * inv for a in aggs], axis=1)
    xcat = (xrs[0][...] if n_xr == 1 else
            jnp.concatenate([r[...] for r in xrs], axis=1))
    acc = jnp.dot(mean, wl_ref[...], preferred_element_type=jnp.float32)
    acc = acc + jnp.dot(xcat, wr_ref[...],
                        preferred_element_type=jnp.float32)
    acc = acc + b_ref[...]
    if relu:
        acc = jnp.maximum(acc, 0.0)
    if n_out == 1:
        outs[0][...] = acc
    else:
        w = acc.shape[1] // n_out
        for k in range(n_out):
            outs[k][...] = acc[:, k * w:(k + 1) * w]


def _dense_layer(aggs, d0, d1, xrs, wl, wr, bias, relu, n_out, mb=1000):
    m = xrs[0].shape[0]
    k = wl.shape[0]
    n = wl.shape[1]
    wa = aggs[0].shape[1]
    wx = xrs[0].shape[1]
    out_shape = [jax.ShapeDtypeStruct((m, n // n_out), jnp.float32)
                 for _ in range(n_out)]
    res = pl.pallas_call(
        functools.partial(_dense_body, len(aggs), len(xrs), n_out, relu),
        grid=(m // mb,),
        in_specs=(
            [pl.BlockSpec((mb, wa), lambda i: (i, 0)) for _ in aggs]
            + [pl.BlockSpec((mb, DEGW), lambda i: (i, 0))] * 2
            + [pl.BlockSpec((mb, wx), lambda i: (i, 0)) for _ in xrs]
            + [pl.BlockSpec((k, n), lambda i: (0, 0)),
               pl.BlockSpec((k, n), lambda i: (0, 0)),
               pl.BlockSpec((1, n), lambda i: (0, 0))]
        ),
        out_specs=[pl.BlockSpec((mb, n // n_out), lambda i: (i, 0))
                   for _ in range(n_out)],
        out_shape=out_shape,
    )(*aggs, d0, d1, *xrs, wl, wr, bias)
    return res


def kernel(x, edge_index, W1_l, b1, W1_r, W2_l, b2, W2_r):
    src = edge_index[0].astype(jnp.int32)
    dst = edge_index[1].astype(jnp.int32)
    n_edges = src.shape[0]

    e_pad = N_SUBCORES * EDGES_PER_TILE - n_edges
    src_p = jnp.concatenate([src, jnp.zeros((e_pad,), jnp.int32)])
    dst_p = jnp.concatenate([dst, jnp.full((e_pad,), N_NODES, jnp.int32)])
    srcs = src_p.reshape(N_SUBCORES, N_CHUNKS, CHUNK)
    dsts = dst_p.reshape(N_SUBCORES, N_CHUNKS, CHUNK)

    zeros = jnp.zeros((ZROWS, WIDTH), jnp.float32)
    zeros_d = jnp.zeros((ZROWS, DEGW), jnp.float32)
    ones = jnp.ones((CHUNK, DEGW), jnp.float32)

    tabs1 = [x[:, k * WIDTH:(k + 1) * WIDTH] for k in range(4)]
    o0, o1, o2, o3, d0, d1 = _make_segsum(2, True)(
        *tabs1, srcs, dsts, zeros, ones, zeros_d)
    hs = _dense_layer([o0, o1, o2, o3], d0, d1, [x], W1_l, W1_r,
                      b1.reshape(1, -1), relu=True, n_out=8)

    a2 = _make_segsum(4, False, nbuf=3)(*hs, srcs, dsts, zeros)
    out, = _dense_layer(list(a2), d0, d1, hs, W2_l, W2_r, b2.reshape(1, -1),
                        relu=False, n_out=1)
    return out

# --- scband reference (transcript-rebuilt; emitter-appended) ---
"""Pipeline reference for scband-gnn-23038204576426 (READ-ONLY COPY).

The authoritative reference and input builder live on the scoring server;
editing this copy changes nothing except your own understanding.
"""

import jax, jax.numpy as jnp
import numpy as np

N_NODES = 10000
N_EDGES = 160000
D_IN = 256
D_HID = 512
D_OUT = 512


def sage_conv(x, edge_index, W_l, b_l, W_r):
    # PyG SAGEConv with mean aggregation:
    # out = lin_l(mean_{j in N(i)} x_j) + lin_r(x_i)
    src = edge_index[0]
    dst = edge_index[1]
    n = x.shape[0]
    msgs = jnp.take(x, src, axis=0)
    agg = jax.ops.segment_sum(msgs, dst, num_segments=n)
    deg = jax.ops.segment_sum(jnp.ones((src.shape[0],), x.dtype), dst, num_segments=n)
    deg = jnp.clip(deg, 1.0, None)
    mean = agg / deg[:, None]
    return mean @ W_l + b_l + x @ W_r


def setup_inputs(seed: int = 0) -> dict:
    key = jax.random.key(seed)
    ks = jax.random.split(key, 8)
    x = jax.random.normal(ks[0], (N_NODES, D_IN), dtype=jnp.float32)
    edge_index = jax.random.randint(ks[1], (2, N_EDGES), 0, N_NODES)
    W1_l = jax.random.normal(ks[2], (D_IN, D_HID), dtype=jnp.float32) * (1.0 / np.sqrt(D_IN))
    b1 = jnp.zeros((D_HID,), dtype=jnp.float32)
    W1_r = jax.random.normal(ks[3], (D_IN, D_HID), dtype=jnp.float32) * (1.0 / np.sqrt(D_IN))
    W2_l = jax.random.normal(ks[4], (D_HID, D_OUT), dtype=jnp.float32) * (1.0 / np.sqrt(D_HID))
    b2 = jnp.zeros((D_OUT,), dtype=jnp.float32)
    W2_r = jax.random.normal(ks[5], (D_HID, D_OUT), dtype=jnp.float32) * (1.0 / np.sqrt(D_HID))
    return {"x": x, "edge_index": edge_index, "W1_l": W1_l, "b1": b1, "W1_r": W1_r, "W2_l": W2_l, "b2": b2, "W2_r": W2_r}


def reference(x, edge_index, W1_l, b1, W1_r, W2_l, b2, W2_r):
    h = sage_conv(x, edge_index, W1_l, b1, W1_r)
    h = jax.nn.relu(h)
    out = sage_conv(h, edge_index, W2_l, b2, W2_r)
    return out

if __name__ == "__main__":
    import jax
    _d = setup_inputs()
    print(jax.jit(kernel)(*tuple(_d.values())))

</pallas_src>

<mosaic_0001>
#map = affine_map<(d0, d1) -> (0, 0)>
#map1 = affine_map<(d0, d1) -> (0, 0, 0)>
module attributes {stable_mosaic.version = 14 : i64} {
  func.func @segsum(%arg0: i32, %arg1: i32, %arg2: memref<10000x64xf32, #tpu.memory_space<hbm>>, %arg3: memref<10000x64xf32, #tpu.memory_space<hbm>>, %arg4: memref<10000x64xf32, #tpu.memory_space<hbm>>, %arg5: memref<10000x64xf32, #tpu.memory_space<hbm>>, %arg6: memref<16x79x128xi32, #tpu.memory_space<hbm>>, %arg7: memref<16x79x128xi32, #tpu.memory_space<hbm>>, %arg8: memref<632x64xf32, #tpu.memory_space<hbm>>, %arg9: memref<128x16xf32, #tpu.memory_space<hbm>>, %arg10: memref<632x16xf32, #tpu.memory_space<hbm>>, %arg11: memref<10112x64xf32, #tpu.memory_space<hbm>>, %arg12: memref<10112x64xf32, #tpu.memory_space<hbm>>, %arg13: memref<10112x64xf32, #tpu.memory_space<hbm>>, %arg14: memref<10112x64xf32, #tpu.memory_space<hbm>>, %arg15: memref<10112x16xf32, #tpu.memory_space<hbm>>, %arg16: memref<10112x16xf32, #tpu.memory_space<hbm>>, %arg17: memref<79x128xi32, #tpu.memory_space<vmem>>, %arg18: memref<79x128xi32, #tpu.memory_space<vmem>>, %arg19: memref<128x64xf32, #tpu.memory_space<vmem>>, %arg20: memref<128x64xf32, #tpu.memory_space<vmem>>, %arg21: memref<10000x64xf32, #tpu.memory_space<vmem_shared>>, %arg22: memref<10112x64xf32, #tpu.memory_space<vmem_shared>>, %arg23: memref<!tpu.dma_semaphore, #tpu.memory_space<semaphore_mem>>, %arg24: memref<!tpu.dma_semaphore, #tpu.memory_space<semaphore_mem>>, %arg25: memref<!tpu.dma_semaphore, #tpu.memory_space<semaphore_mem>>, %arg26: memref<!tpu.dma_semaphore, #tpu.memory_space<semaphore_mem>>, %arg27: memref<128x16xf32, #tpu.memory_space<vmem>>, %arg28: memref<10112x16xf32, #tpu.memory_space<vmem_shared>>) attributes {dimension_semantics = [#tpu.dimension_semantics<core_parallel>, #tpu.dimension_semantics<subcore_parallel>], iteration_bounds = array<i64: 2, 16>, scalar_prefetch = 0 : i64, scratch_operands = 12 : i64, tpu.core_type = #tpu.core_type<sc_vector_subcore>, window_params = [{transform_indices = #map}, {transform_indices = #map}, {transform_indices = #map}, {transform_indices = #map}, {transform_indices = #map1}, {transform_indices = #map1}, {transform_indices = #map}, {transform_indices = #map}, {transform_indices = #map}, {transform_indices = #map}, {transform_indices = #map}, {transform_indices = #map}, {transform_indices = #map}, {transform_indices = #map}, {transform_indices = #map}]} {
    "tpu.region"() ({
      %run_scoped3A = tpu.sem_alloc : memref<!tpu.dma_semaphore, #tpu.memory_space<semaphore_mem>>
      %dma_start3A = arith.constant 0 : i32
      %dma_start3A_28 = arith.constant 0 : i32
      %dma_start3A_29 = tpu.memref_slice %arg6[%arg1, %dma_start3A, %dma_start3A_28] : memref<16x79x128xi32, #tpu.memory_space<hbm>> -> memref<1x79x128xi32, #tpu.memory_space<hbm>>
      %dma_start3A_30 = tpu.memref_squeeze %dma_start3A_29 : memref<1x79x128xi32, #tpu.memory_space<hbm>> -> memref<79x128xi32, #tpu.memory_space<hbm>>
      %dma_start3A_31 = arith.constant 0 : i32
      %dma_start3A_32 = arith.constant 0 : i32
      %dma_start3A_33 = tpu.memref_slice %arg6[%arg1, %dma_start3A_31, %dma_start3A_32] : memref<16x79x128xi32, #tpu.memory_space<hbm>> -> memref<1x79x128xi32, #tpu.memory_space<hbm>>
      %dma_start3A_34 = tpu.memref_squeeze %dma_start3A_33 : memref<1x79x128xi32, #tpu.memory_space<hbm>> -> memref<79x128xi32, #tpu.memory_space<hbm>>
      tpu.enqueue_dma source(%dma_start3A_34 : memref<79x128xi32, #tpu.memory_space<hbm>>) target(%arg17 : memref<79x128xi32, #tpu.memory_space<vmem>>) target_semaphore(%run_scoped3A : memref<!tpu.dma_semaphore, #tpu.memory_space<semaphore_mem>>)
      %dma_wait3A = arith.constant 0 : i32
      %dma_wait3A_35 = arith.constant 0 : i32
      %dma_wait3A_36 = tpu.memref_slice %arg6[%arg1, %dma_wait3A, %dma_wait3A_35] : memref<16x79x128xi32, #tpu.memory_space<hbm>> -> memref<1x79x128xi32, #tpu.memory_space<hbm>>
      %dma_wait3A_37 = tpu.memref_squeeze %dma_wait3A_36 : memref<1x79x128xi32, #tpu.memory_space<hbm>> -> memref<79x128xi32, #tpu.memory_space<hbm>>
      %dma_wait3A_38 = arith.constant 0 : i32
      %dma_wait3A_39 = arith.constant 0 : i32
      %dma_wait3A_40 = tpu.memref_slice %arg6[%arg1, %dma_wait3A_38, %dma_wait3A_39] : memref<16x79x128xi32, #tpu.memory_space<hbm>> -> memref<1x79x128xi32, #tpu.memory_space<hbm>>
      %dma_wait3A_41 = tpu.memref_squeeze %dma_wait3A_40 : memref<1x79x128xi32, #tpu.memory_space<hbm>> -> memref<79x128xi32, #tpu.memory_space<hbm>>
      tpu.wait_dma2 semaphore(%run_scoped3A : memref<!tpu.dma_semaphore, #tpu.memory_space<semaphore_mem>>) src(%dma_wait3A_41 : memref<79x128xi32, #tpu.memory_space<hbm>>) dst(%arg17 : memref<79x128xi32, #tpu.memory_space<vmem>>)
      tpu.yield
    }) : () -> ()
    "tpu.region"() ({
      %run_scoped3A = tpu.sem_alloc : memref<!tpu.dma_semaphore, #tpu.memory_space<semaphore_mem>>
      %dma_start3A = arith.constant 0 : i32
      %dma_start3A_28 = arith.constant 0 : i32
      %dma_start3A_29 = tpu.memref_slice %arg7[%arg1, %dma_start3A, %dma_start3A_28] : memref<16x79x128xi32, #tpu.memory_space<hbm>> -> memref<1x79x128xi32, #tpu.memory_space<hbm>>
      %dma_start3A_30 = tpu.memref_squeeze %dma_start3A_29 : memref<1x79x128xi32, #tpu.memory_space<hbm>> -> memref<79x128xi32, #tpu.memory_space<hbm>>
      %dma_start3A_31 = arith.constant 0 : i32
      %dma_start3A_32 = arith.constant 0 : i32
      %dma_start3A_33 = tpu.memref_slice %arg7[%arg1, %dma_start3A_31, %dma_start3A_32] : memref<16x79x128xi32, #tpu.memory_space<hbm>> -> memref<1x79x128xi32, #tpu.memory_space<hbm>>
      %dma_start3A_34 = tpu.memref_squeeze %dma_start3A_33 : memref<1x79x128xi32, #tpu.memory_space<hbm>> -> memref<79x128xi32, #tpu.memory_space<hbm>>
      tpu.enqueue_dma source(%dma_start3A_34 : memref<79x128xi32, #tpu.memory_space<hbm>>) target(%arg18 : memref<79x128xi32, #tpu.memory_space<vmem>>) target_semaphore(%run_scoped3A : memref<!tpu.dma_semaphore, #tpu.memory_space<semaphore_mem>>)
      %dma_wait3A = arith.constant 0 : i32
      %dma_wait3A_35 = arith.constant 0 : i32
      %dma_wait3A_36 = tpu.memref_slice %arg7[%arg1, %dma_wait3A, %dma_wait3A_35] : memref<16x79x128xi32, #tpu.memory_space<hbm>> -> memref<1x79x128xi32, #tpu.memory_space<hbm>>
      %dma_wait3A_37 = tpu.memref_squeeze %dma_wait3A_36 : memref<1x79x128xi32, #tpu.memory_space<hbm>> -> memref<79x128xi32, #tpu.memory_space<hbm>>
      %dma_wait3A_38 = arith.constant 0 : i32
      %dma_wait3A_39 = arith.constant 0 : i32
      %dma_wait3A_40 = tpu.memref_slice %arg7[%arg1, %dma_wait3A_38, %dma_wait3A_39] : memref<16x79x128xi32, #tpu.memory_space<hbm>> -> memref<1x79x128xi32, #tpu.memory_space<hbm>>
      %dma_wait3A_41 = tpu.memref_squeeze %dma_wait3A_40 : memref<1x79x128xi32, #tpu.memory_space<hbm>> -> memref<79x128xi32, #tpu.memory_space<hbm>>
      tpu.wait_dma2 semaphore(%run_scoped3A : memref<!tpu.dma_semaphore, #tpu.memory_space<semaphore_mem>>) src(%dma_wait3A_41 : memref<79x128xi32, #tpu.memory_space<hbm>>) dst(%arg18 : memref<79x128xi32, #tpu.memory_space<vmem>>)
      tpu.yield
    }) : () -> ()
    %eq3A = arith.constant 0 : i32
    %eq3A_0 = arith.cmpi eq, %arg0, %eq3A : i32
    %convert_element_type3A = arith.extui %eq3A_0 : i1 to i32
    %cond3A = arith.constant 0 : i32
    %cond3A_1 = arith.cmpi ne, %convert_element_type3A, %cond3A : i32
    scf.if %cond3A_1 {
      %lt3A = arith.constant 15 : i32
      %lt3A_28 = arith.cmpi slt, %arg1, %lt3A : i32
      %convert_element_type3A_29 = arith.extui %lt3A_28 : i1 to i32
      %cond3A_30 = arith.constant 0 : i32
      %cond3A_31 = arith.cmpi ne, %convert_element_type3A_29, %cond3A_30 : i32
      scf.if %cond3A_31 {
        %mul3A_61 = arith.constant 632 : i32
        %mul3A_62 = arith.muli %arg1, %mul3A_61 : i32
        %mul3A_63 = arith.constant 632 : i32
        %mul3A_64 = arith.muli %arg1, %mul3A_63 : i32
        "tpu.region"() ({
          %run_scoped3A_65 = tpu.sem_alloc : memref<!tpu.dma_semaphore, #tpu.memory_space<semaphore_mem>>
          %dma_start3A_66 = arith.constant 0 : i32
          %dma_start3A_67 = tpu.memref_slice %arg21[%mul3A_64, %dma_start3A_66] : memref<10000x64xf32, #tpu.memory_space<vmem_shared>> -> memref<632x64xf32, #tpu.memory_space<vmem_shared>>
          %dma_start3A_68 = arith.constant 0 : i32
          %dma_start3A_69 = tpu.memref_slice %arg2[%mul3A_62, %dma_start3A_68] : memref<10000x64xf32, #tpu.memory_space<hbm>> -> memref<632x64xf32, #tpu.memory_space<hbm>>
          tpu.enqueue_dma source(%dma_start3A_69 : memref<632x64xf32, #tpu.memory_space<hbm>>) target(%dma_start3A_67 : memref<632x64xf32, #tpu.memory_space<vmem_shared>>) target_semaphore(%run_scoped3A_65 : memref<!tpu.dma_semaphore, #tpu.memory_space<semaphore_mem>>)
          %dma_wait3A_70 = arith.constant 0 : i32
          %dma_wait3A_71 = tpu.memref_slice %arg21[%mul3A_64, %dma_wait3A_70] : memref<10000x64xf32, #tpu.memory_space<vmem_shared>> -> memref<632x64xf32, #tpu.memory_space<vmem_shared>>
          %dma_wait3A_72 = arith.constant 0 : i32
          %dma_wait3A_73 = tpu.memref_slice %arg2[%mul3A_62, %dma_wait3A_72] : memref<10000x64xf32, #tpu.memory_space<hbm>> -> memref<632x64xf32, #tpu.memory_space<hbm>>
          tpu.wait_dma2 semaphore(%run_scoped3A_65 : memref<!tpu.dma_semaphore, #tpu.memory_space<semaphore_mem>>) src(%dma_wait3A_73 : memref<632x64xf32, #tpu.memory_space<hbm>>) dst(%dma_wait3A_71 : memref<632x64xf32, #tpu.memory_space<vmem_shared>>)
          tpu.yield
        }) : () -> ()
      } else {
      }
      %eq3A_32 = arith.constant 15 : i32
      %eq3A_33 = arith.cmpi eq, %arg1, %eq3A_32 : i32
      %convert_element_type3A_34 = arith.extui %eq3A_33 : i1 to i32
      %cond3A_35 = arith.constant 0 : i32
      %cond3A_36 = arith.cmpi ne, %convert_element_type3A_34, %cond3A_35 : i32
      scf.if %cond3A_36 {
        "tpu.region"() ({
          %run_scoped3A_61 = tpu.sem_alloc : memref<!tpu.dma_semaphore, #tpu.memory_space<semaphore_mem>>
          %dma_start3A_62 = arith.constant 9480 : i32
          %dma_start3A_63 = arith.constant 0 : i32
          %dma_start3A_64 = tpu.memref_slice %arg21[%dma_start3A_62, %dma_start3A_63] : memref<10000x64xf32, #tpu.memory_space<vmem_shared>> -> memref<520x64xf32, #tpu.memory_space<vmem_shared>>
          %dma_start3A_65 = arith.constant 9480 : i32
          %dma_start3A_66 = arith.constant 0 : i32
          %dma_start3A_67 = tpu.memref_slice %arg2[%dma_start3A_65, %dma_start3A_66] : memref<10000x64xf32, #tpu.memory_space<hbm>> -> memref<520x64xf32, #tpu.memory_space<hbm>>
          tpu.enqueue_dma source(%dma_start3A_67 : memref<520x64xf32, #tpu.memory_space<hbm>>) target(%dma_start3A_64 : memref<520x64xf32, #tpu.memory_space<vmem_shared>>) target_semaphore(%run_scoped3A_61 : memref<!tpu.dma_semaphore, #tpu.memory_space<semaphore_mem>>)
          %dma_wait3A_68 = arith.constant 9480 : i32
          %dma_wait3A_69 = arith.constant 0 : i32
          %dma_wait3A_70 = tpu.memref_slice %arg21[%dma_wait3A_68, %dma_wait3A_69] : memref<10000x64xf32, #tpu.memory_space<vmem_shared>> -> memref<520x64xf32, #tpu.memory_space<vmem_shared>>
          %dma_wait3A_71 = arith.constant 9480 : i32
          %dma_wait3A_72 = arith.constant 0 : i32
          %dma_wait3A_73 = tpu.memref_slice %arg2[%dma_wait3A_71, %dma_wait3A_72] : memref<10000x64xf32, #tpu.memory_space<hbm>> -> memref<520x64xf32, #tpu.memory_space<hbm>>
          tpu.wait_dma2 semaphore(%run_scoped3A_61 : memref<!tpu.dma_semaphore, #tpu.memory_space<semaphore_mem>>) src(%dma_wait3A_73 : memref<520x64xf32, #tpu.memory_space<hbm>>) dst(%dma_wait3A_70 : memref<520x64xf32, #tpu.memory_space<vmem_shared>>)
          tpu.yield
        }) : () -> ()
      } else {
      }
      %mul3A = arith.constant 632 : i32
      %mul3A_37 = arith.muli %arg1, %mul3A : i32
      "tpu.region"() ({
        %run_scoped3A_61 = tpu.sem_alloc : memref<!tpu.dma_semaphore, #tpu.memory_space<semaphore_mem>>
        %dma_start3A_62 = arith.constant 0 : i32
        %dma_start3A_63 = tpu.memref_slice %arg22[%mul3A_37, %dma_start3A_62] : memref<10112x64xf32, #tpu.memory_space<vmem_shared>> -> memref<632x64xf32, #tpu.memory_space<vmem_shared>>
        tpu.enqueue_dma source(%arg8 : memref<632x64xf32, #tpu.memory_space<hbm>>) target(%dma_start3A_63 : memref<632x64xf32, #tpu.memory_space<vmem_shared>>) target_semaphore(%run_scoped3A_61 : memref<!tpu.dma_semaphore, #tpu.memory_space<semaphore_mem>>)
        %dma_wait3A_64 = arith.constant 0 : i32
        %dma_wait3A_65 = tpu.memref_slice %arg22[%mul3A_37, %dma_wait3A_64] : memref<10112x64xf32, #tpu.memory_space<vmem_shared>> -> memref<632x64xf32, #tpu.memory_space<vmem_shared>>
        tpu.wait_dma2 semaphore(%run_scoped3A_61 : memref<!tpu.dma_semaphore, #tpu.memory_space<semaphore_mem>>) src(%arg8 : memref<632x64xf32, #tpu.memory_space<hbm>>) dst(%dma_wait3A_65 : memref<632x64xf32, #tpu.memory_space<vmem_shared>>)
        tpu.yield
      }) : () -> ()
      %barrier3A_38 = arith.constant 0 : index
      tpu.barrier barrier_id(%barrier3A_38)
      %dma_start3A = arith.constant 0 : i32
      %dma_start3A_39 = arith.constant 0 : i32
      %dma_start3A_40 = tpu.memref_slice %arg17[%dma_start3A, %dma_start3A_39] : memref<79x128xi32, #tpu.memory_space<vmem>> -> memref<1x128xi32, #tpu.memory_space<vmem>>
      %dma_start3A_41 = tpu.memref_squeeze %dma_start3A_40 : memref<1x128xi32, #tpu.memory_space<vmem>> -> memref<128xi32, #tpu.memory_space<vmem>>
      %dma_start3A_42 = arith.constant 0 : i32
      %dma_start3A_43 = arith.constant 0 : i32
      %dma_start3A_44 = tpu.memref_slice %arg21[%dma_start3A_42, %dma_start3A_43] : memref<10000x64xf32, #tpu.memory_space<vmem_shared>> -> memref<10000x64xf32, #tpu.memory_space<vmem_shared>>
      tpu.enqueue_indirect_dma source(%dma_start3A_44 : memref<10000x64xf32, #tpu.memory_space<vmem_shared>>) target(%arg19 : memref<128x64xf32, #tpu.memory_space<vmem>>) offsets(%dma_start3A_41 : memref<128xi32, #tpu.memory_space<vmem>>) semaphore(%arg23 : memref<!tpu.dma_semaphore, #tpu.memory_space<semaphore_mem>>)
      %scan3A = arith.constant 0 : i32
      %scan3A_45 = arith.constant 0 : i32
      %scan3A_46 = arith.constant 39 : i32
      %scan3A_47 = arith.addi %scan3A_45, %scan3A_46 : i32
      %scan3A_48 = arith.constant 1 : i32
      scf.for %scan3A_61 = %scan3A_45 to %scan3A_47 step %scan3A_48  : i32 {
        %mul3A_62 = arith.constant 2 : i32
        %mul3A_63 = arith.muli %mul3A_62, %scan3A_61 : i32
        %add3A = arith.constant 1 : i32
        %add3A_64 = arith.addi %mul3A_63, %add3A : i32
        %dma_start3A_65 = arith.constant 0 : i32
        %dma_start3A_66 = tpu.memref_slice %arg17[%add3A_64, %dma_start3A_65] : memref<79x128xi32, #tpu.memory_space<vmem>> -> memref<1x128xi32, #tpu.memory_space<vmem>>
        %dma_start3A_67 = tpu.memref_squeeze %dma_start3A_66 : memref<1x128xi32, #tpu.memory_space<vmem>> -> memref<128xi32, #tpu.memory_space<vmem>>
        %dma_start3A_68 = arith.constant 0 : i32
        %dma_start3A_69 = arith.constant 0 : i32
        %dma_start3A_70 = tpu.memref_slice %arg21[%dma_start3A_68, %dma_start3A_69] : memref<10000x64xf32, #tpu.memory_space<vmem_shared>> -> memref<10000x64xf32, #tpu.memory_space<vmem_shared>>
        tpu.enqueue_indirect_dma source(%dma_start3A_70 : memref<10000x64xf32, #tpu.memory_space<vmem_shared>>) target(%arg20 : memref<128x64xf32, #tpu.memory_space<vmem>>) offsets(%dma_start3A_67 : memref<128xi32, #tpu.memory_space<vmem>>) semaphore(%arg24 : memref<!tpu.dma_semaphore, #tpu.memory_space<semaphore_mem>>)
        %dma_wait3A_71 = arith.constant 0 : i32
        %dma_wait3A_72 = arith.constant 0 : i32
        %dma_wait3A_73 = tpu.memref_slice %arg17[%dma_wait3A_71, %dma_wait3A_72] : memref<79x128xi32, #tpu.memory_space<vmem>> -> memref<1x128xi32, #tpu.memory_space<vmem>>
        %dma_wait3A_74 = tpu.memref_squeeze %dma_wait3A_73 : memref<1x128xi32, #tpu.memory_space<vmem>> -> memref<128xi32, #tpu.memory_space<vmem>>
        %dma_wait3A_75 = arith.constant 0 : i32
        %dma_wait3A_76 = arith.constant 0 : i32
        %dma_wait3A_77 = tpu.memref_slice %arg21[%dma_wait3A_75, %dma_wait3A_76] : memref<10000x64xf32, #tpu.memory_space<vmem_shared>> -> memref<10000x64xf32, #tpu.memory_space<vmem_shared>>
        tpu.wait_indirect_dma semaphore(%arg23 : memref<!tpu.dma_semaphore, #tpu.memory_space<semaphore_mem>>) src(%dma_wait3A_77 : memref<10000x64xf32, #tpu.memory_space<vmem_shared>>) dst(%arg19 : memref<128x64xf32, #tpu.memory_space<vmem>>)
        "tpu.region"() ({
          %run_scoped3A_95 = tpu.sem_alloc : memref<!tpu.dma_semaphore, #tpu.memory_space<semaphore_mem>>
          %dma_start3A_96 = arith.constant 0 : i32
          %dma_start3A_97 = tpu.memref_slice %arg18[%mul3A_63, %dma_start3A_96] : memref<79x128xi32, #tpu.memory_space<vmem>> -> memref<1x128xi32, #tpu.memory_space<vmem>>
          %dma_start3A_98 = tpu.memref_squeeze %dma_start3A_97 : memref<1x128xi32, #tpu.memory_space<vmem>> -> memref<128xi32, #tpu.memory_space<vmem>>
          %dma_start3A_99 = arith.constant 0 : i32
          %dma_start3A_100 = arith.constant 0 : i32
          %dma_start3A_101 = tpu.memref_slice %arg22[%dma_start3A_99, %dma_start3A_100] : memref<10112x64xf32, #tpu.memory_space<vmem_shared>> -> memref<10112x64xf32, #tpu.memory_space<vmem_shared>>
          tpu.enqueue_indirect_dma source(%arg19 : memref<128x64xf32, #tpu.memory_space<vmem>>) target(%dma_start3A_101 : memref<10112x64xf32, #tpu.memory_space<vmem_shared>>) offsets(%dma_start3A_98 : memref<128xi32, #tpu.memory_space<vmem>>) semaphore(%run_scoped3A_95 : memref<!tpu.dma_semaphore, #tpu.memory_space<semaphore_mem>>) {add = true}
          %dma_wait3A_102 = arith.constant 0 : i32
          %dma_wait3A_103 = tpu.memref_slice %arg18[%mul3A_63, %dma_wait3A_102] : memref<79x128xi32, #tpu.memory_space<vmem>> -> memref<1x128xi32, #tpu.memory_space<vmem>>
          %dma_wait3A_104 = tpu.memref_squeeze %dma_wait3A_103 : memref<1x128xi32, #tpu.memory_space<vmem>> -> memref<128xi32, #tpu.memory_space<vmem>>
          %dma_wait3A_105 = arith.constant 0 : i32
          %dma_wait3A_106 = arith.constant 0 : i32
          %dma_wait3A_107 = tpu.memref_slice %arg22[%dma_wait3A_105, %dma_wait3A_106] : memref<10112x64xf32, #tpu.memory_space<vmem_shared>> -> memref<10112x64xf32, #tpu.memory_space<vmem_shared>>
          tpu.wait_indirect_dma semaphore(%run_scoped3A_95 : memref<!tpu.dma_semaphore, #tpu.memory_space<semaphore_mem>>) src(%arg19 : memref<128x64xf32, #tpu.memory_space<vmem>>) dst(%dma_wait3A_107 : memref<10112x64xf32, #tpu.memory_space<vmem_shared>>)
          tpu.yield
        }) : () -> ()
        %add3A_78 = arith.constant 2 : i32
        %add3A_79 = arith.addi %mul3A_63, %add3A_78 : i32
        %dma_start3A_80 = arith.constant 0 : i32
        %dma_start3A_81 = tpu.memref_slice %arg17[%add3A_79, %dma_start3A_80] : memref<79x128xi32, #tpu.memory_space<vmem>> -> memref<1x128xi32, #tpu.memory_space<vmem>>
        %dma_start3A_82 = tpu.memref_squeeze %dma_start3A_81 : memref<1x128xi32, #tpu.memory_space<vmem>> -> memref<128xi32, #tpu.memory_space<vmem>>
        %dma_start3A_83 = arith.constant 0 : i32
        %dma_start3A_84 = arith.constant 0 : i32
        %dma_start3A_85 = tpu.memref_slice %arg21[%dma_start3A_83, %dma_start3A_84] : memref<10000x64xf32, #tpu.memory_space<vmem_shared>> -> memref<10000x64xf32, #tpu.memory_space<vmem_shared>>
        tpu.enqueue_indirect_dma source(%dma_start3A_85 : memref<10000x64xf32, #tpu.memory_space<vmem_shared>>) target(%arg19 : memref<128x64xf32, #tpu.memory_space<vmem>>) offsets(%dma_start3A_82 : memref<128xi32, #tpu.memory_space<vmem>>) semaphore(%arg23 : memref<!tpu.dma_semaphore, #tpu.memory_space<semaphore_mem>>)
        %dma_wait3A_86 = arith.constant 0 : i32
        %dma_wait3A_87 = arith.constant 0 : i32
        %dma_wait3A_88 = tpu.memref_slice %arg17[%dma_wait3A_86, %dma_wait3A_87] : memref<79x128xi32, #tpu.memory_space<vmem>> -> memref<1x128xi32, #tpu.memory_space<vmem>>
        %dma_wait3A_89 = tpu.memref_squeeze %dma_wait3A_88 : memref<1x128xi32, #tpu.memory_space<vmem>> -> memref<128xi32, #tpu.memory_space<vmem>>
        %dma_wait3A_90 = arith.constant 0 : i32
        %dma_wait3A_91 = arith.constant 0 : i32
        %dma_wait3A_92 = tpu.memref_slice %arg21[%dma_wait3A_90, %dma_wait3A_91] : memref<10000x64xf32, #tpu.memory_space<vmem_shared>> -> memref<10000x64xf32, #tpu.memory_space<vmem_shared>>
        tpu.wait_indirect_dma semaphore(%arg24 : memref<!tpu.dma_semaphore, #tpu.memory_space<semaphore_mem>>) src(%dma_wait3A_92 : memref<10000x64xf32, #tpu.memory_space<vmem_shared>>) dst(%arg20 : memref<128x64xf32, #tpu.memory_space<vmem>>)
        %add3A_93 = arith.constant 1 : i32
        %add3A_94 = arith.addi %mul3A_63, %add3A_93 : i32
        "tpu.region"() ({
          %run_scoped3A_95 = tpu.sem_alloc : memref<!tpu.dma_semaphore, #tpu.memory_space<semaphore_mem>>
          %dma_start3A_96 = arith.constant 0 : i32
          %dma_start3A_97 = tpu.memref_slice %arg18[%add3A_94, %dma_start3A_96] : memref<79x128xi32, #tpu.memory_space<vmem>> -> memref<1x128xi32, #tpu.memory_space<vmem>>
          %dma_start3A_98 = tpu.memref_squeeze %dma_start3A_97 : memref<1x128xi32, #tpu.memory_space<vmem>> -> memref<128xi32, #tpu.memory_space<vmem>>
          %dma_start3A_99 = arith.constant 0 : i32
          %dma_start3A_100 = arith.constant 0 : i32
          %dma_start3A_101 = tpu.memref_slice %arg22[%dma_start3A_99, %dma_start3A_100] : memref<10112x64xf32, #tpu.memory_space<vmem_shared>> -> memref<10112x64xf32, #tpu.memory_space<vmem_shared>>
          tpu.enqueue_indirect_dma source(%arg20 : memref<128x64xf32, #tpu.memory_space<vmem>>) target(%dma_start3A_101 : memref<10112x64xf32, #tpu.memory_space<vmem_shared>>) offsets(%dma_start3A_98 : memref<128xi32, #tpu.memory_space<vmem>>) semaphore(%run_scoped3A_95 : memref<!tpu.dma_semaphore, #tpu.memory_space<semaphore_mem>>) {add = true}
          %dma_wait3A_102 = arith.constant 0 : i32
          %dma_wait3A_103 = tpu.memref_slice %arg18[%add3A_94, %dma_wait3A_102] : memref<79x128xi32, #tpu.memory_space<vmem>> -> memref<1x128xi32, #tpu.memory_space<vmem>>
          %dma_wait3A_104 = tpu.memref_squeeze %dma_wait3A_103 : memref<1x128xi32, #tpu.memory_space<vmem>> -> memref<128xi32, #tpu.memory_space<vmem>>
          %dma_wait3A_105 = arith.constant 0 : i32
          %dma_wait3A_106 = arith.constant 0 : i32
          %dma_wait3A_107 = tpu.memref_slice %arg22[%dma_wait3A_105, %dma_wait3A_106] : memref<10112x64xf32, #tpu.memory_space<vmem_shared>> -> memref<10112x64xf32, #tpu.memory_space<vmem_shared>>
          tpu.wait_indirect_dma semaphore(%run_scoped3A_95 : memref<!tpu.dma_semaphore, #tpu.memory_space<semaphore_mem>>) src(%arg20 : memref<128x64xf32, #tpu.memory_space<vmem>>) dst(%dma_wait3A_107 : memref<10112x64xf32, #tpu.memory_space<vmem_shared>>)
          tpu.yield
        }) : () -> ()
      }
      %scan3A_49 = arith.constant 39 : i32
      %dma_wait3A = arith.constant 0 : i32
      %dma_wait3A_50 = arith.constant 0 : i32
      %dma_wait3A_51 = tpu.memref_slice %arg17[%dma_wait3A, %dma_wait3A_50] : memref<79x128xi32, #tpu.memory_space<vmem>> -> memref<1x128xi32, #tpu.memory_space<vmem>>
      %dma_wait3A_52 = tpu.memref_squeeze %dma_wait3A_51 : memref<1x128xi32, #tpu.memory_space<vmem>> -> memref<128xi32, #tpu.memory_space<vmem>>
      %dma_wait3A_53 = arith.constant 0 : i32
      %dma_wait3A_54 = arith.constant 0 : i32
      %dma_wait3A_55 = tpu.memref_slice %arg21[%dma_wait3A_53, %dma_wait3A_54] : memref<10000x64xf32, #tpu.memory_space<vmem_shared>> -> memref<10000x64xf32, #tpu.memory_space<vmem_shared>>
      tpu.wait_indirect_dma semaphore(%arg23 : memref<!tpu.dma_semaphore, #tpu.memory_space<semaphore_mem>>) src(%dma_wait3A_55 : memref<10000x64xf32, #tpu.memory_space<vmem_shared>>) dst(%arg19 : memref<128x64xf32, #tpu.memory_space<vmem>>)
      %run_scoped3A = arith.constant 78 : i32
      "tpu.region"() ({
        %run_scoped3A_61 = tpu.sem_alloc : memref<!tpu.dma_semaphore, #tpu.memory_space<semaphore_mem>>
        %dma_start3A_62 = arith.constant 0 : i32
        %dma_start3A_63 = tpu.memref_slice %arg18[%run_scoped3A, %dma_start3A_62] : memref<79x128xi32, #tpu.memory_space<vmem>> -> memref<1x128xi32, #tpu.memory_space<vmem>>
        %dma_start3A_64 = tpu.memref_squeeze %dma_start3A_63 : memref<1x128xi32, #tpu.memory_space<vmem>> -> memref<128xi32, #tpu.memory_space<vmem>>
        %dma_start3A_65 = arith.constant 0 : i32
        %dma_start3A_66 = arith.constant 0 : i32
        %dma_start3A_67 = tpu.memref_slice %arg22[%dma_start3A_65, %dma_start3A_66] : memref<10112x64xf32, #tpu.memory_space<vmem_shared>> -> memref<10112x64xf32, #tpu.memory_space<vmem_shared>>
        tpu.enqueue_indirect_dma source(%arg19 : memref<128x64xf32, #tpu.memory_space<vmem>>) target(%dma_start3A_67 : memref<10112x64xf32, #tpu.memory_space<vmem_shared>>) offsets(%dma_start3A_64 : memref<128xi32, #tpu.memory_space<vmem>>) semaphore(%run_scoped3A_61 : memref<!tpu.dma_semaphore, #tpu.memory_space<semaphore_mem>>) {add = true}
        %dma_wait3A_68 = arith.constant 0 : i32
        %dma_wait3A_69 = tpu.memref_slice %arg18[%run_scoped3A, %dma_wait3A_68] : memref<79x128xi32, #tpu.memory_space<vmem>> -> memref<1x128xi32, #tpu.memory_space<vmem>>
        %dma_wait3A_70 = tpu.memref_squeeze %dma_wait3A_69 : memref<1x128xi32, #tpu.memory_space<vmem>> -> memref<128xi32, #tpu.memory_space<vmem>>
        %dma_wait3A_71 = arith.constant 0 : i32
        %dma_wait3A_72 = arith.constant 0 : i32
        %dma_wait3A_73 = tpu.memref_slice %arg22[%dma_wait3A_71, %dma_wait3A_72] : memref<10112x64xf32, #tpu.memory_space<vmem_shared>> -> memref<10112x64xf32, #tpu.memory_space<vmem_shared>>
        tpu.wait_indirect_dma semaphore(%run_scoped3A_61 : memref<!tpu.dma_semaphore, #tpu.memory_space<semaphore_mem>>) src(%arg19 : memref<128x64xf32, #tpu.memory_space<vmem>>) dst(%dma_wait3A_73 : memref<10112x64xf32, #tpu.memory_space<vmem_shared>>)
        tpu.yield
      }) : () -> ()
      %barrier3A_56 = arith.constant 0 : index
      tpu.barrier barrier_id(%barrier3A_56)
      %mul3A_57 = arith.constant 632 : i32
      %mul3A_58 = arith.muli %arg1, %mul3A_57 : i32
      %mul3A_59 = arith.constant 632 : i32
      %mul3A_60 = arith.muli %arg1, %mul3A_59 : i32
      "tpu.region"() ({
        %run_scoped3A_61 = tpu.sem_alloc : memref<!tpu.dma_semaphore, #tpu.memory_space<semaphore_mem>>
        %dma_start3A_62 = arith.constant 0 : i32
        %dma_start3A_63 = tpu.memref_slice %arg11[%mul3A_60, %dma_start3A_62] : memref<10112x64xf32, #tpu.memory_space<hbm>> -> memref<632x64xf32, #tpu.memory_space<hbm>>
        %dma_start3A_64 = arith.constant 0 : i32
        %dma_start3A_65 = tpu.memref_slice %arg22[%mul3A_58, %dma_start3A_64] : memref<10112x64xf32, #tpu.memory_space<vmem_shared>> -> memref<632x64xf32, #tpu.memory_space<vmem_shared>>
        tpu.enqueue_dma source(%dma_start3A_65 : memref<632x64xf32, #tpu.memory_space<vmem_shared>>) target(%dma_start3A_63 : memref<632x64xf32, #tpu.memory_space<hbm>>) target_semaphore(%run_scoped3A_61 : memref<!tpu.dma_semaphore, #tpu.memory_space<semaphore_mem>>)
        %dma_wait3A_66 = arith.constant 0 : i32
        %dma_wait3A_67 = tpu.memref_slice %arg11[%mul3A_60, %dma_wait3A_66] : memref<10112x64xf32, #tpu.memory_space<hbm>> -> memref<632x64xf32, #tpu.memory_space<hbm>>
        %dma_wait3A_68 = arith.constant 0 : i32
        %dma_wait3A_69 = tpu.memref_slice %arg22[%mul3A_58, %dma_wait3A_68] : memref<10112x64xf32, #tpu.memory_space<vmem_shared>> -> memref<632x64xf32, #tpu.memory_space<vmem_shared>>
        tpu.wait_dma2 semaphore(%run_scoped3A_61 : memref<!tpu.dma_semaphore, #tpu.memory_space<semaphore_mem>>) src(%dma_wait3A_69 : memref<632x64xf32, #tpu.memory_space<vmem_shared>>) dst(%dma_wait3A_67 : memref<632x64xf32, #tpu.memory_space<hbm>>)
        tpu.yield
      }) : () -> ()
    } else {
    }
    %eq3A_2 = arith.constant 1 : i32
    %eq3A_3 = arith.cmpi eq, %arg0, %eq3A_2 : i32
    %convert_element_type3A_4 = arith.extui %eq3A_3 : i1 to i32
    %cond3A_5 = arith.constant 0 : i32
    %cond3A_6 = arith.cmpi ne, %convert_element_type3A_4, %cond3A_5 : i32
    scf.if %cond3A_6 {
      %lt3A = arith.constant 15 : i32
      %lt3A_28 = arith.cmpi slt, %arg1, %lt3A : i32
      %convert_element_type3A_29 = arith.extui %lt3A_28 : i1 to i32
      %cond3A_30 = arith.constant 0 : i32
      %cond3A_31 = arith.cmpi ne, %convert_element_type3A_29, %cond3A_30 : i32
      scf.if %cond3A_31 {
        %mul3A_61 = arith.constant 632 : i32
        %mul3A_62 = arith.muli %arg1, %mul3A_61 : i32
        %mul3A_63 = arith.constant 632 : i32
        %mul3A_64 = arith.muli %arg1, %mul3A_63 : i32
        "tpu.region"() ({
          %run_scoped3A_65 = tpu.sem_alloc : memref<!tpu.dma_semaphore, #tpu.memory_space<semaphore_mem>>
          %dma_start3A_66 = arith.constant 0 : i32
          %dma_start3A_67 = tpu.memref_slice %arg21[%mul3A_64, %dma_start3A_66] : memref<10000x64xf32, #tpu.memory_space<vmem_shared>> -> memref<632x64xf32, #tpu.memory_space<vmem_shared>>
          %dma_start3A_68 = arith.constant 0 : i32
          %dma_start3A_69 = tpu.memref_slice %arg4[%mul3A_62, %dma_start3A_68] : memref<10000x64xf32, #tpu.memory_space<hbm>> -> memref<632x64xf32, #tpu.memory_space<hbm>>
          tpu.enqueue_dma source(%dma_start3A_69 : memref<632x64xf32, #tpu.memory_space<hbm>>) target(%dma_start3A_67 : memref<632x64xf32, #tpu.memory_space<vmem_shared>>) target_semaphore(%run_scoped3A_65 : memref<!tpu.dma_semaphore, #tpu.memory_space<semaphore_mem>>)
          %dma_wait3A_70 = arith.constant 0 : i32
          %dma_wait3A_71 = tpu.memref_slice %arg21[%mul3A_64, %dma_wait3A_70] : memref<10000x64xf32, #tpu.memory_space<vmem_shared>> -> memref<632x64xf32, #tpu.memory_space<vmem_shared>>
          %dma_wait3A_72 = arith.constant 0 : i32
          %dma_wait3A_73 = tpu.memref_slice %arg4[%mul3A_62, %dma_wait3A_72] : memref<10000x64xf32, #tpu.memory_space<hbm>> -> memref<632x64xf32, #tpu.memory_space<hbm>>
          tpu.wait_dma2 semaphore(%run_scoped3A_65 : memref<!tpu.dma_semaphore, #tpu.memory_space<semaphore_mem>>) src(%dma_wait3A_73 : memref<632x64xf32, #tpu.memory_space<hbm>>) dst(%dma_wait3A_71 : memref<632x64xf32, #tpu.memory_space<vmem_shared>>)
          tpu.yield
        }) : () -> ()
      } else {
      }
      %eq3A_32 = arith.constant 15 : i32
      %eq3A_33 = arith.cmpi eq, %arg1, %eq3A_32 : i32
      %convert_element_type3A_34 = arith.extui %eq3A_33 : i1 to i32
      %cond3A_35 = arith.constant 0 : i32
      %cond3A_36 = arith.cmpi ne, %convert_element_type3A_34, %cond3A_35 : i32
      scf.if %cond3A_36 {
        "tpu.region"() ({
          %run_scoped3A_61 = tpu.sem_alloc : memref<!tpu.dma_semaphore, #tpu.memory_space<semaphore_mem>>
          %dma_start3A_62 = arith.constant 9480 : i32
          %dma_start3A_63 = arith.constant 0 : i32
          %dma_start3A_64 = tpu.memref_slice %arg21[%dma_start3A_62, %dma_start3A_63] : memref<10000x64xf32, #tpu.memory_space<vmem_shared>> -> memref<520x64xf32, #tpu.memory_space<vmem_shared>>
          %dma_start3A_65 = arith.constant 9480 : i32
          %dma_start3A_66 = arith.constant 0 : i32
          %dma_start3A_67 = tpu.memref_slice %arg4[%dma_start3A_65, %dma_start3A_66] : memref<10000x64xf32, #tpu.memory_space<hbm>> -> memref<520x64xf32, #tpu.memory_space<hbm>>
          tpu.enqueue_dma source(%dma_start3A_67 : memref<520x64xf32, #tpu.memory_space<hbm>>) target(%dma_start3A_64 : memref<520x64xf32, #tpu.memory_space<vmem_shared>>) target_semaphore(%run_scoped3A_61 : memref<!tpu.dma_semaphore, #tpu.memory_space<semaphore_mem>>)
          %dma_wait3A_68 = arith.constant 9480 : i32
          %dma_wait3A_69 = arith.constant 0 : i32
          %dma_wait3A_70 = tpu.memref_slice %arg21[%dma_wait3A_68, %dma_wait3A_69] : memref<10000x64xf32, #tpu.memory_space<vmem_shared>> -> memref<520x64xf32, #tpu.memory_space<vmem_shared>>
          %dma_wait3A_71 = arith.constant 9480 : i32
          %dma_wait3A_72 = arith.constant 0 : i32
          %dma_wait3A_73 = tpu.memref_slice %arg4[%dma_wait3A_71, %dma_wait3A_72] : memref<10000x64xf32, #tpu.memory_space<hbm>> -> memref<520x64xf32, #tpu.memory_space<hbm>>
          tpu.wait_dma2 semaphore(%run_scoped3A_61 : memref<!tpu.dma_semaphore, #tpu.memory_space<semaphore_mem>>) src(%dma_wait3A_73 : memref<520x64xf32, #tpu.memory_space<hbm>>) dst(%dma_wait3A_70 : memref<520x64xf32, #tpu.memory_space<vmem_shared>>)
          tpu.yield
        }) : () -> ()
      } else {
      }
      %mul3A = arith.constant 632 : i32
      %mul3A_37 = arith.muli %arg1, %mul3A : i32
      "tpu.region"() ({
        %run_scoped3A_61 = tpu.sem_alloc : memref<!tpu.dma_semaphore, #tpu.memory_space<semaphore_mem>>
        %dma_start3A_62 = arith.constant 0 : i32
        %dma_start3A_63 = tpu.memref_slice %arg22[%mul3A_37, %dma_start3A_62] : memref<10112x64xf32, #tpu.memory_space<vmem_shared>> -> memref<632x64xf32, #tpu.memory_space<vmem_shared>>
        tpu.enqueue_dma source(%arg8 : memref<632x64xf32, #tpu.memory_space<hbm>>) target(%dma_start3A_63 : memref<632x64xf32, #tpu.memory_space<vmem_shared>>) target_semaphore(%run_scoped3A_61 : memref<!tpu.dma_semaphore, #tpu.memory_space<semaphore_mem>>)
        %dma_wait3A_64 = arith.constant 0 : i32
        %dma_wait3A_65 = tpu.memref_slice %arg22[%mul3A_37, %dma_wait3A_64] : memref<10112x64xf32, #tpu.memory_space<vmem_shared>> -> memref<632x64xf32, #tpu.memory_space<vmem_shared>>
        tpu.wait_dma2 semaphore(%run_scoped3A_61 : memref<!tpu.dma_semaphore, #tpu.memory_space<semaphore_mem>>) src(%arg8 : memref<632x64xf32, #tpu.memory_space<hbm>>) dst(%dma_wait3A_65 : memref<632x64xf32, #tpu.memory_space<vmem_shared>>)
        tpu.yield
      }) : () -> ()
      %barrier3A_38 = arith.constant 0 : index
      tpu.barrier barrier_id(%barrier3A_38)
      %dma_start3A = arith.constant 0 : i32
      %dma_start3A_39 = arith.constant 0 : i32
      %dma_start3A_40 = tpu.memref_slice %arg17[%dma_start3A, %dma_start3A_39] : memref<79x128xi32, #tpu.memory_space<vmem>> -> memref<1x128xi32, #tpu.memory_space<vmem>>
      %dma_start3A_41 = tpu.memref_squeeze %dma_start3A_40 : memref<1x128xi32, #tpu.memory_space<vmem>> -> memref<128xi32, #tpu.memory_space<vmem>>
      %dma_start3A_42 = arith.constant 0 : i32
      %dma_start3A_43 = arith.constant 0 : i32
      %dma_start3A_44 = tpu.memref_slice %arg21[%dma_start3A_42, %dma_start3A_43] : memref<10000x64xf32, #tpu.memory_space<vmem_shared>> -> memref<10000x64xf32, #tpu.memory_space<vmem_shared>>
      tpu.enqueue_indirect_dma source(%dma_start3A_44 : memref<10000x64xf32, #tpu.memory_space<vmem_shared>>) target(%arg19 : memref<128x64xf32, #tpu.memory_space<vmem>>) offsets(%dma_start3A_41 : memref<128xi32, #tpu.memory_space<vmem>>) semaphore(%arg23 : memref<!tpu.dma_semaphore, #tpu.memory_space<semaphore_mem>>)
      %scan3A = arith.constant 0 : i32
      %scan3A_45 = arith.constant 0 : i32
      %scan3A_46 = arith.constant 39 : i32
      %scan3A_47 = arith.addi %scan3A_45, %scan3A_46 : i32
      %scan3A_48 = arith.constant 1 : i32
      scf.for %scan3A_61 = %scan3A_45 to %scan3A_47 step %scan3A_48  : i32 {
        %mul3A_62 = arith.constant 2 : i32
        %mul3A_63 = arith.muli %mul3A_62, %scan3A_61 : i32
        %add3A = arith.constant 1 : i32
        %add3A_64 = arith.addi %mul3A_63, %add3A : i32
        %dma_start3A_65 = arith.constant 0 : i32
        %dma_start3A_66 = tpu.memref_slice %arg17[%add3A_64, %dma_start3A_65] : memref<79x128xi32, #tpu.memory_space<vmem>> -> memref<1x128xi32, #tpu.memory_space<vmem>>
        %dma_start3A_67 = tpu.memref_squeeze %dma_start3A_66 : memref<1x128xi32, #tpu.memory_space<vmem>> -> memref<128xi32, #tpu.memory_space<vmem>>
        %dma_start3A_68 = arith.constant 0 : i32
        %dma_start3A_69 = arith.constant 0 : i32
        %dma_start3A_70 = tpu.memref_slice %arg21[%dma_start3A_68, %dma_start3A_69] : memref<10000x64xf32, #tpu.memory_space<vmem_shared>> -> memref<10000x64xf32, #tpu.memory_space<vmem_shared>>
        tpu.enqueue_indirect_dma source(%dma_start3A_70 : memref<10000x64xf32, #tpu.memory_space<vmem_shared>>) target(%arg20 : memref<128x64xf32, #tpu.memory_space<vmem>>) offsets(%dma_start3A_67 : memref<128xi32, #tpu.memory_space<vmem>>) semaphore(%arg24 : memref<!tpu.dma_semaphore, #tpu.memory_space<semaphore_mem>>)
        %dma_wait3A_71 = arith.constant 0 : i32
        %dma_wait3A_72 = arith.constant 0 : i32
        %dma_wait3A_73 = tpu.memref_slice %arg17[%dma_wait3A_71, %dma_wait3A_72] : memref<79x128xi32, #tpu.memory_space<vmem>> -> memref<1x128xi32, #tpu.memory_space<vmem>>
        %dma_wait3A_74 = tpu.memref_squeeze %dma_wait3A_73 : memref<1x128xi32, #tpu.memory_space<vmem>> -> memref<128xi32, #tpu.memory_space<vmem>>
        %dma_wait3A_75 = arith.constant 0 : i32
        %dma_wait3A_76 = arith.constant 0 : i32
        %dma_wait3A_77 = tpu.memref_slice %arg21[%dma_wait3A_75, %dma_wait3A_76] : memref<10000x64xf32, #tpu.memory_space<vmem_shared>> -> memref<10000x64xf32, #tpu.memory_space<vmem_shared>>
        tpu.wait_indirect_dma semaphore(%arg23 : memref<!tpu.dma_semaphore, #tpu.memory_space<semaphore_mem>>) src(%dma_wait3A_77 : memref<10000x64xf32, #tpu.memory_space<vmem_shared>>) dst(%arg19 : memref<128x64xf32, #tpu.memory_space<vmem>>)
        "tpu.region"() ({
          %run_scoped3A_95 = tpu.sem_alloc : memref<!tpu.dma_semaphore, #tpu.memory_space<semaphore_mem>>
          %dma_start3A_96 = arith.constant 0 : i32
          %dma_start3A_97 = tpu.memref_slice %arg18[%mul3A_63, %dma_start3A_96] : memref<79x128xi32, #tpu.memory_space<vmem>> -> memref<1x128xi32, #tpu.memory_space<vmem>>
          %dma_start3A_98 = tpu.memref_squeeze %dma_start3A_97 : memref<1x128xi32, #tpu.memory_space<vmem>> -> memref<128xi32, #tpu.memory_space<vmem>>
          %dma_start3A_99 = arith.constant 0 : i32
          %dma_start3A_100 = arith.constant 0 : i32
          %dma_start3A_101 = tpu.memref_slice %arg22[%dma_start3A_99, %dma_start3A_100] : memref<10112x64xf32, #tpu.memory_space<vmem_shared>> -> memref<10112x64xf32, #tpu.memory_space<vmem_shared>>
          tpu.enqueue_indirect_dma source(%arg19 : memref<128x64xf32, #tpu.memory_space<vmem>>) target(%dma_start3A_101 : memref<10112x64xf32, #tpu.memory_space<vmem_shared>>) offsets(%dma_start3A_98 : memref<128xi32, #tpu.memory_space<vmem>>) semaphore(%run_scoped3A_95 : memref<!tpu.dma_semaphore, #tpu.memory_space<semaphore_mem>>) {add = true}
          %dma_wait3A_102 = arith.constant 0 : i32
          %dma_wait3A_103 = tpu.memref_slice %arg18[%mul3A_63, %dma_wait3A_102] : memref<79x128xi32, #tpu.memory_space<vmem>> -> memref<1x128xi32, #tpu.memory_space<vmem>>
          %dma_wait3A_104 = tpu.memref_squeeze %dma_wait3A_103 : memref<1x128xi32, #tpu.memory_space<vmem>> -> memref<128xi32, #tpu.memory_space<vmem>>
          %dma_wait3A_105 = arith.constant 0 : i32
          %dma_wait3A_106 = arith.constant 0 : i32
          %dma_wait3A_107 = tpu.memref_slice %arg22[%dma_wait3A_105, %dma_wait3A_106] : memref<10112x64xf32, #tpu.memory_space<vmem_shared>> -> memref<10112x64xf32, #tpu.memory_space<vmem_shared>>
          tpu.wait_indirect_dma semaphore(%run_scoped3A_95 : memref<!tpu.dma_semaphore, #tpu.memory_space<semaphore_mem>>) src(%arg19 : memref<128x64xf32, #tpu.memory_space<vmem>>) dst(%dma_wait3A_107 : memref<10112x64xf32, #tpu.memory_space<vmem_shared>>)
          tpu.yield
        }) : () -> ()
        %add3A_78 = arith.constant 2 : i32
        %add3A_79 = arith.addi %mul3A_63, %add3A_78 : i32
        %dma_start3A_80 = arith.constant 0 : i32
        %dma_start3A_81 = tpu.memref_slice %arg17[%add3A_79, %dma_start3A_80] : memref<79x128xi32, #tpu.memory_space<vmem>> -> memref<1x128xi32, #tpu.memory_space<vmem>>
        %dma_start3A_82 = tpu.memref_squeeze %dma_start3A_81 : memref<1x128xi32, #tpu.memory_space<vmem>> -> memref<128xi32, #tpu.memory_space<vmem>>
        %dma_start3A_83 = arith.constant 0 : i32
        %dma_start3A_84 = arith.constant 0 : i32
        %dma_start3A_85 = tpu.memref_slice %arg21[%dma_start3A_83, %dma_start3A_84] : memref<10000x64xf32, #tpu.memory_space<vmem_shared>> -> memref<10000x64xf32, #tpu.memory_space<vmem_shared>>
        tpu.enqueue_indirect_dma source(%dma_start3A_85 : memref<10000x64xf32, #tpu.memory_space<vmem_shared>>) target(%arg19 : memref<128x64xf32, #tpu.memory_space<vmem>>) offsets(%dma_start3A_82 : memref<128xi32, #tpu.memory_space<vmem>>) semaphore(%arg23 : memref<!tpu.dma_semaphore, #tpu.memory_space<semaphore_mem>>)
        %dma_wait3A_86 = arith.constant 0 : i32
        %dma_wait3A_87 = arith.constant 0 : i32
        %dma_wait3A_88 = tpu.memref_slice %arg17[%dma_wait3A_86, %dma_wait3A_87] : memref<79x128xi32, #tpu.memory_space<vmem>> -> memref<1x128xi32, #tpu.memory_space<vmem>>
        %dma_wait3A_89 = tpu.memref_squeeze %dma_wait3A_88 : memref<1x128xi32, #tpu.memory_space<vmem>> -> memref<128xi32, #tpu.memory_space<vmem>>
        %dma_wait3A_90 = arith.constant 0 : i32
        %dma_wait3A_91 = arith.constant 0 : i32
        %dma_wait3A_92 = tpu.memref_slice %arg21[%dma_wait3A_90, %dma_wait3A_91] : memref<10000x64xf32, #tpu.memory_space<vmem_shared>> -> memref<10000x64xf32, #tpu.memory_space<vmem_shared>>
        tpu.wait_indirect_dma semaphore(%arg24 : memref<!tpu.dma_semaphore, #tpu.memory_space<semaphore_mem>>) src(%dma_wait3A_92 : memref<10000x64xf32, #tpu.memory_space<vmem_shared>>) dst(%arg20 : memref<128x64xf32, #tpu.memory_space<vmem>>)
        %add3A_93 = arith.constant 1 : i32
        %add3A_94 = arith.addi %mul3A_63, %add3A_93 : i32
        "tpu.region"() ({
          %run_scoped3A_95 = tpu.sem_alloc : memref<!tpu.dma_semaphore, #tpu.memory_space<semaphore_mem>>
          %dma_start3A_96 = arith.constant 0 : i32
          %dma_start3A_97 = tpu.memref_slice %arg18[%add3A_94, %dma_start3A_96] : memref<79x128xi32, #tpu.memory_space<vmem>> -> memref<1x128xi32, #tpu.memory_space<vmem>>
          %dma_start3A_98 = tpu.memref_squeeze %dma_start3A_97 : memref<1x128xi32, #tpu.memory_space<vmem>> -> memref<128xi32, #tpu.memory_space<vmem>>
          %dma_start3A_99 = arith.constant 0 : i32
          %dma_start3A_100 = arith.constant 0 : i32
          %dma_start3A_101 = tpu.memref_slice %arg22[%dma_start3A_99, %dma_start3A_100] : memref<10112x64xf32, #tpu.memory_space<vmem_shared>> -> memref<10112x64xf32, #tpu.memory_space<vmem_shared>>
          tpu.enqueue_indirect_dma source(%arg20 : memref<128x64xf32, #tpu.memory_space<vmem>>) target(%dma_start3A_101 : memref<10112x64xf32, #tpu.memory_space<vmem_shared>>) offsets(%dma_start3A_98 : memref<128xi32, #tpu.memory_space<vmem>>) semaphore(%run_scoped3A_95 : memref<!tpu.dma_semaphore, #tpu.memory_space<semaphore_mem>>) {add = true}
          %dma_wait3A_102 = arith.constant 0 : i32
          %dma_wait3A_103 = tpu.memref_slice %arg18[%add3A_94, %dma_wait3A_102] : memref<79x128xi32, #tpu.memory_space<vmem>> -> memref<1x128xi32, #tpu.memory_space<vmem>>
          %dma_wait3A_104 = tpu.memref_squeeze %dma_wait3A_103 : memref<1x128xi32, #tpu.memory_space<vmem>> -> memref<128xi32, #tpu.memory_space<vmem>>
          %dma_wait3A_105 = arith.constant 0 : i32
          %dma_wait3A_106 = arith.constant 0 : i32
          %dma_wait3A_107 = tpu.memref_slice %arg22[%dma_wait3A_105, %dma_wait3A_106] : memref<10112x64xf32, #tpu.memory_space<vmem_shared>> -> memref<10112x64xf32, #tpu.memory_space<vmem_shared>>
          tpu.wait_indirect_dma semaphore(%run_scoped3A_95 : memref<!tpu.dma_semaphore, #tpu.memory_space<semaphore_mem>>) src(%arg20 : memref<128x64xf32, #tpu.memory_space<vmem>>) dst(%dma_wait3A_107 : memref<10112x64xf32, #tpu.memory_space<vmem_shared>>)
          tpu.yield
        }) : () -> ()
      }
      %scan3A_49 = arith.constant 39 : i32
      %dma_wait3A = arith.constant 0 : i32
      %dma_wait3A_50 = arith.constant 0 : i32
      %dma_wait3A_51 = tpu.memref_slice %arg17[%dma_wait3A, %dma_wait3A_50] : memref<79x128xi32, #tpu.memory_space<vmem>> -> memref<1x128xi32, #tpu.memory_space<vmem>>
      %dma_wait3A_52 = tpu.memref_squeeze %dma_wait3A_51 : memref<1x128xi32, #tpu.memory_space<vmem>> -> memref<128xi32, #tpu.memory_space<vmem>>
      %dma_wait3A_53 = arith.constant 0 : i32
      %dma_wait3A_54 = arith.constant 0 : i32
      %dma_wait3A_55 = tpu.memref_slice %arg21[%dma_wait3A_53, %dma_wait3A_54] : memref<10000x64xf32, #tpu.memory_space<vmem_shared>> -> memref<10000x64xf32, #tpu.memory_space<vmem_shared>>
      tpu.wait_indirect_dma semaphore(%arg23 : memref<!tpu.dma_semaphore, #tpu.memory_space<semaphore_mem>>) src(%dma_wait3A_55 : memref<10000x64xf32, #tpu.memory_space<vmem_shared>>) dst(%arg19 : memref<128x64xf32, #tpu.memory_space<vmem>>)
      %run_scoped3A = arith.constant 78 : i32
      "tpu.region"() ({
        %run_scoped3A_61 = tpu.sem_alloc : memref<!tpu.dma_semaphore, #tpu.memory_space<semaphore_mem>>
        %dma_start3A_62 = arith.constant 0 : i32
        %dma_start3A_63 = tpu.memref_slice %arg18[%run_scoped3A, %dma_start3A_62] : memref<79x128xi32, #tpu.memory_space<vmem>> -> memref<1x128xi32, #tpu.memory_space<vmem>>
        %dma_start3A_64 = tpu.memref_squeeze %dma_start3A_63 : memref<1x128xi32, #tpu.memory_space<vmem>> -> memref<128xi32, #tpu.memory_space<vmem>>
        %dma_start3A_65 = arith.constant 0 : i32
        %dma_start3A_66 = arith.constant 0 : i32
        %dma_start3A_67 = tpu.memref_slice %arg22[%dma_start3A_65, %dma_start3A_66] : memref<10112x64xf32, #tpu.memory_space<vmem_shared>> -> memref<10112x64xf32, #tpu.memory_space<vmem_shared>>
        tpu.enqueue_indirect_dma source(%arg19 : memref<128x64xf32, #tpu.memory_space<vmem>>) target(%dma_start3A_67 : memref<10112x64xf32, #tpu.memory_space<vmem_shared>>) offsets(%dma_start3A_64 : memref<128xi32, #tpu.memory_space<vmem>>) semaphore(%run_scoped3A_61 : memref<!tpu.dma_semaphore, #tpu.memory_space<semaphore_mem>>) {add = true}
        %dma_wait3A_68 = arith.constant 0 : i32
        %dma_wait3A_69 = tpu.memref_slice %arg18[%run_scoped3A, %dma_wait3A_68] : memref<79x128xi32, #tpu.memory_space<vmem>> -> memref<1x128xi32, #tpu.memory_space<vmem>>
        %dma_wait3A_70 = tpu.memref_squeeze %dma_wait3A_69 : memref<1x128xi32, #tpu.memory_space<vmem>> -> memref<128xi32, #tpu.memory_space<vmem>>
        %dma_wait3A_71 = arith.constant 0 : i32
        %dma_wait3A_72 = arith.constant 0 : i32
        %dma_wait3A_73 = tpu.memref_slice %arg22[%dma_wait3A_71, %dma_wait3A_72] : memref<10112x64xf32, #tpu.memory_space<vmem_shared>> -> memref<10112x64xf32, #tpu.memory_space<vmem_shared>>
        tpu.wait_indirect_dma semaphore(%run_scoped3A_61 : memref<!tpu.dma_semaphore, #tpu.memory_space<semaphore_mem>>) src(%arg19 : memref<128x64xf32, #tpu.memory_space<vmem>>) dst(%dma_wait3A_73 : memref<10112x64xf32, #tpu.memory_space<vmem_shared>>)
        tpu.yield
      }) : () -> ()
      %barrier3A_56 = arith.constant 0 : index
      tpu.barrier barrier_id(%barrier3A_56)
      %mul3A_57 = arith.constant 632 : i32
      %mul3A_58 = arith.muli %arg1, %mul3A_57 : i32
      %mul3A_59 = arith.constant 632 : i32
      %mul3A_60 = arith.muli %arg1, %mul3A_59 : i32
      "tpu.region"() ({
        %run_scoped3A_61 = tpu.sem_alloc : memref<!tpu.dma_semaphore, #tpu.memory_space<semaphore_mem>>
        %dma_start3A_62 = arith.constant 0 : i32
        %dma_start3A_63 = tpu.memref_slice %arg13[%mul3A_60, %dma_start3A_62] : memref<10112x64xf32, #tpu.memory_space<hbm>> -> memref<632x64xf32, #tpu.memory_space<hbm>>
        %dma_start3A_64 = arith.constant 0 : i32
        %dma_start3A_65 = tpu.memref_slice %arg22[%mul3A_58, %dma_start3A_64] : memref<10112x64xf32, #tpu.memory_space<vmem_shared>> -> memref<632x64xf32, #tpu.memory_space<vmem_shared>>
        tpu.enqueue_dma source(%dma_start3A_65 : memref<632x64xf32, #tpu.memory_space<vmem_shared>>) target(%dma_start3A_63 : memref<632x64xf32, #tpu.memory_space<hbm>>) target_semaphore(%run_scoped3A_61 : memref<!tpu.dma_semaphore, #tpu.memory_space<semaphore_mem>>)
        %dma_wait3A_66 = arith.constant 0 : i32
        %dma_wait3A_67 = tpu.memref_slice %arg13[%mul3A_60, %dma_wait3A_66] : memref<10112x64xf32, #tpu.memory_space<hbm>> -> memref<632x64xf32, #tpu.memory_space<hbm>>
        %dma_wait3A_68 = arith.constant 0 : i32
        %dma_wait3A_69 = tpu.memref_slice %arg22[%mul3A_58, %dma_wait3A_68] : memref<10112x64xf32, #tpu.memory_space<vmem_shared>> -> memref<632x64xf32, #tpu.memory_space<vmem_shared>>
        tpu.wait_dma2 semaphore(%run_scoped3A_61 : memref<!tpu.dma_semaphore, #tpu.memory_space<semaphore_mem>>) src(%dma_wait3A_69 : memref<632x64xf32, #tpu.memory_space<vmem_shared>>) dst(%dma_wait3A_67 : memref<632x64xf32, #tpu.memory_space<hbm>>)
        tpu.yield
      }) : () -> ()
    } else {
    }
    %barrier3A = arith.constant 0 : index
    tpu.barrier barrier_id(%barrier3A)
    %eq3A_7 = arith.constant 0 : i32
    %eq3A_8 = arith.cmpi eq, %arg0, %eq3A_7 : i32
    %convert_element_type3A_9 = arith.extui %eq3A_8 : i1 to i32
    %cond3A_10 = arith.constant 0 : i32
    %cond3A_11 = arith.cmpi ne, %convert_element_type3A_9, %cond3A_10 : i32
    scf.if %cond3A_11 {
      %lt3A = arith.constant 15 : i32
      %lt3A_28 = arith.cmpi slt, %arg1, %lt3A : i32
      %convert_element_type3A_29 = arith.extui %lt3A_28 : i1 to i32
      %cond3A_30 = arith.constant 0 : i32
      %cond3A_31 = arith.cmpi ne, %convert_element_type3A_29, %cond3A_30 : i32
      scf.if %cond3A_31 {
        %mul3A_61 = arith.constant 632 : i32
        %mul3A_62 = arith.muli %arg1, %mul3A_61 : i32
        %mul3A_63 = arith.constant 632 : i32
        %mul3A_64 = arith.muli %arg1, %mul3A_63 : i32
        "tpu.region"() ({
          %run_scoped3A_65 = tpu.sem_alloc : memref<!tpu.dma_semaphore, #tpu.memory_space<semaphore_mem>>
          %dma_start3A_66 = arith.constant 0 : i32
          %dma_start3A_67 = tpu.memref_slice %arg21[%mul3A_64, %dma_start3A_66] : memref<10000x64xf32, #tpu.memory_space<vmem_shared>> -> memref<632x64xf32, #tpu.memory_space<vmem_shared>>
          %dma_start3A_68 = arith.constant 0 : i32
          %dma_start3A_69 = tpu.memref_slice %arg3[%mul3A_62, %dma_start3A_68] : memref<10000x64xf32, #tpu.memory_space<hbm>> -> memref<632x64xf32, #tpu.memory_space<hbm>>
          tpu.enqueue_dma source(%dma_start3A_69 : memref<632x64xf32, #tpu.memory_space<hbm>>) target(%dma_start3A_67 : memref<632x64xf32, #tpu.memory_space<vmem_shared>>) target_semaphore(%run_scoped3A_65 : memref<!tpu.dma_semaphore, #tpu.memory_space<semaphore_mem>>)
          %dma_wait3A_70 = arith.constant 0 : i32
          %dma_wait3A_71 = tpu.memref_slice %arg21[%mul3A_64, %dma_wait3A_70] : memref<10000x64xf32, #tpu.memory_space<vmem_shared>> -> memref<632x64xf32, #tpu.memory_space<vmem_shared>>
          %dma_wait3A_72 = arith.constant 0 : i32
          %dma_wait3A_73 = tpu.memref_slice %arg3[%mul3A_62, %dma_wait3A_72] : memref<10000x64xf32, #tpu.memory_space<hbm>> -> memref<632x64xf32, #tpu.memory_space<hbm>>
          tpu.wait_dma2 semaphore(%run_scoped3A_65 : memref<!tpu.dma_semaphore, #tpu.memory_space<semaphore_mem>>) src(%dma_wait3A_73 : memref<632x64xf32, #tpu.memory_space<hbm>>) dst(%dma_wait3A_71 : memref<632x64xf32, #tpu.memory_space<vmem_shared>>)
          tpu.yield
        }) : () -> ()
      } else {
      }
      %eq3A_32 = arith.constant 15 : i32
      %eq3A_33 = arith.cmpi eq, %arg1, %eq3A_32 : i32
      %convert_element_type3A_34 = arith.extui %eq3A_33 : i1 to i32
      %cond3A_35 = arith.constant 0 : i32
      %cond3A_36 = arith.cmpi ne, %convert_element_type3A_34, %cond3A_35 : i32
      scf.if %cond3A_36 {
        "tpu.region"() ({
          %run_scoped3A_61 = tpu.sem_alloc : memref<!tpu.dma_semaphore, #tpu.memory_space<semaphore_mem>>
          %dma_start3A_62 = arith.constant 9480 : i32
          %dma_start3A_63 = arith.constant 0 : i32
          %dma_start3A_64 = tpu.memref_slice %arg21[%dma_start3A_62, %dma_start3A_63] : memref<10000x64xf32, #tpu.memory_space<vmem_shared>> -> memref<520x64xf32, #tpu.memory_space<vmem_shared>>
          %dma_start3A_65 = arith.constant 9480 : i32
          %dma_start3A_66 = arith.constant 0 : i32
          %dma_start3A_67 = tpu.memref_slice %arg3[%dma_start3A_65, %dma_start3A_66] : memref<10000x64xf32, #tpu.memory_space<hbm>> -> memref<520x64xf32, #tpu.memory_space<hbm>>
          tpu.enqueue_dma source(%dma_start3A_67 : memref<520x64xf32, #tpu.memory_space<hbm>>) target(%dma_start3A_64 : memref<520x64xf32, #tpu.memory_space<vmem_shared>>) target_semaphore(%run_scoped3A_61 : memref<!tpu.dma_semaphore, #tpu.memory_space<semaphore_mem>>)
          %dma_wait3A_68 = arith.constant 9480 : i32
          %dma_wait3A_69 = arith.constant 0 : i32
          %dma_wait3A_70 = tpu.memref_slice %arg21[%dma_wait3A_68, %dma_wait3A_69] : memref<10000x64xf32, #tpu.memory_space<vmem_shared>> -> memref<520x64xf32, #tpu.memory_space<vmem_shared>>
          %dma_wait3A_71 = arith.constant 9480 : i32
          %dma_wait3A_72 = arith.constant 0 : i32
          %dma_wait3A_73 = tpu.memref_slice %arg3[%dma_wait3A_71, %dma_wait3A_72] : memref<10000x64xf32, #tpu.memory_space<hbm>> -> memref<520x64xf32, #tpu.memory_space<hbm>>
          tpu.wait_dma2 semaphore(%run_scoped3A_61 : memref<!tpu.dma_semaphore, #tpu.memory_space<semaphore_mem>>) src(%dma_wait3A_73 : memref<520x64xf32, #tpu.memory_space<hbm>>) dst(%dma_wait3A_70 : memref<520x64xf32, #tpu.memory_space<vmem_shared>>)
          tpu.yield
        }) : () -> ()
      } else {
      }
      %mul3A = arith.constant 632 : i32
      %mul3A_37 = arith.muli %arg1, %mul3A : i32
      "tpu.region"() ({
        %run_scoped3A_61 = tpu.sem_alloc : memref<!tpu.dma_semaphore, #tpu.memory_space<semaphore_mem>>
        %dma_start3A_62 = arith.constant 0 : i32
        %dma_start3A_63 = tpu.memref_slice %arg22[%mul3A_37, %dma_start3A_62] : memref<10112x64xf32, #tpu.memory_space<vmem_shared>> -> memref<632x64xf32, #tpu.memory_space<vmem_shared>>
        tpu.enqueue_dma source(%arg8 : memref<632x64xf32, #tpu.memory_space<hbm>>) target(%dma_start3A_63 : memref<632x64xf32, #tpu.memory_space<vmem_shared>>) target_semaphore(%run_scoped3A_61 : memref<!tpu.dma_semaphore, #tpu.memory_space<semaphore_mem>>)
        %dma_wait3A_64 = arith.constant 0 : i32
        %dma_wait3A_65 = tpu.memref_slice %arg22[%mul3A_37, %dma_wait3A_64] : memref<10112x64xf32, #tpu.memory_space<vmem_shared>> -> memref<632x64xf32, #tpu.memory_space<vmem_shared>>
        tpu.wait_dma2 semaphore(%run_scoped3A_61 : memref<!tpu.dma_semaphore, #tpu.memory_space<semaphore_mem>>) src(%arg8 : memref<632x64xf32, #tpu.memory_space<hbm>>) dst(%dma_wait3A_65 : memref<632x64xf32, #tpu.memory_space<vmem_shared>>)
        tpu.yield
      }) : () -> ()
      %barrier3A_38 = arith.constant 0 : index
      tpu.barrier barrier_id(%barrier3A_38)
      %dma_start3A = arith.constant 0 : i32
      %dma_start3A_39 = arith.constant 0 : i32
      %dma_start3A_40 = tpu.memref_slice %arg17[%dma_start3A, %dma_start3A_39] : memref<79x128xi32, #tpu.memory_space<vmem>> -> memref<1x128xi32, #tpu.memory_space<vmem>>
      %dma_start3A_41 = tpu.memref_squeeze %dma_start3A_40 : memref<1x128xi32, #tpu.memory_space<vmem>> -> memref<128xi32, #tpu.memory_space<vmem>>
      %dma_start3A_42 = arith.constant 0 : i32
      %dma_start3A_43 = arith.constant 0 : i32
      %dma_start3A_44 = tpu.memref_slice %arg21[%dma_start3A_42, %dma_start3A_43] : memref<10000x64xf32, #tpu.memory_space<vmem_shared>> -> memref<10000x64xf32, #tpu.memory_space<vmem_shared>>
      tpu.enqueue_indirect_dma source(%dma_start3A_44 : memref<10000x64xf32, #tpu.memory_space<vmem_shared>>) target(%arg19 : memref<128x64xf32, #tpu.memory_space<vmem>>) offsets(%dma_start3A_41 : memref<128xi32, #tpu.memory_space<vmem>>) semaphore(%arg23 : memref<!tpu.dma_semaphore, #tpu.memory_space<semaphore_mem>>)
      %scan3A = arith.constant 0 : i32
      %scan3A_45 = arith.constant 0 : i32
      %scan3A_46 = arith.constant 39 : i32
      %scan3A_47 = arith.addi %scan3A_45, %scan3A_46 : i32
      %scan3A_48 = arith.constant 1 : i32
      scf.for %scan3A_61 = %scan3A_45 to %scan3A_47 step %scan3A_48  : i32 {
        %mul3A_62 = arith.constant 2 : i32
        %mul3A_63 = arith.muli %mul3A_62, %scan3A_61 : i32
        %add3A = arith.constant 1 : i32
        %add3A_64 = arith.addi %mul3A_63, %add3A : i32
        %dma_start3A_65 = arith.constant 0 : i32
        %dma_start3A_66 = tpu.memref_slice %arg17[%add3A_64, %dma_start3A_65] : memref<79x128xi32, #tpu.memory_space<vmem>> -> memref<1x128xi32, #tpu.memory_space<vmem>>
        %dma_start3A_67 = tpu.memref_squeeze %dma_start3A_66 : memref<1x128xi32, #tpu.memory_space<vmem>> -> memref<128xi32, #tpu.memory_space<vmem>>
        %dma_start3A_68 = arith.constant 0 : i32
        %dma_start3A_69 = arith.constant 0 : i32
        %dma_start3A_70 = tpu.memref_slice %arg21[%dma_start3A_68, %dma_start3A_69] : memref<10000x64xf32, #tpu.memory_space<vmem_shared>> -> memref<10000x64xf32, #tpu.memory_space<vmem_shared>>
        tpu.enqueue_indirect_dma source(%dma_start3A_70 : memref<10000x64xf32, #tpu.memory_space<vmem_shared>>) target(%arg20 : memref<128x64xf32, #tpu.memory_space<vmem>>) offsets(%dma_start3A_67 : memref<128xi32, #tpu.memory_space<vmem>>) semaphore(%arg24 : memref<!tpu.dma_semaphore, #tpu.memory_space<semaphore_mem>>)
        %dma_wait3A_71 = arith.constant 0 : i32
        %dma_wait3A_72 = arith.constant 0 : i32
        %dma_wait3A_73 = tpu.memref_slice %arg17[%dma_wait3A_71, %dma_wait3A_72] : memref<79x128xi32, #tpu.memory_space<vmem>> -> memref<1x128xi32, #tpu.memory_space<vmem>>
        %dma_wait3A_74 = tpu.memref_squeeze %dma_wait3A_73 : memref<1x128xi32, #tpu.memory_space<vmem>> -> memref<128xi32, #tpu.memory_space<vmem>>
        %dma_wait3A_75 = arith.constant 0 : i32
        %dma_wait3A_76 = arith.constant 0 : i32
        %dma_wait3A_77 = tpu.memref_slice %arg21[%dma_wait3A_75, %dma_wait3A_76] : memref<10000x64xf32, #tpu.memory_space<vmem_shared>> -> memref<10000x64xf32, #tpu.memory_space<vmem_shared>>
        tpu.wait_indirect_dma semaphore(%arg23 : memref<!tpu.dma_semaphore, #tpu.memory_space<semaphore_mem>>) src(%dma_wait3A_77 : memref<10000x64xf32, #tpu.memory_space<vmem_shared>>) dst(%arg19 : memref<128x64xf32, #tpu.memory_space<vmem>>)
        "tpu.region"() ({
          %run_scoped3A_95 = tpu.sem_alloc : memref<!tpu.dma_semaphore, #tpu.memory_space<semaphore_mem>>
          %dma_start3A_96 = arith.constant 0 : i32
          %dma_start3A_97 = tpu.memref_slice %arg18[%mul3A_63, %dma_start3A_96] : memref<79x128xi32, #tpu.memory_space<vmem>> -> memref<1x128xi32, #tpu.memory_space<vmem>>
          %dma_start3A_98 = tpu.memref_squeeze %dma_start3A_97 : memref<1x128xi32, #tpu.memory_space<vmem>> -> memref<128xi32, #tpu.memory_space<vmem>>
          %dma_start3A_99 = arith.constant 0 : i32
          %dma_start3A_100 = arith.constant 0 : i32
          %dma_start3A_101 = tpu.memref_slice %arg22[%dma_start3A_99, %dma_start3A_100] : memref<10112x64xf32, #tpu.memory_space<vmem_shared>> -> memref<10112x64xf32, #tpu.memory_space<vmem_shared>>
          tpu.enqueue_indirect_dma source(%arg19 : memref<128x64xf32, #tpu.memory_space<vmem>>) target(%dma_start3A_101 : memref<10112x64xf32, #tpu.memory_space<vmem_shared>>) offsets(%dma_start3A_98 : memref<128xi32, #tpu.memory_space<vmem>>) semaphore(%run_scoped3A_95 : memref<!tpu.dma_semaphore, #tpu.memory_space<semaphore_mem>>) {add = true}
          %dma_wait3A_102 = arith.constant 0 : i32
          %dma_wait3A_103 = tpu.memref_slice %arg18[%mul3A_63, %dma_wait3A_102] : memref<79x128xi32, #tpu.memory_space<vmem>> -> memref<1x128xi32, #tpu.memory_space<vmem>>
          %dma_wait3A_104 = tpu.memref_squeeze %dma_wait3A_103 : memref<1x128xi32, #tpu.memory_space<vmem>> -> memref<128xi32, #tpu.memory_space<vmem>>
          %dma_wait3A_105 = arith.constant 0 : i32
          %dma_wait3A_106 = arith.constant 0 : i32
          %dma_wait3A_107 = tpu.memref_slice %arg22[%dma_wait3A_105, %dma_wait3A_106] : memref<10112x64xf32, #tpu.memory_space<vmem_shared>> -> memref<10112x64xf32, #tpu.memory_space<vmem_shared>>
          tpu.wait_indirect_dma semaphore(%run_scoped3A_95 : memref<!tpu.dma_semaphore, #tpu.memory_space<semaphore_mem>>) src(%arg19 : memref<128x64xf32, #tpu.memory_space<vmem>>) dst(%dma_wait3A_107 : memref<10112x64xf32, #tpu.memory_space<vmem_shared>>)
          tpu.yield
        }) : () -> ()
        %add3A_78 = arith.constant 2 : i32
        %add3A_79 = arith.addi %mul3A_63, %add3A_78 : i32
        %dma_start3A_80 = arith.constant 0 : i32
        %dma_start3A_81 = tpu.memref_slice %arg17[%add3A_79, %dma_start3A_80] : memref<79x128xi32, #tpu.memory_space<vmem>> -> memref<1x128xi32, #tpu.memory_space<vmem>>
        %dma_start3A_82 = tpu.memref_squeeze %dma_start3A_81 : memref<1x128xi32, #tpu.memory_space<vmem>> -> memref<128xi32, #tpu.memory_space<vmem>>
        %dma_start3A_83 = arith.constant 0 : i32
        %dma_start3A_84 = arith.constant 0 : i32
        %dma_start3A_85 = tpu.memref_slice %arg21[%dma_start3A_83, %dma_start3A_84] : memref<10000x64xf32, #tpu.memory_space<vmem_shared>> -> memref<10000x64xf32, #tpu.memory_space<vmem_shared>>
        tpu.enqueue_indirect_dma source(%dma_start3A_85 : memref<10000x64xf32, #tpu.memory_space<vmem_shared>>) target(%arg19 : memref<128x64xf32, #tpu.memory_space<vmem>>) offsets(%dma_start3A_82 : memref<128xi32, #tpu.memory_space<vmem>>) semaphore(%arg23 : memref<!tpu.dma_semaphore, #tpu.memory_space<semaphore_mem>>)
        %dma_wait3A_86 = arith.constant 0 : i32
        %dma_wait3A_87 = arith.constant 0 : i32
        %dma_wait3A_88 = tpu.memref_slice %arg17[%dma_wait3A_86, %dma_wait3A_87] : memref<79x128xi32, #tpu.memory_space<vmem>> -> memref<1x128xi32, #tpu.memory_space<vmem>>
        %dma_wait3A_89 = tpu.memref_squeeze %dma_wait3A_88 : memref<1x128xi32, #tpu.memory_space<vmem>> -> memref<128xi32, #tpu.memory_space<vmem>>
        %dma_wait3A_90 = arith.constant 0 : i32
        %dma_wait3A_91 = arith.constant 0 : i32
        %dma_wait3A_92 = tpu.memref_slice %arg21[%dma_wait3A_90, %dma_wait3A_91] : memref<10000x64xf32, #tpu.memory_space<vmem_shared>> -> memref<10000x64xf32, #tpu.memory_space<vmem_shared>>
        tpu.wait_indirect_dma semaphore(%arg24 : memref<!tpu.dma_semaphore, #tpu.memory_space<semaphore_mem>>) src(%dma_wait3A_92 : memref<10000x64xf32, #tpu.memory_space<vmem_shared>>) dst(%arg20 : memref<128x64xf32, #tpu.memory_space<vmem>>)
        %add3A_93 = arith.constant 1 : i32
        %add3A_94 = arith.addi %mul3A_63, %add3A_93 : i32
        "tpu.region"() ({
          %run_scoped3A_95 = tpu.sem_alloc : memref<!tpu.dma_semaphore, #tpu.memory_space<semaphore_mem>>
          %dma_start3A_96 = arith.constant 0 : i32
          %dma_start3A_97 = tpu.memref_slice %arg18[%add3A_94, %dma_start3A_96] : memref<79x128xi32, #tpu.memory_space<vmem>> -> memref<1x128xi32, #tpu.memory_space<vmem>>
          %dma_start3A_98 = tpu.memref_squeeze %dma_start3A_97 : memref<1x128xi32, #tpu.memory_space<vmem>> -> memref<128xi32, #tpu.memory_space<vmem>>
          %dma_start3A_99 = arith.constant 0 : i32
          %dma_start3A_100 = arith.constant 0 : i32
          %dma_start3A_101 = tpu.memref_slice %arg22[%dma_start3A_99, %dma_start3A_100] : memref<10112x64xf32, #tpu.memory_space<vmem_shared>> -> memref<10112x64xf32, #tpu.memory_space<vmem_shared>>
          tpu.enqueue_indirect_dma source(%arg20 : memref<128x64xf32, #tpu.memory_space<vmem>>) target(%dma_start3A_101 : memref<10112x64xf32, #tpu.memory_space<vmem_shared>>) offsets(%dma_start3A_98 : memref<128xi32, #tpu.memory_space<vmem>>) semaphore(%run_scoped3A_95 : memref<!tpu.dma_semaphore, #tpu.memory_space<semaphore_mem>>) {add = true}
          %dma_wait3A_102 = arith.constant 0 : i32
          %dma_wait3A_103 = tpu.memref_slice %arg18[%add3A_94, %dma_wait3A_102] : memref<79x128xi32, #tpu.memory_space<vmem>> -> memref<1x128xi32, #tpu.memory_space<vmem>>
          %dma_wait3A_104 = tpu.memref_squeeze %dma_wait3A_103 : memref<1x128xi32, #tpu.memory_space<vmem>> -> memref<128xi32, #tpu.memory_space<vmem>>
          %dma_wait3A_105 = arith.constant 0 : i32
          %dma_wait3A_106 = arith.constant 0 : i32
          %dma_wait3A_107 = tpu.memref_slice %arg22[%dma_wait3A_105, %dma_wait3A_106] : memref<10112x64xf32, #tpu.memory_space<vmem_shared>> -> memref<10112x64xf32, #tpu.memory_space<vmem_shared>>
          tpu.wait_indirect_dma semaphore(%run_scoped3A_95 : memref<!tpu.dma_semaphore, #tpu.memory_space<semaphore_mem>>) src(%arg20 : memref<128x64xf32, #tpu.memory_space<vmem>>) dst(%dma_wait3A_107 : memref<10112x64xf32, #tpu.memory_space<vmem_shared>>)
          tpu.yield
        }) : () -> ()
      }
      %scan3A_49 = arith.constant 39 : i32
      %dma_wait3A = arith.constant 0 : i32
      %dma_wait3A_50 = arith.constant 0 : i32
      %dma_wait3A_51 = tpu.memref_slice %arg17[%dma_wait3A, %dma_wait3A_50] : memref<79x128xi32, #tpu.memory_space<vmem>> -> memref<1x128xi32, #tpu.memory_space<vmem>>
      %dma_wait3A_52 = tpu.memref_squeeze %dma_wait3A_51 : memref<1x128xi32, #tpu.memory_space<vmem>> -> memref<128xi32, #tpu.memory_space<vmem>>
      %dma_wait3A_53 = arith.constant 0 : i32
      %dma_wait3A_54 = arith.constant 0 : i32
      %dma_wait3A_55 = tpu.memref_slice %arg21[%dma_wait3A_53, %dma_wait3A_54] : memref<10000x64xf32, #tpu.memory_space<vmem_shared>> -> memref<10000x64xf32, #tpu.memory_space<vmem_shared>>
      tpu.wait_indirect_dma semaphore(%arg23 : memref<!tpu.dma_semaphore, #tpu.memory_space<semaphore_mem>>) src(%dma_wait3A_55 : memref<10000x64xf32, #tpu.memory_space<vmem_shared>>) dst(%arg19 : memref<128x64xf32, #tpu.memory_space<vmem>>)
      %run_scoped3A = arith.constant 78 : i32
      "tpu.region"() ({
        %run_scoped3A_61 = tpu.sem_alloc : memref<!tpu.dma_semaphore, #tpu.memory_space<semaphore_mem>>
        %dma_start3A_62 = arith.constant 0 : i32
        %dma_start3A_63 = tpu.memref_slice %arg18[%run_scoped3A, %dma_start3A_62] : memref<79x128xi32, #tpu.memory_space<vmem>> -> memref<1x128xi32, #tpu.memory_space<vmem>>
        %dma_start3A_64 = tpu.memref_squeeze %dma_start3A_63 : memref<1x128xi32, #tpu.memory_space<vmem>> -> memref<128xi32, #tpu.memory_space<vmem>>
        %dma_start3A_65 = arith.constant 0 : i32
        %dma_start3A_66 = arith.constant 0 : i32
        %dma_start3A_67 = tpu.memref_slice %arg22[%dma_start3A_65, %dma_start3A_66] : memref<10112x64xf32, #tpu.memory_space<vmem_shared>> -> memref<10112x64xf32, #tpu.memory_space<vmem_shared>>
        tpu.enqueue_indirect_dma source(%arg19 : memref<128x64xf32, #tpu.memory_space<vmem>>) target(%dma_start3A_67 : memref<10112x64xf32, #tpu.memory_space<vmem_shared>>) offsets(%dma_start3A_64 : memref<128xi32, #tpu.memory_space<vmem>>) semaphore(%run_scoped3A_61 : memref<!tpu.dma_semaphore, #tpu.memory_space<semaphore_mem>>) {add = true}
        %dma_wait3A_68 = arith.constant 0 : i32
        %dma_wait3A_69 = tpu.memref_slice %arg18[%run_scoped3A, %dma_wait3A_68] : memref<79x128xi32, #tpu.memory_space<vmem>> -> memref<1x128xi32, #tpu.memory_space<vmem>>
        %dma_wait3A_70 = tpu.memref_squeeze %dma_wait3A_69 : memref<1x128xi32, #tpu.memory_space<vmem>> -> memref<128xi32, #tpu.memory_space<vmem>>
        %dma_wait3A_71 = arith.constant 0 : i32
        %dma_wait3A_72 = arith.constant 0 : i32
        %dma_wait3A_73 = tpu.memref_slice %arg22[%dma_wait3A_71, %dma_wait3A_72] : memref<10112x64xf32, #tpu.memory_space<vmem_shared>> -> memref<10112x64xf32, #tpu.memory_space<vmem_shared>>
        tpu.wait_indirect_dma semaphore(%run_scoped3A_61 : memref<!tpu.dma_semaphore, #tpu.memory_space<semaphore_mem>>) src(%arg19 : memref<128x64xf32, #tpu.memory_space<vmem>>) dst(%dma_wait3A_73 : memref<10112x64xf32, #tpu.memory_space<vmem_shared>>)
        tpu.yield
      }) : () -> ()
      %barrier3A_56 = arith.constant 0 : index
      tpu.barrier barrier_id(%barrier3A_56)
      %mul3A_57 = arith.constant 632 : i32
      %mul3A_58 = arith.muli %arg1, %mul3A_57 : i32
      %mul3A_59 = arith.constant 632 : i32
      %mul3A_60 = arith.muli %arg1, %mul3A_59 : i32
      "tpu.region"() ({
        %run_scoped3A_61 = tpu.sem_alloc : memref<!tpu.dma_semaphore, #tpu.memory_space<semaphore_mem>>
        %dma_start3A_62 = arith.constant 0 : i32
        %dma_start3A_63 = tpu.memref_slice %arg12[%mul3A_60, %dma_start3A_62] : memref<10112x64xf32, #tpu.memory_space<hbm>> -> memref<632x64xf32, #tpu.memory_space<hbm>>
        %dma_start3A_64 = arith.constant 0 : i32
        %dma_start3A_65 = tpu.memref_slice %arg22[%mul3A_58, %dma_start3A_64] : memref<10112x64xf32, #tpu.memory_space<vmem_shared>> -> memref<632x64xf32, #tpu.memory_space<vmem_shared>>
        tpu.enqueue_dma source(%dma_start3A_65 : memref<632x64xf32, #tpu.memory_space<vmem_shared>>) target(%dma_start3A_63 : memref<632x64xf32, #tpu.memory_space<hbm>>) target_semaphore(%run_scoped3A_61 : memref<!tpu.dma_semaphore, #tpu.memory_space<semaphore_mem>>)
        %dma_wait3A_66 = arith.constant 0 : i32
        %dma_wait3A_67 = tpu.memref_slice %arg12[%mul3A_60, %dma_wait3A_66] : memref<10112x64xf32, #tpu.memory_space<hbm>> -> memref<632x64xf32, #tpu.memory_space<hbm>>
        %dma_wait3A_68 = arith.constant 0 : i32
        %dma_wait3A_69 = tpu.memref_slice %arg22[%mul3A_58, %dma_wait3A_68] : memref<10112x64xf32, #tpu.memory_space<vmem_shared>> -> memref<632x64xf32, #tpu.memory_space<vmem_shared>>
        tpu.wait_dma2 semaphore(%run_scoped3A_61 : memref<!tpu.dma_semaphore, #tpu.memory_space<semaphore_mem>>) src(%dma_wait3A_69 : memref<632x64xf32, #tpu.memory_space<vmem_shared>>) dst(%dma_wait3A_67 : memref<632x64xf32, #tpu.memory_space<hbm>>)
        tpu.yield
      }) : () -> ()
    } else {
    }
    %eq3A_12 = arith.constant 1 : i32
    %eq3A_13 = arith.cmpi eq, %arg0, %eq3A_12 : i32
    %convert_element_type3A_14 = arith.extui %eq3A_13 : i1 to i32
    %cond3A_15 = arith.constant 0 : i32
    %cond3A_16 = arith.cmpi ne, %convert_element_type3A_14, %cond3A_15 : i32
    scf.if %cond3A_16 {
      %lt3A = arith.constant 15 : i32
      %lt3A_28 = arith.cmpi slt, %arg1, %lt3A : i32
      %convert_element_type3A_29 = arith.extui %lt3A_28 : i1 to i32
      %cond3A_30 = arith.constant 0 : i32
      %cond3A_31 = arith.cmpi ne, %convert_element_type3A_29, %cond3A_30 : i32
      scf.if %cond3A_31 {
        %mul3A_61 = arith.constant 632 : i32
        %mul3A_62 = arith.muli %arg1, %mul3A_61 : i32
        %mul3A_63 = arith.constant 632 : i32
        %mul3A_64 = arith.muli %arg1, %mul3A_63 : i32
        "tpu.region"() ({
          %run_scoped3A_65 = tpu.sem_alloc : memref<!tpu.dma_semaphore, #tpu.memory_space<semaphore_mem>>
          %dma_start3A_66 = arith.constant 0 : i32
          %dma_start3A_67 = tpu.memref_slice %arg21[%mul3A_64, %dma_start3A_66] : memref<10000x64xf32, #tpu.memory_space<vmem_shared>> -> memref<632x64xf32, #tpu.memory_space<vmem_shared>>
          %dma_start3A_68 = arith.constant 0 : i32
          %dma_start3A_69 = tpu.memref_slice %arg5[%mul3A_62, %dma_start3A_68] : memref<10000x64xf32, #tpu.memory_space<hbm>> -> memref<632x64xf32, #tpu.memory_space<hbm>>
          tpu.enqueue_dma source(%dma_start3A_69 : memref<632x64xf32, #tpu.memory_space<hbm>>) target(%dma_start3A_67 : memref<632x64xf32, #tpu.memory_space<vmem_shared>>) target_semaphore(%run_scoped3A_65 : memref<!tpu.dma_semaphore, #tpu.memory_space<semaphore_mem>>)
          %dma_wait3A_70 = arith.constant 0 : i32
          %dma_wait3A_71 = tpu.memref_slice %arg21[%mul3A_64, %dma_wait3A_70] : memref<10000x64xf32, #tpu.memory_space<vmem_shared>> -> memref<632x64xf32, #tpu.memory_space<vmem_shared>>
          %dma_wait3A_72 = arith.constant 0 : i32
          %dma_wait3A_73 = tpu.memref_slice %arg5[%mul3A_62, %dma_wait3A_72] : memref<10000x64xf32, #tpu.memory_space<hbm>> -> memref<632x64xf32, #tpu.memory_space<hbm>>
          tpu.wait_dma2 semaphore(%run_scoped3A_65 : memref<!tpu.dma_semaphore, #tpu.memory_space<semaphore_mem>>) src(%dma_wait3A_73 : memref<632x64xf32, #tpu.memory_space<hbm>>) dst(%dma_wait3A_71 : memref<632x64xf32, #tpu.memory_space<vmem_shared>>)
          tpu.yield
        }) : () -> ()
      } else {
      }
      %eq3A_32 = arith.constant 15 : i32
      %eq3A_33 = arith.cmpi eq, %arg1, %eq3A_32 : i32
      %convert_element_type3A_34 = arith.extui %eq3A_33 : i1 to i32
      %cond3A_35 = arith.constant 0 : i32
      %cond3A_36 = arith.cmpi ne, %convert_element_type3A_34, %cond3A_35 : i32
      scf.if %cond3A_36 {
        "tpu.region"() ({
          %run_scoped3A_61 = tpu.sem_alloc : memref<!tpu.dma_semaphore, #tpu.memory_space<semaphore_mem>>
          %dma_start3A_62 = arith.constant 9480 : i32
          %dma_start3A_63 = arith.constant 0 : i32
          %dma_start3A_64 = tpu.memref_slice %arg21[%dma_start3A_62, %dma_start3A_63] : memref<10000x64xf32, #tpu.memory_space<vmem_shared>> -> memref<520x64xf32, #tpu.memory_space<vmem_shared>>
          %dma_start3A_65 = arith.constant 9480 : i32
          %dma_start3A_66 = arith.constant 0 : i32
          %dma_start3A_67 = tpu.memref_slice %arg5[%dma_start3A_65, %dma_start3A_66] : memref<10000x64xf32, #tpu.memory_space<hbm>> -> memref<520x64xf32, #tpu.memory_space<hbm>>
          tpu.enqueue_dma source(%dma_start3A_67 : memref<520x64xf32, #tpu.memory_space<hbm>>) target(%dma_start3A_64 : memref<520x64xf32, #tpu.memory_space<vmem_shared>>) target_semaphore(%run_scoped3A_61 : memref<!tpu.dma_semaphore, #tpu.memory_space<semaphore_mem>>)
          %dma_wait3A_68 = arith.constant 9480 : i32
          %dma_wait3A_69 = arith.constant 0 : i32
          %dma_wait3A_70 = tpu.memref_slice %arg21[%dma_wait3A_68, %dma_wait3A_69] : memref<10000x64xf32, #tpu.memory_space<vmem_shared>> -> memref<520x64xf32, #tpu.memory_space<vmem_shared>>
          %dma_wait3A_71 = arith.constant 9480 : i32
          %dma_wait3A_72 = arith.constant 0 : i32
          %dma_wait3A_73 = tpu.memref_slice %arg5[%dma_wait3A_71, %dma_wait3A_72] : memref<10000x64xf32, #tpu.memory_space<hbm>> -> memref<520x64xf32, #tpu.memory_space<hbm>>
          tpu.wait_dma2 semaphore(%run_scoped3A_61 : memref<!tpu.dma_semaphore, #tpu.memory_space<semaphore_mem>>) src(%dma_wait3A_73 : memref<520x64xf32, #tpu.memory_space<hbm>>) dst(%dma_wait3A_70 : memref<520x64xf32, #tpu.memory_space<vmem_shared>>)
          tpu.yield
        }) : () -> ()
      } else {
      }
      %mul3A = arith.constant 632 : i32
      %mul3A_37 = arith.muli %arg1, %mul3A : i32
      "tpu.region"() ({
        %run_scoped3A_61 = tpu.sem_alloc : memref<!tpu.dma_semaphore, #tpu.memory_space<semaphore_mem>>
        %dma_start3A_62 = arith.constant 0 : i32
        %dma_start3A_63 = tpu.memref_slice %arg22[%mul3A_37, %dma_start3A_62] : memref<10112x64xf32, #tpu.memory_space<vmem_shared>> -> memref<632x64xf32, #tpu.memory_space<vmem_shared>>
        tpu.enqueue_dma source(%arg8 : memref<632x64xf32, #tpu.memory_space<hbm>>) target(%dma_start3A_63 : memref<632x64xf32, #tpu.memory_space<vmem_shared>>) target_semaphore(%run_scoped3A_61 : memref<!tpu.dma_semaphore, #tpu.memory_space<semaphore_mem>>)
        %dma_wait3A_64 = arith.constant 0 : i32
        %dma_wait3A_65 = tpu.memref_slice %arg22[%mul3A_37, %dma_wait3A_64] : memref<10112x64xf32, #tpu.memory_space<vmem_shared>> -> memref<632x64xf32, #tpu.memory_space<vmem_shared>>
        tpu.wait_dma2 semaphore(%run_scoped3A_61 : memref<!tpu.dma_semaphore, #tpu.memory_space<semaphore_mem>>) src(%arg8 : memref<632x64xf32, #tpu.memory_space<hbm>>) dst(%dma_wait3A_65 : memref<632x64xf32, #tpu.memory_space<vmem_shared>>)
        tpu.yield
      }) : () -> ()
      %barrier3A_38 = arith.constant 0 : index
      tpu.barrier barrier_id(%barrier3A_38)
      %dma_start3A = arith.constant 0 : i32
      %dma_start3A_39 = arith.constant 0 : i32
      %dma_start3A_40 = tpu.memref_slice %arg17[%dma_start3A, %dma_start3A_39] : memref<79x128xi32, #tpu.memory_space<vmem>> -> memref<1x128xi32, #tpu.memory_space<vmem>>
      %dma_start3A_41 = tpu.memref_squeeze %dma_start3A_40 : memref<1x128xi32, #tpu.memory_space<vmem>> -> memref<128xi32, #tpu.memory_space<vmem>>
      %dma_start3A_42 = arith.constant 0 : i32
      %dma_start3A_43 = arith.constant 0 : i32
      %dma_start3A_44 = tpu.memref_slice %arg21[%dma_start3A_42, %dma_start3A_43] : memref<10000x64xf32, #tpu.memory_space<vmem_shared>> -> memref<10000x64xf32, #tpu.memory_space<vmem_shared>>
      tpu.enqueue_indirect_dma source(%dma_start3A_44 : memref<10000x64xf32, #tpu.memory_space<vmem_shared>>) target(%arg19 : memref<128x64xf32, #tpu.memory_space<vmem>>) offsets(%dma_start3A_41 : memref<128xi32, #tpu.memory_space<vmem>>) semaphore(%arg23 : memref<!tpu.dma_semaphore, #tpu.memory_space<semaphore_mem>>)
      %scan3A = arith.constant 0 : i32
      %scan3A_45 = arith.constant 0 : i32
      %scan3A_46 = arith.constant 39 : i32
      %scan3A_47 = arith.addi %scan3A_45, %scan3A_46 : i32
      %scan3A_48 = arith.constant 1 : i32
      scf.for %scan3A_61 = %scan3A_45 to %scan3A_47 step %scan3A_48  : i32 {
        %mul3A_62 = arith.constant 2 : i32
        %mul3A_63 = arith.muli %mul3A_62, %scan3A_61 : i32
        %add3A = arith.constant 1 : i32
        %add3A_64 = arith.addi %mul3A_63, %add3A : i32
        %dma_start3A_65 = arith.constant 0 : i32
        %dma_start3A_66 = tpu.memref_slice %arg17[%add3A_64, %dma_start3A_65] : memref<79x128xi32, #tpu.memory_space<vmem>> -> memref<1x128xi32, #tpu.memory_space<vmem>>
        %dma_start3A_67 = tpu.memref_squeeze %dma_start3A_66 : memref<1x128xi32, #tpu.memory_space<vmem>> -> memref<128xi32, #tpu.memory_space<vmem>>
        %dma_start3A_68 = arith.constant 0 : i32
        %dma_start3A_69 = arith.constant 0 : i32
        %dma_start3A_70 = tpu.memref_slice %arg21[%dma_start3A_68, %dma_start3A_69] : memref<10000x64xf32, #tpu.memory_space<vmem_shared>> -> memref<10000x64xf32, #tpu.memory_space<vmem_shared>>
        tpu.enqueue_indirect_dma source(%dma_start3A_70 : memref<10000x64xf32, #tpu.memory_space<vmem_shared>>) target(%arg20 : memref<128x64xf32, #tpu.memory_space<vmem>>) offsets(%dma_start3A_67 : memref<128xi32, #tpu.memory_space<vmem>>) semaphore(%arg24 : memref<!tpu.dma_semaphore, #tpu.memory_space<semaphore_mem>>)
        %dma_wait3A_71 = arith.constant 0 : i32
        %dma_wait3A_72 = arith.constant 0 : i32
        %dma_wait3A_73 = tpu.memref_slice %arg17[%dma_wait3A_71, %dma_wait3A_72] : memref<79x128xi32, #tpu.memory_space<vmem>> -> memref<1x128xi32, #tpu.memory_space<vmem>>
        %dma_wait3A_74 = tpu.memref_squeeze %dma_wait3A_73 : memref<1x128xi32, #tpu.memory_space<vmem>> -> memref<128xi32, #tpu.memory_space<vmem>>
        %dma_wait3A_75 = arith.constant 0 : i32
        %dma_wait3A_76 = arith.constant 0 : i32
        %dma_wait3A_77 = tpu.memref_slice %arg21[%dma_wait3A_75, %dma_wait3A_76] : memref<10000x64xf32, #tpu.memory_space<vmem_shared>> -> memref<10000x64xf32, #tpu.memory_space<vmem_shared>>
        tpu.wait_indirect_dma semaphore(%arg23 : memref<!tpu.dma_semaphore, #tpu.memory_space<semaphore_mem>>) src(%dma_wait3A_77 : memref<10000x64xf32, #tpu.memory_space<vmem_shared>>) dst(%arg19 : memref<128x64xf32, #tpu.memory_space<vmem>>)
        "tpu.region"() ({
          %run_scoped3A_95 = tpu.sem_alloc : memref<!tpu.dma_semaphore, #tpu.memory_space<semaphore_mem>>
          %dma_start3A_96 = arith.constant 0 : i32
          %dma_start3A_97 = tpu.memref_slice %arg18[%mul3A_63, %dma_start3A_96] : memref<79x128xi32, #tpu.memory_space<vmem>> -> memref<1x128xi32, #tpu.memory_space<vmem>>
          %dma_start3A_98 = tpu.memref_squeeze %dma_start3A_97 : memref<1x128xi32, #tpu.memory_space<vmem>> -> memref<128xi32, #tpu.memory_space<vmem>>
          %dma_start3A_99 = arith.constant 0 : i32
          %dma_start3A_100 = arith.constant 0 : i32
          %dma_start3A_101 = tpu.memref_slice %arg22[%dma_start3A_99, %dma_start3A_100] : memref<10112x64xf32, #tpu.memory_space<vmem_shared>> -> memref<10112x64xf32, #tpu.memory_space<vmem_shared>>
          tpu.enqueue_indirect_dma source(%arg19 : memref<128x64xf32, #tpu.memory_space<vmem>>) target(%dma_start3A_101 : memref<10112x64xf32, #tpu.memory_space<vmem_shared>>) offsets(%dma_start3A_98 : memref<128xi32, #tpu.memory_space<vmem>>) semaphore(%run_scoped3A_95 : memref<!tpu.dma_semaphore, #tpu.memory_space<semaphore_mem>>) {add = true}
          %dma_wait3A_102 = arith.constant 0 : i32
          %dma_wait3A_103 = tpu.memref_slice %arg18[%mul3A_63, %dma_wait3A_102] : memref<79x128xi32, #tpu.memory_space<vmem>> -> memref<1x128xi32, #tpu.memory_space<vmem>>
          %dma_wait3A_104 = tpu.memref_squeeze %dma_wait3A_103 : memref<1x128xi32, #tpu.memory_space<vmem>> -> memref<128xi32, #tpu.memory_space<vmem>>
          %dma_wait3A_105 = arith.constant 0 : i32
          %dma_wait3A_106 = arith.constant 0 : i32
          %dma_wait3A_107 = tpu.memref_slice %arg22[%dma_wait3A_105, %dma_wait3A_106] : memref<10112x64xf32, #tpu.memory_space<vmem_shared>> -> memref<10112x64xf32, #tpu.memory_space<vmem_shared>>
          tpu.wait_indirect_dma semaphore(%run_scoped3A_95 : memref<!tpu.dma_semaphore, #tpu.memory_space<semaphore_mem>>) src(%arg19 : memref<128x64xf32, #tpu.memory_space<vmem>>) dst(%dma_wait3A_107 : memref<10112x64xf32, #tpu.memory_space<vmem_shared>>)
          tpu.yield
        }) : () -> ()
        %add3A_78 = arith.constant 2 : i32
        %add3A_79 = arith.addi %mul3A_63, %add3A_78 : i32
        %dma_start3A_80 = arith.constant 0 : i32
        %dma_start3A_81 = tpu.memref_slice %arg17[%add3A_79, %dma_start3A_80] : memref<79x128xi32, #tpu.memory_space<vmem>> -> memref<1x128xi32, #tpu.memory_space<vmem>>
        %dma_start3A_82 = tpu.memref_squeeze %dma_start3A_81 : memref<1x128xi32, #tpu.memory_space<vmem>> -> memref<128xi32, #tpu.memory_space<vmem>>
        %dma_start3A_83 = arith.constant 0 : i32
        %dma_start3A_84 = arith.constant 0 : i32
        %dma_start3A_85 = tpu.memref_slice %arg21[%dma_start3A_83, %dma_start3A_84] : memref<10000x64xf32, #tpu.memory_space<vmem_shared>> -> memref<10000x64xf32, #tpu.memory_space<vmem_shared>>
        tpu.enqueue_indirect_dma source(%dma_start3A_85 : memref<10000x64xf32, #tpu.memory_space<vmem_shared>>) target(%arg19 : memref<128x64xf32, #tpu.memory_space<vmem>>) offsets(%dma_start3A_82 : memref<128xi32, #tpu.memory_space<vmem>>) semaphore(%arg23 : memref<!tpu.dma_semaphore, #tpu.memory_space<semaphore_mem>>)
        %dma_wait3A_86 = arith.constant 0 : i32
        %dma_wait3A_87 = arith.constant 0 : i32
        %dma_wait3A_88 = tpu.memref_slice %arg17[%dma_wait3A_86, %dma_wait3A_87] : memref<79x128xi32, #tpu.memory_space<vmem>> -> memref<1x128xi32, #tpu.memory_space<vmem>>
        %dma_wait3A_89 = tpu.memref_squeeze %dma_wait3A_88 : memref<1x128xi32, #tpu.memory_space<vmem>> -> memref<128xi32, #tpu.memory_space<vmem>>
        %dma_wait3A_90 = arith.constant 0 : i32
        %dma_wait3A_91 = arith.constant 0 : i32
        %dma_wait3A_92 = tpu.memref_slice %arg21[%dma_wait3A_90, %dma_wait3A_91] : memref<10000x64xf32, #tpu.memory_space<vmem_shared>> -> memref<10000x64xf32, #tpu.memory_space<vmem_shared>>
        tpu.wait_indirect_dma semaphore(%arg24 : memref<!tpu.dma_semaphore, #tpu.memory_space<semaphore_mem>>) src(%dma_wait3A_92 : memref<10000x64xf32, #tpu.memory_space<vmem_shared>>) dst(%arg20 : memref<128x64xf32, #tpu.memory_space<vmem>>)
        %add3A_93 = arith.constant 1 : i32
        %add3A_94 = arith.addi %mul3A_63, %add3A_93 : i32
        "tpu.region"() ({
          %run_scoped3A_95 = tpu.sem_alloc : memref<!tpu.dma_semaphore, #tpu.memory_space<semaphore_mem>>
          %dma_start3A_96 = arith.constant 0 : i32
          %dma_start3A_97 = tpu.memref_slice %arg18[%add3A_94, %dma_start3A_96] : memref<79x128xi32, #tpu.memory_space<vmem>> -> memref<1x128xi32, #tpu.memory_space<vmem>>
          %dma_start3A_98 = tpu.memref_squeeze %dma_start3A_97 : memref<1x128xi32, #tpu.memory_space<vmem>> -> memref<128xi32, #tpu.memory_space<vmem>>
          %dma_start3A_99 = arith.constant 0 : i32
          %dma_start3A_100 = arith.constant 0 : i32
          %dma_start3A_101 = tpu.memref_slice %arg22[%dma_start3A_99, %dma_start3A_100] : memref<10112x64xf32, #tpu.memory_space<vmem_shared>> -> memref<10112x64xf32, #tpu.memory_space<vmem_shared>>
          tpu.enqueue_indirect_dma source(%arg20 : memref<128x64xf32, #tpu.memory_space<vmem>>) target(%dma_start3A_101 : memref<10112x64xf32, #tpu.memory_space<vmem_shared>>) offsets(%dma_start3A_98 : memref<128xi32, #tpu.memory_space<vmem>>) semaphore(%run_scoped3A_95 : memref<!tpu.dma_semaphore, #tpu.memory_space<semaphore_mem>>) {add = true}
          %dma_wait3A_102 = arith.constant 0 : i32
          %dma_wait3A_103 = tpu.memref_slice %arg18[%add3A_94, %dma_wait3A_102] : memref<79x128xi32, #tpu.memory_space<vmem>> -> memref<1x128xi32, #tpu.memory_space<vmem>>
          %dma_wait3A_104 = tpu.memref_squeeze %dma_wait3A_103 : memref<1x128xi32, #tpu.memory_space<vmem>> -> memref<128xi32, #tpu.memory_space<vmem>>
          %dma_wait3A_105 = arith.constant 0 : i32
          %dma_wait3A_106 = arith.constant 0 : i32
          %dma_wait3A_107 = tpu.memref_slice %arg22[%dma_wait3A_105, %dma_wait3A_106] : memref<10112x64xf32, #tpu.memory_space<vmem_shared>> -> memref<10112x64xf32, #tpu.memory_space<vmem_shared>>
          tpu.wait_indirect_dma semaphore(%run_scoped3A_95 : memref<!tpu.dma_semaphore, #tpu.memory_space<semaphore_mem>>) src(%arg20 : memref<128x64xf32, #tpu.memory_space<vmem>>) dst(%dma_wait3A_107 : memref<10112x64xf32, #tpu.memory_space<vmem_shared>>)
          tpu.yield
        }) : () -> ()
      }
      %scan3A_49 = arith.constant 39 : i32
      %dma_wait3A = arith.constant 0 : i32
      %dma_wait3A_50 = arith.constant 0 : i32
      %dma_wait3A_51 = tpu.memref_slice %arg17[%dma_wait3A, %dma_wait3A_50] : memref<79x128xi32, #tpu.memory_space<vmem>> -> memref<1x128xi32, #tpu.memory_space<vmem>>
      %dma_wait3A_52 = tpu.memref_squeeze %dma_wait3A_51 : memref<1x128xi32, #tpu.memory_space<vmem>> -> memref<128xi32, #tpu.memory_space<vmem>>
      %dma_wait3A_53 = arith.constant 0 : i32
      %dma_wait3A_54 = arith.constant 0 : i32
      %dma_wait3A_55 = tpu.memref_slice %arg21[%dma_wait3A_53, %dma_wait3A_54] : memref<10000x64xf32, #tpu.memory_space<vmem_shared>> -> memref<10000x64xf32, #tpu.memory_space<vmem_shared>>
      tpu.wait_indirect_dma semaphore(%arg23 : memref<!tpu.dma_semaphore, #tpu.memory_space<semaphore_mem>>) src(%dma_wait3A_55 : memref<10000x64xf32, #tpu.memory_space<vmem_shared>>) dst(%arg19 : memref<128x64xf32, #tpu.memory_space<vmem>>)
      %run_scoped3A = arith.constant 78 : i32
      "tpu.region"() ({
        %run_scoped3A_61 = tpu.sem_alloc : memref<!tpu.dma_semaphore, #tpu.memory_space<semaphore_mem>>
        %dma_start3A_62 = arith.constant 0 : i32
        %dma_start3A_63 = tpu.memref_slice %arg18[%run_scoped3A, %dma_start3A_62] : memref<79x128xi32, #tpu.memory_space<vmem>> -> memref<1x128xi32, #tpu.memory_space<vmem>>
        %dma_start3A_64 = tpu.memref_squeeze %dma_start3A_63 : memref<1x128xi32, #tpu.memory_space<vmem>> -> memref<128xi32, #tpu.memory_space<vmem>>
        %dma_start3A_65 = arith.constant 0 : i32
        %dma_start3A_66 = arith.constant 0 : i32
        %dma_start3A_67 = tpu.memref_slice %arg22[%dma_start3A_65, %dma_start3A_66] : memref<10112x64xf32, #tpu.memory_space<vmem_shared>> -> memref<10112x64xf32, #tpu.memory_space<vmem_shared>>
        tpu.enqueue_indirect_dma source(%arg19 : memref<128x64xf32, #tpu.memory_space<vmem>>) target(%dma_start3A_67 : memref<10112x64xf32, #tpu.memory_space<vmem_shared>>) offsets(%dma_start3A_64 : memref<128xi32, #tpu.memory_space<vmem>>) semaphore(%run_scoped3A_61 : memref<!tpu.dma_semaphore, #tpu.memory_space<semaphore_mem>>) {add = true}
        %dma_wait3A_68 = arith.constant 0 : i32
        %dma_wait3A_69 = tpu.memref_slice %arg18[%run_scoped3A, %dma_wait3A_68] : memref<79x128xi32, #tpu.memory_space<vmem>> -> memref<1x128xi32, #tpu.memory_space<vmem>>
        %dma_wait3A_70 = tpu.memref_squeeze %dma_wait3A_69 : memref<1x128xi32, #tpu.memory_space<vmem>> -> memref<128xi32, #tpu.memory_space<vmem>>
        %dma_wait3A_71 = arith.constant 0 : i32
        %dma_wait3A_72 = arith.constant 0 : i32
        %dma_wait3A_73 = tpu.memref_slice %arg22[%dma_wait3A_71, %dma_wait3A_72] : memref<10112x64xf32, #tpu.memory_space<vmem_shared>> -> memref<10112x64xf32, #tpu.memory_space<vmem_shared>>
        tpu.wait_indirect_dma semaphore(%run_scoped3A_61 : memref<!tpu.dma_semaphore, #tpu.memory_space<semaphore_mem>>) src(%arg19 : memref<128x64xf32, #tpu.memory_space<vmem>>) dst(%dma_wait3A_73 : memref<10112x64xf32, #tpu.memory_space<vmem_shared>>)
        tpu.yield
      }) : () -> ()
      %barrier3A_56 = arith.constant 0 : index
      tpu.barrier barrier_id(%barrier3A_56)
      %mul3A_57 = arith.constant 632 : i32
      %mul3A_58 = arith.muli %arg1, %mul3A_57 : i32
      %mul3A_59 = arith.constant 632 : i32
      %mul3A_60 = arith.muli %arg1, %mul3A_59 : i32
      "tpu.region"() ({
        %run_scoped3A_61 = tpu.sem_alloc : memref<!tpu.dma_semaphore, #tpu.memory_space<semaphore_mem>>
        %dma_start3A_62 = arith.constant 0 : i32
        %dma_start3A_63 = tpu.memref_slice %arg14[%mul3A_60, %dma_start3A_62] : memref<10112x64xf32, #tpu.memory_space<hbm>> -> memref<632x64xf32, #tpu.memory_space<hbm>>
        %dma_start3A_64 = arith.constant 0 : i32
        %dma_start3A_65 = tpu.memref_slice %arg22[%mul3A_58, %dma_start3A_64] : memref<10112x64xf32, #tpu.memory_space<vmem_shared>> -> memref<632x64xf32, #tpu.memory_space<vmem_shared>>
        tpu.enqueue_dma source(%dma_start3A_65 : memref<632x64xf32, #tpu.memory_space<vmem_shared>>) target(%dma_start3A_63 : memref<632x64xf32, #tpu.memory_space<hbm>>) target_semaphore(%run_scoped3A_61 : memref<!tpu.dma_semaphore, #tpu.memory_space<semaphore_mem>>)
        %dma_wait3A_66 = arith.constant 0 : i32
        %dma_wait3A_67 = tpu.memref_slice %arg14[%mul3A_60, %dma_wait3A_66] : memref<10112x64xf32, #tpu.memory_space<hbm>> -> memref<632x64xf32, #tpu.memory_space<hbm>>
        %dma_wait3A_68 = arith.constant 0 : i32
        %dma_wait3A_69 = tpu.memref_slice %arg22[%mul3A_58, %dma_wait3A_68] : memref<10112x64xf32, #tpu.memory_space<vmem_shared>> -> memref<632x64xf32, #tpu.memory_space<vmem_shared>>
        tpu.wait_dma2 semaphore(%run_scoped3A_61 : memref<!tpu.dma_semaphore, #tpu.memory_space<semaphore_mem>>) src(%dma_wait3A_69 : memref<632x64xf32, #tpu.memory_space<vmem_shared>>) dst(%dma_wait3A_67 : memref<632x64xf32, #tpu.memory_space<hbm>>)
        tpu.yield
      }) : () -> ()
    } else {
    }
    %barrier3A_17 = arith.constant 0 : index
    tpu.barrier barrier_id(%barrier3A_17)
    %eq3A_18 = arith.constant 0 : i32
    %eq3A_19 = arith.cmpi eq, %arg0, %eq3A_18 : i32
    %convert_element_type3A_20 = arith.extui %eq3A_19 : i1 to i32
    %cond3A_21 = arith.constant 0 : i32
    %cond3A_22 = arith.cmpi ne, %convert_element_type3A_20, %cond3A_21 : i32
    scf.if %cond3A_22 {
      "tpu.region"() ({
        %run_scoped3A = tpu.sem_alloc : memref<!tpu.dma_semaphore, #tpu.memory_space<semaphore_mem>>
        tpu.enqueue_dma source(%arg9 : memref<128x16xf32, #tpu.memory_space<hbm>>) target(%arg27 : memref<128x16xf32, #tpu.memory_space<vmem>>) target_semaphore(%run_scoped3A : memref<!tpu.dma_semaphore, #tpu.memory_space<semaphore_mem>>)
        tpu.wait_dma2 semaphore(%run_scoped3A : memref<!tpu.dma_semaphore, #tpu.memory_space<semaphore_mem>>) src(%arg9 : memref<128x16xf32, #tpu.memory_space<hbm>>) dst(%arg27 : memref<128x16xf32, #tpu.memory_space<vmem>>)
        tpu.yield
      }) : () -> ()
      %mul3A = arith.constant 632 : i32
      %mul3A_28 = arith.muli %arg1, %mul3A : i32
      "tpu.region"() ({
        %run_scoped3A = tpu.sem_alloc : memref<!tpu.dma_semaphore, #tpu.memory_space<semaphore_mem>>
        %dma_start3A = arith.constant 0 : i32
        %dma_start3A_40 = tpu.memref_slice %arg28[%mul3A_28, %dma_start3A] : memref<10112x16xf32, #tpu.memory_space<vmem_shared>> -> memref<632x16xf32, #tpu.memory_space<vmem_shared>>
        tpu.enqueue_dma source(%arg10 : memref<632x16xf32, #tpu.memory_space<hbm>>) target(%dma_start3A_40 : memref<632x16xf32, #tpu.memory_space<vmem_shared>>) target_semaphore(%run_scoped3A : memref<!tpu.dma_semaphore, #tpu.memory_space<semaphore_mem>>)
        %dma_wait3A = arith.constant 0 : i32
        %dma_wait3A_41 = tpu.memref_slice %arg28[%mul3A_28, %dma_wait3A] : memref<10112x16xf32, #tpu.memory_space<vmem_shared>> -> memref<632x16xf32, #tpu.memory_space<vmem_shared>>
        tpu.wait_dma2 semaphore(%run_scoped3A : memref<!tpu.dma_semaphore, #tpu.memory_space<semaphore_mem>>) src(%arg10 : memref<632x16xf32, #tpu.memory_space<hbm>>) dst(%dma_wait3A_41 : memref<632x16xf32, #tpu.memory_space<vmem_shared>>)
        tpu.yield
      }) : () -> ()
      %barrier3A_29 = arith.constant 0 : index
      tpu.barrier barrier_id(%barrier3A_29)
      %scan3A = arith.constant 0 : i32
      %scan3A_30 = arith.constant 0 : i32
      %scan3A_31 = arith.constant 39 : i32
      %scan3A_32 = arith.addi %scan3A_30, %scan3A_31 : i32
      %scan3A_33 = arith.constant 1 : i32
      scf.for %scan3A_40 = %scan3A_30 to %scan3A_32 step %scan3A_33  : i32 {
        "tpu.region"() ({
          %run_scoped3A = tpu.sem_alloc : memref<!tpu.dma_semaphore, #tpu.memory_space<semaphore_mem>>
          %dma_start3A = arith.constant 0 : i32
          %dma_start3A_41 = tpu.memref_slice %arg18[%scan3A_40, %dma_start3A] : memref<79x128xi32, #tpu.memory_space<vmem>> -> memref<1x128xi32, #tpu.memory_space<vmem>>
          %dma_start3A_42 = tpu.memref_squeeze %dma_start3A_41 : memref<1x128xi32, #tpu.memory_space<vmem>> -> memref<128xi32, #tpu.memory_space<vmem>>
          %dma_start3A_43 = arith.constant 0 : i32
          %dma_start3A_44 = arith.constant 0 : i32
          %dma_start3A_45 = tpu.memref_slice %arg28[%dma_start3A_43, %dma_start3A_44] : memref<10112x16xf32, #tpu.memory_space<vmem_shared>> -> memref<10112x16xf32, #tpu.memory_space<vmem_shared>>
          tpu.enqueue_indirect_dma source(%arg27 : memref<128x16xf32, #tpu.memory_space<vmem>>) target(%dma_start3A_45 : memref<10112x16xf32, #tpu.memory_space<vmem_shared>>) offsets(%dma_start3A_42 : memref<128xi32, #tpu.memory_space<vmem>>) semaphore(%run_scoped3A : memref<!tpu.dma_semaphore, #tpu.memory_space<semaphore_mem>>) {add = true}
          %dma_wait3A = arith.constant 0 : i32
          %dma_wait3A_46 = tpu.memref_slice %arg18[%scan3A_40, %dma_wait3A] : memref<79x128xi32, #tpu.memory_space<vmem>> -> memref<1x128xi32, #tpu.memory_space<vmem>>
          %dma_wait3A_47 = tpu.memref_squeeze %dma_wait3A_46 : memref<1x128xi32, #tpu.memory_space<vmem>> -> memref<128xi32, #tpu.memory_space<vmem>>
          %dma_wait3A_48 = arith.constant 0 : i32
          %dma_wait3A_49 = arith.constant 0 : i32
          %dma_wait3A_50 = tpu.memref_slice %arg28[%dma_wait3A_48, %dma_wait3A_49] : memref<10112x16xf32, #tpu.memory_space<vmem_shared>> -> memref<10112x16xf32, #tpu.memory_space<vmem_shared>>
          tpu.wait_indirect_dma semaphore(%run_scoped3A : memref<!tpu.dma_semaphore, #tpu.memory_space<semaphore_mem>>) src(%arg27 : memref<128x16xf32, #tpu.memory_space<vmem>>) dst(%dma_wait3A_50 : memref<10112x16xf32, #tpu.memory_space<vmem_shared>>)
          tpu.yield
        }) : () -> ()
      }
      %scan3A_34 = arith.constant 39 : i32
      %barrier3A_35 = arith.constant 0 : index
      tpu.barrier barrier_id(%barrier3A_35)
      %mul3A_36 = arith.constant 632 : i32
      %mul3A_37 = arith.muli %arg1, %mul3A_36 : i32
      %mul3A_38 = arith.constant 632 : i32
      %mul3A_39 = arith.muli %arg1, %mul3A_38 : i32
      "tpu.region"() ({
        %run_scoped3A = tpu.sem_alloc : memref<!tpu.dma_semaphore, #tpu.memory_space<semaphore_mem>>
        %dma_start3A = arith.constant 0 : i32
        %dma_start3A_40 = tpu.memref_slice %arg15[%mul3A_39, %dma_start3A] : memref<10112x16xf32, #tpu.memory_space<hbm>> -> memref<632x16xf32, #tpu.memory_space<hbm>>
        %dma_start3A_41 = arith.constant 0 : i32
        %dma_start3A_42 = tpu.memref_slice %arg28[%mul3A_37, %dma_start3A_41] : memref<10112x16xf32, #tpu.memory_space<vmem_shared>> -> memref<632x16xf32, #tpu.memory_space<vmem_shared>>
        tpu.enqueue_dma source(%dma_start3A_42 : memref<632x16xf32, #tpu.memory_space<vmem_shared>>) target(%dma_start3A_40 : memref<632x16xf32, #tpu.memory_space<hbm>>) target_semaphore(%run_scoped3A : memref<!tpu.dma_semaphore, #tpu.memory_space<semaphore_mem>>)
        %dma_wait3A = arith.constant 0 : i32
        %dma_wait3A_43 = tpu.memref_slice %arg15[%mul3A_39, %dma_wait3A] : memref<10112x16xf32, #tpu.memory_space<hbm>> -> memref<632x16xf32, #tpu.memory_space<hbm>>
        %dma_wait3A_44 = arith.constant 0 : i32
        %dma_wait3A_45 = tpu.memref_slice %arg28[%mul3A_37, %dma_wait3A_44] : memref<10112x16xf32, #tpu.memory_space<vmem_shared>> -> memref<632x16xf32, #tpu.memory_space<vmem_shared>>
        tpu.wait_dma2 semaphore(%run_scoped3A : memref<!tpu.dma_semaphore, #tpu.memory_space<semaphore_mem>>) src(%dma_wait3A_45 : memref<632x16xf32, #tpu.memory_space<vmem_shared>>) dst(%dma_wait3A_43 : memref<632x16xf32, #tpu.memory_space<hbm>>)
        tpu.yield
      }) : () -> ()
    } else {
    }
    %eq3A_23 = arith.constant 1 : i32
    %eq3A_24 = arith.cmpi eq, %arg0, %eq3A_23 : i32
    %convert_element_type3A_25 = arith.extui %eq3A_24 : i1 to i32
    %cond3A_26 = arith.constant 0 : i32
    %cond3A_27 = arith.cmpi ne, %convert_element_type3A_25, %cond3A_26 : i32
    scf.if %cond3A_27 {
      "tpu.region"() ({
        %run_scoped3A = tpu.sem_alloc : memref<!tpu.dma_semaphore, #tpu.memory_space<semaphore_mem>>
        tpu.enqueue_dma source(%arg9 : memref<128x16xf32, #tpu.memory_space<hbm>>) target(%arg27 : memref<128x16xf32, #tpu.memory_space<vmem>>) target_semaphore(%run_scoped3A : memref<!tpu.dma_semaphore, #tpu.memory_space<semaphore_mem>>)
        tpu.wait_dma2 semaphore(%run_scoped3A : memref<!tpu.dma_semaphore, #tpu.memory_space<semaphore_mem>>) src(%arg9 : memref<128x16xf32, #tpu.memory_space<hbm>>) dst(%arg27 : memref<128x16xf32, #tpu.memory_space<vmem>>)
        tpu.yield
      }) : () -> ()
      %mul3A = arith.constant 632 : i32
      %mul3A_28 = arith.muli %arg1, %mul3A : i32
      "tpu.region"() ({
        %run_scoped3A = tpu.sem_alloc : memref<!tpu.dma_semaphore, #tpu.memory_space<semaphore_mem>>
        %dma_start3A = arith.constant 0 : i32
        %dma_start3A_40 = tpu.memref_slice %arg28[%mul3A_28, %dma_start3A] : memref<10112x16xf32, #tpu.memory_space<vmem_shared>> -> memref<632x16xf32, #tpu.memory_space<vmem_shared>>
        tpu.enqueue_dma source(%arg10 : memref<632x16xf32, #tpu.memory_space<hbm>>) target(%dma_start3A_40 : memref<632x16xf32, #tpu.memory_space<vmem_shared>>) target_semaphore(%run_scoped3A : memref<!tpu.dma_semaphore, #tpu.memory_space<semaphore_mem>>)
        %dma_wait3A = arith.constant 0 : i32
        %dma_wait3A_41 = tpu.memref_slice %arg28[%mul3A_28, %dma_wait3A] : memref<10112x16xf32, #tpu.memory_space<vmem_shared>> -> memref<632x16xf32, #tpu.memory_space<vmem_shared>>
        tpu.wait_dma2 semaphore(%run_scoped3A : memref<!tpu.dma_semaphore, #tpu.memory_space<semaphore_mem>>) src(%arg10 : memref<632x16xf32, #tpu.memory_space<hbm>>) dst(%dma_wait3A_41 : memref<632x16xf32, #tpu.memory_space<vmem_shared>>)
        tpu.yield
      }) : () -> ()
      %barrier3A_29 = arith.constant 0 : index
      tpu.barrier barrier_id(%barrier3A_29)
      %scan3A = arith.constant 0 : i32
      %scan3A_30 = arith.constant 39 : i32
      %scan3A_31 = arith.constant 40 : i32
      %scan3A_32 = arith.addi %scan3A_30, %scan3A_31 : i32
      %scan3A_33 = arith.constant 1 : i32
      scf.for %scan3A_40 = %scan3A_30 to %scan3A_32 step %scan3A_33  : i32 {
        "tpu.region"() ({
          %run_scoped3A = tpu.sem_alloc : memref<!tpu.dma_semaphore, #tpu.memory_space<semaphore_mem>>
          %dma_start3A = arith.constant 0 : i32
          %dma_start3A_41 = tpu.memref_slice %arg18[%scan3A_40, %dma_start3A] : memref<79x128xi32, #tpu.memory_space<vmem>> -> memref<1x128xi32, #tpu.memory_space<vmem>>
          %dma_start3A_42 = tpu.memref_squeeze %dma_start3A_41 : memref<1x128xi32, #tpu.memory_space<vmem>> -> memref<128xi32, #tpu.memory_space<vmem>>
          %dma_start3A_43 = arith.constant 0 : i32
          %dma_start3A_44 = arith.constant 0 : i32
          %dma_start3A_45 = tpu.memref_slice %arg28[%dma_start3A_43, %dma_start3A_44] : memref<10112x16xf32, #tpu.memory_space<vmem_shared>> -> memref<10112x16xf32, #tpu.memory_space<vmem_shared>>
          tpu.enqueue_indirect_dma source(%arg27 : memref<128x16xf32, #tpu.memory_space<vmem>>) target(%dma_start3A_45 : memref<10112x16xf32, #tpu.memory_space<vmem_shared>>) offsets(%dma_start3A_42 : memref<128xi32, #tpu.memory_space<vmem>>) semaphore(%run_scoped3A : memref<!tpu.dma_semaphore, #tpu.memory_space<semaphore_mem>>) {add = true}
          %dma_wait3A = arith.constant 0 : i32
          %dma_wait3A_46 = tpu.memref_slice %arg18[%scan3A_40, %dma_wait3A] : memref<79x128xi32, #tpu.memory_space<vmem>> -> memref<1x128xi32, #tpu.memory_space<vmem>>
          %dma_wait3A_47 = tpu.memref_squeeze %dma_wait3A_46 : memref<1x128xi32, #tpu.memory_space<vmem>> -> memref<128xi32, #tpu.memory_space<vmem>>
          %dma_wait3A_48 = arith.constant 0 : i32
          %dma_wait3A_49 = arith.constant 0 : i32
          %dma_wait3A_50 = tpu.memref_slice %arg28[%dma_wait3A_48, %dma_wait3A_49] : memref<10112x16xf32, #tpu.memory_space<vmem_shared>> -> memref<10112x16xf32, #tpu.memory_space<vmem_shared>>
          tpu.wait_indirect_dma semaphore(%run_scoped3A : memref<!tpu.dma_semaphore, #tpu.memory_space<semaphore_mem>>) src(%arg27 : memref<128x16xf32, #tpu.memory_space<vmem>>) dst(%dma_wait3A_50 : memref<10112x16xf32, #tpu.memory_space<vmem_shared>>)
          tpu.yield
        }) : () -> ()
      }
      %scan3A_34 = arith.constant 40 : i32
      %barrier3A_35 = arith.constant 0 : index
      tpu.barrier barrier_id(%barrier3A_35)
      %mul3A_36 = arith.constant 632 : i32
      %mul3A_37 = arith.muli %arg1, %mul3A_36 : i32
      %mul3A_38 = arith.constant 632 : i32
      %mul3A_39 = arith.muli %arg1, %mul3A_38 : i32
      "tpu.region"() ({
        %run_scoped3A = tpu.sem_alloc : memref<!tpu.dma_semaphore, #tpu.memory_space<semaphore_mem>>
        %dma_start3A = arith.constant 0 : i32
        %dma_start3A_40 = tpu.memref_slice %arg16[%mul3A_39, %dma_start3A] : memref<10112x16xf32, #tpu.memory_space<hbm>> -> memref<632x16xf32, #tpu.memory_space<hbm>>
        %dma_start3A_41 = arith.constant 0 : i32
        %dma_start3A_42 = tpu.memref_slice %arg28[%mul3A_37, %dma_start3A_41] : memref<10112x16xf32, #tpu.memory_space<vmem_shared>> -> memref<632x16xf32, #tpu.memory_space<vmem_shared>>
        tpu.enqueue_dma source(%dma_start3A_42 : memref<632x16xf32, #tpu.memory_space<vmem_shared>>) target(%dma_start3A_40 : memref<632x16xf32, #tpu.memory_space<hbm>>) target_semaphore(%run_scoped3A : memref<!tpu.dma_semaphore, #tpu.memory_space<semaphore_mem>>)
        %dma_wait3A = arith.constant 0 : i32
        %dma_wait3A_43 = tpu.memref_slice %arg16[%mul3A_39, %dma_wait3A] : memref<10112x16xf32, #tpu.memory_space<hbm>> -> memref<632x16xf32, #tpu.memory_space<hbm>>
        %dma_wait3A_44 = arith.constant 0 : i32
        %dma_wait3A_45 = tpu.memref_slice %arg28[%mul3A_37, %dma_wait3A_44] : memref<10112x16xf32, #tpu.memory_space<vmem_shared>> -> memref<632x16xf32, #tpu.memory_space<vmem_shared>>
        tpu.wait_dma2 semaphore(%run_scoped3A : memref<!tpu.dma_semaphore, #tpu.memory_space<semaphore_mem>>) src(%dma_wait3A_45 : memref<632x16xf32, #tpu.memory_space<vmem_shared>>) dst(%dma_wait3A_43 : memref<632x16xf32, #tpu.memory_space<hbm>>)
        tpu.yield
      }) : () -> ()
    } else {
    }
    return
  }
}

#map = affine_map<(d0, d1) -> (0, 0)>
#map1 = affine_map<(d0, d1) -> (0, 0, 0)>
module attributes {stable_mosaic.version = 14 : i64} {
  func.func @segsum(%arg0: i32, %arg1: i32, %arg2: memref<10000x64xf32, #tpu.memory_space<hbm>>, %arg3: memref<10000x64xf32, #tpu.memory_space<hbm>>, %arg4: memref<10000x64xf32, #tpu.memory_space<hbm>>, %arg5: memref<10000x64xf32, #tpu.memory_space<hbm>>, %arg6: memref<10000x64xf32, #tpu.memory_space<hbm>>, %arg7: memref<10000x64xf32, #tpu.memory_space<hbm>>, %arg8: memref<10000x64xf32, #tpu.memory_space<hbm>>, %arg9: memref<10000x64xf32, #tpu.memory_space<hbm>>, %arg10: memref<16x79x128xi32, #tpu.memory_space<hbm>>, %arg11: memref<16x79x128xi32, #tpu.memory_space<hbm>>, %arg12: memref<632x64xf32, #tpu.memory_space<hbm>>, %arg13: memref<10112x64xf32, #tpu.memory_space<hbm>>, %arg14: memref<10112x64xf32, #tpu.memory_space<hbm>>, %arg15: memref<10112x64xf32, #tpu.memory_space<hbm>>, %arg16: memref<10112x64xf32, #tpu.memory_space<hbm>>, %arg17: memref<10112x64xf32, #tpu.memory_space<hbm>>, %arg18: memref<10112x64xf32, #tpu.memory_space<hbm>>, %arg19: memref<10112x64xf32, #tpu.memory_space<hbm>>, %arg20: memref<10112x64xf32, #tpu.memory_space<hbm>>, %arg21: memref<79x128xi32, #tpu.memory_space<vmem>>, %arg22: memref<79x128xi32, #tpu.memory_space<vmem>>, %arg23: memref<128x64xf32, #tpu.memory_space<vmem>>, %arg24: memref<128x64xf32, #tpu.memory_space<vmem>>, %arg25: memref<128x64xf32, #tpu.memory_space<vmem>>, %arg26: memref<10000x64xf32, #tpu.memory_space<vmem_shared>>, %arg27: memref<10112x64xf32, #tpu.memory_space<vmem_shared>>, %arg28: memref<!tpu.dma_semaphore, #tpu.memory_space<semaphore_mem>>, %arg29: memref<!tpu.dma_semaphore, #tpu.memory_space<semaphore_mem>>, %arg30: memref<!tpu.dma_semaphore, #tpu.memory_space<semaphore_mem>>, %arg31: memref<!tpu.dma_semaphore, #tpu.memory_space<semaphore_mem>>, %arg32: memref<!tpu.dma_semaphore, #tpu.memory_space<semaphore_mem>>, %arg33: memref<!tpu.dma_semaphore, #tpu.memory_space<semaphore_mem>>) attributes {dimension_semantics = [#tpu.dimension_semantics<core_parallel>, #tpu.dimension_semantics<subcore_parallel>], iteration_bounds = array<i64: 2, 16>, scalar_prefetch = 0 : i64, scratch_operands = 13 : i64, tpu.core_type = #tpu.core_type<sc_vector_subcore>, window_params = [{transform_indices = #map}, {transform_indices = #map}, {transform_indices = #map}, {transform_indices = #map}, {transform_indices = #map}, {transform_indices = #map}, {transform_indices = #map}, {transform_indices = #map}, {transform_indices = #map1}, {transform_indices = #map1}, {transform_indices = #map}, {transform_indices = #map}, {transform_indices = #map}, {transform_indices = #map}, {transform_indices = #map}, {transform_indices = #map}, {transform_indices = #map}, {transform_indices = #map}, {transform_indices = #map}]} {
    "tpu.region"() ({
      %run_scoped3A = tpu.sem_alloc : memref<!tpu.dma_semaphore, #tpu.memory_space<semaphore_mem>>
      %dma_start3A = arith.constant 0 : i32
      %dma_start3A_40 = arith.constant 0 : i32
      %dma_start3A_41 = tpu.memref_slice %arg10[%arg1, %dma_start3A, %dma_start3A_40] : memref<16x79x128xi32, #tpu.memory_space<hbm>> -> memref<1x79x128xi32, #tpu.memory_space<hbm>>
      %dma_start3A_42 = tpu.memref_squeeze %dma_start3A_41 : memref<1x79x128xi32, #tpu.memory_space<hbm>> -> memref<79x128xi32, #tpu.memory_space<hbm>>
      %dma_start3A_43 = arith.constant 0 : i32
      %dma_start3A_44 = arith.constant 0 : i32
      %dma_start3A_45 = tpu.memref_slice %arg10[%arg1, %dma_start3A_43, %dma_start3A_44] : memref<16x79x128xi32, #tpu.memory_space<hbm>> -> memref<1x79x128xi32, #tpu.memory_space<hbm>>
      %dma_start3A_46 = tpu.memref_squeeze %dma_start3A_45 : memref<1x79x128xi32, #tpu.memory_space<hbm>> -> memref<79x128xi32, #tpu.memory_space<hbm>>
      tpu.enqueue_dma source(%dma_start3A_46 : memref<79x128xi32, #tpu.memory_space<hbm>>) target(%arg21 : memref<79x128xi32, #tpu.memory_space<vmem>>) target_semaphore(%run_scoped3A : memref<!tpu.dma_semaphore, #tpu.memory_space<semaphore_mem>>)
      %dma_wait3A = arith.constant 0 : i32
      %dma_wait3A_47 = arith.constant 0 : i32
      %dma_wait3A_48 = tpu.memref_slice %arg10[%arg1, %dma_wait3A, %dma_wait3A_47] : memref<16x79x128xi32, #tpu.memory_space<hbm>> -> memref<1x79x128xi32, #tpu.memory_space<hbm>>
      %dma_wait3A_49 = tpu.memref_squeeze %dma_wait3A_48 : memref<1x79x128xi32, #tpu.memory_space<hbm>> -> memref<79x128xi32, #tpu.memory_space<hbm>>
      %dma_wait3A_50 = arith.constant 0 : i32
      %dma_wait3A_51 = arith.constant 0 : i32
      %dma_wait3A_52 = tpu.memref_slice %arg10[%arg1, %dma_wait3A_50, %dma_wait3A_51] : memref<16x79x128xi32, #tpu.memory_space<hbm>> -> memref<1x79x128xi32, #tpu.memory_space<hbm>>
      %dma_wait3A_53 = tpu.memref_squeeze %dma_wait3A_52 : memref<1x79x128xi32, #tpu.memory_space<hbm>> -> memref<79x128xi32, #tpu.memory_space<hbm>>
      tpu.wait_dma2 semaphore(%run_scoped3A : memref<!tpu.dma_semaphore, #tpu.memory_space<semaphore_mem>>) src(%dma_wait3A_53 : memref<79x128xi32, #tpu.memory_space<hbm>>) dst(%arg21 : memref<79x128xi32, #tpu.memory_space<vmem>>)
      tpu.yield
    }) : () -> ()
    "tpu.region"() ({
      %run_scoped3A = tpu.sem_alloc : memref<!tpu.dma_semaphore, #tpu.memory_space<semaphore_mem>>
      %dma_start3A = arith.constant 0 : i32
      %dma_start3A_40 = arith.constant 0 : i32
      %dma_start3A_41 = tpu.memref_slice %arg11[%arg1, %dma_start3A, %dma_start3A_40] : memref<16x79x128xi32, #tpu.memory_space<hbm>> -> memref<1x79x128xi32, #tpu.memory_space<hbm>>
      %dma_start3A_42 = tpu.memref_squeeze %dma_start3A_41 : memref<1x79x128xi32, #tpu.memory_space<hbm>> -> memref<79x128xi32, #tpu.memory_space<hbm>>
      %dma_start3A_43 = arith.constant 0 : i32
      %dma_start3A_44 = arith.constant 0 : i32
      %dma_start3A_45 = tpu.memref_slice %arg11[%arg1, %dma_start3A_43, %dma_start3A_44] : memref<16x79x128xi32, #tpu.memory_space<hbm>> -> memref<1x79x128xi32, #tpu.memory_space<hbm>>
      %dma_start3A_46 = tpu.memref_squeeze %dma_start3A_45 : memref<1x79x128xi32, #tpu.memory_space<hbm>> -> memref<79x128xi32, #tpu.memory_space<hbm>>
      tpu.enqueue_dma source(%dma_start3A_46 : memref<79x128xi32, #tpu.memory_space<hbm>>) target(%arg22 : memref<79x128xi32, #tpu.memory_space<vmem>>) target_semaphore(%run_scoped3A : memref<!tpu.dma_semaphore, #tpu.memory_space<semaphore_mem>>)
      %dma_wait3A = arith.constant 0 : i32
      %dma_wait3A_47 = arith.constant 0 : i32
      %dma_wait3A_48 = tpu.memref_slice %arg11[%arg1, %dma_wait3A, %dma_wait3A_47] : memref<16x79x128xi32, #tpu.memory_space<hbm>> -> memref<1x79x128xi32, #tpu.memory_space<hbm>>
      %dma_wait3A_49 = tpu.memref_squeeze %dma_wait3A_48 : memref<1x79x128xi32, #tpu.memory_space<hbm>> -> memref<79x128xi32, #tpu.memory_space<hbm>>
      %dma_wait3A_50 = arith.constant 0 : i32
      %dma_wait3A_51 = arith.constant 0 : i32
      %dma_wait3A_52 = tpu.memref_slice %arg11[%arg1, %dma_wait3A_50, %dma_wait3A_51] : memref<16x79x128xi32, #tpu.memory_space<hbm>> -> memref<1x79x128xi32, #tpu.memory_space<hbm>>
      %dma_wait3A_53 = tpu.memref_squeeze %dma_wait3A_52 : memref<1x79x128xi32, #tpu.memory_space<hbm>> -> memref<79x128xi32, #tpu.memory_space<hbm>>
      tpu.wait_dma2 semaphore(%run_scoped3A : memref<!tpu.dma_semaphore, #tpu.memory_space<semaphore_mem>>) src(%dma_wait3A_53 : memref<79x128xi32, #tpu.memory_space<hbm>>) dst(%arg22 : memref<79x128xi32, #tpu.memory_space<vmem>>)
      tpu.yield
    }) : () -> ()
    %eq3A = arith.constant 0 : i32
    %eq3A_0 = arith.cmpi eq, %arg0, %eq3A : i32
    %convert_element_type3A = arith.extui %eq3A_0 : i1 to i32
    %cond3A = arith.constant 0 : i32
    %cond3A_1 = arith.cmpi ne, %convert_element_type3A, %cond3A : i32
    scf.if %cond3A_1 {
      %lt3A = arith.constant 15 : i32
      %lt3A_40 = arith.cmpi slt, %arg1, %lt3A : i32
      %convert_element_type3A_41 = arith.extui %lt3A_40 : i1 to i32
      %cond3A_42 = arith.constant 0 : i32
      %cond3A_43 = arith.cmpi ne, %convert_element_type3A_41, %cond3A_42 : i32
      scf.if %cond3A_43 {
        %mul3A_101 = arith.constant 632 : i32
        %mul3A_102 = arith.muli %arg1, %mul3A_101 : i32
        %mul3A_103 = arith.constant 632 : i32
        %mul3A_104 = arith.muli %arg1, %mul3A_103 : i32
        "tpu.region"() ({
          %run_scoped3A = tpu.sem_alloc : memref<!tpu.dma_semaphore, #tpu.memory_space<semaphore_mem>>
          %dma_start3A_105 = arith.constant 0 : i32
          %dma_start3A_106 = tpu.memref_slice %arg26[%mul3A_104, %dma_start3A_105] : memref<10000x64xf32, #tpu.memory_space<vmem_shared>> -> memref<632x64xf32, #tpu.memory_space<vmem_shared>>
          %dma_start3A_107 = arith.constant 0 : i32
          %dma_start3A_108 = tpu.memref_slice %arg2[%mul3A_102, %dma_start3A_107] : memref<10000x64xf32, #tpu.memory_space<hbm>> -> memref<632x64xf32, #tpu.memory_space<hbm>>
          tpu.enqueue_dma source(%dma_start3A_108 : memref<632x64xf32, #tpu.memory_space<hbm>>) target(%dma_start3A_106 : memref<632x64xf32, #tpu.memory_space<vmem_shared>>) target_semaphore(%run_scoped3A : memref<!tpu.dma_semaphore, #tpu.memory_space<semaphore_mem>>)
          %dma_wait3A_109 = arith.constant 0 : i32
          %dma_wait3A_110 = tpu.memref_slice %arg26[%mul3A_104, %dma_wait3A_109] : memref<10000x64xf32, #tpu.memory_space<vmem_shared>> -> memref<632x64xf32, #tpu.memory_space<vmem_shared>>
          %dma_wait3A_111 = arith.constant 0 : i32
          %dma_wait3A_112 = tpu.memref_slice %arg2[%mul3A_102, %dma_wait3A_111] : memref<10000x64xf32, #tpu.memory_space<hbm>> -> memref<632x64xf32, #tpu.memory_space<hbm>>
          tpu.wait_dma2 semaphore(%run_scoped3A : memref<!tpu.dma_semaphore, #tpu.memory_space<semaphore_mem>>) src(%dma_wait3A_112 : memref<632x64xf32, #tpu.memory_space<hbm>>) dst(%dma_wait3A_110 : memref<632x64xf32, #tpu.memory_space<vmem_shared>>)
          tpu.yield
        }) : () -> ()
      } else {
      }
      %eq3A_44 = arith.constant 15 : i32
      %eq3A_45 = arith.cmpi eq, %arg1, %eq3A_44 : i32
      %convert_element_type3A_46 = arith.extui %eq3A_45 : i1 to i32
      %cond3A_47 = arith.constant 0 : i32
      %cond3A_48 = arith.cmpi ne, %convert_element_type3A_46, %cond3A_47 : i32
      scf.if %cond3A_48 {
        "tpu.region"() ({
          %run_scoped3A = tpu.sem_alloc : memref<!tpu.dma_semaphore, #tpu.memory_space<semaphore_mem>>
          %dma_start3A_101 = arith.constant 9480 : i32
          %dma_start3A_102 = arith.constant 0 : i32
          %dma_start3A_103 = tpu.memref_slice %arg26[%dma_start3A_101, %dma_start3A_102] : memref<10000x64xf32, #tpu.memory_space<vmem_shared>> -> memref<520x64xf32, #tpu.memory_space<vmem_shared>>
          %dma_start3A_104 = arith.constant 9480 : i32
          %dma_start3A_105 = arith.constant 0 : i32
          %dma_start3A_106 = tpu.memref_slice %arg2[%dma_start3A_104, %dma_start3A_105] : memref<10000x64xf32, #tpu.memory_space<hbm>> -> memref<520x64xf32, #tpu.memory_space<hbm>>
          tpu.enqueue_dma source(%dma_start3A_106 : memref<520x64xf32, #tpu.memory_space<hbm>>) target(%dma_start3A_103 : memref<520x64xf32, #tpu.memory_space<vmem_shared>>) target_semaphore(%run_scoped3A : memref<!tpu.dma_semaphore, #tpu.memory_space<semaphore_mem>>)
          %dma_wait3A_107 = arith.constant 9480 : i32
          %dma_wait3A_108 = arith.constant 0 : i32
          %dma_wait3A_109 = tpu.memref_slice %arg26[%dma_wait3A_107, %dma_wait3A_108] : memref<10000x64xf32, #tpu.memory_space<vmem_shared>> -> memref<520x64xf32, #tpu.memory_space<vmem_shared>>
          %dma_wait3A_110 = arith.constant 9480 : i32
          %dma_wait3A_111 = arith.constant 0 : i32
          %dma_wait3A_112 = tpu.memref_slice %arg2[%dma_wait3A_110, %dma_wait3A_111] : memref<10000x64xf32, #tpu.memory_space<hbm>> -> memref<520x64xf32, #tpu.memory_space<hbm>>
          tpu.wait_dma2 semaphore(%run_scoped3A : memref<!tpu.dma_semaphore, #tpu.memory_space<semaphore_mem>>) src(%dma_wait3A_112 : memref<520x64xf32, #tpu.memory_space<hbm>>) dst(%dma_wait3A_109 : memref<520x64xf32, #tpu.memory_space<vmem_shared>>)
          tpu.yield
        }) : () -> ()
      } else {
      }
      %mul3A = arith.constant 632 : i32
      %mul3A_49 = arith.muli %arg1, %mul3A : i32
      "tpu.region"() ({
        %run_scoped3A = tpu.sem_alloc : memref<!tpu.dma_semaphore, #tpu.memory_space<semaphore_mem>>
        %dma_start3A_101 = arith.constant 0 : i32
        %dma_start3A_102 = tpu.memref_slice %arg27[%mul3A_49, %dma_start3A_101] : memref<10112x64xf32, #tpu.memory_space<vmem_shared>> -> memref<632x64xf32, #tpu.memory_space<vmem_shared>>
        tpu.enqueue_dma source(%arg12 : memref<632x64xf32, #tpu.memory_space<hbm>>) target(%dma_start3A_102 : memref<632x64xf32, #tpu.memory_space<vmem_shared>>) target_semaphore(%run_scoped3A : memref<!tpu.dma_semaphore, #tpu.memory_space<semaphore_mem>>)
        %dma_wait3A_103 = arith.constant 0 : i32
        %dma_wait3A_104 = tpu.memref_slice %arg27[%mul3A_49, %dma_wait3A_103] : memref<10112x64xf32, #tpu.memory_space<vmem_shared>> -> memref<632x64xf32, #tpu.memory_space<vmem_shared>>
        tpu.wait_dma2 semaphore(%run_scoped3A : memref<!tpu.dma_semaphore, #tpu.memory_space<semaphore_mem>>) src(%arg12 : memref<632x64xf32, #tpu.memory_space<hbm>>) dst(%dma_wait3A_104 : memref<632x64xf32, #tpu.memory_space<vmem_shared>>)
        tpu.yield
      }) : () -> ()
      %barrier3A_50 = arith.constant 0 : index
      tpu.barrier barrier_id(%barrier3A_50)
      %dma_start3A = arith.constant 0 : i32
      %dma_start3A_51 = arith.constant 0 : i32
      %dma_start3A_52 = tpu.memref_slice %arg21[%dma_start3A, %dma_start3A_51] : memref<79x128xi32, #tpu.memory_space<vmem>> -> memref<1x128xi32, #tpu.memory_space<vmem>>
      %dma_start3A_53 = tpu.memref_squeeze %dma_start3A_52 : memref<1x128xi32, #tpu.memory_space<vmem>> -> memref<128xi32, #tpu.memory_space<vmem>>
      %dma_start3A_54 = arith.constant 0 : i32
      %dma_start3A_55 = arith.constant 0 : i32
      %dma_start3A_56 = tpu.memref_slice %arg26[%dma_start3A_54, %dma_start3A_55] : memref<10000x64xf32, #tpu.memory_space<vmem_shared>> -> memref<10000x64xf32, #tpu.memory_space<vmem_shared>>
      tpu.enqueue_indirect_dma source(%dma_start3A_56 : memref<10000x64xf32, #tpu.memory_space<vmem_shared>>) target(%arg23 : memref<128x64xf32, #tpu.memory_space<vmem>>) offsets(%dma_start3A_53 : memref<128xi32, #tpu.memory_space<vmem>>) semaphore(%arg28 : memref<!tpu.dma_semaphore, #tpu.memory_space<semaphore_mem>>)
      %dma_start3A_57 = arith.constant 1 : i32
      %dma_start3A_58 = arith.constant 0 : i32
      %dma_start3A_59 = tpu.memref_slice %arg21[%dma_start3A_57, %dma_start3A_58] : memref<79x128xi32, #tpu.memory_space<vmem>> -> memref<1x128xi32, #tpu.memory_space<vmem>>
      %dma_start3A_60 = tpu.memref_squeeze %dma_start3A_59 : memref<1x128xi32, #tpu.memory_space<vmem>> -> memref<128xi32, #tpu.memory_space<vmem>>
      %dma_start3A_61 = arith.constant 0 : i32
      %dma_start3A_62 = arith.constant 0 : i32
      %dma_start3A_63 = tpu.memref_slice %arg26[%dma_start3A_61, %dma_start3A_62] : memref<10000x64xf32, #tpu.memory_space<vmem_shared>> -> memref<10000x64xf32, #tpu.memory_space<vmem_shared>>
      tpu.enqueue_indirect_dma source(%dma_start3A_63 : memref<10000x64xf32, #tpu.memory_space<vmem_shared>>) target(%arg24 : memref<128x64xf32, #tpu.memory_space<vmem>>) offsets(%dma_start3A_60 : memref<128xi32, #tpu.memory_space<vmem>>) semaphore(%arg29 : memref<!tpu.dma_semaphore, #tpu.memory_space<semaphore_mem>>)
      %scan3A = arith.constant 0 : i32
      %scan3A_64 = arith.constant 0 : i32
      %scan3A_65 = arith.constant 26 : i32
      %scan3A_66 = arith.addi %scan3A_64, %scan3A_65 : i32
      %scan3A_67 = arith.constant 1 : i32
      scf.for %scan3A_101 = %scan3A_64 to %scan3A_66 step %scan3A_67  : i32 {
        %mul3A_102 = arith.constant 3 : i32
        %mul3A_103 = arith.muli %mul3A_102, %scan3A_101 : i32
        %add3A = arith.constant 0 : i32
        %add3A_104 = arith.addi %mul3A_103, %add3A : i32
        %dma_wait3A_105 = arith.constant 0 : i32
        %dma_wait3A_106 = arith.constant 0 : i32
        %dma_wait3A_107 = tpu.memref_slice %arg21[%dma_wait3A_105, %dma_wait3A_106] : memref<79x128xi32, #tpu.memory_space<vmem>> -> memref<1x128xi32, #tpu.memory_space<vmem>>
        %dma_wait3A_108 = tpu.memref_squeeze %dma_wait3A_107 : memref<1x128xi32, #tpu.memory_space<vmem>> -> memref<128xi32, #tpu.memory_space<vmem>>
        %dma_wait3A_109 = arith.constant 0 : i32
        %dma_wait3A_110 = arith.constant 0 : i32
        %dma_wait3A_111 = tpu.memref_slice %arg26[%dma_wait3A_109, %dma_wait3A_110] : memref<10000x64xf32, #tpu.memory_space<vmem_shared>> -> memref<10000x64xf32, #tpu.memory_space<vmem_shared>>
        tpu.wait_indirect_dma semaphore(%arg28 : memref<!tpu.dma_semaphore, #tpu.memory_space<semaphore_mem>>) src(%dma_wait3A_111 : memref<10000x64xf32, #tpu.memory_space<vmem_shared>>) dst(%arg23 : memref<128x64xf32, #tpu.memory_space<vmem>>)
        %dma_start3A_112 = arith.constant 0 : i32
        %dma_start3A_113 = tpu.memref_slice %arg22[%add3A_104, %dma_start3A_112] : memref<79x128xi32, #tpu.memory_space<vmem>> -> memref<1x128xi32, #tpu.memory_space<vmem>>
        %dma_start3A_114 = tpu.memref_squeeze %dma_start3A_113 : memref<1x128xi32, #tpu.memory_space<vmem>> -> memref<128xi32, #tpu.memory_space<vmem>>
        %dma_start3A_115 = arith.constant 0 : i32
        %dma_start3A_116 = arith.constant 0 : i32
        %dma_start3A_117 = tpu.memref_slice %arg27[%dma_start3A_115, %dma_start3A_116] : memref<10112x64xf32, #tpu.memory_space<vmem_shared>> -> memref<10112x64xf32, #tpu.memory_space<vmem_shared>>
        tpu.enqueue_indirect_dma source(%arg23 : memref<128x64xf32, #tpu.memory_space<vmem>>) target(%dma_start3A_117 : memref<10112x64xf32, #tpu.memory_space<vmem_shared>>) offsets(%dma_start3A_114 : memref<128xi32, #tpu.memory_space<vmem>>) semaphore(%arg31 : memref<!tpu.dma_semaphore, #tpu.memory_space<semaphore_mem>>) {add = true}
        %ge3A = arith.constant 1 : i32
        %ge3A_118 = arith.cmpi sge, %add3A_104, %ge3A : i32
        %convert_element_type3A_119 = arith.extui %ge3A_118 : i1 to i32
        %cond3A_120 = arith.constant 0 : i32
        %cond3A_121 = arith.cmpi ne, %convert_element_type3A_119, %cond3A_120 : i32
        scf.if %cond3A_121 {
          %dma_wait3A_187 = arith.constant 0 : i32
          %dma_wait3A_188 = arith.constant 0 : i32
          %dma_wait3A_189 = tpu.memref_slice %arg22[%dma_wait3A_187, %dma_wait3A_188] : memref<79x128xi32, #tpu.memory_space<vmem>> -> memref<1x128xi32, #tpu.memory_space<vmem>>
          %dma_wait3A_190 = tpu.memref_squeeze %dma_wait3A_189 : memref<1x128xi32, #tpu.memory_space<vmem>> -> memref<128xi32, #tpu.memory_space<vmem>>
          %dma_wait3A_191 = arith.constant 0 : i32
          %dma_wait3A_192 = arith.constant 0 : i32
          %dma_wait3A_193 = tpu.memref_slice %arg27[%dma_wait3A_191, %dma_wait3A_192] : memref<10112x64xf32, #tpu.memory_space<vmem_shared>> -> memref<10112x64xf32, #tpu.memory_space<vmem_shared>>
          tpu.wait_indirect_dma semaphore(%arg33 : memref<!tpu.dma_semaphore, #tpu.memory_space<semaphore_mem>>) src(%arg25 : memref<128x64xf32, #tpu.memory_space<vmem>>) dst(%dma_wait3A_193 : memref<10112x64xf32, #tpu.memory_space<vmem_shared>>)
        } else {
        }
        %add3A_122 = arith.constant 2 : i32
        %add3A_123 = arith.addi %add3A_104, %add3A_122 : i32
        %lt3A_124 = arith.constant 79 : i32
        %lt3A_125 = arith.cmpi slt, %add3A_123, %lt3A_124 : i32
        %convert_element_type3A_126 = arith.extui %lt3A_125 : i1 to i32
        %cond3A_127 = arith.constant 0 : i32
        %cond3A_128 = arith.cmpi ne, %convert_element_type3A_126, %cond3A_127 : i32
        scf.if %cond3A_128 {
          %add3A_187 = arith.constant 2 : i32
          %add3A_188 = arith.addi %add3A_104, %add3A_187 : i32
          %dma_start3A_189 = arith.constant 0 : i32
          %dma_start3A_190 = tpu.memref_slice %arg21[%add3A_188, %dma_start3A_189] : memref<79x128xi32, #tpu.memory_space<vmem>> -> memref<1x128xi32, #tpu.memory_space<vmem>>
          %dma_start3A_191 = tpu.memref_squeeze %dma_start3A_190 : memref<1x128xi32, #tpu.memory_space<vmem>> -> memref<128xi32, #tpu.memory_space<vmem>>
          %dma_start3A_192 = arith.constant 0 : i32
          %dma_start3A_193 = arith.constant 0 : i32
          %dma_start3A_194 = tpu.memref_slice %arg26[%dma_start3A_192, %dma_start3A_193] : memref<10000x64xf32, #tpu.memory_space<vmem_shared>> -> memref<10000x64xf32, #tpu.memory_space<vmem_shared>>
          tpu.enqueue_indirect_dma source(%dma_start3A_194 : memref<10000x64xf32, #tpu.memory_space<vmem_shared>>) target(%arg25 : memref<128x64xf32, #tpu.memory_space<vmem>>) offsets(%dma_start3A_191 : memref<128xi32, #tpu.memory_space<vmem>>) semaphore(%arg30 : memref<!tpu.dma_semaphore, #tpu.memory_space<semaphore_mem>>)
        } else {
        }
        %mul3A_129 = arith.constant 3 : i32
        %mul3A_130 = arith.muli %mul3A_129, %scan3A_101 : i32
        %add3A_131 = arith.constant 1 : i32
        %add3A_132 = arith.addi %mul3A_130, %add3A_131 : i32
        %dma_wait3A_133 = arith.constant 0 : i32
        %dma_wait3A_134 = arith.constant 0 : i32
        %dma_wait3A_135 = tpu.memref_slice %arg21[%dma_wait3A_133, %dma_wait3A_134] : memref<79x128xi32, #tpu.memory_space<vmem>> -> memref<1x128xi32, #tpu.memory_space<vmem>>
        %dma_wait3A_136 = tpu.memref_squeeze %dma_wait3A_135 : memref<1x128xi32, #tpu.memory_space<vmem>> -> memref<128xi32, #tpu.memory_space<vmem>>
        %dma_wait3A_137 = arith.constant 0 : i32
        %dma_wait3A_138 = arith.constant 0 : i32
        %dma_wait3A_139 = tpu.memref_slice %arg26[%dma_wait3A_137, %dma_wait3A_138] : memref<10000x64xf32, #tpu.memory_space<vmem_shared>> -> memref<10000x64xf32, #tpu.memory_space<vmem_shared>>
        tpu.wait_indirect_dma semaphore(%arg29 : memref<!tpu.dma_semaphore, #tpu.memory_space<semaphore_mem>>) src(%dma_wait3A_139 : memref<10000x64xf32, #tpu.memory_space<vmem_shared>>) dst(%arg24 : memref<128x64xf32, #tpu.memory_space<vmem>>)
        %dma_start3A_140 = arith.constant 0 : i32
        %dma_start3A_141 = tpu.memref_slice %arg22[%add3A_132, %dma_start3A_140] : memref<79x128xi32, #tpu.memory_space<vmem>> -> memref<1x128xi32, #tpu.memory_space<vmem>>
        %dma_start3A_142 = tpu.memref_squeeze %dma_start3A_141 : memref<1x128xi32, #tpu.memory_space<vmem>> -> memref<128xi32, #tpu.memory_space<vmem>>
        %dma_start3A_143 = arith.constant 0 : i32
        %dma_start3A_144 = arith.constant 0 : i32
        %dma_start3A_145 = tpu.memref_slice %arg27[%dma_start3A_143, %dma_start3A_144] : memref<10112x64xf32, #tpu.memory_space<vmem_shared>> -> memref<10112x64xf32, #tpu.memory_space<vmem_shared>>
        tpu.enqueue_indirect_dma source(%arg24 : memref<128x64xf32, #tpu.memory_space<vmem>>) target(%dma_start3A_145 : memref<10112x64xf32, #tpu.memory_space<vmem_shared>>) offsets(%dma_start3A_142 : memref<128xi32, #tpu.memory_space<vmem>>) semaphore(%arg32 : memref<!tpu.dma_semaphore, #tpu.memory_space<semaphore_mem>>) {add = true}
        %ge3A_146 = arith.constant 1 : i32
        %ge3A_147 = arith.cmpi sge, %add3A_132, %ge3A_146 : i32
        %convert_element_type3A_148 = arith.extui %ge3A_147 : i1 to i32
        %cond3A_149 = arith.constant 0 : i32
        %cond3A_150 = arith.cmpi ne, %convert_element_type3A_148, %cond3A_149 : i32
        scf.if %cond3A_150 {
          %dma_wait3A_187 = arith.constant 0 : i32
          %dma_wait3A_188 = arith.constant 0 : i32
          %dma_wait3A_189 = tpu.memref_slice %arg22[%dma_wait3A_187, %dma_wait3A_188] : memref<79x128xi32, #tpu.memory_space<vmem>> -> memref<1x128xi32, #tpu.memory_space<vmem>>
          %dma_wait3A_190 = tpu.memref_squeeze %dma_wait3A_189 : memref<1x128xi32, #tpu.memory_space<vmem>> -> memref<128xi32, #tpu.memory_space<vmem>>
          %dma_wait3A_191 = arith.constant 0 : i32
          %dma_wait3A_192 = arith.constant 0 : i32
          %dma_wait3A_193 = tpu.memref_slice %arg27[%dma_wait3A_191, %dma_wait3A_192] : memref<10112x64xf32, #tpu.memory_space<vmem_shared>> -> memref<10112x64xf32, #tpu.memory_space<vmem_shared>>
          tpu.wait_indirect_dma semaphore(%arg31 : memref<!tpu.dma_semaphore, #tpu.memory_space<semaphore_mem>>) src(%arg23 : memref<128x64xf32, #tpu.memory_space<vmem>>) dst(%dma_wait3A_193 : memref<10112x64xf32, #tpu.memory_space<vmem_shared>>)
        } else {
        }
        %add3A_151 = arith.constant 2 : i32
        %add3A_152 = arith.addi %add3A_132, %add3A_151 : i32
        %lt3A_153 = arith.constant 79 : i32
        %lt3A_154 = arith.cmpi slt, %add3A_152, %lt3A_153 : i32
        %convert_element_type3A_155 = arith.extui %lt3A_154 : i1 to i32
        %cond3A_156 = arith.constant 0 : i32
        %cond3A_157 = arith.cmpi ne, %convert_element_type3A_155, %cond3A_156 : i32
        scf.if %cond3A_157 {
          %add3A_187 = arith.constant 2 : i32
          %add3A_188 = arith.addi %add3A_132, %add3A_187 : i32
          %dma_start3A_189 = arith.constant 0 : i32
          %dma_start3A_190 = tpu.memref_slice %arg21[%add3A_188, %dma_start3A_189] : memref<79x128xi32, #tpu.memory_space<vmem>> -> memref<1x128xi32, #tpu.memory_space<vmem>>
          %dma_start3A_191 = tpu.memref_squeeze %dma_start3A_190 : memref<1x128xi32, #tpu.memory_space<vmem>> -> memref<128xi32, #tpu.memory_space<vmem>>
          %dma_start3A_192 = arith.constant 0 : i32
          %dma_start3A_193 = arith.constant 0 : i32
          %dma_start3A_194 = tpu.memref_slice %arg26[%dma_start3A_192, %dma_start3A_193] : memref<10000x64xf32, #tpu.memory_space<vmem_shared>> -> memref<10000x64xf32, #tpu.memory_space<vmem_shared>>
          tpu.enqueue_indirect_dma source(%dma_start3A_194 : memref<10000x64xf32, #tpu.memory_space<vmem_shared>>) target(%arg23 : memref<128x64xf32, #tpu.memory_space<vmem>>) offsets(%dma_start3A_191 : memref<128xi32, #tpu.memory_space<vmem>>) semaphore(%arg28 : memref<!tpu.dma_semaphore, #tpu.memory_space<semaphore_mem>>)
        } else {
        }
        %mul3A_158 = arith.constant 3 : i32
        %mul3A_159 = arith.muli %mul3A_158, %scan3A_101 : i32
        %add3A_160 = arith.constant 2 : i32
        %add3A_161 = arith.addi %mul3A_159, %add3A_160 : i32
        %dma_wait3A_162 = arith.constant 0 : i32
        %dma_wait3A_163 = arith.constant 0 : i32
        %dma_wait3A_164 = tpu.memref_slice %arg21[%dma_wait3A_162, %dma_wait3A_163] : memref<79x128xi32, #tpu.memory_space<vmem>> -> memref<1x128xi32, #tpu.memory_space<vmem>>
        %dma_wait3A_165 = tpu.memref_squeeze %dma_wait3A_164 : memref<1x128xi32, #tpu.memory_space<vmem>> -> memref<128xi32, #tpu.memory_space<vmem>>
        %dma_wait3A_166 = arith.constant 0 : i32
        %dma_wait3A_167 = arith.constant 0 : i32
        %dma_wait3A_168 = tpu.memref_slice %arg26[%dma_wait3A_166, %dma_wait3A_167] : memref<10000x64xf32, #tpu.memory_space<vmem_shared>> -> memref<10000x64xf32, #tpu.memory_space<vmem_shared>>
        tpu.wait_indirect_dma semaphore(%arg30 : memref<!tpu.dma_semaphore, #tpu.memory_space<semaphore_mem>>) src(%dma_wait3A_168 : memref<10000x64xf32, #tpu.memory_space<vmem_shared>>) dst(%arg25 : memref<128x64xf32, #tpu.memory_space<vmem>>)
        %dma_start3A_169 = arith.constant 0 : i32
        %dma_start3A_170 = tpu.memref_slice %arg22[%add3A_161, %dma_start3A_169] : memref<79x128xi32, #tpu.memory_space<vmem>> -> memref<1x128xi32, #tpu.memory_space<vmem>>
        %dma_start3A_171 = tpu.memref_squeeze %dma_start3A_170 : memref<1x128xi32, #tpu.memory_space<vmem>> -> memref<128xi32, #tpu.memory_space<vmem>>
        %dma_start3A_172 = arith.constant 0 : i32
        %dma_start3A_173 = arith.constant 0 : i32
        %dma_start3A_174 = tpu.memref_slice %arg27[%dma_start3A_172, %dma_start3A_173] : memref<10112x64xf32, #tpu.memory_space<vmem_shared>> -> memref<10112x64xf32, #tpu.memory_space<vmem_shared>>
        tpu.enqueue_indirect_dma source(%arg25 : memref<128x64xf32, #tpu.memory_space<vmem>>) target(%dma_start3A_174 : memref<10112x64xf32, #tpu.memory_space<vmem_shared>>) offsets(%dma_start3A_171 : memref<128xi32, #tpu.memory_space<vmem>>) semaphore(%arg33 : memref<!tpu.dma_semaphore, #tpu.memory_space<semaphore_mem>>) {add = true}
        %ge3A_175 = arith.constant 1 : i32
        %ge3A_176 = arith.cmpi sge, %add3A_161, %ge3A_175 : i32
        %convert_element_type3A_177 = arith.extui %ge3A_176 : i1 to i32
        %cond3A_178 = arith.constant 0 : i32
        %cond3A_179 = arith.cmpi ne, %convert_element_type3A_177, %cond3A_178 : i32
        scf.if %cond3A_179 {
          %dma_wait3A_187 = arith.constant 0 : i32
          %dma_wait3A_188 = arith.constant 0 : i32
          %dma_wait3A_189 = tpu.memref_slice %arg22[%dma_wait3A_187, %dma_wait3A_188] : memref<79x128xi32, #tpu.memory_space<vmem>> -> memref<1x128xi32, #tpu.memory_space<vmem>>
          %dma_wait3A_190 = tpu.memref_squeeze %dma_wait3A_189 : memref<1x128xi32, #tpu.memory_space<vmem>> -> memref<128xi32, #tpu.memory_space<vmem>>
          %dma_wait3A_191 = arith.constant 0 : i32
          %dma_wait3A_192 = arith.constant 0 : i32
          %dma_wait3A_193 = tpu.memref_slice %arg27[%dma_wait3A_191, %dma_wait3A_192] : memref<10112x64xf32, #tpu.memory_space<vmem_shared>> -> memref<10112x64xf32, #tpu.memory_space<vmem_shared>>
          tpu.wait_indirect_dma semaphore(%arg32 : memref<!tpu.dma_semaphore, #tpu.memory_space<semaphore_mem>>) src(%arg24 : memref<128x64xf32, #tpu.memory_space<vmem>>) dst(%dma_wait3A_193 : memref<10112x64xf32, #tpu.memory_space<vmem_shared>>)
        } else {
        }
        %add3A_180 = arith.constant 2 : i32
        %add3A_181 = arith.addi %add3A_161, %add3A_180 : i32
        %lt3A_182 = arith.constant 79 : i32
        %lt3A_183 = arith.cmpi slt, %add3A_181, %lt3A_182 : i32
        %convert_element_type3A_184 = arith.extui %lt3A_183 : i1 to i32
        %cond3A_185 = arith.constant 0 : i32
        %cond3A_186 = arith.cmpi ne, %convert_element_type3A_184, %cond3A_185 : i32
        scf.if %cond3A_186 {
          %add3A_187 = arith.constant 2 : i32
          %add3A_188 = arith.addi %add3A_161, %add3A_187 : i32
          %dma_start3A_189 = arith.constant 0 : i32
          %dma_start3A_190 = tpu.memref_slice %arg21[%add3A_188, %dma_start3A_189] : memref<79x128xi32, #tpu.memory_space<vmem>> -> memref<1x128xi32, #tpu.memory_space<vmem>>
          %dma_start3A_191 = tpu.memref_squeeze %dma_start3A_190 : memref<1x128xi32, #tpu.memory_space<vmem>> -> memref<128xi32, #tpu.memory_space<vmem>>
          %dma_start3A_192 = arith.constant 0 : i32
          %dma_start3A_193 = arith.constant 0 : i32
          %dma_start3A_194 = tpu.memref_slice %arg26[%dma_start3A_192, %dma_start3A_193] : memref<10000x64xf32, #tpu.memory_space<vmem_shared>> -> memref<10000x64xf32, #tpu.memory_space<vmem_shared>>
          tpu.enqueue_indirect_dma source(%dma_start3A_194 : memref<10000x64xf32, #tpu.memory_space<vmem_shared>>) target(%arg24 : memref<128x64xf32, #tpu.memory_space<vmem>>) offsets(%dma_start3A_191 : memref<128xi32, #tpu.memory_space<vmem>>) semaphore(%arg29 : memref<!tpu.dma_semaphore, #tpu.memory_space<semaphore_mem>>)
        } else {
        }
      }
      %scan3A_68 = arith.constant 26 : i32
      %dma_wait3A = arith.constant 0 : i32
      %dma_wait3A_69 = arith.constant 0 : i32
      %dma_wait3A_70 = tpu.memref_slice %arg21[%dma_wait3A, %dma_wait3A_69] : memref<79x128xi32, #tpu.memory_space<vmem>> -> memref<1x128xi32, #tpu.memory_space<vmem>>
      %dma_wait3A_71 = tpu.memref_squeeze %dma_wait3A_70 : memref<1x128xi32, #tpu.memory_space<vmem>> -> memref<128xi32, #tpu.memory_space<vmem>>
      %dma_wait3A_72 = arith.constant 0 : i32
      %dma_wait3A_73 = arith.constant 0 : i32
      %dma_wait3A_74 = tpu.memref_slice %arg26[%dma_wait3A_72, %dma_wait3A_73] : memref<10000x64xf32, #tpu.memory_space<vmem_shared>> -> memref<10000x64xf32, #tpu.memory_space<vmem_shared>>
      tpu.wait_indirect_dma semaphore(%arg28 : memref<!tpu.dma_semaphore, #tpu.memory_space<semaphore_mem>>) src(%dma_wait3A_74 : memref<10000x64xf32, #tpu.memory_space<vmem_shared>>) dst(%arg23 : memref<128x64xf32, #tpu.memory_space<vmem>>)
      %dma_start3A_75 = arith.constant 78 : i32
      %dma_start3A_76 = arith.constant 0 : i32
      %dma_start3A_77 = tpu.memref_slice %arg22[%dma_start3A_75, %dma_start3A_76] : memref<79x128xi32, #tpu.memory_space<vmem>> -> memref<1x128xi32, #tpu.memory_space<vmem>>
      %dma_start3A_78 = tpu.memref_squeeze %dma_start3A_77 : memref<1x128xi32, #tpu.memory_space<vmem>> -> memref<128xi32, #tpu.memory_space<vmem>>
      %dma_start3A_79 = arith.constant 0 : i32
      %dma_start3A_80 = arith.constant 0 : i32
      %dma_start3A_81 = tpu.memref_slice %arg27[%dma_start3A_79, %dma_start3A_80] : memref<10112x64xf32, #tpu.memory_space<vmem_shared>> -> memref<10112x64xf32, #tpu.memory_space<vmem_shared>>
      tpu.enqueue_indirect_dma source(%arg23 : memref<128x64xf32, #tpu.memory_space<vmem>>) target(%dma_start3A_81 : memref<10112x64xf32, #tpu.memory_space<vmem_shared>>) offsets(%dma_start3A_78 : memref<128xi32, #tpu.memory_space<vmem>>) semaphore(%arg31 : memref<!tpu.dma_semaphore, #tpu.memory_space<semaphore_mem>>) {add = true}
      %dma_wait3A_82 = arith.constant 0 : i32
      %dma_wait3A_83 = arith.constant 0 : i32
      %dma_wait3A_84 = tpu.memref_slice %arg22[%dma_wait3A_82, %dma_wait3A_83] : memref<79x128xi32, #tpu.memory_space<vmem>> -> memref<1x128xi32, #tpu.memory_space<vmem>>
      %dma_wait3A_85 = tpu.memref_squeeze %dma_wait3A_84 : memref<1x128xi32, #tpu.memory_space<vmem>> -> memref<128xi32, #tpu.memory_space<vmem>>
      %dma_wait3A_86 = arith.constant 0 : i32
      %dma_wait3A_87 = arith.constant 0 : i32
      %dma_wait3A_88 = tpu.memref_slice %arg27[%dma_wait3A_86, %dma_wait3A_87] : memref<10112x64xf32, #tpu.memory_space<vmem_shared>> -> memref<10112x64xf32, #tpu.memory_space<vmem_shared>>
      tpu.wait_indirect_dma semaphore(%arg33 : memref<!tpu.dma_semaphore, #tpu.memory_space<semaphore_mem>>) src(%arg25 : memref<128x64xf32, #tpu.memory_space<vmem>>) dst(%dma_wait3A_88 : memref<10112x64xf32, #tpu.memory_space<vmem_shared>>)
      %dma_wait3A_89 = arith.constant 0 : i32
      %dma_wait3A_90 = arith.constant 0 : i32
      %dma_wait3A_91 = tpu.memref_slice %arg22[%dma_wait3A_89, %dma_wait3A_90] : memref<79x128xi32, #tpu.memory_space<vmem>> -> memref<1x128xi32, #tpu.memory_space<vmem>>
      %dma_wait3A_92 = tpu.memref_squeeze %dma_wait3A_91 : memref<1x128xi32, #tpu.memory_space<vmem>> -> memref<128xi32, #tpu.memory_space<vmem>>
      %dma_wait3A_93 = arith.constant 0 : i32
      %dma_wait3A_94 = arith.constant 0 : i32
      %dma_wait3A_95 = tpu.memref_slice %arg27[%dma_wait3A_93, %dma_wait3A_94] : memref<10112x64xf32, #tpu.memory_space<vmem_shared>> -> memref<10112x64xf32, #tpu.memory_space<vmem_shared>>
      tpu.wait_indirect_dma semaphore(%arg31 : memref<!tpu.dma_semaphore, #tpu.memory_space<semaphore_mem>>) src(%arg23 : memref<128x64xf32, #tpu.memory_space<vmem>>) dst(%dma_wait3A_95 : memref<10112x64xf32, #tpu.memory_space<vmem_shared>>)
      %barrier3A_96 = arith.constant 0 : index
      tpu.barrier barrier_id(%barrier3A_96)
      %mul3A_97 = arith.constant 632 : i32
      %mul3A_98 = arith.muli %arg1, %mul3A_97 : i32
      %mul3A_99 = arith.constant 632 : i32
      %mul3A_100 = arith.muli %arg1, %mul3A_99 : i32
      "tpu.region"() ({
        %run_scoped3A = tpu.sem_alloc : memref<!tpu.dma_semaphore, #tpu.memory_space<semaphore_mem>>
        %dma_start3A_101 = arith.constant 0 : i32
        %dma_start3A_102 = tpu.memref_slice %arg13[%mul3A_100, %dma_start3A_101] : memref<10112x64xf32, #tpu.memory_space<hbm>> -> memref<632x64xf32, #tpu.memory_space<hbm>>
        %dma_start3A_103 = arith.constant 0 : i32
        %dma_start3A_104 = tpu.memref_slice %arg27[%mul3A_98, %dma_start3A_103] : memref<10112x64xf32, #tpu.memory_space<vmem_shared>> -> memref<632x64xf32, #tpu.memory_space<vmem_shared>>
        tpu.enqueue_dma source(%dma_start3A_104 : memref<632x64xf32, #tpu.memory_space<vmem_shared>>) target(%dma_start3A_102 : memref<632x64xf32, #tpu.memory_space<hbm>>) target_semaphore(%run_scoped3A : memref<!tpu.dma_semaphore, #tpu.memory_space<semaphore_mem>>)
        %dma_wait3A_105 = arith.constant 0 : i32
        %dma_wait3A_106 = tpu.memref_slice %arg13[%mul3A_100, %dma_wait3A_105] : memref<10112x64xf32, #tpu.memory_space<hbm>> -> memref<632x64xf32, #tpu.memory_space<hbm>>
        %dma_wait3A_107 = arith.constant 0 : i32
        %dma_wait3A_108 = tpu.memref_slice %arg27[%mul3A_98, %dma_wait3A_107] : memref<10112x64xf32, #tpu.memory_space<vmem_shared>> -> memref<632x64xf32, #tpu.memory_space<vmem_shared>>
        tpu.wait_dma2 semaphore(%run_scoped3A : memref<!tpu.dma_semaphore, #tpu.memory_space<semaphore_mem>>) src(%dma_wait3A_108 : memref<632x64xf32, #tpu.memory_space<vmem_shared>>) dst(%dma_wait3A_106 : memref<632x64xf32, #tpu.memory_space<hbm>>)
        tpu.yield
      }) : () -> ()
    } else {
    }
    %eq3A_2 = arith.constant 1 : i32
    %eq3A_3 = arith.cmpi eq, %arg0, %eq3A_2 : i32
    %convert_element_type3A_4 = arith.extui %eq3A_3 : i1 to i32
    %cond3A_5 = arith.constant 0 : i32
    %cond3A_6 = arith.cmpi ne, %convert_element_type3A_4, %cond3A_5 : i32
    scf.if %cond3A_6 {
      %lt3A = arith.constant 15 : i32
      %lt3A_40 = arith.cmpi slt, %arg1, %lt3A : i32
      %convert_element_type3A_41 = arith.extui %lt3A_40 : i1 to i32
      %cond3A_42 = arith.constant 0 : i32
      %cond3A_43 = arith.cmpi ne, %convert_element_type3A_41, %cond3A_42 : i32
      scf.if %cond3A_43 {
        %mul3A_101 = arith.constant 632 : i32
        %mul3A_102 = arith.muli %arg1, %mul3A_101 : i32
        %mul3A_103 = arith.constant 632 : i32
        %mul3A_104 = arith.muli %arg1, %mul3A_103 : i32
        "tpu.region"() ({
          %run_scoped3A = tpu.sem_alloc : memref<!tpu.dma_semaphore, #tpu.memory_space<semaphore_mem>>
          %dma_start3A_105 = arith.constant 0 : i32
          %dma_start3A_106 = tpu.memref_slice %arg26[%mul3A_104, %dma_start3A_105] : memref<10000x64xf32, #tpu.memory_space<vmem_shared>> -> memref<632x64xf32, #tpu.memory_space<vmem_shared>>
          %dma_start3A_107 = arith.constant 0 : i32
          %dma_start3A_108 = tpu.memref_slice %arg6[%mul3A_102, %dma_start3A_107] : memref<10000x64xf32, #tpu.memory_space<hbm>> -> memref<632x64xf32, #tpu.memory_space<hbm>>
          tpu.enqueue_dma source(%dma_start3A_108 : memref<632x64xf32, #tpu.memory_space<hbm>>) target(%dma_start3A_106 : memref<632x64xf32, #tpu.memory_space<vmem_shared>>) target_semaphore(%run_scoped3A : memref<!tpu.dma_semaphore, #tpu.memory_space<semaphore_mem>>)
          %dma_wait3A_109 = arith.constant 0 : i32
          %dma_wait3A_110 = tpu.memref_slice %arg26[%mul3A_104, %dma_wait3A_109] : memref<10000x64xf32, #tpu.memory_space<vmem_shared>> -> memref<632x64xf32, #tpu.memory_space<vmem_shared>>
          %dma_wait3A_111 = arith.constant 0 : i32
          %dma_wait3A_112 = tpu.memref_slice %arg6[%mul3A_102, %dma_wait3A_111] : memref<10000x64xf32, #tpu.memory_space<hbm>> -> memref<632x64xf32, #tpu.memory_space<hbm>>
          tpu.wait_dma2 semaphore(%run_scoped3A : memref<!tpu.dma_semaphore, #tpu.memory_space<semaphore_mem>>) src(%dma_wait3A_112 : memref<632x64xf32, #tpu.memory_space<hbm>>) dst(%dma_wait3A_110 : memref<632x64xf32, #tpu.memory_space<vmem_shared>>)
          tpu.yield
        }) : () -> ()
      } else {
      }
      %eq3A_44 = arith.constant 15 : i32
      %eq3A_45 = arith.cmpi eq, %arg1, %eq3A_44 : i32
      %convert_element_type3A_46 = arith.extui %eq3A_45 : i1 to i32
      %cond3A_47 = arith.constant 0 : i32
      %cond3A_48 = arith.cmpi ne, %convert_element_type3A_46, %cond3A_47 : i32
      scf.if %cond3A_48 {
        "tpu.region"() ({
          %run_scoped3A = tpu.sem_alloc : memref<!tpu.dma_semaphore, #tpu.memory_space<semaphore_mem>>
          %dma_start3A_101 = arith.constant 9480 : i32
          %dma_start3A_102 = arith.constant 0 : i32
          %dma_start3A_103 = tpu.memref_slice %arg26[%dma_start3A_101, %dma_start3A_102] : memref<10000x64xf32, #tpu.memory_space<vmem_shared>> -> memref<520x64xf32, #tpu.memory_space<vmem_shared>>
          %dma_start3A_104 = arith.constant 9480 : i32
          %dma_start3A_105 = arith.constant 0 : i32
          %dma_start3A_106 = tpu.memref_slice %arg6[%dma_start3A_104, %dma_start3A_105] : memref<10000x64xf32, #tpu.memory_space<hbm>> -> memref<520x64xf32, #tpu.memory_space<hbm>>
          tpu.enqueue_dma source(%dma_start3A_106 : memref<520x64xf32, #tpu.memory_space<hbm>>) target(%dma_start3A_103 : memref<520x64xf32, #tpu.memory_space<vmem_shared>>) target_semaphore(%run_scoped3A : memref<!tpu.dma_semaphore, #tpu.memory_space<semaphore_mem>>)
          %dma_wait3A_107 = arith.constant 9480 : i32
          %dma_wait3A_108 = arith.constant 0 : i32
          %dma_wait3A_109 = tpu.memref_slice %arg26[%dma_wait3A_107, %dma_wait3A_108] : memref<10000x64xf32, #tpu.memory_space<vmem_shared>> -> memref<520x64xf32, #tpu.memory_space<vmem_shared>>
          %dma_wait3A_110 = arith.constant 9480 : i32
          %dma_wait3A_111 = arith.constant 0 : i32
          %dma_wait3A_112 = tpu.memref_slice %arg6[%dma_wait3A_110, %dma_wait3A_111] : memref<10000x64xf32, #tpu.memory_space<hbm>> -> memref<520x64xf32, #tpu.memory_space<hbm>>
          tpu.wait_dma2 semaphore(%run_scoped3A : memref<!tpu.dma_semaphore, #tpu.memory_space<semaphore_mem>>) src(%dma_wait3A_112 : memref<520x64xf32, #tpu.memory_space<hbm>>) dst(%dma_wait3A_109 : memref<520x64xf32, #tpu.memory_space<vmem_shared>>)
          tpu.yield
        }) : () -> ()
      } else {
      }
      %mul3A = arith.constant 632 : i32
      %mul3A_49 = arith.muli %arg1, %mul3A : i32
      "tpu.region"() ({
        %run_scoped3A = tpu.sem_alloc : memref<!tpu.dma_semaphore, #tpu.memory_space<semaphore_mem>>
        %dma_start3A_101 = arith.constant 0 : i32
        %dma_start3A_102 = tpu.memref_slice %arg27[%mul3A_49, %dma_start3A_101] : memref<10112x64xf32, #tpu.memory_space<vmem_shared>> -> memref<632x64xf32, #tpu.memory_space<vmem_shared>>
        tpu.enqueue_dma source(%arg12 : memref<632x64xf32, #tpu.memory_space<hbm>>) target(%dma_start3A_102 : memref<632x64xf32, #tpu.memory_space<vmem_shared>>) target_semaphore(%run_scoped3A : memref<!tpu.dma_semaphore, #tpu.memory_space<semaphore_mem>>)
        %dma_wait3A_103 = arith.constant 0 : i32
        %dma_wait3A_104 = tpu.memref_slice %arg27[%mul3A_49, %dma_wait3A_103] : memref<10112x64xf32, #tpu.memory_space<vmem_shared>> -> memref<632x64xf32, #tpu.memory_space<vmem_shared>>
        tpu.wait_dma2 semaphore(%run_scoped3A : memref<!tpu.dma_semaphore, #tpu.memory_space<semaphore_mem>>) src(%arg12 : memref<632x64xf32, #tpu.memory_space<hbm>>) dst(%dma_wait3A_104 : memref<632x64xf32, #tpu.memory_space<vmem_shared>>)
        tpu.yield
      }) : () -> ()
      %barrier3A_50 = arith.constant 0 : index
      tpu.barrier barrier_id(%barrier3A_50)
      %dma_start3A = arith.constant 0 : i32
      %dma_start3A_51 = arith.constant 0 : i32
      %dma_start3A_52 = tpu.memref_slice %arg21[%dma_start3A, %dma_start3A_51] : memref<79x128xi32, #tpu.memory_space<vmem>> -> memref<1x128xi32, #tpu.memory_space<vmem>>
      %dma_start3A_53 = tpu.memref_squeeze %dma_start3A_52 : memref<1x128xi32, #tpu.memory_space<vmem>> -> memref<128xi32, #tpu.memory_space<vmem>>
      %dma_start3A_54 = arith.constant 0 : i32
      %dma_start3A_55 = arith.constant 0 : i32
      %dma_start3A_56 = tpu.memref_slice %arg26[%dma_start3A_54, %dma_start3A_55] : memref<10000x64xf32, #tpu.memory_space<vmem_shared>> -> memref<10000x64xf32, #tpu.memory_space<vmem_shared>>
      tpu.enqueue_indirect_dma source(%dma_start3A_56 : memref<10000x64xf32, #tpu.memory_space<vmem_shared>>) target(%arg23 : memref<128x64xf32, #tpu.memory_space<vmem>>) offsets(%dma_start3A_53 : memref<128xi32, #tpu.memory_space<vmem>>) semaphore(%arg28 : memref<!tpu.dma_semaphore, #tpu.memory_space<semaphore_mem>>)
      %dma_start3A_57 = arith.constant 1 : i32
      %dma_start3A_58 = arith.constant 0 : i32
      %dma_start3A_59 = tpu.memref_slice %arg21[%dma_start3A_57, %dma_start3A_58] : memref<79x128xi32, #tpu.memory_space<vmem>> -> memref<1x128xi32, #tpu.memory_space<vmem>>
      %dma_start3A_60 = tpu.memref_squeeze %dma_start3A_59 : memref<1x128xi32, #tpu.memory_space<vmem>> -> memref<128xi32, #tpu.memory_space<vmem>>
      %dma_start3A_61 = arith.constant 0 : i32
      %dma_start3A_62 = arith.constant 0 : i32
      %dma_start3A_63 = tpu.memref_slice %arg26[%dma_start3A_61, %dma_start3A_62] : memref<10000x64xf32, #tpu.memory_space<vmem_shared>> -> memref<10000x64xf32, #tpu.memory_space<vmem_shared>>
      tpu.enqueue_indirect_dma source(%dma_start3A_63 : memref<10000x64xf32, #tpu.memory_space<vmem_shared>>) target(%arg24 : memref<128x64xf32, #tpu.memory_space<vmem>>) offsets(%dma_start3A_60 : memref<128xi32, #tpu.memory_space<vmem>>) semaphore(%arg29 : memref<!tpu.dma_semaphore, #tpu.memory_space<semaphore_mem>>)
      %scan3A = arith.constant 0 : i32
      %scan3A_64 = arith.constant 0 : i32
      %scan3A_65 = arith.constant 26 : i32
      %scan3A_66 = arith.addi %scan3A_64, %scan3A_65 : i32
      %scan3A_67 = arith.constant 1 : i32
      scf.for %scan3A_101 = %scan3A_64 to %scan3A_66 step %scan3A_67  : i32 {
        %mul3A_102 = arith.constant 3 : i32
        %mul3A_103 = arith.muli %mul3A_102, %scan3A_101 : i32
        %add3A = arith.constant 0 : i32
        %add3A_104 = arith.addi %mul3A_103, %add3A : i32
        %dma_wait3A_105 = arith.constant 0 : i32
        %dma_wait3A_106 = arith.constant 0 : i32
        %dma_wait3A_107 = tpu.memref_slice %arg21[%dma_wait3A_105, %dma_wait3A_106] : memref<79x128xi32, #tpu.memory_space<vmem>> -> memref<1x128xi32, #tpu.memory_space<vmem>>
        %dma_wait3A_108 = tpu.memref_squeeze %dma_wait3A_107 : memref<1x128xi32, #tpu.memory_space<vmem>> -> memref<128xi32, #tpu.memory_space<vmem>>
        %dma_wait3A_109 = arith.constant 0 : i32
        %dma_wait3A_110 = arith.constant 0 : i32
        %dma_wait3A_111 = tpu.memref_slice %arg26[%dma_wait3A_109, %dma_wait3A_110] : memref<10000x64xf32, #tpu.memory_space<vmem_shared>> -> memref<10000x64xf32, #tpu.memory_space<vmem_shared>>
        tpu.wait_indirect_dma semaphore(%arg28 : memref<!tpu.dma_semaphore, #tpu.memory_space<semaphore_mem>>) src(%dma_wait3A_111 : memref<10000x64xf32, #tpu.memory_space<vmem_shared>>) dst(%arg23 : memref<128x64xf32, #tpu.memory_space<vmem>>)
        %dma_start3A_112 = arith.constant 0 : i32
        %dma_start3A_113 = tpu.memref_slice %arg22[%add3A_104, %dma_start3A_112] : memref<79x128xi32, #tpu.memory_space<vmem>> -> memref<1x128xi32, #tpu.memory_space<vmem>>
        %dma_start3A_114 = tpu.memref_squeeze %dma_start3A_113 : memref<1x128xi32, #tpu.memory_space<vmem>> -> memref<128xi32, #tpu.memory_space<vmem>>
        %dma_start3A_115 = arith.constant 0 : i32
        %dma_start3A_116 = arith.constant 0 : i32
        %dma_start3A_117 = tpu.memref_slice %arg27[%dma_start3A_115, %dma_start3A_116] : memref<10112x64xf32, #tpu.memory_space<vmem_shared>> -> memref<10112x64xf32, #tpu.memory_space<vmem_shared>>
        tpu.enqueue_indirect_dma source(%arg23 : memref<128x64xf32, #tpu.memory_space<vmem>>) target(%dma_start3A_117 : memref<10112x64xf32, #tpu.memory_space<vmem_shared>>) offsets(%dma_start3A_114 : memref<128xi32, #tpu.memory_space<vmem>>) semaphore(%arg31 : memref<!tpu.dma_semaphore, #tpu.memory_space<semaphore_mem>>) {add = true}
        %ge3A = arith.constant 1 : i32
        %ge3A_118 = arith.cmpi sge, %add3A_104, %ge3A : i32
        %convert_element_type3A_119 = arith.extui %ge3A_118 : i1 to i32
        %cond3A_120 = arith.constant 0 : i32
        %cond3A_121 = arith.cmpi ne, %convert_element_type3A_119, %cond3A_120 : i32
        scf.if %cond3A_121 {
          %dma_wait3A_187 = arith.constant 0 : i32
          %dma_wait3A_188 = arith.constant 0 : i32
          %dma_wait3A_189 = tpu.memref_slice %arg22[%dma_wait3A_187, %dma_wait3A_188] : memref<79x128xi32, #tpu.memory_space<vmem>> -> memref<1x128xi32, #tpu.memory_space<vmem>>
          %dma_wait3A_190 = tpu.memref_squeeze %dma_wait3A_189 : memref<1x128xi32, #tpu.memory_space<vmem>> -> memref<128xi32, #tpu.memory_space<vmem>>
          %dma_wait3A_191 = arith.constant 0 : i32
          %dma_wait3A_192 = arith.constant 0 : i32
          %dma_wait3A_193 = tpu.memref_slice %arg27[%dma_wait3A_191, %dma_wait3A_192] : memref<10112x64xf32, #tpu.memory_space<vmem_shared>> -> memref<10112x64xf32, #tpu.memory_space<vmem_shared>>
          tpu.wait_indirect_dma semaphore(%arg33 : memref<!tpu.dma_semaphore, #tpu.memory_space<semaphore_mem>>) src(%arg25 : memref<128x64xf32, #tpu.memory_space<vmem>>) dst(%dma_wait3A_193 : memref<10112x64xf32, #tpu.memory_space<vmem_shared>>)
        } else {
        }
        %add3A_122 = arith.constant 2 : i32
        %add3A_123 = arith.addi %add3A_104, %add3A_122 : i32
        %lt3A_124 = arith.constant 79 : i32
        %lt3A_125 = arith.cmpi slt, %add3A_123, %lt3A_124 : i32
        %convert_element_type3A_126 = arith.extui %lt3A_125 : i1 to i32
        %cond3A_127 = arith.constant 0 : i32
        %cond3A_128 = arith.cmpi ne, %convert_element_type3A_126, %cond3A_127 : i32
        scf.if %cond3A_128 {
          %add3A_187 = arith.constant 2 : i32
          %add3A_188 = arith.addi %add3A_104, %add3A_187 : i32
          %dma_start3A_189 = arith.constant 0 : i32
          %dma_start3A_190 = tpu.memref_slice %arg21[%add3A_188, %dma_start3A_189] : memref<79x128xi32, #tpu.memory_space<vmem>> -> memref<1x128xi32, #tpu.memory_space<vmem>>
          %dma_start3A_191 = tpu.memref_squeeze %dma_start3A_190 : memref<1x128xi32, #tpu.memory_space<vmem>> -> memref<128xi32, #tpu.memory_space<vmem>>
          %dma_start3A_192 = arith.constant 0 : i32
          %dma_start3A_193 = arith.constant 0 : i32
          %dma_start3A_194 = tpu.memref_slice %arg26[%dma_start3A_192, %dma_start3A_193] : memref<10000x64xf32, #tpu.memory_space<vmem_shared>> -> memref<10000x64xf32, #tpu.memory_space<vmem_shared>>
          tpu.enqueue_indirect_dma source(%dma_start3A_194 : memref<10000x64xf32, #tpu.memory_space<vmem_shared>>) target(%arg25 : memref<128x64xf32, #tpu.memory_space<vmem>>) offsets(%dma_start3A_191 : memref<128xi32, #tpu.memory_space<vmem>>) semaphore(%arg30 : memref<!tpu.dma_semaphore, #tpu.memory_space<semaphore_mem>>)
        } else {
        }
        %mul3A_129 = arith.constant 3 : i32
        %mul3A_130 = arith.muli %mul3A_129, %scan3A_101 : i32
        %add3A_131 = arith.constant 1 : i32
        %add3A_132 = arith.addi %mul3A_130, %add3A_131 : i32
        %dma_wait3A_133 = arith.constant 0 : i32
        %dma_wait3A_134 = arith.constant 0 : i32
        %dma_wait3A_135 = tpu.memref_slice %arg21[%dma_wait3A_133, %dma_wait3A_134] : memref<79x128xi32, #tpu.memory_space<vmem>> -> memref<1x128xi32, #tpu.memory_space<vmem>>
        %dma_wait3A_136 = tpu.memref_squeeze %dma_wait3A_135 : memref<1x128xi32, #tpu.memory_space<vmem>> -> memref<128xi32, #tpu.memory_space<vmem>>
        %dma_wait3A_137 = arith.constant 0 : i32
        %dma_wait3A_138 = arith.constant 0 : i32
        %dma_wait3A_139 = tpu.memref_slice %arg26[%dma_wait3A_137, %dma_wait3A_138] : memref<10000x64xf32, #tpu.memory_space<vmem_shared>> -> memref<10000x64xf32, #tpu.memory_space<vmem_shared>>
        tpu.wait_indirect_dma semaphore(%arg29 : memref<!tpu.dma_semaphore, #tpu.memory_space<semaphore_mem>>) src(%dma_wait3A_139 : memref<10000x64xf32, #tpu.memory_space<vmem_shared>>) dst(%arg24 : memref<128x64xf32, #tpu.memory_space<vmem>>)
        %dma_start3A_140 = arith.constant 0 : i32
        %dma_start3A_141 = tpu.memref_slice %arg22[%add3A_132, %dma_start3A_140] : memref<79x128xi32, #tpu.memory_space<vmem>> -> memref<1x128xi32, #tpu.memory_space<vmem>>
        %dma_start3A_142 = tpu.memref_squeeze %dma_start3A_141 : memref<1x128xi32, #tpu.memory_space<vmem>> -> memref<128xi32, #tpu.memory_space<vmem>>
        %dma_start3A_143 = arith.constant 0 : i32
        %dma_start3A_144 = arith.constant 0 : i32
        %dma_start3A_145 = tpu.memref_slice %arg27[%dma_start3A_143, %dma_start3A_144] : memref<10112x64xf32, #tpu.memory_space<vmem_shared>> -> memref<10112x64xf32, #tpu.memory_space<vmem_shared>>
        tpu.enqueue_indirect_dma source(%arg24 : memref<128x64xf32, #tpu.memory_space<vmem>>) target(%dma_start3A_145 : memref<10112x64xf32, #tpu.memory_space<vmem_shared>>) offsets(%dma_start3A_142 : memref<128xi32, #tpu.memory_space<vmem>>) semaphore(%arg32 : memref<!tpu.dma_semaphore, #tpu.memory_space<semaphore_mem>>) {add = true}
        %ge3A_146 = arith.constant 1 : i32
        %ge3A_147 = arith.cmpi sge, %add3A_132, %ge3A_146 : i32
        %convert_element_type3A_148 = arith.extui %ge3A_147 : i1 to i32
        %cond3A_149 = arith.constant 0 : i32
        %cond3A_150 = arith.cmpi ne, %convert_element_type3A_148, %cond3A_149 : i32
        scf.if %cond3A_150 {
          %dma_wait3A_187 = arith.constant 0 : i32
          %dma_wait3A_188 = arith.constant 0 : i32
          %dma_wait3A_189 = tpu.memref_slice %arg22[%dma_wait3A_187, %dma_wait3A_188] : memref<79x128xi32, #tpu.memory_space<vmem>> -> memref<1x128xi32, #tpu.memory_space<vmem>>
          %dma_wait3A_190 = tpu.memref_squeeze %dma_wait3A_189 : memref<1x128xi32, #tpu.memory_space<vmem>> -> memref<128xi32, #tpu.memory_space<vmem>>
          %dma_wait3A_191 = arith.constant 0 : i32
          %dma_wait3A_192 = arith.constant 0 : i32
          %dma_wait3A_193 = tpu.memref_slice %arg27[%dma_wait3A_191, %dma_wait3A_192] : memref<10112x64xf32, #tpu.memory_space<vmem_shared>> -> memref<10112x64xf32, #tpu.memory_space<vmem_shared>>
          tpu.wait_indirect_dma semaphore(%arg31 : memref<!tpu.dma_semaphore, #tpu.memory_space<semaphore_mem>>) src(%arg23 : memref<128x64xf32, #tpu.memory_space<vmem>>) dst(%dma_wait3A_193 : memref<10112x64xf32, #tpu.memory_space<vmem_shared>>)
        } else {
        }
        %add3A_151 = arith.constant 2 : i32
        %add3A_152 = arith.addi %add3A_132, %add3A_151 : i32
        %lt3A_153 = arith.constant 79 : i32
        %lt3A_154 = arith.cmpi slt, %add3A_152, %lt3A_153 : i32
        %convert_element_type3A_155 = arith.extui %lt3A_154 : i1 to i32
        %cond3A_156 = arith.constant 0 : i32
        %cond3A_157 = arith.cmpi ne, %convert_element_type3A_155, %cond3A_156 : i32
        scf.if %cond3A_157 {
          %add3A_187 = arith.constant 2 : i32
          %add3A_188 = arith.addi %add3A_132, %add3A_187 : i32
          %dma_start3A_189 = arith.constant 0 : i32
          %dma_start3A_190 = tpu.memref_slice %arg21[%add3A_188, %dma_start3A_189] : memref<79x128xi32, #tpu.memory_space<vmem>> -> memref<1x128xi32, #tpu.memory_space<vmem>>
          %dma_start3A_191 = tpu.memref_squeeze %dma_start3A_190 : memref<1x128xi32, #tpu.memory_space<vmem>> -> memref<128xi32, #tpu.memory_space<vmem>>
          %dma_start3A_192 = arith.constant 0 : i32
          %dma_start3A_193 = arith.constant 0 : i32
          %dma_start3A_194 = tpu.memref_slice %arg26[%dma_start3A_192, %dma_start3A_193] : memref<10000x64xf32, #tpu.memory_space<vmem_shared>> -> memref<10000x64xf32, #tpu.memory_space<vmem_shared>>
          tpu.enqueue_indirect_dma source(%dma_start3A_194 : memref<10000x64xf32, #tpu.memory_space<vmem_shared>>) target(%arg23 : memref<128x64xf32, #tpu.memory_space<vmem>>) offsets(%dma_start3A_191 : memref<128xi32, #tpu.memory_space<vmem>>) semaphore(%arg28 : memref<!tpu.dma_semaphore, #tpu.memory_space<semaphore_mem>>)
        } else {
        }
        %mul3A_158 = arith.constant 3 : i32
        %mul3A_159 = arith.muli %mul3A_158, %scan3A_101 : i32
        %add3A_160 = arith.constant 2 : i32
        %add3A_161 = arith.addi %mul3A_159, %add3A_160 : i32
        %dma_wait3A_162 = arith.constant 0 : i32
        %dma_wait3A_163 = arith.constant 0 : i32
        %dma_wait3A_164 = tpu.memref_slice %arg21[%dma_wait3A_162, %dma_wait3A_163] : memref<79x128xi32, #tpu.memory_space<vmem>> -> memref<1x128xi32, #tpu.memory_space<vmem>>
        %dma_wait3A_165 = tpu.memref_squeeze %dma_wait3A_164 : memref<1x128xi32, #tpu.memory_space<vmem>> -> memref<128xi32, #tpu.memory_space<vmem>>
        %dma_wait3A_166 = arith.constant 0 : i32
        %dma_wait3A_167 = arith.constant 0 : i32
        %dma_wait3A_168 = tpu.memref_slice %arg26[%dma_wait3A_166, %dma_wait3A_167] : memref<10000x64xf32, #tpu.memory_space<vmem_shared>> -> memref<10000x64xf32, #tpu.memory_space<vmem_shared>>
        tpu.wait_indirect_dma semaphore(%arg30 : memref<!tpu.dma_semaphore, #tpu.memory_space<semaphore_mem>>) src(%dma_wait3A_168 : memref<10000x64xf32, #tpu.memory_space<vmem_shared>>) dst(%arg25 : memref<128x64xf32, #tpu.memory_space<vmem>>)
        %dma_start3A_169 = arith.constant 0 : i32
        %dma_start3A_170 = tpu.memref_slice %arg22[%add3A_161, %dma_start3A_169] : memref<79x128xi32, #tpu.memory_space<vmem>> -> memref<1x128xi32, #tpu.memory_space<vmem>>
        %dma_start3A_171 = tpu.memref_squeeze %dma_start3A_170 : memref<1x128xi32, #tpu.memory_space<vmem>> -> memref<128xi32, #tpu.memory_space<vmem>>
        %dma_start3A_172 = arith.constant 0 : i32
        %dma_start3A_173 = arith.constant 0 : i32
        %dma_start3A_174 = tpu.memref_slice %arg27[%dma_start3A_172, %dma_start3A_173] : memref<10112x64xf32, #tpu.memory_space<vmem_shared>> -> memref<10112x64xf32, #tpu.memory_space<vmem_shared>>
        tpu.enqueue_indirect_dma source(%arg25 : memref<128x64xf32, #tpu.memory_space<vmem>>) target(%dma_start3A_174 : memref<10112x64xf32, #tpu.memory_space<vmem_shared>>) offsets(%dma_start3A_171 : memref<128xi32, #tpu.memory_space<vmem>>) semaphore(%arg33 : memref<!tpu.dma_semaphore, #tpu.memory_space<semaphore_mem>>) {add = true}
        %ge3A_175 = arith.constant 1 : i32
        %ge3A_176 = arith.cmpi sge, %add3A_161, %ge3A_175 : i32
        %convert_element_type3A_177 = arith.extui %ge3A_176 : i1 to i32
        %cond3A_178 = arith.constant 0 : i32
        %cond3A_179 = arith.cmpi ne, %convert_element_type3A_177, %cond3A_178 : i32
        scf.if %cond3A_179 {
          %dma_wait3A_187 = arith.constant 0 : i32
          %dma_wait3A_188 = arith.constant 0 : i32
          %dma_wait3A_189 = tpu.memref_slice %arg22[%dma_wait3A_187, %dma_wait3A_188] : memref<79x128xi32, #tpu.memory_space<vmem>> -> memref<1x128xi32, #tpu.memory_space<vmem>>
          %dma_wait3A_190 = tpu.memref_squeeze %dma_wait3A_189 : memref<1x128xi32, #tpu.memory_space<vmem>> -> memref<128xi32, #tpu.memory_space<vmem>>
          %dma_wait3A_191 = arith.constant 0 : i32
          %dma_wait3A_192 = arith.constant 0 : i32
          %dma_wait3A_193 = tpu.memref_slice %arg27[%dma_wait3A_191, %dma_wait3A_192] : memref<10112x64xf32, #tpu.memory_space<vmem_shared>> -> memref<10112x64xf32, #tpu.memory_space<vmem_shared>>
          tpu.wait_indirect_dma semaphore(%arg32 : memref<!tpu.dma_semaphore, #tpu.memory_space<semaphore_mem>>) src(%arg24 : memref<128x64xf32, #tpu.memory_space<vmem>>) dst(%dma_wait3A_193 : memref<10112x64xf32, #tpu.memory_space<vmem_shared>>)
        } else {
        }
        %add3A_180 = arith.constant 2 : i32
        %add3A_181 = arith.addi %add3A_161, %add3A_180 : i32
        %lt3A_182 = arith.constant 79 : i32
        %lt3A_183 = arith.cmpi slt, %add3A_181, %lt3A_182 : i32
        %convert_element_type3A_184 = arith.extui %lt3A_183 : i1 to i32
        %cond3A_185 = arith.constant 0 : i32
        %cond3A_186 = arith.cmpi ne, %convert_element_type3A_184, %cond3A_185 : i32
        scf.if %cond3A_186 {
          %add3A_187 = arith.constant 2 : i32
          %add3A_188 = arith.addi %add3A_161, %add3A_187 : i32
          %dma_start3A_189 = arith.constant 0 : i32
          %dma_start3A_190 = tpu.memref_slice %arg21[%add3A_188, %dma_start3A_189] : memref<79x128xi32, #tpu.memory_space<vmem>> -> memref<1x128xi32, #tpu.memory_space<vmem>>
          %dma_start3A_191 = tpu.memref_squeeze %dma_start3A_190 : memref<1x128xi32, #tpu.memory_space<vmem>> -> memref<128xi32, #tpu.memory_space<vmem>>
          %dma_start3A_192 = arith.constant 0 : i32
          %dma_start3A_193 = arith.constant 0 : i32
          %dma_start3A_194 = tpu.memref_slice %arg26[%dma_start3A_192, %dma_start3A_193] : memref<10000x64xf32, #tpu.memory_space<vmem_shared>> -> memref<10000x64xf32, #tpu.memory_space<vmem_shared>>
          tpu.enqueue_indirect_dma source(%dma_start3A_194 : memref<10000x64xf32, #tpu.memory_space<vmem_shared>>) target(%arg24 : memref<128x64xf32, #tpu.memory_space<vmem>>) offsets(%dma_start3A_191 : memref<128xi32, #tpu.memory_space<vmem>>) semaphore(%arg29 : memref<!tpu.dma_semaphore, #tpu.memory_space<semaphore_mem>>)
        } else {
        }
      }
      %scan3A_68 = arith.constant 26 : i32
      %dma_wait3A = arith.constant 0 : i32
      %dma_wait3A_69 = arith.constant 0 : i32
      %dma_wait3A_70 = tpu.memref_slice %arg21[%dma_wait3A, %dma_wait3A_69] : memref<79x128xi32, #tpu.memory_space<vmem>> -> memref<1x128xi32, #tpu.memory_space<vmem>>
      %dma_wait3A_71 = tpu.memref_squeeze %dma_wait3A_70 : memref<1x128xi32, #tpu.memory_space<vmem>> -> memref<128xi32, #tpu.memory_space<vmem>>
      %dma_wait3A_72 = arith.constant 0 : i32
      %dma_wait3A_73 = arith.constant 0 : i32
      %dma_wait3A_74 = tpu.memref_slice %arg26[%dma_wait3A_72, %dma_wait3A_73] : memref<10000x64xf32, #tpu.memory_space<vmem_shared>> -> memref<10000x64xf32, #tpu.memory_space<vmem_shared>>
      tpu.wait_indirect_dma semaphore(%arg28 : memref<!tpu.dma_semaphore, #tpu.memory_space<semaphore_mem>>) src(%dma_wait3A_74 : memref<10000x64xf32, #tpu.memory_space<vmem_shared>>) dst(%arg23 : memref<128x64xf32, #tpu.memory_space<vmem>>)
      %dma_start3A_75 = arith.constant 78 : i32
      %dma_start3A_76 = arith.constant 0 : i32
      %dma_start3A_77 = tpu.memref_slice %arg22[%dma_start3A_75, %dma_start3A_76] : memref<79x128xi32, #tpu.memory_space<vmem>> -> memref<1x128xi32, #tpu.memory_space<vmem>>
      %dma_start3A_78 = tpu.memref_squeeze %dma_start3A_77 : memref<1x128xi32, #tpu.memory_space<vmem>> -> memref<128xi32, #tpu.memory_space<vmem>>
      %dma_start3A_79 = arith.constant 0 : i32
      %dma_start3A_80 = arith.constant 0 : i32
      %dma_start3A_81 = tpu.memref_slice %arg27[%dma_start3A_79, %dma_start3A_80] : memref<10112x64xf32, #tpu.memory_space<vmem_shared>> -> memref<10112x64xf32, #tpu.memory_space<vmem_shared>>
      tpu.enqueue_indirect_dma source(%arg23 : memref<128x64xf32, #tpu.memory_space<vmem>>) target(%dma_start3A_81 : memref<10112x64xf32, #tpu.memory_space<vmem_shared>>) offsets(%dma_start3A_78 : memref<128xi32, #tpu.memory_space<vmem>>) semaphore(%arg31 : memref<!tpu.dma_semaphore, #tpu.memory_space<semaphore_mem>>) {add = true}
      %dma_wait3A_82 = arith.constant 0 : i32
      %dma_wait3A_83 = arith.constant 0 : i32
      %dma_wait3A_84 = tpu.memref_slice %arg22[%dma_wait3A_82, %dma_wait3A_83] : memref<79x128xi32, #tpu.memory_space<vmem>> -> memref<1x128xi32, #tpu.memory_space<vmem>>
      %dma_wait3A_85 = tpu.memref_squeeze %dma_wait3A_84 : memref<1x128xi32, #tpu.memory_space<vmem>> -> memref<128xi32, #tpu.memory_space<vmem>>
      %dma_wait3A_86 = arith.constant 0 : i32
      %dma_wait3A_87 = arith.constant 0 : i32
      %dma_wait3A_88 = tpu.memref_slice %arg27[%dma_wait3A_86, %dma_wait3A_87] : memref<10112x64xf32, #tpu.memory_space<vmem_shared>> -> memref<10112x64xf32, #tpu.memory_space<vmem_shared>>
      tpu.wait_indirect_dma semaphore(%arg33 : memref<!tpu.dma_semaphore, #tpu.memory_space<semaphore_mem>>) src(%arg25 : memref<128x64xf32, #tpu.memory_space<vmem>>) dst(%dma_wait3A_88 : memref<10112x64xf32, #tpu.memory_space<vmem_shared>>)
      %dma_wait3A_89 = arith.constant 0 : i32
      %dma_wait3A_90 = arith.constant 0 : i32
      %dma_wait3A_91 = tpu.memref_slice %arg22[%dma_wait3A_89, %dma_wait3A_90] : memref<79x128xi32, #tpu.memory_space<vmem>> -> memref<1x128xi32, #tpu.memory_space<vmem>>
      %dma_wait3A_92 = tpu.memref_squeeze %dma_wait3A_91 : memref<1x128xi32, #tpu.memory_space<vmem>> -> memref<128xi32, #tpu.memory_space<vmem>>
      %dma_wait3A_93 = arith.constant 0 : i32
      %dma_wait3A_94 = arith.constant 0 : i32
      %dma_wait3A_95 = tpu.memref_slice %arg27[%dma_wait3A_93, %dma_wait3A_94] : memref<10112x64xf32, #tpu.memory_space<vmem_shared>> -> memref<10112x64xf32, #tpu.memory_space<vmem_shared>>
      tpu.wait_indirect_dma semaphore(%arg31 : memref<!tpu.dma_semaphore, #tpu.memory_space<semaphore_mem>>) src(%arg23 : memref<128x64xf32, #tpu.memory_space<vmem>>) dst(%dma_wait3A_95 : memref<10112x64xf32, #tpu.memory_space<vmem_shared>>)
      %barrier3A_96 = arith.constant 0 : index
      tpu.barrier barrier_id(%barrier3A_96)
      %mul3A_97 = arith.constant 632 : i32
      %mul3A_98 = arith.muli %arg1, %mul3A_97 : i32
      %mul3A_99 = arith.constant 632 : i32
      %mul3A_100 = arith.muli %arg1, %mul3A_99 : i32
      "tpu.region"() ({
        %run_scoped3A = tpu.sem_alloc : memref<!tpu.dma_semaphore, #tpu.memory_space<semaphore_mem>>
        %dma_start3A_101 = arith.constant 0 : i32
        %dma_start3A_102 = tpu.memref_slice %arg17[%mul3A_100, %dma_start3A_101] : memref<10112x64xf32, #tpu.memory_space<hbm>> -> memref<632x64xf32, #tpu.memory_space<hbm>>
        %dma_start3A_103 = arith.constant 0 : i32
        %dma_start3A_104 = tpu.memref_slice %arg27[%mul3A_98, %dma_start3A_103] : memref<10112x64xf32, #tpu.memory_space<vmem_shared>> -> memref<632x64xf32, #tpu.memory_space<vmem_shared>>
        tpu.enqueue_dma source(%dma_start3A_104 : memref<632x64xf32, #tpu.memory_space<vmem_shared>>) target(%dma_start3A_102 : memref<632x64xf32, #tpu.memory_space<hbm>>) target_semaphore(%run_scoped3A : memref<!tpu.dma_semaphore, #tpu.memory_space<semaphore_mem>>)
        %dma_wait3A_105 = arith.constant 0 : i32
        %dma_wait3A_106 = tpu.memref_slice %arg17[%mul3A_100, %dma_wait3A_105] : memref<10112x64xf32, #tpu.memory_space<hbm>> -> memref<632x64xf32, #tpu.memory_space<hbm>>
        %dma_wait3A_107 = arith.constant 0 : i32
        %dma_wait3A_108 = tpu.memref_slice %arg27[%mul3A_98, %dma_wait3A_107] : memref<10112x64xf32, #tpu.memory_space<vmem_shared>> -> memref<632x64xf32, #tpu.memory_space<vmem_shared>>
        tpu.wait_dma2 semaphore(%run_scoped3A : memref<!tpu.dma_semaphore, #tpu.memory_space<semaphore_mem>>) src(%dma_wait3A_108 : memref<632x64xf32, #tpu.memory_space<vmem_shared>>) dst(%dma_wait3A_106 : memref<632x64xf32, #tpu.memory_space<hbm>>)
        tpu.yield
      }) : () -> ()
    } else {
    }
    %barrier3A = arith.constant 0 : index
    tpu.barrier barrier_id(%barrier3A)
    %eq3A_7 = arith.constant 0 : i32
    %eq3A_8 = arith.cmpi eq, %arg0, %eq3A_7 : i32
    %convert_element_type3A_9 = arith.extui %eq3A_8 : i1 to i32
    %cond3A_10 = arith.constant 0 : i32
    %cond3A_11 = arith.cmpi ne, %convert_element_type3A_9, %cond3A_10 : i32
    scf.if %cond3A_11 {
      %lt3A = arith.constant 15 : i32
      %lt3A_40 = arith.cmpi slt, %arg1, %lt3A : i32
      %convert_element_type3A_41 = arith.extui %lt3A_40 : i1 to i32
      %cond3A_42 = arith.constant 0 : i32
      %cond3A_43 = arith.cmpi ne, %convert_element_type3A_41, %cond3A_42 : i32
      scf.if %cond3A_43 {
        %mul3A_101 = arith.constant 632 : i32
        %mul3A_102 = arith.muli %arg1, %mul3A_101 : i32
        %mul3A_103 = arith.constant 632 : i32
        %mul3A_104 = arith.muli %arg1, %mul3A_103 : i32
        "tpu.region"() ({
          %run_scoped3A = tpu.sem_alloc : memref<!tpu.dma_semaphore, #tpu.memory_space<semaphore_mem>>
          %dma_start3A_105 = arith.constant 0 : i32
          %dma_start3A_106 = tpu.memref_slice %arg26[%mul3A_104, %dma_start3A_105] : memref<10000x64xf32, #tpu.memory_space<vmem_shared>> -> memref<632x64xf32, #tpu.memory_space<vmem_shared>>
          %dma_start3A_107 = arith.constant 0 : i32
          %dma_start3A_108 = tpu.memref_slice %arg3[%mul3A_102, %dma_start3A_107] : memref<10000x64xf32, #tpu.memory_space<hbm>> -> memref<632x64xf32, #tpu.memory_space<hbm>>
          tpu.enqueue_dma source(%dma_start3A_108 : memref<632x64xf32, #tpu.memory_space<hbm>>) target(%dma_start3A_106 : memref<632x64xf32, #tpu.memory_space<vmem_shared>>) target_semaphore(%run_scoped3A : memref<!tpu.dma_semaphore, #tpu.memory_space<semaphore_mem>>)
          %dma_wait3A_109 = arith.constant 0 : i32
          %dma_wait3A_110 = tpu.memref_slice %arg26[%mul3A_104, %dma_wait3A_109] : memref<10000x64xf32, #tpu.memory_space<vmem_shared>> -> memref<632x64xf32, #tpu.memory_space<vmem_shared>>
          %dma_wait3A_111 = arith.constant 0 : i32
          %dma_wait3A_112 = tpu.memref_slice %arg3[%mul3A_102, %dma_wait3A_111] : memref<10000x64xf32, #tpu.memory_space<hbm>> -> memref<632x64xf32, #tpu.memory_space<hbm>>
          tpu.wait_dma2 semaphore(%run_scoped3A : memref<!tpu.dma_semaphore, #tpu.memory_space<semaphore_mem>>) src(%dma_wait3A_112 : memref<632x64xf32, #tpu.memory_space<hbm>>) dst(%dma_wait3A_110 : memref<632x64xf32, #tpu.memory_space<vmem_shared>>)
          tpu.yield
        }) : () -> ()
      } else {
      }
      %eq3A_44 = arith.constant 15 : i32
      %eq3A_45 = arith.cmpi eq, %arg1, %eq3A_44 : i32
      %convert_element_type3A_46 = arith.extui %eq3A_45 : i1 to i32
      %cond3A_47 = arith.constant 0 : i32
      %cond3A_48 = arith.cmpi ne, %convert_element_type3A_46, %cond3A_47 : i32
      scf.if %cond3A_48 {
        "tpu.region"() ({
          %run_scoped3A = tpu.sem_alloc : memref<!tpu.dma_semaphore, #tpu.memory_space<semaphore_mem>>
          %dma_start3A_101 = arith.constant 9480 : i32
          %dma_start3A_102 = arith.constant 0 : i32
          %dma_start3A_103 = tpu.memref_slice %arg26[%dma_start3A_101, %dma_start3A_102] : memref<10000x64xf32, #tpu.memory_space<vmem_shared>> -> memref<520x64xf32, #tpu.memory_space<vmem_shared>>
          %dma_start3A_104 = arith.constant 9480 : i32
          %dma_start3A_105 = arith.constant 0 : i32
          %dma_start3A_106 = tpu.memref_slice %arg3[%dma_start3A_104, %dma_start3A_105] : memref<10000x64xf32, #tpu.memory_space<hbm>> -> memref<520x64xf32, #tpu.memory_space<hbm>>
          tpu.enqueue_dma source(%dma_start3A_106 : memref<520x64xf32, #tpu.memory_space<hbm>>) target(%dma_start3A_103 : memref<520x64xf32, #tpu.memory_space<vmem_shared>>) target_semaphore(%run_scoped3A : memref<!tpu.dma_semaphore, #tpu.memory_space<semaphore_mem>>)
          %dma_wait3A_107 = arith.constant 9480 : i32
          %dma_wait3A_108 = arith.constant 0 : i32
          %dma_wait3A_109 = tpu.memref_slice %arg26[%dma_wait3A_107, %dma_wait3A_108] : memref<10000x64xf32, #tpu.memory_space<vmem_shared>> -> memref<520x64xf32, #tpu.memory_space<vmem_shared>>
          %dma_wait3A_110 = arith.constant 9480 : i32
          %dma_wait3A_111 = arith.constant 0 : i32
          %dma_wait3A_112 = tpu.memref_slice %arg3[%dma_wait3A_110, %dma_wait3A_111] : memref<10000x64xf32, #tpu.memory_space<hbm>> -> memref<520x64xf32, #tpu.memory_space<hbm>>
          tpu.wait_dma2 semaphore(%run_scoped3A : memref<!tpu.dma_semaphore, #tpu.memory_space<semaphore_mem>>) src(%dma_wait3A_112 : memref<520x64xf32, #tpu.memory_space<hbm>>) dst(%dma_wait3A_109 : memref<520x64xf32, #tpu.memory_space<vmem_shared>>)
          tpu.yield
        }) : () -> ()
      } else {
      }
      %mul3A = arith.constant 632 : i32
      %mul3A_49 = arith.muli %arg1, %mul3A : i32
      "tpu.region"() ({
        %run_scoped3A = tpu.sem_alloc : memref<!tpu.dma_semaphore, #tpu.memory_space<semaphore_mem>>
        %dma_start3A_101 = arith.constant 0 : i32
        %dma_start3A_102 = tpu.memref_slice %arg27[%mul3A_49, %dma_start3A_101] : memref<10112x64xf32, #tpu.memory_space<vmem_shared>> -> memref<632x64xf32, #tpu.memory_space<vmem_shared>>
        tpu.enqueue_dma source(%arg12 : memref<632x64xf32, #tpu.memory_space<hbm>>) target(%dma_start3A_102 : memref<632x64xf32, #tpu.memory_space<vmem_shared>>) target_semaphore(%run_scoped3A : memref<!tpu.dma_semaphore, #tpu.memory_space<semaphore_mem>>)
        %dma_wait3A_103 = arith.constant 0 : i32
        %dma_wait3A_104 = tpu.memref_slice %arg27[%mul3A_49, %dma_wait3A_103] : memref<10112x64xf32, #tpu.memory_space<vmem_shared>> -> memref<632x64xf32, #tpu.memory_space<vmem_shared>>
        tpu.wait_dma2 semaphore(%run_scoped3A : memref<!tpu.dma_semaphore, #tpu.memory_space<semaphore_mem>>) src(%arg12 : memref<632x64xf32, #tpu.memory_space<hbm>>) dst(%dma_wait3A_104 : memref<632x64xf32, #tpu.memory_space<vmem_shared>>)
        tpu.yield
      }) : () -> ()
      %barrier3A_50 = arith.constant 0 : index
      tpu.barrier barrier_id(%barrier3A_50)
      %dma_start3A = arith.constant 0 : i32
      %dma_start3A_51 = arith.constant 0 : i32
      %dma_start3A_52 = tpu.memref_slice %arg21[%dma_start3A, %dma_start3A_51] : memref<79x128xi32, #tpu.memory_space<vmem>> -> memref<1x128xi32, #tpu.memory_space<vmem>>
      %dma_start3A_53 = tpu.memref_squeeze %dma_start3A_52 : memref<1x128xi32, #tpu.memory_space<vmem>> -> memref<128xi32, #tpu.memory_space<vmem>>
      %dma_start3A_54 = arith.constant 0 : i32
      %dma_start3A_55 = arith.constant 0 : i32
      %dma_start3A_56 = tpu.memref_slice %arg26[%dma_start3A_54, %dma_start3A_55] : memref<10000x64xf32, #tpu.memory_space<vmem_shared>> -> memref<10000x64xf32, #tpu.memory_space<vmem_shared>>
      tpu.enqueue_indirect_dma source(%dma_start3A_56 : memref<10000x64xf32, #tpu.memory_space<vmem_shared>>) target(%arg23 : memref<128x64xf32, #tpu.memory_space<vmem>>) offsets(%dma_start3A_53 : memref<128xi32, #tpu.memory_space<vmem>>) semaphore(%arg28 : memref<!tpu.dma_semaphore, #tpu.memory_space<semaphore_mem>>)
      %dma_start3A_57 = arith.constant 1 : i32
      %dma_start3A_58 = arith.constant 0 : i32
      %dma_start3A_59 = tpu.memref_slice %arg21[%dma_start3A_57, %dma_start3A_58] : memref<79x128xi32, #tpu.memory_space<vmem>> -> memref<1x128xi32, #tpu.memory_space<vmem>>
      %dma_start3A_60 = tpu.memref_squeeze %dma_start3A_59 : memref<1x128xi32, #tpu.memory_space<vmem>> -> memref<128xi32, #tpu.memory_space<vmem>>
      %dma_start3A_61 = arith.constant 0 : i32
      %dma_start3A_62 = arith.constant 0 : i32
      %dma_start3A_63 = tpu.memref_slice %arg26[%dma_start3A_61, %dma_start3A_62] : memref<10000x64xf32, #tpu.memory_space<vmem_shared>> -> memref<10000x64xf32, #tpu.memory_space<vmem_shared>>
      tpu.enqueue_indirect_dma source(%dma_start3A_63 : memref<10000x64xf32, #tpu.memory_space<vmem_shared>>) target(%arg24 : memref<128x64xf32, #tpu.memory_space<vmem>>) offsets(%dma_start3A_60 : memref<128xi32, #tpu.memory_space<vmem>>) semaphore(%arg29 : memref<!tpu.dma_semaphore, #tpu.memory_space<semaphore_mem>>)
      %scan3A = arith.constant 0 : i32
      %scan3A_64 = arith.constant 0 : i32
      %scan3A_65 = arith.constant 26 : i32
      %scan3A_66 = arith.addi %scan3A_64, %scan3A_65 : i32
      %scan3A_67 = arith.constant 1 : i32
      scf.for %scan3A_101 = %scan3A_64 to %scan3A_66 step %scan3A_67  : i32 {
        %mul3A_102 = arith.constant 3 : i32
        %mul3A_103 = arith.muli %mul3A_102, %scan3A_101 : i32
        %add3A = arith.constant 0 : i32
        %add3A_104 = arith.addi %mul3A_103, %add3A : i32
        %dma_wait3A_105 = arith.constant 0 : i32
        %dma_wait3A_106 = arith.constant 0 : i32
        %dma_wait3A_107 = tpu.memref_slice %arg21[%dma_wait3A_105, %dma_wait3A_106] : memref<79x128xi32, #tpu.memory_space<vmem>> -> memref<1x128xi32, #tpu.memory_space<vmem>>
        %dma_wait3A_108 = tpu.memref_squeeze %dma_wait3A_107 : memref<1x128xi32, #tpu.memory_space<vmem>> -> memref<128xi32, #tpu.memory_space<vmem>>
        %dma_wait3A_109 = arith.constant 0 : i32
        %dma_wait3A_110 = arith.constant 0 : i32
        %dma_wait3A_111 = tpu.memref_slice %arg26[%dma_wait3A_109, %dma_wait3A_110] : memref<10000x64xf32, #tpu.memory_space<vmem_shared>> -> memref<10000x64xf32, #tpu.memory_space<vmem_shared>>
        tpu.wait_indirect_dma semaphore(%arg28 : memref<!tpu.dma_semaphore, #tpu.memory_space<semaphore_mem>>) src(%dma_wait3A_111 : memref<10000x64xf32, #tpu.memory_space<vmem_shared>>) dst(%arg23 : memref<128x64xf32, #tpu.memory_space<vmem>>)
        %dma_start3A_112 = arith.constant 0 : i32
        %dma_start3A_113 = tpu.memref_slice %arg22[%add3A_104, %dma_start3A_112] : memref<79x128xi32, #tpu.memory_space<vmem>> -> memref<1x128xi32, #tpu.memory_space<vmem>>
        %dma_start3A_114 = tpu.memref_squeeze %dma_start3A_113 : memref<1x128xi32, #tpu.memory_space<vmem>> -> memref<128xi32, #tpu.memory_space<vmem>>
        %dma_start3A_115 = arith.constant 0 : i32
        %dma_start3A_116 = arith.constant 0 : i32
        %dma_start3A_117 = tpu.memref_slice %arg27[%dma_start3A_115, %dma_start3A_116] : memref<10112x64xf32, #tpu.memory_space<vmem_shared>> -> memref<10112x64xf32, #tpu.memory_space<vmem_shared>>
        tpu.enqueue_indirect_dma source(%arg23 : memref<128x64xf32, #tpu.memory_space<vmem>>) target(%dma_start3A_117 : memref<10112x64xf32, #tpu.memory_space<vmem_shared>>) offsets(%dma_start3A_114 : memref<128xi32, #tpu.memory_space<vmem>>) semaphore(%arg31 : memref<!tpu.dma_semaphore, #tpu.memory_space<semaphore_mem>>) {add = true}
        %ge3A = arith.constant 1 : i32
        %ge3A_118 = arith.cmpi sge, %add3A_104, %ge3A : i32
        %convert_element_type3A_119 = arith.extui %ge3A_118 : i1 to i32
        %cond3A_120 = arith.constant 0 : i32
        %cond3A_121 = arith.cmpi ne, %convert_element_type3A_119, %cond3A_120 : i32
        scf.if %cond3A_121 {
          %dma_wait3A_187 = arith.constant 0 : i32
          %dma_wait3A_188 = arith.constant 0 : i32
          %dma_wait3A_189 = tpu.memref_slice %arg22[%dma_wait3A_187, %dma_wait3A_188] : memref<79x128xi32, #tpu.memory_space<vmem>> -> memref<1x128xi32, #tpu.memory_space<vmem>>
          %dma_wait3A_190 = tpu.memref_squeeze %dma_wait3A_189 : memref<1x128xi32, #tpu.memory_space<vmem>> -> memref<128xi32, #tpu.memory_space<vmem>>
          %dma_wait3A_191 = arith.constant 0 : i32
          %dma_wait3A_192 = arith.constant 0 : i32
          %dma_wait3A_193 = tpu.memref_slice %arg27[%dma_wait3A_191, %dma_wait3A_192] : memref<10112x64xf32, #tpu.memory_space<vmem_shared>> -> memref<10112x64xf32, #tpu.memory_space<vmem_shared>>
          tpu.wait_indirect_dma semaphore(%arg33 : memref<!tpu.dma_semaphore, #tpu.memory_space<semaphore_mem>>) src(%arg25 : memref<128x64xf32, #tpu.memory_space<vmem>>) dst(%dma_wait3A_193 : memref<10112x64xf32, #tpu.memory_space<vmem_shared>>)
        } else {
        }
        %add3A_122 = arith.constant 2 : i32
        %add3A_123 = arith.addi %add3A_104, %add3A_122 : i32
        %lt3A_124 = arith.constant 79 : i32
        %lt3A_125 = arith.cmpi slt, %add3A_123, %lt3A_124 : i32
        %convert_element_type3A_126 = arith.extui %lt3A_125 : i1 to i32
        %cond3A_127 = arith.constant 0 : i32
        %cond3A_128 = arith.cmpi ne, %convert_element_type3A_126, %cond3A_127 : i32
        scf.if %cond3A_128 {
          %add3A_187 = arith.constant 2 : i32
          %add3A_188 = arith.addi %add3A_104, %add3A_187 : i32
          %dma_start3A_189 = arith.constant 0 : i32
          %dma_start3A_190 = tpu.memref_slice %arg21[%add3A_188, %dma_start3A_189] : memref<79x128xi32, #tpu.memory_space<vmem>> -> memref<1x128xi32, #tpu.memory_space<vmem>>
          %dma_start3A_191 = tpu.memref_squeeze %dma_start3A_190 : memref<1x128xi32, #tpu.memory_space<vmem>> -> memref<128xi32, #tpu.memory_space<vmem>>
          %dma_start3A_192 = arith.constant 0 : i32
          %dma_start3A_193 = arith.constant 0 : i32
          %dma_start3A_194 = tpu.memref_slice %arg26[%dma_start3A_192, %dma_start3A_193] : memref<10000x64xf32, #tpu.memory_space<vmem_shared>> -> memref<10000x64xf32, #tpu.memory_space<vmem_shared>>
          tpu.enqueue_indirect_dma source(%dma_start3A_194 : memref<10000x64xf32, #tpu.memory_space<vmem_shared>>) target(%arg25 : memref<128x64xf32, #tpu.memory_space<vmem>>) offsets(%dma_start3A_191 : memref<128xi32, #tpu.memory_space<vmem>>) semaphore(%arg30 : memref<!tpu.dma_semaphore, #tpu.memory_space<semaphore_mem>>)
        } else {
        }
        %mul3A_129 = arith.constant 3 : i32
        %mul3A_130 = arith.muli %mul3A_129, %scan3A_101 : i32
        %add3A_131 = arith.constant 1 : i32
        %add3A_132 = arith.addi %mul3A_130, %add3A_131 : i32
        %dma_wait3A_133 = arith.constant 0 : i32
        %dma_wait3A_134 = arith.constant 0 : i32
        %dma_wait3A_135 = tpu.memref_slice %arg21[%dma_wait3A_133, %dma_wait3A_134] : memref<79x128xi32, #tpu.memory_space<vmem>> -> memref<1x128xi32, #tpu.memory_space<vmem>>
        %dma_wait3A_136 = tpu.memref_squeeze %dma_wait3A_135 : memref<1x128xi32, #tpu.memory_space<vmem>> -> memref<128xi32, #tpu.memory_space<vmem>>
        %dma_wait3A_137 = arith.constant 0 : i32
        %dma_wait3A_138 = arith.constant 0 : i32
        %dma_wait3A_139 = tpu.memref_slice %arg26[%dma_wait3A_137, %dma_wait3A_138] : memref<10000x64xf32, #tpu.memory_space<vmem_shared>> -> memref<10000x64xf32, #tpu.memory_space<vmem_shared>>
        tpu.wait_indirect_dma semaphore(%arg29 : memref<!tpu.dma_semaphore, #tpu.memory_space<semaphore_mem>>) src(%dma_wait3A_139 : memref<10000x64xf32, #tpu.memory_space<vmem_shared>>) dst(%arg24 : memref<128x64xf32, #tpu.memory_space<vmem>>)
        %dma_start3A_140 = arith.constant 0 : i32
        %dma_start3A_141 = tpu.memref_slice %arg22[%add3A_132, %dma_start3A_140] : memref<79x128xi32, #tpu.memory_space<vmem>> -> memref<1x128xi32, #tpu.memory_space<vmem>>
        %dma_start3A_142 = tpu.memref_squeeze %dma_start3A_141 : memref<1x128xi32, #tpu.memory_space<vmem>> -> memref<128xi32, #tpu.memory_space<vmem>>
        %dma_start3A_143 = arith.constant 0 : i32
        %dma_start3A_144 = arith.constant 0 : i32
        %dma_start3A_145 = tpu.memref_slice %arg27[%dma_start3A_143, %dma_start3A_144] : memref<10112x64xf32, #tpu.memory_space<vmem_shared>> -> memref<10112x64xf32, #tpu.memory_space<vmem_shared>>
        tpu.enqueue_indirect_dma source(%arg24 : memref<128x64xf32, #tpu.memory_space<vmem>>) target(%dma_start3A_145 : memref<10112x64xf32, #tpu.memory_space<vmem_shared>>) offsets(%dma_start3A_142 : memref<128xi32, #tpu.memory_space<vmem>>) semaphore(%arg32 : memref<!tpu.dma_semaphore, #tpu.memory_space<semaphore_mem>>) {add = true}
        %ge3A_146 = arith.constant 1 : i32
        %ge3A_147 = arith.cmpi sge, %add3A_132, %ge3A_146 : i32
        %convert_element_type3A_148 = arith.extui %ge3A_147 : i1 to i32
        %cond3A_149 = arith.constant 0 : i32
        %cond3A_150 = arith.cmpi ne, %convert_element_type3A_148, %cond3A_149 : i32
        scf.if %cond3A_150 {
          %dma_wait3A_187 = arith.constant 0 : i32
          %dma_wait3A_188 = arith.constant 0 : i32
          %dma_wait3A_189 = tpu.memref_slice %arg22[%dma_wait3A_187, %dma_wait3A_188] : memref<79x128xi32, #tpu.memory_space<vmem>> -> memref<1x128xi32, #tpu.memory_space<vmem>>
          %dma_wait3A_190 = tpu.memref_squeeze %dma_wait3A_189 : memref<1x128xi32, #tpu.memory_space<vmem>> -> memref<128xi32, #tpu.memory_space<vmem>>
          %dma_wait3A_191 = arith.constant 0 : i32
          %dma_wait3A_192 = arith.constant 0 : i32
          %dma_wait3A_193 = tpu.memref_slice %arg27[%dma_wait3A_191, %dma_wait3A_192] : memref<10112x64xf32, #tpu.memory_space<vmem_shared>> -> memref<10112x64xf32, #tpu.memory_space<vmem_shared>>
          tpu.wait_indirect_dma semaphore(%arg31 : memref<!tpu.dma_semaphore, #tpu.memory_space<semaphore_mem>>) src(%arg23 : memref<128x64xf32, #tpu.memory_space<vmem>>) dst(%dma_wait3A_193 : memref<10112x64xf32, #tpu.memory_space<vmem_shared>>)
        } else {
        }
        %add3A_151 = arith.constant 2 : i32
        %add3A_152 = arith.addi %add3A_132, %add3A_151 : i32
        %lt3A_153 = arith.constant 79 : i32
        %lt3A_154 = arith.cmpi slt, %add3A_152, %lt3A_153 : i32
        %convert_element_type3A_155 = arith.extui %lt3A_154 : i1 to i32
        %cond3A_156 = arith.constant 0 : i32
        %cond3A_157 = arith.cmpi ne, %convert_element_type3A_155, %cond3A_156 : i32
        scf.if %cond3A_157 {
          %add3A_187 = arith.constant 2 : i32
          %add3A_188 = arith.addi %add3A_132, %add3A_187 : i32
          %dma_start3A_189 = arith.constant 0 : i32
          %dma_start3A_190 = tpu.memref_slice %arg21[%add3A_188, %dma_start3A_189] : memref<79x128xi32, #tpu.memory_space<vmem>> -> memref<1x128xi32, #tpu.memory_space<vmem>>
          %dma_start3A_191 = tpu.memref_squeeze %dma_start3A_190 : memref<1x128xi32, #tpu.memory_space<vmem>> -> memref<128xi32, #tpu.memory_space<vmem>>
          %dma_start3A_192 = arith.constant 0 : i32
          %dma_start3A_193 = arith.constant 0 : i32
          %dma_start3A_194 = tpu.memref_slice %arg26[%dma_start3A_192, %dma_start3A_193] : memref<10000x64xf32, #tpu.memory_space<vmem_shared>> -> memref<10000x64xf32, #tpu.memory_space<vmem_shared>>
          tpu.enqueue_indirect_dma source(%dma_start3A_194 : memref<10000x64xf32, #tpu.memory_space<vmem_shared>>) target(%arg23 : memref<128x64xf32, #tpu.memory_space<vmem>>) offsets(%dma_start3A_191 : memref<128xi32, #tpu.memory_space<vmem>>) semaphore(%arg28 : memref<!tpu.dma_semaphore, #tpu.memory_space<semaphore_mem>>)
        } else {
        }
        %mul3A_158 = arith.constant 3 : i32
        %mul3A_159 = arith.muli %mul3A_158, %scan3A_101 : i32
        %add3A_160 = arith.constant 2 : i32
        %add3A_161 = arith.addi %mul3A_159, %add3A_160 : i32
        %dma_wait3A_162 = arith.constant 0 : i32
        %dma_wait3A_163 = arith.constant 0 : i32
        %dma_wait3A_164 = tpu.memref_slice %arg21[%dma_wait3A_162, %dma_wait3A_163] : memref<79x128xi32, #tpu.memory_space<vmem>> -> memref<1x128xi32, #tpu.memory_space<vmem>>
        %dma_wait3A_165 = tpu.memref_squeeze %dma_wait3A_164 : memref<1x128xi32, #tpu.memory_space<vmem>> -> memref<128xi32, #tpu.memory_space<vmem>>
        %dma_wait3A_166 = arith.constant 0 : i32
        %dma_wait3A_167 = arith.constant 0 : i32
        %dma_wait3A_168 = tpu.memref_slice %arg26[%dma_wait3A_166, %dma_wait3A_167] : memref<10000x64xf32, #tpu.memory_space<vmem_shared>> -> memref<10000x64xf32, #tpu.memory_space<vmem_shared>>
        tpu.wait_indirect_dma semaphore(%arg30 : memref<!tpu.dma_semaphore, #tpu.memory_space<semaphore_mem>>) src(%dma_wait3A_168 : memref<10000x64xf32, #tpu.memory_space<vmem_shared>>) dst(%arg25 : memref<128x64xf32, #tpu.memory_space<vmem>>)
        %dma_start3A_169 = arith.constant 0 : i32
        %dma_start3A_170 = tpu.memref_slice %arg22[%add3A_161, %dma_start3A_169] : memref<79x128xi32, #tpu.memory_space<vmem>> -> memref<1x128xi32, #tpu.memory_space<vmem>>
        %dma_start3A_171 = tpu.memref_squeeze %dma_start3A_170 : memref<1x128xi32, #tpu.memory_space<vmem>> -> memref<128xi32, #tpu.memory_space<vmem>>
        %dma_start3A_172 = arith.constant 0 : i32
        %dma_start3A_173 = arith.constant 0 : i32
        %dma_start3A_174 = tpu.memref_slice %arg27[%dma_start3A_172, %dma_start3A_173] : memref<10112x64xf32, #tpu.memory_space<vmem_shared>> -> memref<10112x64xf32, #tpu.memory_space<vmem_shared>>
        tpu.enqueue_indirect_dma source(%arg25 : memref<128x64xf32, #tpu.memory_space<vmem>>) target(%dma_start3A_174 : memref<10112x64xf32, #tpu.memory_space<vmem_shared>>) offsets(%dma_start3A_171 : memref<128xi32, #tpu.memory_space<vmem>>) semaphore(%arg33 : memref<!tpu.dma_semaphore, #tpu.memory_space<semaphore_mem>>) {add = true}
        %ge3A_175 = arith.constant 1 : i32
        %ge3A_176 = arith.cmpi sge, %add3A_161, %ge3A_175 : i32
        %convert_element_type3A_177 = arith.extui %ge3A_176 : i1 to i32
        %cond3A_178 = arith.constant 0 : i32
        %cond3A_179 = arith.cmpi ne, %convert_element_type3A_177, %cond3A_178 : i32
        scf.if %cond3A_179 {
          %dma_wait3A_187 = arith.constant 0 : i32
          %dma_wait3A_188 = arith.constant 0 : i32
          %dma_wait3A_189 = tpu.memref_slice %arg22[%dma_wait3A_187, %dma_wait3A_188] : memref<79x128xi32, #tpu.memory_space<vmem>> -> memref<1x128xi32, #tpu.memory_space<vmem>>
          %dma_wait3A_190 = tpu.memref_squeeze %dma_wait3A_189 : memref<1x128xi32, #tpu.memory_space<vmem>> -> memref<128xi32, #tpu.memory_space<vmem>>
          %dma_wait3A_191 = arith.constant 0 : i32
          %dma_wait3A_192 = arith.constant 0 : i32
          %dma_wait3A_193 = tpu.memref_slice %arg27[%dma_wait3A_191, %dma_wait3A_192] : memref<10112x64xf32, #tpu.memory_space<vmem_shared>> -> memref<10112x64xf32, #tpu.memory_space<vmem_shared>>
          tpu.wait_indirect_dma semaphore(%arg32 : memref<!tpu.dma_semaphore, #tpu.memory_space<semaphore_mem>>) src(%arg24 : memref<128x64xf32, #tpu.memory_space<vmem>>) dst(%dma_wait3A_193 : memref<10112x64xf32, #tpu.memory_space<vmem_shared>>)
        } else {
        }
        %add3A_180 = arith.constant 2 : i32
        %add3A_181 = arith.addi %add3A_161, %add3A_180 : i32
        %lt3A_182 = arith.constant 79 : i32
        %lt3A_183 = arith.cmpi slt, %add3A_181, %lt3A_182 : i32
        %convert_element_type3A_184 = arith.extui %lt3A_183 : i1 to i32
        %cond3A_185 = arith.constant 0 : i32
        %cond3A_186 = arith.cmpi ne, %convert_element_type3A_184, %cond3A_185 : i32
        scf.if %cond3A_186 {
          %add3A_187 = arith.constant 2 : i32
          %add3A_188 = arith.addi %add3A_161, %add3A_187 : i32
          %dma_start3A_189 = arith.constant 0 : i32
          %dma_start3A_190 = tpu.memref_slice %arg21[%add3A_188, %dma_start3A_189] : memref<79x128xi32, #tpu.memory_space<vmem>> -> memref<1x128xi32, #tpu.memory_space<vmem>>
          %dma_start3A_191 = tpu.memref_squeeze %dma_start3A_190 : memref<1x128xi32, #tpu.memory_space<vmem>> -> memref<128xi32, #tpu.memory_space<vmem>>
          %dma_start3A_192 = arith.constant 0 : i32
          %dma_start3A_193 = arith.constant 0 : i32
          %dma_start3A_194 = tpu.memref_slice %arg26[%dma_start3A_192, %dma_start3A_193] : memref<10000x64xf32, #tpu.memory_space<vmem_shared>> -> memref<10000x64xf32, #tpu.memory_space<vmem_shared>>
          tpu.enqueue_indirect_dma source(%dma_start3A_194 : memref<10000x64xf32, #tpu.memory_space<vmem_shared>>) target(%arg24 : memref<128x64xf32, #tpu.memory_space<vmem>>) offsets(%dma_start3A_191 : memref<128xi32, #tpu.memory_space<vmem>>) semaphore(%arg29 : memref<!tpu.dma_semaphore, #tpu.memory_space<semaphore_mem>>)
        } else {
        }
      }
      %scan3A_68 = arith.constant 26 : i32
      %dma_wait3A = arith.constant 0 : i32
      %dma_wait3A_69 = arith.constant 0 : i32
      %dma_wait3A_70 = tpu.memref_slice %arg21[%dma_wait3A, %dma_wait3A_69] : memref<79x128xi32, #tpu.memory_space<vmem>> -> memref<1x128xi32, #tpu.memory_space<vmem>>
      %dma_wait3A_71 = tpu.memref_squeeze %dma_wait3A_70 : memref<1x128xi32, #tpu.memory_space<vmem>> -> memref<128xi32, #tpu.memory_space<vmem>>
      %dma_wait3A_72 = arith.constant 0 : i32
      %dma_wait3A_73 = arith.constant 0 : i32
      %dma_wait3A_74 = tpu.memref_slice %arg26[%dma_wait3A_72, %dma_wait3A_73] : memref<10000x64xf32, #tpu.memory_space<vmem_shared>> -> memref<10000x64xf32, #tpu.memory_space<vmem_shared>>
      tpu.wait_indirect_dma semaphore(%arg28 : memref<!tpu.dma_semaphore, #tpu.memory_space<semaphore_mem>>) src(%dma_wait3A_74 : memref<10000x64xf32, #tpu.memory_space<vmem_shared>>) dst(%arg23 : memref<128x64xf32, #tpu.memory_space<vmem>>)
      %dma_start3A_75 = arith.constant 78 : i32
      %dma_start3A_76 = arith.constant 0 : i32
      %dma_start3A_77 = tpu.memref_slice %arg22[%dma_start3A_75, %dma_start3A_76] : memref<79x128xi32, #tpu.memory_space<vmem>> -> memref<1x128xi32, #tpu.memory_space<vmem>>
      %dma_start3A_78 = tpu.memref_squeeze %dma_start3A_77 : memref<1x128xi32, #tpu.memory_space<vmem>> -> memref<128xi32, #tpu.memory_space<vmem>>
      %dma_start3A_79 = arith.constant 0 : i32
      %dma_start3A_80 = arith.constant 0 : i32
      %dma_start3A_81 = tpu.memref_slice %arg27[%dma_start3A_79, %dma_start3A_80] : memref<10112x64xf32, #tpu.memory_space<vmem_shared>> -> memref<10112x64xf32, #tpu.memory_space<vmem_shared>>
      tpu.enqueue_indirect_dma source(%arg23 : memref<128x64xf32, #tpu.memory_space<vmem>>) target(%dma_start3A_81 : memref<10112x64xf32, #tpu.memory_space<vmem_shared>>) offsets(%dma_start3A_78 : memref<128xi32, #tpu.memory_space<vmem>>) semaphore(%arg31 : memref<!tpu.dma_semaphore, #tpu.memory_space<semaphore_mem>>) {add = true}
      %dma_wait3A_82 = arith.constant 0 : i32
      %dma_wait3A_83 = arith.constant 0 : i32
      %dma_wait3A_84 = tpu.memref_slice %arg22[%dma_wait3A_82, %dma_wait3A_83] : memref<79x128xi32, #tpu.memory_space<vmem>> -> memref<1x128xi32, #tpu.memory_space<vmem>>
      %dma_wait3A_85 = tpu.memref_squeeze %dma_wait3A_84 : memref<1x128xi32, #tpu.memory_space<vmem>> -> memref<128xi32, #tpu.memory_space<vmem>>
      %dma_wait3A_86 = arith.constant 0 : i32
      %dma_wait3A_87 = arith.constant 0 : i32
      %dma_wait3A_88 = tpu.memref_slice %arg27[%dma_wait3A_86, %dma_wait3A_87] : memref<10112x64xf32, #tpu.memory_space<vmem_shared>> -> memref<10112x64xf32, #tpu.memory_space<vmem_shared>>
      tpu.wait_indirect_dma semaphore(%arg33 : memref<!tpu.dma_semaphore, #tpu.memory_space<semaphore_mem>>) src(%arg25 : memref<128x64xf32, #tpu.memory_space<vmem>>) dst(%dma_wait3A_88 : memref<10112x64xf32, #tpu.memory_space<vmem_shared>>)
      %dma_wait3A_89 = arith.constant 0 : i32
      %dma_wait3A_90 = arith.constant 0 : i32
      %dma_wait3A_91 = tpu.memref_slice %arg22[%dma_wait3A_89, %dma_wait3A_90] : memref<79x128xi32, #tpu.memory_space<vmem>> -> memref<1x128xi32, #tpu.memory_space<vmem>>
      %dma_wait3A_92 = tpu.memref_squeeze %dma_wait3A_91 : memref<1x128xi32, #tpu.memory_space<vmem>> -> memref<128xi32, #tpu.memory_space<vmem>>
      %dma_wait3A_93 = arith.constant 0 : i32
      %dma_wait3A_94 = arith.constant 0 : i32
      %dma_wait3A_95 = tpu.memref_slice %arg27[%dma_wait3A_93, %dma_wait3A_94] : memref<10112x64xf32, #tpu.memory_space<vmem_shared>> -> memref<10112x64xf32, #tpu.memory_space<vmem_shared>>
      tpu.wait_indirect_dma semaphore(%arg31 : memref<!tpu.dma_semaphore, #tpu.memory_space<semaphore_mem>>) src(%arg23 : memref<128x64xf32, #tpu.memory_space<vmem>>) dst(%dma_wait3A_95 : memref<10112x64xf32, #tpu.memory_space<vmem_shared>>)
      %barrier3A_96 = arith.constant 0 : index
      tpu.barrier barrier_id(%barrier3A_96)
      %mul3A_97 = arith.constant 632 : i32
      %mul3A_98 = arith.muli %arg1, %mul3A_97 : i32
      %mul3A_99 = arith.constant 632 : i32
      %mul3A_100 = arith.muli %arg1, %mul3A_99 : i32
      "tpu.region"() ({
        %run_scoped3A = tpu.sem_alloc : memref<!tpu.dma_semaphore, #tpu.memory_space<semaphore_mem>>
        %dma_start3A_101 = arith.constant 0 : i32
        %dma_start3A_102 = tpu.memref_slice %arg14[%mul3A_100, %dma_start3A_101] : memref<10112x64xf32, #tpu.memory_space<hbm>> -> memref<632x64xf32, #tpu.memory_space<hbm>>
        %dma_start3A_103 = arith.constant 0 : i32
        %dma_start3A_104 = tpu.memref_slice %arg27[%mul3A_98, %dma_start3A_103] : memref<10112x64xf32, #tpu.memory_space<vmem_shared>> -> memref<632x64xf32, #tpu.memory_space<vmem_shared>>
        tpu.enqueue_dma source(%dma_start3A_104 : memref<632x64xf32, #tpu.memory_space<vmem_shared>>) target(%dma_start3A_102 : memref<632x64xf32, #tpu.memory_space<hbm>>) target_semaphore(%run_scoped3A : memref<!tpu.dma_semaphore, #tpu.memory_space<semaphore_mem>>)
        %dma_wait3A_105 = arith.constant 0 : i32
        %dma_wait3A_106 = tpu.memref_slice %arg14[%mul3A_100, %dma_wait3A_105] : memref<10112x64xf32, #tpu.memory_space<hbm>> -> memref<632x64xf32, #tpu.memory_space<hbm>>
        %dma_wait3A_107 = arith.constant 0 : i32
        %dma_wait3A_108 = tpu.memref_slice %arg27[%mul3A_98, %dma_wait3A_107] : memref<10112x64xf32, #tpu.memory_space<vmem_shared>> -> memref<632x64xf32, #tpu.memory_space<vmem_shared>>
        tpu.wait_dma2 semaphore(%run_scoped3A : memref<!tpu.dma_semaphore, #tpu.memory_space<semaphore_mem>>) src(%dma_wait3A_108 : memref<632x64xf32, #tpu.memory_space<vmem_shared>>) dst(%dma_wait3A_106 : memref<632x64xf32, #tpu.memory_space<hbm>>)
        tpu.yield
      }) : () -> ()
    } else {
    }
    %eq3A_12 = arith.constant 1 : i32
    %eq3A_13 = arith.cmpi eq, %arg0, %eq3A_12 : i32
    %convert_element_type3A_14 = arith.extui %eq3A_13 : i1 to i32
    %cond3A_15 = arith.constant 0 : i32
    %cond3A_16 = arith.cmpi ne, %convert_element_type3A_14, %cond3A_15 : i32
    scf.if %cond3A_16 {
      %lt3A = arith.constant 15 : i32
      %lt3A_40 = arith.cmpi slt, %arg1, %lt3A : i32
      %convert_element_type3A_41 = arith.extui %lt3A_40 : i1 to i32
      %cond3A_42 = arith.constant 0 : i32
      %cond3A_43 = arith.cmpi ne, %convert_element_type3A_41, %cond3A_42 : i32
      scf.if %cond3A_43 {
        %mul3A_101 = arith.constant 632 : i32
        %mul3A_102 = arith.muli %arg1, %mul3A_101 : i32
        %mul3A_103 = arith.constant 632 : i32
        %mul3A_104 = arith.muli %arg1, %mul3A_103 : i32
        "tpu.region"() ({
          %run_scoped3A = tpu.sem_alloc : memref<!tpu.dma_semaphore, #tpu.memory_space<semaphore_mem>>
          %dma_start3A_105 = arith.constant 0 : i32
          %dma_start3A_106 = tpu.memref_slice %arg26[%mul3A_104, %dma_start3A_105] : memref<10000x64xf32, #tpu.memory_space<vmem_shared>> -> memref<632x64xf32, #tpu.memory_space<vmem_shared>>
          %dma_start3A_107 = arith.constant 0 : i32
          %dma_start3A_108 = tpu.memref_slice %arg7[%mul3A_102, %dma_start3A_107] : memref<10000x64xf32, #tpu.memory_space<hbm>> -> memref<632x64xf32, #tpu.memory_space<hbm>>
          tpu.enqueue_dma source(%dma_start3A_108 : memref<632x64xf32, #tpu.memory_space<hbm>>) target(%dma_start3A_106 : memref<632x64xf32, #tpu.memory_space<vmem_shared>>) target_semaphore(%run_scoped3A : memref<!tpu.dma_semaphore, #tpu.memory_space<semaphore_mem>>)
          %dma_wait3A_109 = arith.constant 0 : i32
          %dma_wait3A_110 = tpu.memref_slice %arg26[%mul3A_104, %dma_wait3A_109] : memref<10000x64xf32, #tpu.memory_space<vmem_shared>> -> memref<632x64xf32, #tpu.memory_space<vmem_shared>>
          %dma_wait3A_111 = arith.constant 0 : i32
          %dma_wait3A_112 = tpu.memref_slice %arg7[%mul3A_102, %dma_wait3A_111] : memref<10000x64xf32, #tpu.memory_space<hbm>> -> memref<632x64xf32, #tpu.memory_space<hbm>>
          tpu.wait_dma2 semaphore(%run_scoped3A : memref<!tpu.dma_semaphore, #tpu.memory_space<semaphore_mem>>) src(%dma_wait3A_112 : memref<632x64xf32, #tpu.memory_space<hbm>>) dst(%dma_wait3A_110 : memref<632x64xf32, #tpu.memory_space<vmem_shared>>)
          tpu.yield
        }) : () -> ()
      } else {
      }
      %eq3A_44 = arith.constant 15 : i32
      %eq3A_45 = arith.cmpi eq, %arg1, %eq3A_44 : i32
      %convert_element_type3A_46 = arith.extui %eq3A_45 : i1 to i32
      %cond3A_47 = arith.constant 0 : i32
      %cond3A_48 = arith.cmpi ne, %convert_element_type3A_46, %cond3A_47 : i32
      scf.if %cond3A_48 {
        "tpu.region"() ({
          %run_scoped3A = tpu.sem_alloc : memref<!tpu.dma_semaphore, #tpu.memory_space<semaphore_mem>>
          %dma_start3A_101 = arith.constant 9480 : i32
          %dma_start3A_102 = arith.constant 0 : i32
          %dma_start3A_103 = tpu.memref_slice %arg26[%dma_start3A_101, %dma_start3A_102] : memref<10000x64xf32, #tpu.memory_space<vmem_shared>> -> memref<520x64xf32, #tpu.memory_space<vmem_shared>>
          %dma_start3A_104 = arith.constant 9480 : i32
          %dma_start3A_105 = arith.constant 0 : i32
          %dma_start3A_106 = tpu.memref_slice %arg7[%dma_start3A_104, %dma_start3A_105] : memref<10000x64xf32, #tpu.memory_space<hbm>> -> memref<520x64xf32, #tpu.memory_space<hbm>>
          tpu.enqueue_dma source(%dma_start3A_106 : memref<520x64xf32, #tpu.memory_space<hbm>>) target(%dma_start3A_103 : memref<520x64xf32, #tpu.memory_space<vmem_shared>>) target_semaphore(%run_scoped3A : memref<!tpu.dma_semaphore, #tpu.memory_space<semaphore_mem>>)
          %dma_wait3A_107 = arith.constant 9480 : i32
          %dma_wait3A_108 = arith.constant 0 : i32
          %dma_wait3A_109 = tpu.memref_slice %arg26[%dma_wait3A_107, %dma_wait3A_108] : memref<10000x64xf32, #tpu.memory_space<vmem_shared>> -> memref<520x64xf32, #tpu.memory_space<vmem_shared>>
          %dma_wait3A_110 = arith.constant 9480 : i32
          %dma_wait3A_111 = arith.constant 0 : i32
          %dma_wait3A_112 = tpu.memref_slice %arg7[%dma_wait3A_110, %dma_wait3A_111] : memref<10000x64xf32, #tpu.memory_space<hbm>> -> memref<520x64xf32, #tpu.memory_space<hbm>>
          tpu.wait_dma2 semaphore(%run_scoped3A : memref<!tpu.dma_semaphore, #tpu.memory_space<semaphore_mem>>) src(%dma_wait3A_112 : memref<520x64xf32, #tpu.memory_space<hbm>>) dst(%dma_wait3A_109 : memref<520x64xf32, #tpu.memory_space<vmem_shared>>)
          tpu.yield
        }) : () -> ()
      } else {
      }
      %mul3A = arith.constant 632 : i32
      %mul3A_49 = arith.muli %arg1, %mul3A : i32
      "tpu.region"() ({
        %run_scoped3A = tpu.sem_alloc : memref<!tpu.dma_semaphore, #tpu.memory_space<semaphore_mem>>
        %dma_start3A_101 = arith.constant 0 : i32
        %dma_start3A_102 = tpu.memref_slice %arg27[%mul3A_49, %dma_start3A_101] : memref<10112x64xf32, #tpu.memory_space<vmem_shared>> -> memref<632x64xf32, #tpu.memory_space<vmem_shared>>
        tpu.enqueue_dma source(%arg12 : memref<632x64xf32, #tpu.memory_space<hbm>>) target(%dma_start3A_102 : memref<632x64xf32, #tpu.memory_space<vmem_shared>>) target_semaphore(%run_scoped3A : memref<!tpu.dma_semaphore, #tpu.memory_space<semaphore_mem>>)
        %dma_wait3A_103 = arith.constant 0 : i32
        %dma_wait3A_104 = tpu.memref_slice %arg27[%mul3A_49, %dma_wait3A_103] : memref<10112x64xf32, #tpu.memory_space<vmem_shared>> -> memref<632x64xf32, #tpu.memory_space<vmem_shared>>
        tpu.wait_dma2 semaphore(%run_scoped3A : memref<!tpu.dma_semaphore, #tpu.memory_space<semaphore_mem>>) src(%arg12 : memref<632x64xf32, #tpu.memory_space<hbm>>) dst(%dma_wait3A_104 : memref<632x64xf32, #tpu.memory_space<vmem_shared>>)
        tpu.yield
      }) : () -> ()
      %barrier3A_50 = arith.constant 0 : index
      tpu.barrier barrier_id(%barrier3A_50)
      %dma_start3A = arith.constant 0 : i32
      %dma_start3A_51 = arith.constant 0 : i32
      %dma_start3A_52 = tpu.memref_slice %arg21[%dma_start3A, %dma_start3A_51] : memref<79x128xi32, #tpu.memory_space<vmem>> -> memref<1x128xi32, #tpu.memory_space<vmem>>
      %dma_start3A_53 = tpu.memref_squeeze %dma_start3A_52 : memref<1x128xi32, #tpu.memory_space<vmem>> -> memref<128xi32, #tpu.memory_space<vmem>>
      %dma_start3A_54 = arith.constant 0 : i32
      %dma_start3A_55 = arith.constant 0 : i32
      %dma_start3A_56 = tpu.memref_slice %arg26[%dma_start3A_54, %dma_start3A_55] : memref<10000x64xf32, #tpu.memory_space<vmem_shared>> -> memref<10000x64xf32, #tpu.memory_space<vmem_shared>>
      tpu.enqueue_indirect_dma source(%dma_start3A_56 : memref<10000x64xf32, #tpu.memory_space<vmem_shared>>) target(%arg23 : memref<128x64xf32, #tpu.memory_space<vmem>>) offsets(%dma_start3A_53 : memref<128xi32, #tpu.memory_space<vmem>>) semaphore(%arg28 : memref<!tpu.dma_semaphore, #tpu.memory_space<semaphore_mem>>)
      %dma_start3A_57 = arith.constant 1 : i32
      %dma_start3A_58 = arith.constant 0 : i32
      %dma_start3A_59 = tpu.memref_slice %arg21[%dma_start3A_57, %dma_start3A_58] : memref<79x128xi32, #tpu.memory_space<vmem>> -> memref<1x128xi32, #tpu.memory_space<vmem>>
      %dma_start3A_60 = tpu.memref_squeeze %dma_start3A_59 : memref<1x128xi32, #tpu.memory_space<vmem>> -> memref<128xi32, #tpu.memory_space<vmem>>
      %dma_start3A_61 = arith.constant 0 : i32
      %dma_start3A_62 = arith.constant 0 : i32
      %dma_start3A_63 = tpu.memref_slice %arg26[%dma_start3A_61, %dma_start3A_62] : memref<10000x64xf32, #tpu.memory_space<vmem_shared>> -> memref<10000x64xf32, #tpu.memory_space<vmem_shared>>
      tpu.enqueue_indirect_dma source(%dma_start3A_63 : memref<10000x64xf32, #tpu.memory_space<vmem_shared>>) target(%arg24 : memref<128x64xf32, #tpu.memory_space<vmem>>) offsets(%dma_start3A_60 : memref<128xi32, #tpu.memory_space<vmem>>) semaphore(%arg29 : memref<!tpu.dma_semaphore, #tpu.memory_space<semaphore_mem>>)
      %scan3A = arith.constant 0 : i32
      %scan3A_64 = arith.constant 0 : i32
      %scan3A_65 = arith.constant 26 : i32
      %scan3A_66 = arith.addi %scan3A_64, %scan3A_65 : i32
      %scan3A_67 = arith.constant 1 : i32
      scf.for %scan3A_101 = %scan3A_64 to %scan3A_66 step %scan3A_67  : i32 {
        %mul3A_102 = arith.constant 3 : i32
        %mul3A_103 = arith.muli %mul3A_102, %scan3A_101 : i32
        %add3A = arith.constant 0 : i32
        %add3A_104 = arith.addi %mul3A_103, %add3A : i32
        %dma_wait3A_105 = arith.constant 0 : i32
        %dma_wait3A_106 = arith.constant 0 : i32
        %dma_wait3A_107 = tpu.memref_slice %arg21[%dma_wait3A_105, %dma_wait3A_106] : memref<79x128xi32, #tpu.memory_space<vmem>> -> memref<1x128xi32, #tpu.memory_space<vmem>>
        %dma_wait3A_108 = tpu.memref_squeeze %dma_wait3A_107 : memref<1x128xi32, #tpu.memory_space<vmem>> -> memref<128xi32, #tpu.memory_space<vmem>>
        %dma_wait3A_109 = arith.constant 0 : i32
        %dma_wait3A_110 = arith.constant 0 : i32
        %dma_wait3A_111 = tpu.memref_slice %arg26[%dma_wait3A_109, %dma_wait3A_110] : memref<10000x64xf32, #tpu.memory_space<vmem_shared>> -> memref<10000x64xf32, #tpu.memory_space<vmem_shared>>
        tpu.wait_indirect_dma semaphore(%arg28 : memref<!tpu.dma_semaphore, #tpu.memory_space<semaphore_mem>>) src(%dma_wait3A_111 : memref<10000x64xf32, #tpu.memory_space<vmem_shared>>) dst(%arg23 : memref<128x64xf32, #tpu.memory_space<vmem>>)
        %dma_start3A_112 = arith.constant 0 : i32
        %dma_start3A_113 = tpu.memref_slice %arg22[%add3A_104, %dma_start3A_112] : memref<79x128xi32, #tpu.memory_space<vmem>> -> memref<1x128xi32, #tpu.memory_space<vmem>>
        %dma_start3A_114 = tpu.memref_squeeze %dma_start3A_113 : memref<1x128xi32, #tpu.memory_space<vmem>> -> memref<128xi32, #tpu.memory_space<vmem>>
        %dma_start3A_115 = arith.constant 0 : i32
        %dma_start3A_116 = arith.constant 0 : i32
        %dma_start3A_117 = tpu.memref_slice %arg27[%dma_start3A_115, %dma_start3A_116] : memref<10112x64xf32, #tpu.memory_space<vmem_shared>> -> memref<10112x64xf32, #tpu.memory_space<vmem_shared>>
        tpu.enqueue_indirect_dma source(%arg23 : memref<128x64xf32, #tpu.memory_space<vmem>>) target(%dma_start3A_117 : memref<10112x64xf32, #tpu.memory_space<vmem_shared>>) offsets(%dma_start3A_114 : memref<128xi32, #tpu.memory_space<vmem>>) semaphore(%arg31 : memref<!tpu.dma_semaphore, #tpu.memory_space<semaphore_mem>>) {add = true}
        %ge3A = arith.constant 1 : i32
        %ge3A_118 = arith.cmpi sge, %add3A_104, %ge3A : i32
        %convert_element_type3A_119 = arith.extui %ge3A_118 : i1 to i32
        %cond3A_120 = arith.constant 0 : i32
        %cond3A_121 = arith.cmpi ne, %convert_element_type3A_119, %cond3A_120 : i32
        scf.if %cond3A_121 {
          %dma_wait3A_187 = arith.constant 0 : i32
          %dma_wait3A_188 = arith.constant 0 : i32
          %dma_wait3A_189 = tpu.memref_slice %arg22[%dma_wait3A_187, %dma_wait3A_188] : memref<79x128xi32, #tpu.memory_space<vmem>> -> memref<1x128xi32, #tpu.memory_space<vmem>>
          %dma_wait3A_190 = tpu.memref_squeeze %dma_wait3A_189 : memref<1x128xi32, #tpu.memory_space<vmem>> -> memref<128xi32, #tpu.memory_space<vmem>>
          %dma_wait3A_191 = arith.constant 0 : i32
          %dma_wait3A_192 = arith.constant 0 : i32
          %dma_wait3A_193 = tpu.memref_slice %arg27[%dma_wait3A_191, %dma_wait3A_192] : memref<10112x64xf32, #tpu.memory_space<vmem_shared>> -> memref<10112x64xf32, #tpu.memory_space<vmem_shared>>
          tpu.wait_indirect_dma semaphore(%arg33 : memref<!tpu.dma_semaphore, #tpu.memory_space<semaphore_mem>>) src(%arg25 : memref<128x64xf32, #tpu.memory_space<vmem>>) dst(%dma_wait3A_193 : memref<10112x64xf32, #tpu.memory_space<vmem_shared>>)
        } else {
        }
        %add3A_122 = arith.constant 2 : i32
        %add3A_123 = arith.addi %add3A_104, %add3A_122 : i32
        %lt3A_124 = arith.constant 79 : i32
        %lt3A_125 = arith.cmpi slt, %add3A_123, %lt3A_124 : i32
        %convert_element_type3A_126 = arith.extui %lt3A_125 : i1 to i32
        %cond3A_127 = arith.constant 0 : i32
        %cond3A_128 = arith.cmpi ne, %convert_element_type3A_126, %cond3A_127 : i32
        scf.if %cond3A_128 {
          %add3A_187 = arith.constant 2 : i32
          %add3A_188 = arith.addi %add3A_104, %add3A_187 : i32
          %dma_start3A_189 = arith.constant 0 : i32
          %dma_start3A_190 = tpu.memref_slice %arg21[%add3A_188, %dma_start3A_189] : memref<79x128xi32, #tpu.memory_space<vmem>> -> memref<1x128xi32, #tpu.memory_space<vmem>>
          %dma_start3A_191 = tpu.memref_squeeze %dma_start3A_190 : memref<1x128xi32, #tpu.memory_space<vmem>> -> memref<128xi32, #tpu.memory_space<vmem>>
          %dma_start3A_192 = arith.constant 0 : i32
          %dma_start3A_193 = arith.constant 0 : i32
          %dma_start3A_194 = tpu.memref_slice %arg26[%dma_start3A_192, %dma_start3A_193] : memref<10000x64xf32, #tpu.memory_space<vmem_shared>> -> memref<10000x64xf32, #tpu.memory_space<vmem_shared>>
          tpu.enqueue_indirect_dma source(%dma_start3A_194 : memref<10000x64xf32, #tpu.memory_space<vmem_shared>>) target(%arg25 : memref<128x64xf32, #tpu.memory_space<vmem>>) offsets(%dma_start3A_191 : memref<128xi32, #tpu.memory_space<vmem>>) semaphore(%arg30 : memref<!tpu.dma_semaphore, #tpu.memory_space<semaphore_mem>>)
        } else {
        }
        %mul3A_129 = arith.constant 3 : i32
        %mul3A_130 = arith.muli %mul3A_129, %scan3A_101 : i32
        %add3A_131 = arith.constant 1 : i32
        %add3A_132 = arith.addi %mul3A_130, %add3A_131 : i32
        %dma_wait3A_133 = arith.constant 0 : i32
        %dma_wait3A_134 = arith.constant 0 : i32
        %dma_wait3A_135 = tpu.memref_slice %arg21[%dma_wait3A_133, %dma_wait3A_134] : memref<79x128xi32, #tpu.memory_space<vmem>> -> memref<1x128xi32, #tpu.memory_space<vmem>>
        %dma_wait3A_136 = tpu.memref_squeeze %dma_wait3A_135 : memref<1x128xi32, #tpu.memory_space<vmem>> -> memref<128xi32, #tpu.memory_space<vmem>>
        %dma_wait3A_137 = arith.constant 0 : i32
        %dma_wait3A_138 = arith.constant 0 : i32
        %dma_wait3A_139 = tpu.memref_slice %arg26[%dma_wait3A_137, %dma_wait3A_138] : memref<10000x64xf32, #tpu.memory_space<vmem_shared>> -> memref<10000x64xf32, #tpu.memory_space<vmem_shared>>
        tpu.wait_indirect_dma semaphore(%arg29 : memref<!tpu.dma_semaphore, #tpu.memory_space<semaphore_mem>>) src(%dma_wait3A_139 : memref<10000x64xf32, #tpu.memory_space<vmem_shared>>) dst(%arg24 : memref<128x64xf32, #tpu.memory_space<vmem>>)
        %dma_start3A_140 = arith.constant 0 : i32
        %dma_start3A_141 = tpu.memref_slice %arg22[%add3A_132, %dma_start3A_140] : memref<79x128xi32, #tpu.memory_space<vmem>> -> memref<1x128xi32, #tpu.memory_space<vmem>>
        %dma_start3A_142 = tpu.memref_squeeze %dma_start3A_141 : memref<1x128xi32, #tpu.memory_space<vmem>> -> memref<128xi32, #tpu.memory_space<vmem>>
        %dma_start3A_143 = arith.constant 0 : i32
        %dma_start3A_144 = arith.constant 0 : i32
        %dma_start3A_145 = tpu.memref_slice %arg27[%dma_start3A_143, %dma_start3A_144] : memref<10112x64xf32, #tpu.memory_space<vmem_shared>> -> memref<10112x64xf32, #tpu.memory_space<vmem_shared>>
        tpu.enqueue_indirect_dma source(%arg24 : memref<128x64xf32, #tpu.memory_space<vmem>>) target(%dma_start3A_145 : memref<10112x64xf32, #tpu.memory_space<vmem_shared>>) offsets(%dma_start3A_142 : memref<128xi32, #tpu.memory_space<vmem>>) semaphore(%arg32 : memref<!tpu.dma_semaphore, #tpu.memory_space<semaphore_mem>>) {add = true}
        %ge3A_146 = arith.constant 1 : i32
        %ge3A_147 = arith.cmpi sge, %add3A_132, %ge3A_146 : i32
        %convert_element_type3A_148 = arith.extui %ge3A_147 : i1 to i32
        %cond3A_149 = arith.constant 0 : i32
        %cond3A_150 = arith.cmpi ne, %convert_element_type3A_148, %cond3A_149 : i32
        scf.if %cond3A_150 {
          %dma_wait3A_187 = arith.constant 0 : i32
          %dma_wait3A_188 = arith.constant 0 : i32
          %dma_wait3A_189 = tpu.memref_slice %arg22[%dma_wait3A_187, %dma_wait3A_188] : memref<79x128xi32, #tpu.memory_space<vmem>> -> memref<1x128xi32, #tpu.memory_space<vmem>>
          %dma_wait3A_190 = tpu.memref_squeeze %dma_wait3A_189 : memref<1x128xi32, #tpu.memory_space<vmem>> -> memref<128xi32, #tpu.memory_space<vmem>>
          %dma_wait3A_191 = arith.constant 0 : i32
          %dma_wait3A_192 = arith.constant 0 : i32
          %dma_wait3A_193 = tpu.memref_slice %arg27[%dma_wait3A_191, %dma_wait3A_192] : memref<10112x64xf32, #tpu.memory_space<vmem_shared>> -> memref<10112x64xf32, #tpu.memory_space<vmem_shared>>
          tpu.wait_indirect_dma semaphore(%arg31 : memref<!tpu.dma_semaphore, #tpu.memory_space<semaphore_mem>>) src(%arg23 : memref<128x64xf32, #tpu.memory_space<vmem>>) dst(%dma_wait3A_193 : memref<10112x64xf32, #tpu.memory_space<vmem_shared>>)
        } else {
        }
        %add3A_151 = arith.constant 2 : i32
        %add3A_152 = arith.addi %add3A_132, %add3A_151 : i32
        %lt3A_153 = arith.constant 79 : i32
        %lt3A_154 = arith.cmpi slt, %add3A_152, %lt3A_153 : i32
        %convert_element_type3A_155 = arith.extui %lt3A_154 : i1 to i32
        %cond3A_156 = arith.constant 0 : i32
        %cond3A_157 = arith.cmpi ne, %convert_element_type3A_155, %cond3A_156 : i32
        scf.if %cond3A_157 {
          %add3A_187 = arith.constant 2 : i32
          %add3A_188 = arith.addi %add3A_132, %add3A_187 : i32
          %dma_start3A_189 = arith.constant 0 : i32
          %dma_start3A_190 = tpu.memref_slice %arg21[%add3A_188, %dma_start3A_189] : memref<79x128xi32, #tpu.memory_space<vmem>> -> memref<1x128xi32, #tpu.memory_space<vmem>>
          %dma_start3A_191 = tpu.memref_squeeze %dma_start3A_190 : memref<1x128xi32, #tpu.memory_space<vmem>> -> memref<128xi32, #tpu.memory_space<vmem>>
          %dma_start3A_192 = arith.constant 0 : i32
          %dma_start3A_193 = arith.constant 0 : i32
          %dma_start3A_194 = tpu.memref_slice %arg26[%dma_start3A_192, %dma_start3A_193] : memref<10000x64xf32, #tpu.memory_space<vmem_shared>> -> memref<10000x64xf32, #tpu.memory_space<vmem_shared>>
          tpu.enqueue_indirect_dma source(%dma_start3A_194 : memref<10000x64xf32, #tpu.memory_space<vmem_shared>>) target(%arg23 : memref<128x64xf32, #tpu.memory_space<vmem>>) offsets(%dma_start3A_191 : memref<128xi32, #tpu.memory_space<vmem>>) semaphore(%arg28 : memref<!tpu.dma_semaphore, #tpu.memory_space<semaphore_mem>>)
        } else {
        }
        %mul3A_158 = arith.constant 3 : i32
        %mul3A_159 = arith.muli %mul3A_158, %scan3A_101 : i32
        %add3A_160 = arith.constant 2 : i32
        %add3A_161 = arith.addi %mul3A_159, %add3A_160 : i32
        %dma_wait3A_162 = arith.constant 0 : i32
        %dma_wait3A_163 = arith.constant 0 : i32
        %dma_wait3A_164 = tpu.memref_slice %arg21[%dma_wait3A_162, %dma_wait3A_163] : memref<79x128xi32, #tpu.memory_space<vmem>> -> memref<1x128xi32, #tpu.memory_space<vmem>>
        %dma_wait3A_165 = tpu.memref_squeeze %dma_wait3A_164 : memref<1x128xi32, #tpu.memory_space<vmem>> -> memref<128xi32, #tpu.memory_space<vmem>>
        %dma_wait3A_166 = arith.constant 0 : i32
        %dma_wait3A_167 = arith.constant 0 : i32
        %dma_wait3A_168 = tpu.memref_slice %arg26[%dma_wait3A_166, %dma_wait3A_167] : memref<10000x64xf32, #tpu.memory_space<vmem_shared>> -> memref<10000x64xf32, #tpu.memory_space<vmem_shared>>
        tpu.wait_indirect_dma semaphore(%arg30 : memref<!tpu.dma_semaphore, #tpu.memory_space<semaphore_mem>>) src(%dma_wait3A_168 : memref<10000x64xf32, #tpu.memory_space<vmem_shared>>) dst(%arg25 : memref<128x64xf32, #tpu.memory_space<vmem>>)
        %dma_start3A_169 = arith.constant 0 : i32
        %dma_start3A_170 = tpu.memref_slice %arg22[%add3A_161, %dma_start3A_169] : memref<79x128xi32, #tpu.memory_space<vmem>> -> memref<1x128xi32, #tpu.memory_space<vmem>>
        %dma_start3A_171 = tpu.memref_squeeze %dma_start3A_170 : memref<1x128xi32, #tpu.memory_space<vmem>> -> memref<128xi32, #tpu.memory_space<vmem>>
        %dma_start3A_172 = arith.constant 0 : i32
        %dma_start3A_173 = arith.constant 0 : i32
        %dma_start3A_174 = tpu.memref_slice %arg27[%dma_start3A_172, %dma_start3A_173] : memref<10112x64xf32, #tpu.memory_space<vmem_shared>> -> memref<10112x64xf32, #tpu.memory_space<vmem_shared>>
        tpu.enqueue_indirect_dma source(%arg25 : memref<128x64xf32, #tpu.memory_space<vmem>>) target(%dma_start3A_174 : memref<10112x64xf32, #tpu.memory_space<vmem_shared>>) offsets(%dma_start3A_171 : memref<128xi32, #tpu.memory_space<vmem>>) semaphore(%arg33 : memref<!tpu.dma_semaphore, #tpu.memory_space<semaphore_mem>>) {add = true}
        %ge3A_175 = arith.constant 1 : i32
        %ge3A_176 = arith.cmpi sge, %add3A_161, %ge3A_175 : i32
        %convert_element_type3A_177 = arith.extui %ge3A_176 : i1 to i32
        %cond3A_178 = arith.constant 0 : i32
        %cond3A_179 = arith.cmpi ne, %convert_element_type3A_177, %cond3A_178 : i32
        scf.if %cond3A_179 {
          %dma_wait3A_187 = arith.constant 0 : i32
          %dma_wait3A_188 = arith.constant 0 : i32
          %dma_wait3A_189 = tpu.memref_slice %arg22[%dma_wait3A_187, %dma_wait3A_188] : memref<79x128xi32, #tpu.memory_space<vmem>> -> memref<1x128xi32, #tpu.memory_space<vmem>>
          %dma_wait3A_190 = tpu.memref_squeeze %dma_wait3A_189 : memref<1x128xi32, #tpu.memory_space<vmem>> -> memref<128xi32, #tpu.memory_space<vmem>>
          %dma_wait3A_191 = arith.constant 0 : i32
          %dma_wait3A_192 = arith.constant 0 : i32
          %dma_wait3A_193 = tpu.memref_slice %arg27[%dma_wait3A_191, %dma_wait3A_192] : memref<10112x64xf32, #tpu.memory_space<vmem_shared>> -> memref<10112x64xf32, #tpu.memory_space<vmem_shared>>
          tpu.wait_indirect_dma semaphore(%arg32 : memref<!tpu.dma_semaphore, #tpu.memory_space<semaphore_mem>>) src(%arg24 : memref<128x64xf32, #tpu.memory_space<vmem>>) dst(%dma_wait3A_193 : memref<10112x64xf32, #tpu.memory_space<vmem_shared>>)
        } else {
        }
        %add3A_180 = arith.constant 2 : i32
        %add3A_181 = arith.addi %add3A_161, %add3A_180 : i32
        %lt3A_182 = arith.constant 79 : i32
        %lt3A_183 = arith.cmpi slt, %add3A_181, %lt3A_182 : i32
        %convert_element_type3A_184 = arith.extui %lt3A_183 : i1 to i32
        %cond3A_185 = arith.constant 0 : i32
        %cond3A_186 = arith.cmpi ne, %convert_element_type3A_184, %cond3A_185 : i32
        scf.if %cond3A_186 {
          %add3A_187 = arith.constant 2 : i32
          %add3A_188 = arith.addi %add3A_161, %add3A_187 : i32
          %dma_start3A_189 = arith.constant 0 : i32
          %dma_start3A_190 = tpu.memref_slice %arg21[%add3A_188, %dma_start3A_189] : memref<79x128xi32, #tpu.memory_space<vmem>> -> memref<1x128xi32, #tpu.memory_space<vmem>>
          %dma_start3A_191 = tpu.memref_squeeze %dma_start3A_190 : memref<1x128xi32, #tpu.memory_space<vmem>> -> memref<128xi32, #tpu.memory_space<vmem>>
          %dma_start3A_192 = arith.constant 0 : i32
          %dma_start3A_193 = arith.constant 0 : i32
          %dma_start3A_194 = tpu.memref_slice %arg26[%dma_start3A_192, %dma_start3A_193] : memref<10000x64xf32, #tpu.memory_space<vmem_shared>> -> memref<10000x64xf32, #tpu.memory_space<vmem_shared>>
          tpu.enqueue_indirect_dma source(%dma_start3A_194 : memref<10000x64xf32, #tpu.memory_space<vmem_shared>>) target(%arg24 : memref<128x64xf32, #tpu.memory_space<vmem>>) offsets(%dma_start3A_191 : memref<128xi32, #tpu.memory_space<vmem>>) semaphore(%arg29 : memref<!tpu.dma_semaphore, #tpu.memory_space<semaphore_mem>>)
        } else {
        }
      }
      %scan3A_68 = arith.constant 26 : i32
      %dma_wait3A = arith.constant 0 : i32
      %dma_wait3A_69 = arith.constant 0 : i32
      %dma_wait3A_70 = tpu.memref_slice %arg21[%dma_wait3A, %dma_wait3A_69] : memref<79x128xi32, #tpu.memory_space<vmem>> -> memref<1x128xi32, #tpu.memory_space<vmem>>
      %dma_wait3A_71 = tpu.memref_squeeze %dma_wait3A_70 : memref<1x128xi32, #tpu.memory_space<vmem>> -> memref<128xi32, #tpu.memory_space<vmem>>
      %dma_wait3A_72 = arith.constant 0 : i32
      %dma_wait3A_73 = arith.constant 0 : i32
      %dma_wait3A_74 = tpu.memref_slice %arg26[%dma_wait3A_72, %dma_wait3A_73] : memref<10000x64xf32, #tpu.memory_space<vmem_shared>> -> memref<10000x64xf32, #tpu.memory_space<vmem_shared>>
      tpu.wait_indirect_dma semaphore(%arg28 : memref<!tpu.dma_semaphore, #tpu.memory_space<semaphore_mem>>) src(%dma_wait3A_74 : memref<10000x64xf32, #tpu.memory_space<vmem_shared>>) dst(%arg23 : memref<128x64xf32, #tpu.memory_space<vmem>>)
      %dma_start3A_75 = arith.constant 78 : i32
      %dma_start3A_76 = arith.constant 0 : i32
      %dma_start3A_77 = tpu.memref_slice %arg22[%dma_start3A_75, %dma_start3A_76] : memref<79x128xi32, #tpu.memory_space<vmem>> -> memref<1x128xi32, #tpu.memory_space<vmem>>
      %dma_start3A_78 = tpu.memref_squeeze %dma_start3A_77 : memref<1x128xi32, #tpu.memory_space<vmem>> -> memref<128xi32, #tpu.memory_space<vmem>>
      %dma_start3A_79 = arith.constant 0 : i32
      %dma_start3A_80 = arith.constant 0 : i32
      %dma_start3A_81 = tpu.memref_slice %arg27[%dma_start3A_79, %dma_start3A_80] : memref<10112x64xf32, #tpu.memory_space<vmem_shared>> -> memref<10112x64xf32, #tpu.memory_space<vmem_shared>>
      tpu.enqueue_indirect_dma source(%arg23 : memref<128x64xf32, #tpu.memory_space<vmem>>) target(%dma_start3A_81 : memref<10112x64xf32, #tpu.memory_space<vmem_shared>>) offsets(%dma_start3A_78 : memref<128xi32, #tpu.memory_space<vmem>>) semaphore(%arg31 : memref<!tpu.dma_semaphore, #tpu.memory_space<semaphore_mem>>) {add = true}
      %dma_wait3A_82 = arith.constant 0 : i32
      %dma_wait3A_83 = arith.constant 0 : i32
      %dma_wait3A_84 = tpu.memref_slice %arg22[%dma_wait3A_82, %dma_wait3A_83] : memref<79x128xi32, #tpu.memory_space<vmem>> -> memref<1x128xi32, #tpu.memory_space<vmem>>
      %dma_wait3A_85 = tpu.memref_squeeze %dma_wait3A_84 : memref<1x128xi32, #tpu.memory_space<vmem>> -> memref<128xi32, #tpu.memory_space<vmem>>
      %dma_wait3A_86 = arith.constant 0 : i32
      %dma_wait3A_87 = arith.constant 0 : i32
      %dma_wait3A_88 = tpu.memref_slice %arg27[%dma_wait3A_86, %dma_wait3A_87] : memref<10112x64xf32, #tpu.memory_space<vmem_shared>> -> memref<10112x64xf32, #tpu.memory_space<vmem_shared>>
      tpu.wait_indirect_dma semaphore(%arg33 : memref<!tpu.dma_semaphore, #tpu.memory_space<semaphore_mem>>) src(%arg25 : memref<128x64xf32, #tpu.memory_space<vmem>>) dst(%dma_wait3A_88 : memref<10112x64xf32, #tpu.memory_space<vmem_shared>>)
      %dma_wait3A_89 = arith.constant 0 : i32
      %dma_wait3A_90 = arith.constant 0 : i32
      %dma_wait3A_91 = tpu.memref_slice %arg22[%dma_wait3A_89, %dma_wait3A_90] : memref<79x128xi32, #tpu.memory_space<vmem>> -> memref<1x128xi32, #tpu.memory_space<vmem>>
      %dma_wait3A_92 = tpu.memref_squeeze %dma_wait3A_91 : memref<1x128xi32, #tpu.memory_space<vmem>> -> memref<128xi32, #tpu.memory_space<vmem>>
      %dma_wait3A_93 = arith.constant 0 : i32
      %dma_wait3A_94 = arith.constant 0 : i32
      %dma_wait3A_95 = tpu.memref_slice %arg27[%dma_wait3A_93, %dma_wait3A_94] : memref<10112x64xf32, #tpu.memory_space<vmem_shared>> -> memref<10112x64xf32, #tpu.memory_space<vmem_shared>>
      tpu.wait_indirect_dma semaphore(%arg31 : memref<!tpu.dma_semaphore, #tpu.memory_space<semaphore_mem>>) src(%arg23 : memref<128x64xf32, #tpu.memory_space<vmem>>) dst(%dma_wait3A_95 : memref<10112x64xf32, #tpu.memory_space<vmem_shared>>)
      %barrier3A_96 = arith.constant 0 : index
      tpu.barrier barrier_id(%barrier3A_96)
      %mul3A_97 = arith.constant 632 : i32
      %mul3A_98 = arith.muli %arg1, %mul3A_97 : i32
      %mul3A_99 = arith.constant 632 : i32
      %mul3A_100 = arith.muli %arg1, %mul3A_99 : i32
      "tpu.region"() ({
        %run_scoped3A = tpu.sem_alloc : memref<!tpu.dma_semaphore, #tpu.memory_space<semaphore_mem>>
        %dma_start3A_101 = arith.constant 0 : i32
        %dma_start3A_102 = tpu.memref_slice %arg18[%mul3A_100, %dma_start3A_101] : memref<10112x64xf32, #tpu.memory_space<hbm>> -> memref<632x64xf32, #tpu.memory_space<hbm>>
        %dma_start3A_103 = arith.constant 0 : i32
        %dma_start3A_104 = tpu.memref_slice %arg27[%mul3A_98, %dma_start3A_103] : memref<10112x64xf32, #tpu.memory_space<vmem_shared>> -> memref<632x64xf32, #tpu.memory_space<vmem_shared>>
        tpu.enqueue_dma source(%dma_start3A_104 : memref<632x64xf32, #tpu.memory_space<vmem_shared>>) target(%dma_start3A_102 : memref<632x64xf32, #tpu.memory_space<hbm>>) target_semaphore(%run_scoped3A : memref<!tpu.dma_semaphore, #tpu.memory_space<semaphore_mem>>)
        %dma_wait3A_105 = arith.constant 0 : i32
        %dma_wait3A_106 = tpu.memref_slice %arg18[%mul3A_100, %dma_wait3A_105] : memref<10112x64xf32, #tpu.memory_space<hbm>> -> memref<632x64xf32, #tpu.memory_space<hbm>>
        %dma_wait3A_107 = arith.constant 0 : i32
        %dma_wait3A_108 = tpu.memref_slice %arg27[%mul3A_98, %dma_wait3A_107] : memref<10112x64xf32, #tpu.memory_space<vmem_shared>> -> memref<632x64xf32, #tpu.memory_space<vmem_shared>>
        tpu.wait_dma2 semaphore(%run_scoped3A : memref<!tpu.dma_semaphore, #tpu.memory_space<semaphore_mem>>) src(%dma_wait3A_108 : memref<632x64xf32, #tpu.memory_space<vmem_shared>>) dst(%dma_wait3A_106 : memref<632x64xf32, #tpu.memory_space<hbm>>)
        tpu.yield
      }) : () -> ()
    } else {
    }
    %barrier3A_17 = arith.constant 0 : index
    tpu.barrier barrier_id(%barrier3A_17)
    %eq3A_18 = arith.constant 0 : i32
    %eq3A_19 = arith.cmpi eq, %arg0, %eq3A_18 : i32
    %convert_element_type3A_20 = arith.extui %eq3A_19 : i1 to i32
    %cond3A_21 = arith.constant 0 : i32
    %cond3A_22 = arith.cmpi ne, %convert_element_type3A_20, %cond3A_21 : i32
    scf.if %cond3A_22 {
      %lt3A = arith.constant 15 : i32
      %lt3A_40 = arith.cmpi slt, %arg1, %lt3A : i32
      %convert_element_type3A_41 = arith.extui %lt3A_40 : i1 to i32
      %cond3A_42 = arith.constant 0 : i32
      %cond3A_43 = arith.cmpi ne, %convert_element_type3A_41, %cond3A_42 : i32
      scf.if %cond3A_43 {
        %mul3A_101 = arith.constant 632 : i32
        %mul3A_102 = arith.muli %arg1, %mul3A_101 : i32
        %mul3A_103 = arith.constant 632 : i32
        %mul3A_104 = arith.muli %arg1, %mul3A_103 : i32
        "tpu.region"() ({
          %run_scoped3A = tpu.sem_alloc : memref<!tpu.dma_semaphore, #tpu.memory_space<semaphore_mem>>
          %dma_start3A_105 = arith.constant 0 : i32
          %dma_start3A_106 = tpu.memref_slice %arg26[%mul3A_104, %dma_start3A_105] : memref<10000x64xf32, #tpu.memory_space<vmem_shared>> -> memref<632x64xf32, #tpu.memory_space<vmem_shared>>
          %dma_start3A_107 = arith.constant 0 : i32
          %dma_start3A_108 = tpu.memref_slice %arg4[%mul3A_102, %dma_start3A_107] : memref<10000x64xf32, #tpu.memory_space<hbm>> -> memref<632x64xf32, #tpu.memory_space<hbm>>
          tpu.enqueue_dma source(%dma_start3A_108 : memref<632x64xf32, #tpu.memory_space<hbm>>) target(%dma_start3A_106 : memref<632x64xf32, #tpu.memory_space<vmem_shared>>) target_semaphore(%run_scoped3A : memref<!tpu.dma_semaphore, #tpu.memory_space<semaphore_mem>>)
          %dma_wait3A_109 = arith.constant 0 : i32
          %dma_wait3A_110 = tpu.memref_slice %arg26[%mul3A_104, %dma_wait3A_109] : memref<10000x64xf32, #tpu.memory_space<vmem_shared>> -> memref<632x64xf32, #tpu.memory_space<vmem_shared>>
          %dma_wait3A_111 = arith.constant 0 : i32
          %dma_wait3A_112 = tpu.memref_slice %arg4[%mul3A_102, %dma_wait3A_111] : memref<10000x64xf32, #tpu.memory_space<hbm>> -> memref<632x64xf32, #tpu.memory_space<hbm>>
          tpu.wait_dma2 semaphore(%run_scoped3A : memref<!tpu.dma_semaphore, #tpu.memory_space<semaphore_mem>>) src(%dma_wait3A_112 : memref<632x64xf32, #tpu.memory_space<hbm>>) dst(%dma_wait3A_110 : memref<632x64xf32, #tpu.memory_space<vmem_shared>>)
          tpu.yield
        }) : () -> ()
      } else {
      }
      %eq3A_44 = arith.constant 15 : i32
      %eq3A_45 = arith.cmpi eq, %arg1, %eq3A_44 : i32
      %convert_element_type3A_46 = arith.extui %eq3A_45 : i1 to i32
      %cond3A_47 = arith.constant 0 : i32
      %cond3A_48 = arith.cmpi ne, %convert_element_type3A_46, %cond3A_47 : i32
      scf.if %cond3A_48 {
        "tpu.region"() ({
          %run_scoped3A = tpu.sem_alloc : memref<!tpu.dma_semaphore, #tpu.memory_space<semaphore_mem>>
          %dma_start3A_101 = arith.constant 9480 : i32
          %dma_start3A_102 = arith.constant 0 : i32
          %dma_start3A_103 = tpu.memref_slice %arg26[%dma_start3A_101, %dma_start3A_102] : memref<10000x64xf32, #tpu.memory_space<vmem_shared>> -> memref<520x64xf32, #tpu.memory_space<vmem_shared>>
          %dma_start3A_104 = arith.constant 9480 : i32
          %dma_start3A_105 = arith.constant 0 : i32
          %dma_start3A_106 = tpu.memref_slice %arg4[%dma_start3A_104, %dma_start3A_105] : memref<10000x64xf32, #tpu.memory_space<hbm>> -> memref<520x64xf32, #tpu.memory_space<hbm>>
          tpu.enqueue_dma source(%dma_start3A_106 : memref<520x64xf32, #tpu.memory_space<hbm>>) target(%dma_start3A_103 : memref<520x64xf32, #tpu.memory_space<vmem_shared>>) target_semaphore(%run_scoped3A : memref<!tpu.dma_semaphore, #tpu.memory_space<semaphore_mem>>)
          %dma_wait3A_107 = arith.constant 9480 : i32
          %dma_wait3A_108 = arith.constant 0 : i32
          %dma_wait3A_109 = tpu.memref_slice %arg26[%dma_wait3A_107, %dma_wait3A_108] : memref<10000x64xf32, #tpu.memory_space<vmem_shared>> -> memref<520x64xf32, #tpu.memory_space<vmem_shared>>
          %dma_wait3A_110 = arith.constant 9480 : i32
          %dma_wait3A_111 = arith.constant 0 : i32
          %dma_wait3A_112 = tpu.memref_slice %arg4[%dma_wait3A_110, %dma_wait3A_111] : memref<10000x64xf32, #tpu.memory_space<hbm>> -> memref<520x64xf32, #tpu.memory_space<hbm>>
          tpu.wait_dma2 semaphore(%run_scoped3A : memref<!tpu.dma_semaphore, #tpu.memory_space<semaphore_mem>>) src(%dma_wait3A_112 : memref<520x64xf32, #tpu.memory_space<hbm>>) dst(%dma_wait3A_109 : memref<520x64xf32, #tpu.memory_space<vmem_shared>>)
          tpu.yield
        }) : () -> ()
      } else {
      }
      %mul3A = arith.constant 632 : i32
      %mul3A_49 = arith.muli %arg1, %mul3A : i32
      "tpu.region"() ({
        %run_scoped3A = tpu.sem_alloc : memref<!tpu.dma_semaphore, #tpu.memory_space<semaphore_mem>>
        %dma_start3A_101 = arith.constant 0 : i32
        %dma_start3A_102 = tpu.memref_slice %arg27[%mul3A_49, %dma_start3A_101] : memref<10112x64xf32, #tpu.memory_space<vmem_shared>> -> memref<632x64xf32, #tpu.memory_space<vmem_shared>>
        tpu.enqueue_dma source(%arg12 : memref<632x64xf32, #tpu.memory_space<hbm>>) target(%dma_start3A_102 : memref<632x64xf32, #tpu.memory_space<vmem_shared>>) target_semaphore(%run_scoped3A : memref<!tpu.dma_semaphore, #tpu.memory_space<semaphore_mem>>)
        %dma_wait3A_103 = arith.constant 0 : i32
        %dma_wait3A_104 = tpu.memref_slice %arg27[%mul3A_49, %dma_wait3A_103] : memref<10112x64xf32, #tpu.memory_space<vmem_shared>> -> memref<632x64xf32, #tpu.memory_space<vmem_shared>>
        tpu.wait_dma2 semaphore(%run_scoped3A : memref<!tpu.dma_semaphore, #tpu.memory_space<semaphore_mem>>) src(%arg12 : memref<632x64xf32, #tpu.memory_space<hbm>>) dst(%dma_wait3A_104 : memref<632x64xf32, #tpu.memory_space<vmem_shared>>)
        tpu.yield
      }) : () -> ()
      %barrier3A_50 = arith.constant 0 : index
      tpu.barrier barrier_id(%barrier3A_50)
      %dma_start3A = arith.constant 0 : i32
      %dma_start3A_51 = arith.constant 0 : i32
      %dma_start3A_52 = tpu.memref_slice %arg21[%dma_start3A, %dma_start3A_51] : memref<79x128xi32, #tpu.memory_space<vmem>> -> memref<1x128xi32, #tpu.memory_space<vmem>>
      %dma_start3A_53 = tpu.memref_squeeze %dma_start3A_52 : memref<1x128xi32, #tpu.memory_space<vmem>> -> memref<128xi32, #tpu.memory_space<vmem>>
      %dma_start3A_54 = arith.constant 0 : i32
      %dma_start3A_55 = arith.constant 0 : i32
      %dma_start3A_56 = tpu.memref_slice %arg26[%dma_start3A_54, %dma_start3A_55] : memref<10000x64xf32, #tpu.memory_space<vmem_shared>> -> memref<10000x64xf32, #tpu.memory_space<vmem_shared>>
      tpu.enqueue_indirect_dma source(%dma_start3A_56 : memref<10000x64xf32, #tpu.memory_space<vmem_shared>>) target(%arg23 : memref<128x64xf32, #tpu.memory_space<vmem>>) offsets(%dma_start3A_53 : memref<128xi32, #tpu.memory_space<vmem>>) semaphore(%arg28 : memref<!tpu.dma_semaphore, #tpu.memory_space<semaphore_mem>>)
      %dma_start3A_57 = arith.constant 1 : i32
      %dma_start3A_58 = arith.constant 0 : i32
      %dma_start3A_59 = tpu.memref_slice %arg21[%dma_start3A_57, %dma_start3A_58] : memref<79x128xi32, #tpu.memory_space<vmem>> -> memref<1x128xi32, #tpu.memory_space<vmem>>
      %dma_start3A_60 = tpu.memref_squeeze %dma_start3A_59 : memref<1x128xi32, #tpu.memory_space<vmem>> -> memref<128xi32, #tpu.memory_space<vmem>>
      %dma_start3A_61 = arith.constant 0 : i32
      %dma_start3A_62 = arith.constant 0 : i32
      %dma_start3A_63 = tpu.memref_slice %arg26[%dma_start3A_61, %dma_start3A_62] : memref<10000x64xf32, #tpu.memory_space<vmem_shared>> -> memref<10000x64xf32, #tpu.memory_space<vmem_shared>>
      tpu.enqueue_indirect_dma source(%dma_start3A_63 : memref<10000x64xf32, #tpu.memory_space<vmem_shared>>) target(%arg24 : memref<128x64xf32, #tpu.memory_space<vmem>>) offsets(%dma_start3A_60 : memref<128xi32, #tpu.memory_space<vmem>>) semaphore(%arg29 : memref<!tpu.dma_semaphore, #tpu.memory_space<semaphore_mem>>)
      %scan3A = arith.constant 0 : i32
      %scan3A_64 = arith.constant 0 : i32
      %scan3A_65 = arith.constant 26 : i32
      %scan3A_66 = arith.addi %scan3A_64, %scan3A_65 : i32
      %scan3A_67 = arith.constant 1 : i32
      scf.for %scan3A_101 = %scan3A_64 to %scan3A_66 step %scan3A_67  : i32 {
        %mul3A_102 = arith.constant 3 : i32
        %mul3A_103 = arith.muli %mul3A_102, %scan3A_101 : i32
        %add3A = arith.constant 0 : i32
        %add3A_104 = arith.addi %mul3A_103, %add3A : i32
        %dma_wait3A_105 = arith.constant 0 : i32
        %dma_wait3A_106 = arith.constant 0 : i32
        %dma_wait3A_107 = tpu.memref_slice %arg21[%dma_wait3A_105, %dma_wait3A_106] : memref<79x128xi32, #tpu.memory_space<vmem>> -> memref<1x128xi32, #tpu.memory_space<vmem>>
        %dma_wait3A_108 = tpu.memref_squeeze %dma_wait3A_107 : memref<1x128xi32, #tpu.memory_space<vmem>> -> memref<128xi32, #tpu.memory_space<vmem>>
        %dma_wait3A_109 = arith.constant 0 : i32
        %dma_wait3A_110 = arith.constant 0 : i32
        %dma_wait3A_111 = tpu.memref_slice %arg26[%dma_wait3A_109, %dma_wait3A_110] : memref<10000x64xf32, #tpu.memory_space<vmem_shared>> -> memref<10000x64xf32, #tpu.memory_space<vmem_shared>>
        tpu.wait_indirect_dma semaphore(%arg28 : memref<!tpu.dma_semaphore, #tpu.memory_space<semaphore_mem>>) src(%dma_wait3A_111 : memref<10000x64xf32, #tpu.memory_space<vmem_shared>>) dst(%arg23 : memref<128x64xf32, #tpu.memory_space<vmem>>)
        %dma_start3A_112 = arith.constant 0 : i32
        %dma_start3A_113 = tpu.memref_slice %arg22[%add3A_104, %dma_start3A_112] : memref<79x128xi32, #tpu.memory_space<vmem>> -> memref<1x128xi32, #tpu.memory_space<vmem>>
        %dma_start3A_114 = tpu.memref_squeeze %dma_start3A_113 : memref<1x128xi32, #tpu.memory_space<vmem>> -> memref<128xi32, #tpu.memory_space<vmem>>
        %dma_start3A_115 = arith.constant 0 : i32
        %dma_start3A_116 = arith.constant 0 : i32
        %dma_start3A_117 = tpu.memref_slice %arg27[%dma_start3A_115, %dma_start3A_116] : memref<10112x64xf32, #tpu.memory_space<vmem_shared>> -> memref<10112x64xf32, #tpu.memory_space<vmem_shared>>
        tpu.enqueue_indirect_dma source(%arg23 : memref<128x64xf32, #tpu.memory_space<vmem>>) target(%dma_start3A_117 : memref<10112x64xf32, #tpu.memory_space<vmem_shared>>) offsets(%dma_start3A_114 : memref<128xi32, #tpu.memory_space<vmem>>) semaphore(%arg31 : memref<!tpu.dma_semaphore, #tpu.memory_space<semaphore_mem>>) {add = true}
        %ge3A = arith.constant 1 : i32
        %ge3A_118 = arith.cmpi sge, %add3A_104, %ge3A : i32
        %convert_element_type3A_119 = arith.extui %ge3A_118 : i1 to i32
        %cond3A_120 = arith.constant 0 : i32
        %cond3A_121 = arith.cmpi ne, %convert_element_type3A_119, %cond3A_120 : i32
        scf.if %cond3A_121 {
          %dma_wait3A_187 = arith.constant 0 : i32
          %dma_wait3A_188 = arith.constant 0 : i32
          %dma_wait3A_189 = tpu.memref_slice %arg22[%dma_wait3A_187, %dma_wait3A_188] : memref<79x128xi32, #tpu.memory_space<vmem>> -> memref<1x128xi32, #tpu.memory_space<vmem>>
          %dma_wait3A_190 = tpu.memref_squeeze %dma_wait3A_189 : memref<1x128xi32, #tpu.memory_space<vmem>> -> memref<128xi32, #tpu.memory_space<vmem>>
          %dma_wait3A_191 = arith.constant 0 : i32
          %dma_wait3A_192 = arith.constant 0 : i32
          %dma_wait3A_193 = tpu.memref_slice %arg27[%dma_wait3A_191, %dma_wait3A_192] : memref<10112x64xf32, #tpu.memory_space<vmem_shared>> -> memref<10112x64xf32, #tpu.memory_space<vmem_shared>>
          tpu.wait_indirect_dma semaphore(%arg33 : memref<!tpu.dma_semaphore, #tpu.memory_space<semaphore_mem>>) src(%arg25 : memref<128x64xf32, #tpu.memory_space<vmem>>) dst(%dma_wait3A_193 : memref<10112x64xf32, #tpu.memory_space<vmem_shared>>)
        } else {
        }
        %add3A_122 = arith.constant 2 : i32
        %add3A_123 = arith.addi %add3A_104, %add3A_122 : i32
        %lt3A_124 = arith.constant 79 : i32
        %lt3A_125 = arith.cmpi slt, %add3A_123, %lt3A_124 : i32
        %convert_element_type3A_126 = arith.extui %lt3A_125 : i1 to i32
        %cond3A_127 = arith.constant 0 : i32
        %cond3A_128 = arith.cmpi ne, %convert_element_type3A_126, %cond3A_127 : i32
        scf.if %cond3A_128 {
          %add3A_187 = arith.constant 2 : i32
          %add3A_188 = arith.addi %add3A_104, %add3A_187 : i32
          %dma_start3A_189 = arith.constant 0 : i32
          %dma_start3A_190 = tpu.memref_slice %arg21[%add3A_188, %dma_start3A_189] : memref<79x128xi32, #tpu.memory_space<vmem>> -> memref<1x128xi32, #tpu.memory_space<vmem>>
          %dma_start3A_191 = tpu.memref_squeeze %dma_start3A_190 : memref<1x128xi32, #tpu.memory_space<vmem>> -> memref<128xi32, #tpu.memory_space<vmem>>
          %dma_start3A_192 = arith.constant 0 : i32
          %dma_start3A_193 = arith.constant 0 : i32
          %dma_start3A_194 = tpu.memref_slice %arg26[%dma_start3A_192, %dma_start3A_193] : memref<10000x64xf32, #tpu.memory_space<vmem_shared>> -> memref<10000x64xf32, #tpu.memory_space<vmem_shared>>
          tpu.enqueue_indirect_dma source(%dma_start3A_194 : memref<10000x64xf32, #tpu.memory_space<vmem_shared>>) target(%arg25 : memref<128x64xf32, #tpu.memory_space<vmem>>) offsets(%dma_start3A_191 : memref<128xi32, #tpu.memory_space<vmem>>) semaphore(%arg30 : memref<!tpu.dma_semaphore, #tpu.memory_space<semaphore_mem>>)
        } else {
        }
        %mul3A_129 = arith.constant 3 : i32
        %mul3A_130 = arith.muli %mul3A_129, %scan3A_101 : i32
        %add3A_131 = arith.constant 1 : i32
        %add3A_132 = arith.addi %mul3A_130, %add3A_131 : i32
        %dma_wait3A_133 = arith.constant 0 : i32
        %dma_wait3A_134 = arith.constant 0 : i32
        %dma_wait3A_135 = tpu.memref_slice %arg21[%dma_wait3A_133, %dma_wait3A_134] : memref<79x128xi32, #tpu.memory_space<vmem>> -> memref<1x128xi32, #tpu.memory_space<vmem>>
        %dma_wait3A_136 = tpu.memref_squeeze %dma_wait3A_135 : memref<1x128xi32, #tpu.memory_space<vmem>> -> memref<128xi32, #tpu.memory_space<vmem>>
        %dma_wait3A_137 = arith.constant 0 : i32
        %dma_wait3A_138 = arith.constant 0 : i32
        %dma_wait3A_139 = tpu.memref_slice %arg26[%dma_wait3A_137, %dma_wait3A_138] : memref<10000x64xf32, #tpu.memory_space<vmem_shared>> -> memref<10000x64xf32, #tpu.memory_space<vmem_shared>>
        tpu.wait_indirect_dma semaphore(%arg29 : memref<!tpu.dma_semaphore, #tpu.memory_space<semaphore_mem>>) src(%dma_wait3A_139 : memref<10000x64xf32, #tpu.memory_space<vmem_shared>>) dst(%arg24 : memref<128x64xf32, #tpu.memory_space<vmem>>)
        %dma_start3A_140 = arith.constant 0 : i32
        %dma_start3A_141 = tpu.memref_slice %arg22[%add3A_132, %dma_start3A_140] : memref<79x128xi32, #tpu.memory_space<vmem>> -> memref<1x128xi32, #tpu.memory_space<vmem>>
        %dma_start3A_142 = tpu.memref_squeeze %dma_start3A_141 : memref<1x128xi32, #tpu.memory_space<vmem>> -> memref<128xi32, #tpu.memory_space<vmem>>
        %dma_start3A_143 = arith.constant 0 : i32
        %dma_start3A_144 = arith.constant 0 : i32
        %dma_start3A_145 = tpu.memref_slice %arg27[%dma_start3A_143, %dma_start3A_144] : memref<10112x64xf32, #tpu.memory_space<vmem_shared>> -> memref<10112x64xf32, #tpu.memory_space<vmem_shared>>
        tpu.enqueue_indirect_dma source(%arg24 : memref<128x64xf32, #tpu.memory_space<vmem>>) target(%dma_start3A_145 : memref<10112x64xf32, #tpu.memory_space<vmem_shared>>) offsets(%dma_start3A_142 : memref<128xi32, #tpu.memory_space<vmem>>) semaphore(%arg32 : memref<!tpu.dma_semaphore, #tpu.memory_space<semaphore_mem>>) {add = true}
        %ge3A_146 = arith.constant 1 : i32
        %ge3A_147 = arith.cmpi sge, %add3A_132, %ge3A_146 : i32
        %convert_element_type3A_148 = arith.extui %ge3A_147 : i1 to i32
        %cond3A_149 = arith.constant 0 : i32
        %cond3A_150 = arith.cmpi ne, %convert_element_type3A_148, %cond3A_149 : i32
        scf.if %cond3A_150 {
          %dma_wait3A_187 = arith.constant 0 : i32
          %dma_wait3A_188 = arith.constant 0 : i32
          %dma_wait3A_189 = tpu.memref_slice %arg22[%dma_wait3A_187, %dma_wait3A_188] : memref<79x128xi32, #tpu.memory_space<vmem>> -> memref<1x128xi32, #tpu.memory_space<vmem>>
          %dma_wait3A_190 = tpu.memref_squeeze %dma_wait3A_189 : memref<1x128xi32, #tpu.memory_space<vmem>> -> memref<128xi32, #tpu.memory_space<vmem>>
          %dma_wait3A_191 = arith.constant 0 : i32
          %dma_wait3A_192 = arith.constant 0 : i32
          %dma_wait3A_193 = tpu.memref_slice %arg27[%dma_wait3A_191, %dma_wait3A_192] : memref<10112x64xf32, #tpu.memory_space<vmem_shared>> -> memref<10112x64xf32, #tpu.memory_space<vmem_shared>>
          tpu.wait_indirect_dma semaphore(%arg31 : memref<!tpu.dma_semaphore, #tpu.memory_space<semaphore_mem>>) src(%arg23 : memref<128x64xf32, #tpu.memory_space<vmem>>) dst(%dma_wait3A_193 : memref<10112x64xf32, #tpu.memory_space<vmem_shared>>)
        } else {
        }
        %add3A_151 = arith.constant 2 : i32
        %add3A_152 = arith.addi %add3A_132, %add3A_151 : i32
        %lt3A_153 = arith.constant 79 : i32
        %lt3A_154 = arith.cmpi slt, %add3A_152, %lt3A_153 : i32
        %convert_element_type3A_155 = arith.extui %lt3A_154 : i1 to i32
        %cond3A_156 = arith.constant 0 : i32
        %cond3A_157 = arith.cmpi ne, %convert_element_type3A_155, %cond3A_156 : i32
        scf.if %cond3A_157 {
          %add3A_187 = arith.constant 2 : i32
          %add3A_188 = arith.addi %add3A_132, %add3A_187 : i32
          %dma_start3A_189 = arith.constant 0 : i32
          %dma_start3A_190 = tpu.memref_slice %arg21[%add3A_188, %dma_start3A_189] : memref<79x128xi32, #tpu.memory_space<vmem>> -> memref<1x128xi32, #tpu.memory_space<vmem>>
          %dma_start3A_191 = tpu.memref_squeeze %dma_start3A_190 : memref<1x128xi32, #tpu.memory_space<vmem>> -> memref<128xi32, #tpu.memory_space<vmem>>
          %dma_start3A_192 = arith.constant 0 : i32
          %dma_start3A_193 = arith.constant 0 : i32
          %dma_start3A_194 = tpu.memref_slice %arg26[%dma_start3A_192, %dma_start3A_193] : memref<10000x64xf32, #tpu.memory_space<vmem_shared>> -> memref<10000x64xf32, #tpu.memory_space<vmem_shared>>
          tpu.enqueue_indirect_dma source(%dma_start3A_194 : memref<10000x64xf32, #tpu.memory_space<vmem_shared>>) target(%arg23 : memref<128x64xf32, #tpu.memory_space<vmem>>) offsets(%dma_start3A_191 : memref<128xi32, #tpu.memory_space<vmem>>) semaphore(%arg28 : memref<!tpu.dma_semaphore, #tpu.memory_space<semaphore_mem>>)
        } else {
        }
        %mul3A_158 = arith.constant 3 : i32
        %mul3A_159 = arith.muli %mul3A_158, %scan3A_101 : i32
        %add3A_160 = arith.constant 2 : i32
        %add3A_161 = arith.addi %mul3A_159, %add3A_160 : i32
        %dma_wait3A_162 = arith.constant 0 : i32
        %dma_wait3A_163 = arith.constant 0 : i32
        %dma_wait3A_164 = tpu.memref_slice %arg21[%dma_wait3A_162, %dma_wait3A_163] : memref<79x128xi32, #tpu.memory_space<vmem>> -> memref<1x128xi32, #tpu.memory_space<vmem>>
        %dma_wait3A_165 = tpu.memref_squeeze %dma_wait3A_164 : memref<1x128xi32, #tpu.memory_space<vmem>> -> memref<128xi32, #tpu.memory_space<vmem>>
        %dma_wait3A_166 = arith.constant 0 : i32
        %dma_wait3A_167 = arith.constant 0 : i32
        %dma_wait3A_168 = tpu.memref_slice %arg26[%dma_wait3A_166, %dma_wait3A_167] : memref<10000x64xf32, #tpu.memory_space<vmem_shared>> -> memref<10000x64xf32, #tpu.memory_space<vmem_shared>>
        tpu.wait_indirect_dma semaphore(%arg30 : memref<!tpu.dma_semaphore, #tpu.memory_space<semaphore_mem>>) src(%dma_wait3A_168 : memref<10000x64xf32, #tpu.memory_space<vmem_shared>>) dst(%arg25 : memref<128x64xf32, #tpu.memory_space<vmem>>)
        %dma_start3A_169 = arith.constant 0 : i32
        %dma_start3A_170 = tpu.memref_slice %arg22[%add3A_161, %dma_start3A_169] : memref<79x128xi32, #tpu.memory_space<vmem>> -> memref<1x128xi32, #tpu.memory_space<vmem>>
        %dma_start3A_171 = tpu.memref_squeeze %dma_start3A_170 : memref<1x128xi32, #tpu.memory_space<vmem>> -> memref<128xi32, #tpu.memory_space<vmem>>
        %dma_start3A_172 = arith.constant 0 : i32
        %dma_start3A_173 = arith.constant 0 : i32
        %dma_start3A_174 = tpu.memref_slice %arg27[%dma_start3A_172, %dma_start3A_173] : memref<10112x64xf32, #tpu.memory_space<vmem_shared>> -> memref<10112x64xf32, #tpu.memory_space<vmem_shared>>
        tpu.enqueue_indirect_dma source(%arg25 : memref<128x64xf32, #tpu.memory_space<vmem>>) target(%dma_start3A_174 : memref<10112x64xf32, #tpu.memory_space<vmem_shared>>) offsets(%dma_start3A_171 : memref<128xi32, #tpu.memory_space<vmem>>) semaphore(%arg33 : memref<!tpu.dma_semaphore, #tpu.memory_space<semaphore_mem>>) {add = true}
        %ge3A_175 = arith.constant 1 : i32
        %ge3A_176 = arith.cmpi sge, %add3A_161, %ge3A_175 : i32
        %convert_element_type3A_177 = arith.extui %ge3A_176 : i1 to i32
        %cond3A_178 = arith.constant 0 : i32
        %cond3A_179 = arith.cmpi ne, %convert_element_type3A_177, %cond3A_178 : i32
        scf.if %cond3A_179 {
          %dma_wait3A_187 = arith.constant 0 : i32
          %dma_wait3A_188 = arith.constant 0 : i32
          %dma_wait3A_189 = tpu.memref_slice %arg22[%dma_wait3A_187, %dma_wait3A_188] : memref<79x128xi32, #tpu.memory_space<vmem>> -> memref<1x128xi32, #tpu.memory_space<vmem>>
          %dma_wait3A_190 = tpu.memref_squeeze %dma_wait3A_189 : memref<1x128xi32, #tpu.memory_space<vmem>> -> memref<128xi32, #tpu.memory_space<vmem>>
          %dma_wait3A_191 = arith.constant 0 : i32
          %dma_wait3A_192 = arith.constant 0 : i32
          %dma_wait3A_193 = tpu.memref_slice %arg27[%dma_wait3A_191, %dma_wait3A_192] : memref<10112x64xf32, #tpu.memory_space<vmem_shared>> -> memref<10112x64xf32, #tpu.memory_space<vmem_shared>>
          tpu.wait_indirect_dma semaphore(%arg32 : memref<!tpu.dma_semaphore, #tpu.memory_space<semaphore_mem>>) src(%arg24 : memref<128x64xf32, #tpu.memory_space<vmem>>) dst(%dma_wait3A_193 : memref<10112x64xf32, #tpu.memory_space<vmem_shared>>)
        } else {
        }
        %add3A_180 = arith.constant 2 : i32
        %add3A_181 = arith.addi %add3A_161, %add3A_180 : i32
        %lt3A_182 = arith.constant 79 : i32
        %lt3A_183 = arith.cmpi slt, %add3A_181, %lt3A_182 : i32
        %convert_element_type3A_184 = arith.extui %lt3A_183 : i1 to i32
        %cond3A_185 = arith.constant 0 : i32
        %cond3A_186 = arith.cmpi ne, %convert_element_type3A_184, %cond3A_185 : i32
        scf.if %cond3A_186 {
          %add3A_187 = arith.constant 2 : i32
          %add3A_188 = arith.addi %add3A_161, %add3A_187 : i32
          %dma_start3A_189 = arith.constant 0 : i32
          %dma_start3A_190 = tpu.memref_slice %arg21[%add3A_188, %dma_start3A_189] : memref<79x128xi32, #tpu.memory_space<vmem>> -> memref<1x128xi32, #tpu.memory_space<vmem>>
          %dma_start3A_191 = tpu.memref_squeeze %dma_start3A_190 : memref<1x128xi32, #tpu.memory_space<vmem>> -> memref<128xi32, #tpu.memory_space<vmem>>
          %dma_start3A_192 = arith.constant 0 : i32
          %dma_start3A_193 = arith.constant 0 : i32
          %dma_start3A_194 = tpu.memref_slice %arg26[%dma_start3A_192, %dma_start3A_193] : memref<10000x64xf32, #tpu.memory_space<vmem_shared>> -> memref<10000x64xf32, #tpu.memory_space<vmem_shared>>
          tpu.enqueue_indirect_dma source(%dma_start3A_194 : memref<10000x64xf32, #tpu.memory_space<vmem_shared>>) target(%arg24 : memref<128x64xf32, #tpu.memory_space<vmem>>) offsets(%dma_start3A_191 : memref<128xi32, #tpu.memory_space<vmem>>) semaphore(%arg29 : memref<!tpu.dma_semaphore, #tpu.memory_space<semaphore_mem>>)
        } else {
        }
      }
      %scan3A_68 = arith.constant 26 : i32
      %dma_wait3A = arith.constant 0 : i32
      %dma_wait3A_69 = arith.constant 0 : i32
      %dma_wait3A_70 = tpu.memref_slice %arg21[%dma_wait3A, %dma_wait3A_69] : memref<79x128xi32, #tpu.memory_space<vmem>> -> memref<1x128xi32, #tpu.memory_space<vmem>>
      %dma_wait3A_71 = tpu.memref_squeeze %dma_wait3A_70 : memref<1x128xi32, #tpu.memory_space<vmem>> -> memref<128xi32, #tpu.memory_space<vmem>>
      %dma_wait3A_72 = arith.constant 0 : i32
      %dma_wait3A_73 = arith.constant 0 : i32
      %dma_wait3A_74 = tpu.memref_slice %arg26[%dma_wait3A_72, %dma_wait3A_73] : memref<10000x64xf32, #tpu.memory_space<vmem_shared>> -> memref<10000x64xf32, #tpu.memory_space<vmem_shared>>
      tpu.wait_indirect_dma semaphore(%arg28 : memref<!tpu.dma_semaphore, #tpu.memory_space<semaphore_mem>>) src(%dma_wait3A_74 : memref<10000x64xf32, #tpu.memory_space<vmem_shared>>) dst(%arg23 : memref<128x64xf32, #tpu.memory_space<vmem>>)
      %dma_start3A_75 = arith.constant 78 : i32
      %dma_start3A_76 = arith.constant 0 : i32
      %dma_start3A_77 = tpu.memref_slice %arg22[%dma_start3A_75, %dma_start3A_76] : memref<79x128xi32, #tpu.memory_space<vmem>> -> memref<1x128xi32, #tpu.memory_space<vmem>>
      %dma_start3A_78 = tpu.memref_squeeze %dma_start3A_77 : memref<1x128xi32, #tpu.memory_space<vmem>> -> memref<128xi32, #tpu.memory_space<vmem>>
      %dma_start3A_79 = arith.constant 0 : i32
      %dma_start3A_80 = arith.constant 0 : i32
      %dma_start3A_81 = tpu.memref_slice %arg27[%dma_start3A_79, %dma_start3A_80] : memref<10112x64xf32, #tpu.memory_space<vmem_shared>> -> memref<10112x64xf32, #tpu.memory_space<vmem_shared>>
      tpu.enqueue_indirect_dma source(%arg23 : memref<128x64xf32, #tpu.memory_space<vmem>>) target(%dma_start3A_81 : memref<10112x64xf32, #tpu.memory_space<vmem_shared>>) offsets(%dma_start3A_78 : memref<128xi32, #tpu.memory_space<vmem>>) semaphore(%arg31 : memref<!tpu.dma_semaphore, #tpu.memory_space<semaphore_mem>>) {add = true}
      %dma_wait3A_82 = arith.constant 0 : i32
      %dma_wait3A_83 = arith.constant 0 : i32
      %dma_wait3A_84 = tpu.memref_slice %arg22[%dma_wait3A_82, %dma_wait3A_83] : memref<79x128xi32, #tpu.memory_space<vmem>> -> memref<1x128xi32, #tpu.memory_space<vmem>>
      %dma_wait3A_85 = tpu.memref_squeeze %dma_wait3A_84 : memref<1x128xi32, #tpu.memory_space<vmem>> -> memref<128xi32, #tpu.memory_space<vmem>>
      %dma_wait3A_86 = arith.constant 0 : i32
      %dma_wait3A_87 = arith.constant 0 : i32
      %dma_wait3A_88 = tpu.memref_slice %arg27[%dma_wait3A_86, %dma_wait3A_87] : memref<10112x64xf32, #tpu.memory_space<vmem_shared>> -> memref<10112x64xf32, #tpu.memory_space<vmem_shared>>
      tpu.wait_indirect_dma semaphore(%arg33 : memref<!tpu.dma_semaphore, #tpu.memory_space<semaphore_mem>>) src(%arg25 : memref<128x64xf32, #tpu.memory_space<vmem>>) dst(%dma_wait3A_88 : memref<10112x64xf32, #tpu.memory_space<vmem_shared>>)
      %dma_wait3A_89 = arith.constant 0 : i32
      %dma_wait3A_90 = arith.constant 0 : i32
      %dma_wait3A_91 = tpu.memref_slice %arg22[%dma_wait3A_89, %dma_wait3A_90] : memref<79x128xi32, #tpu.memory_space<vmem>> -> memref<1x128xi32, #tpu.memory_space<vmem>>
      %dma_wait3A_92 = tpu.memref_squeeze %dma_wait3A_91 : memref<1x128xi32, #tpu.memory_space<vmem>> -> memref<128xi32, #tpu.memory_space<vmem>>
      %dma_wait3A_93 = arith.constant 0 : i32
      %dma_wait3A_94 = arith.constant 0 : i32
      %dma_wait3A_95 = tpu.memref_slice %arg27[%dma_wait3A_93, %dma_wait3A_94] : memref<10112x64xf32, #tpu.memory_space<vmem_shared>> -> memref<10112x64xf32, #tpu.memory_space<vmem_shared>>
      tpu.wait_indirect_dma semaphore(%arg31 : memref<!tpu.dma_semaphore, #tpu.memory_space<semaphore_mem>>) src(%arg23 : memref<128x64xf32, #tpu.memory_space<vmem>>) dst(%dma_wait3A_95 : memref<10112x64xf32, #tpu.memory_space<vmem_shared>>)
      %barrier3A_96 = arith.constant 0 : index
      tpu.barrier barrier_id(%barrier3A_96)
      %mul3A_97 = arith.constant 632 : i32
      %mul3A_98 = arith.muli %arg1, %mul3A_97 : i32
      %mul3A_99 = arith.constant 632 : i32
      %mul3A_100 = arith.muli %arg1, %mul3A_99 : i32
      "tpu.region"() ({
        %run_scoped3A = tpu.sem_alloc : memref<!tpu.dma_semaphore, #tpu.memory_space<semaphore_mem>>
        %dma_start3A_101 = arith.constant 0 : i32
        %dma_start3A_102 = tpu.memref_slice %arg15[%mul3A_100, %dma_start3A_101] : memref<10112x64xf32, #tpu.memory_space<hbm>> -> memref<632x64xf32, #tpu.memory_space<hbm>>
        %dma_start3A_103 = arith.constant 0 : i32
        %dma_start3A_104 = tpu.memref_slice %arg27[%mul3A_98, %dma_start3A_103] : memref<10112x64xf32, #tpu.memory_space<vmem_shared>> -> memref<632x64xf32, #tpu.memory_space<vmem_shared>>
        tpu.enqueue_dma source(%dma_start3A_104 : memref<632x64xf32, #tpu.memory_space<vmem_shared>>) target(%dma_start3A_102 : memref<632x64xf32, #tpu.memory_space<hbm>>) target_semaphore(%run_scoped3A : memref<!tpu.dma_semaphore, #tpu.memory_space<semaphore_mem>>)
        %dma_wait3A_105 = arith.constant 0 : i32
        %dma_wait3A_106 = tpu.memref_slice %arg15[%mul3A_100, %dma_wait3A_105] : memref<10112x64xf32, #tpu.memory_space<hbm>> -> memref<632x64xf32, #tpu.memory_space<hbm>>
        %dma_wait3A_107 = arith.constant 0 : i32
        %dma_wait3A_108 = tpu.memref_slice %arg27[%mul3A_98, %dma_wait3A_107] : memref<10112x64xf32, #tpu.memory_space<vmem_shared>> -> memref<632x64xf32, #tpu.memory_space<vmem_shared>>
        tpu.wait_dma2 semaphore(%run_scoped3A : memref<!tpu.dma_semaphore, #tpu.memory_space<semaphore_mem>>) src(%dma_wait3A_108 : memref<632x64xf32, #tpu.memory_space<vmem_shared>>) dst(%dma_wait3A_106 : memref<632x64xf32, #tpu.memory_space<hbm>>)
        tpu.yield
      }) : () -> ()
    } else {
    }
    %eq3A_23 = arith.constant 1 : i32
    %eq3A_24 = arith.cmpi eq, %arg0, %eq3A_23 : i32
    %convert_element_type3A_25 = arith.extui %eq3A_24 : i1 to i32
    %cond3A_26 = arith.constant 0 : i32
    %cond3A_27 = arith.cmpi ne, %convert_element_type3A_25, %cond3A_26 : i32
    scf.if %cond3A_27 {
      %lt3A = arith.constant 15 : i32
      %lt3A_40 = arith.cmpi slt, %arg1, %lt3A : i32
      %convert_element_type3A_41 = arith.extui %lt3A_40 : i1 to i32
      %cond3A_42 = arith.constant 0 : i32
      %cond3A_43 = arith.cmpi ne, %convert_element_type3A_41, %cond3A_42 : i32
      scf.if %cond3A_43 {
        %mul3A_101 = arith.constant 632 : i32
        %mul3A_102 = arith.muli %arg1, %mul3A_101 : i32
        %mul3A_103 = arith.constant 632 : i32
        %mul3A_104 = arith.muli %arg1, %mul3A_103 : i32
        "tpu.region"() ({
          %run_scoped3A = tpu.sem_alloc : memref<!tpu.dma_semaphore, #tpu.memory_space<semaphore_mem>>
          %dma_start3A_105 = arith.constant 0 : i32
          %dma_start3A_106 = tpu.memref_slice %arg26[%mul3A_104, %dma_start3A_105] : memref<10000x64xf32, #tpu.memory_space<vmem_shared>> -> memref<632x64xf32, #tpu.memory_space<vmem_shared>>
          %dma_start3A_107 = arith.constant 0 : i32
          %dma_start3A_108 = tpu.memref_slice %arg8[%mul3A_102, %dma_start3A_107] : memref<10000x64xf32, #tpu.memory_space<hbm>> -> memref<632x64xf32, #tpu.memory_space<hbm>>
          tpu.enqueue_dma source(%dma_start3A_108 : memref<632x64xf32, #tpu.memory_space<hbm>>) target(%dma_start3A_106 : memref<632x64xf32, #tpu.memory_space<vmem_shared>>) target_semaphore(%run_scoped3A : memref<!tpu.dma_semaphore, #tpu.memory_space<semaphore_mem>>)
          %dma_wait3A_109 = arith.constant 0 : i32
          %dma_wait3A_110 = tpu.memref_slice %arg26[%mul3A_104, %dma_wait3A_109] : memref<10000x64xf32, #tpu.memory_space<vmem_shared>> -> memref<632x64xf32, #tpu.memory_space<vmem_shared>>
          %dma_wait3A_111 = arith.constant 0 : i32
          %dma_wait3A_112 = tpu.memref_slice %arg8[%mul3A_102, %dma_wait3A_111] : memref<10000x64xf32, #tpu.memory_space<hbm>> -> memref<632x64xf32, #tpu.memory_space<hbm>>
          tpu.wait_dma2 semaphore(%run_scoped3A : memref<!tpu.dma_semaphore, #tpu.memory_space<semaphore_mem>>) src(%dma_wait3A_112 : memref<632x64xf32, #tpu.memory_space<hbm>>) dst(%dma_wait3A_110 : memref<632x64xf32, #tpu.memory_space<vmem_shared>>)
          tpu.yield
        }) : () -> ()
      } else {
      }
      %eq3A_44 = arith.constant 15 : i32
      %eq3A_45 = arith.cmpi eq, %arg1, %eq3A_44 : i32
      %convert_element_type3A_46 = arith.extui %eq3A_45 : i1 to i32
      %cond3A_47 = arith.constant 0 : i32
      %cond3A_48 = arith.cmpi ne, %convert_element_type3A_46, %cond3A_47 : i32
      scf.if %cond3A_48 {
        "tpu.region"() ({
          %run_scoped3A = tpu.sem_alloc : memref<!tpu.dma_semaphore, #tpu.memory_space<semaphore_mem>>
          %dma_start3A_101 = arith.constant 9480 : i32
          %dma_start3A_102 = arith.constant 0 : i32
          %dma_start3A_103 = tpu.memref_slice %arg26[%dma_start3A_101, %dma_start3A_102] : memref<10000x64xf32, #tpu.memory_space<vmem_shared>> -> memref<520x64xf32, #tpu.memory_space<vmem_shared>>
          %dma_start3A_104 = arith.constant 9480 : i32
          %dma_start3A_105 = arith.constant 0 : i32
          %dma_start3A_106 = tpu.memref_slice %arg8[%dma_start3A_104, %dma_start3A_105] : memref<10000x64xf32, #tpu.memory_space<hbm>> -> memref<520x64xf32, #tpu.memory_space<hbm>>
          tpu.enqueue_dma source(%dma_start3A_106 : memref<520x64xf32, #tpu.memory_space<hbm>>) target(%dma_start3A_103 : memref<520x64xf32, #tpu.memory_space<vmem_shared>>) target_semaphore(%run_scoped3A : memref<!tpu.dma_semaphore, #tpu.memory_space<semaphore_mem>>)
          %dma_wait3A_107 = arith.constant 9480 : i32
          %dma_wait3A_108 = arith.constant 0 : i32
          %dma_wait3A_109 = tpu.memref_slice %arg26[%dma_wait3A_107, %dma_wait3A_108] : memref<10000x64xf32, #tpu.memory_space<vmem_shared>> -> memref<520x64xf32, #tpu.memory_space<vmem_shared>>
          %dma_wait3A_110 = arith.constant 9480 : i32
          %dma_wait3A_111 = arith.constant 0 : i32
          %dma_wait3A_112 = tpu.memref_slice %arg8[%dma_wait3A_110, %dma_wait3A_111] : memref<10000x64xf32, #tpu.memory_space<hbm>> -> memref<520x64xf32, #tpu.memory_space<hbm>>
          tpu.wait_dma2 semaphore(%run_scoped3A : memref<!tpu.dma_semaphore, #tpu.memory_space<semaphore_mem>>) src(%dma_wait3A_112 : memref<520x64xf32, #tpu.memory_space<hbm>>) dst(%dma_wait3A_109 : memref<520x64xf32, #tpu.memory_space<vmem_shared>>)
          tpu.yield
        }) : () -> ()
      } else {
      }
      %mul3A = arith.constant 632 : i32
      %mul3A_49 = arith.muli %arg1, %mul3A : i32
      "tpu.region"() ({
        %run_scoped3A = tpu.sem_alloc : memref<!tpu.dma_semaphore, #tpu.memory_space<semaphore_mem>>
        %dma_start3A_101 = arith.constant 0 : i32
        %dma_start3A_102 = tpu.memref_slice %arg27[%mul3A_49, %dma_start3A_101] : memref<10112x64xf32, #tpu.memory_space<vmem_shared>> -> memref<632x64xf32, #tpu.memory_space<vmem_shared>>
        tpu.enqueue_dma source(%arg12 : memref<632x64xf32, #tpu.memory_space<hbm>>) target(%dma_start3A_102 : memref<632x64xf32, #tpu.memory_space<vmem_shared>>) target_semaphore(%run_scoped3A : memref<!tpu.dma_semaphore, #tpu.memory_space<semaphore_mem>>)
        %dma_wait3A_103 = arith.constant 0 : i32
        %dma_wait3A_104 = tpu.memref_slice %arg27[%mul3A_49, %dma_wait3A_103] : memref<10112x64xf32, #tpu.memory_space<vmem_shared>> -> memref<632x64xf32, #tpu.memory_space<vmem_shared>>
        tpu.wait_dma2 semaphore(%run_scoped3A : memref<!tpu.dma_semaphore, #tpu.memory_space<semaphore_mem>>) src(%arg12 : memref<632x64xf32, #tpu.memory_space<hbm>>) dst(%dma_wait3A_104 : memref<632x64xf32, #tpu.memory_space<vmem_shared>>)
        tpu.yield
      }) : () -> ()
      %barrier3A_50 = arith.constant 0 : index
      tpu.barrier barrier_id(%barrier3A_50)
      %dma_start3A = arith.constant 0 : i32
      %dma_start3A_51 = arith.constant 0 : i32
      %dma_start3A_52 = tpu.memref_slice %arg21[%dma_start3A, %dma_start3A_51] : memref<79x128xi32, #tpu.memory_space<vmem>> -> memref<1x128xi32, #tpu.memory_space<vmem>>
      %dma_start3A_53 = tpu.memref_squeeze %dma_start3A_52 : memref<1x128xi32, #tpu.memory_space<vmem>> -> memref<128xi32, #tpu.memory_space<vmem>>
      %dma_start3A_54 = arith.constant 0 : i32
      %dma_start3A_55 = arith.constant 0 : i32
      %dma_start3A_56 = tpu.memref_slice %arg26[%dma_start3A_54, %dma_start3A_55] : memref<10000x64xf32, #tpu.memory_space<vmem_shared>> -> memref<10000x64xf32, #tpu.memory_space<vmem_shared>>
      tpu.enqueue_indirect_dma source(%dma_start3A_56 : memref<10000x64xf32, #tpu.memory_space<vmem_shared>>) target(%arg23 : memref<128x64xf32, #tpu.memory_space<vmem>>) offsets(%dma_start3A_53 : memref<128xi32, #tpu.memory_space<vmem>>) semaphore(%arg28 : memref<!tpu.dma_semaphore, #tpu.memory_space<semaphore_mem>>)
      %dma_start3A_57 = arith.constant 1 : i32
      %dma_start3A_58 = arith.constant 0 : i32
      %dma_start3A_59 = tpu.memref_slice %arg21[%dma_start3A_57, %dma_start3A_58] : memref<79x128xi32, #tpu.memory_space<vmem>> -> memref<1x128xi32, #tpu.memory_space<vmem>>
      %dma_start3A_60 = tpu.memref_squeeze %dma_start3A_59 : memref<1x128xi32, #tpu.memory_space<vmem>> -> memref<128xi32, #tpu.memory_space<vmem>>
      %dma_start3A_61 = arith.constant 0 : i32
      %dma_start3A_62 = arith.constant 0 : i32
      %dma_start3A_63 = tpu.memref_slice %arg26[%dma_start3A_61, %dma_start3A_62] : memref<10000x64xf32, #tpu.memory_space<vmem_shared>> -> memref<10000x64xf32, #tpu.memory_space<vmem_shared>>
      tpu.enqueue_indirect_dma source(%dma_start3A_63 : memref<10000x64xf32, #tpu.memory_space<vmem_shared>>) target(%arg24 : memref<128x64xf32, #tpu.memory_space<vmem>>) offsets(%dma_start3A_60 : memref<128xi32, #tpu.memory_space<vmem>>) semaphore(%arg29 : memref<!tpu.dma_semaphore, #tpu.memory_space<semaphore_mem>>)
      %scan3A = arith.constant 0 : i32
      %scan3A_64 = arith.constant 0 : i32
      %scan3A_65 = arith.constant 26 : i32
      %scan3A_66 = arith.addi %scan3A_64, %scan3A_65 : i32
      %scan3A_67 = arith.constant 1 : i32
      scf.for %scan3A_101 = %scan3A_64 to %scan3A_66 step %scan3A_67  : i32 {
        %mul3A_102 = arith.constant 3 : i32
        %mul3A_103 = arith.muli %mul3A_102, %scan3A_101 : i32
        %add3A = arith.constant 0 : i32
        %add3A_104 = arith.addi %mul3A_103, %add3A : i32
        %dma_wait3A_105 = arith.constant 0 : i32
        %dma_wait3A_106 = arith.constant 0 : i32
        %dma_wait3A_107 = tpu.memref_slice %arg21[%dma_wait3A_105, %dma_wait3A_106] : memref<79x128xi32, #tpu.memory_space<vmem>> -> memref<1x128xi32, #tpu.memory_space<vmem>>
        %dma_wait3A_108 = tpu.memref_squeeze %dma_wait3A_107 : memref<1x128xi32, #tpu.memory_space<vmem>> -> memref<128xi32, #tpu.memory_space<vmem>>
        %dma_wait3A_109 = arith.constant 0 : i32
        %dma_wait3A_110 = arith.constant 0 : i32
        %dma_wait3A_111 = tpu.memref_slice %arg26[%dma_wait3A_109, %dma_wait3A_110] : memref<10000x64xf32, #tpu.memory_space<vmem_shared>> -> memref<10000x64xf32, #tpu.memory_space<vmem_shared>>
        tpu.wait_indirect_dma semaphore(%arg28 : memref<!tpu.dma_semaphore, #tpu.memory_space<semaphore_mem>>) src(%dma_wait3A_111 : memref<10000x64xf32, #tpu.memory_space<vmem_shared>>) dst(%arg23 : memref<128x64xf32, #tpu.memory_space<vmem>>)
        %dma_start3A_112 = arith.constant 0 : i32
        %dma_start3A_113 = tpu.memref_slice %arg22[%add3A_104, %dma_start3A_112] : memref<79x128xi32, #tpu.memory_space<vmem>> -> memref<1x128xi32, #tpu.memory_space<vmem>>
        %dma_start3A_114 = tpu.memref_squeeze %dma_start3A_113 : memref<1x128xi32, #tpu.memory_space<vmem>> -> memref<128xi32, #tpu.memory_space<vmem>>
        %dma_start3A_115 = arith.constant 0 : i32
        %dma_start3A_116 = arith.constant 0 : i32
        %dma_start3A_117 = tpu.memref_slice %arg27[%dma_start3A_115, %dma_start3A_116] : memref<10112x64xf32, #tpu.memory_space<vmem_shared>> -> memref<10112x64xf32, #tpu.memory_space<vmem_shared>>
        tpu.enqueue_indirect_dma source(%arg23 : memref<128x64xf32, #tpu.memory_space<vmem>>) target(%dma_start3A_117 : memref<10112x64xf32, #tpu.memory_space<vmem_shared>>) offsets(%dma_start3A_114 : memref<128xi32, #tpu.memory_space<vmem>>) semaphore(%arg31 : memref<!tpu.dma_semaphore, #tpu.memory_space<semaphore_mem>>) {add = true}
        %ge3A = arith.constant 1 : i32
        %ge3A_118 = arith.cmpi sge, %add3A_104, %ge3A : i32
        %convert_element_type3A_119 = arith.extui %ge3A_118 : i1 to i32
        %cond3A_120 = arith.constant 0 : i32
        %cond3A_121 = arith.cmpi ne, %convert_element_type3A_119, %cond3A_120 : i32
        scf.if %cond3A_121 {
          %dma_wait3A_187 = arith.constant 0 : i32
          %dma_wait3A_188 = arith.constant 0 : i32
          %dma_wait3A_189 = tpu.memref_slice %arg22[%dma_wait3A_187, %dma_wait3A_188] : memref<79x128xi32, #tpu.memory_space<vmem>> -> memref<1x128xi32, #tpu.memory_space<vmem>>
          %dma_wait3A_190 = tpu.memref_squeeze %dma_wait3A_189 : memref<1x128xi32, #tpu.memory_space<vmem>> -> memref<128xi32, #tpu.memory_space<vmem>>
          %dma_wait3A_191 = arith.constant 0 : i32
          %dma_wait3A_192 = arith.constant 0 : i32
          %dma_wait3A_193 = tpu.memref_slice %arg27[%dma_wait3A_191, %dma_wait3A_192] : memref<10112x64xf32, #tpu.memory_space<vmem_shared>> -> memref<10112x64xf32, #tpu.memory_space<vmem_shared>>
          tpu.wait_indirect_dma semaphore(%arg33 : memref<!tpu.dma_semaphore, #tpu.memory_space<semaphore_mem>>) src(%arg25 : memref<128x64xf32, #tpu.memory_space<vmem>>) dst(%dma_wait3A_193 : memref<10112x64xf32, #tpu.memory_space<vmem_shared>>)
        } else {
        }
        %add3A_122 = arith.constant 2 : i32
        %add3A_123 = arith.addi %add3A_104, %add3A_122 : i32
        %lt3A_124 = arith.constant 79 : i32
        %lt3A_125 = arith.cmpi slt, %add3A_123, %lt3A_124 : i32
        %convert_element_type3A_126 = arith.extui %lt3A_125 : i1 to i32
        %cond3A_127 = arith.constant 0 : i32
        %cond3A_128 = arith.cmpi ne, %convert_element_type3A_126, %cond3A_127 : i32
        scf.if %cond3A_128 {
          %add3A_187 = arith.constant 2 : i32
          %add3A_188 = arith.addi %add3A_104, %add3A_187 : i32
          %dma_start3A_189 = arith.constant 0 : i32
          %dma_start3A_190 = tpu.memref_slice %arg21[%add3A_188, %dma_start3A_189] : memref<79x128xi32, #tpu.memory_space<vmem>> -> memref<1x128xi32, #tpu.memory_space<vmem>>
          %dma_start3A_191 = tpu.memref_squeeze %dma_start3A_190 : memref<1x128xi32, #tpu.memory_space<vmem>> -> memref<128xi32, #tpu.memory_space<vmem>>
          %dma_start3A_192 = arith.constant 0 : i32
          %dma_start3A_193 = arith.constant 0 : i32
          %dma_start3A_194 = tpu.memref_slice %arg26[%dma_start3A_192, %dma_start3A_193] : memref<10000x64xf32, #tpu.memory_space<vmem_shared>> -> memref<10000x64xf32, #tpu.memory_space<vmem_shared>>
          tpu.enqueue_indirect_dma source(%dma_start3A_194 : memref<10000x64xf32, #tpu.memory_space<vmem_shared>>) target(%arg25 : memref<128x64xf32, #tpu.memory_space<vmem>>) offsets(%dma_start3A_191 : memref<128xi32, #tpu.memory_space<vmem>>) semaphore(%arg30 : memref<!tpu.dma_semaphore, #tpu.memory_space<semaphore_mem>>)
        } else {
        }
        %mul3A_129 = arith.constant 3 : i32
        %mul3A_130 = arith.muli %mul3A_129, %scan3A_101 : i32
        %add3A_131 = arith.constant 1 : i32
        %add3A_132 = arith.addi %mul3A_130, %add3A_131 : i32
        %dma_wait3A_133 = arith.constant 0 : i32
        %dma_wait3A_134 = arith.constant 0 : i32
        %dma_wait3A_135 = tpu.memref_slice %arg21[%dma_wait3A_133, %dma_wait3A_134] : memref<79x128xi32, #tpu.memory_space<vmem>> -> memref<1x128xi32, #tpu.memory_space<vmem>>
        %dma_wait3A_136 = tpu.memref_squeeze %dma_wait3A_135 : memref<1x128xi32, #tpu.memory_space<vmem>> -> memref<128xi32, #tpu.memory_space<vmem>>
        %dma_wait3A_137 = arith.constant 0 : i32
        %dma_wait3A_138 = arith.constant 0 : i32
        %dma_wait3A_139 = tpu.memref_slice %arg26[%dma_wait3A_137, %dma_wait3A_138] : memref<10000x64xf32, #tpu.memory_space<vmem_shared>> -> memref<10000x64xf32, #tpu.memory_space<vmem_shared>>
        tpu.wait_indirect_dma semaphore(%arg29 : memref<!tpu.dma_semaphore, #tpu.memory_space<semaphore_mem>>) src(%dma_wait3A_139 : memref<10000x64xf32, #tpu.memory_space<vmem_shared>>) dst(%arg24 : memref<128x64xf32, #tpu.memory_space<vmem>>)
        %dma_start3A_140 = arith.constant 0 : i32
        %dma_start3A_141 = tpu.memref_slice %arg22[%add3A_132, %dma_start3A_140] : memref<79x128xi32, #tpu.memory_space<vmem>> -> memref<1x128xi32, #tpu.memory_space<vmem>>
        %dma_start3A_142 = tpu.memref_squeeze %dma_start3A_141 : memref<1x128xi32, #tpu.memory_space<vmem>> -> memref<128xi32, #tpu.memory_space<vmem>>
        %dma_start3A_143 = arith.constant 0 : i32
        %dma_start3A_144 = arith.constant 0 : i32
        %dma_start3A_145 = tpu.memref_slice %arg27[%dma_start3A_143, %dma_start3A_144] : memref<10112x64xf32, #tpu.memory_space<vmem_shared>> -> memref<10112x64xf32, #tpu.memory_space<vmem_shared>>
        tpu.enqueue_indirect_dma source(%arg24 : memref<128x64xf32, #tpu.memory_space<vmem>>) target(%dma_start3A_145 : memref<10112x64xf32, #tpu.memory_space<vmem_shared>>) offsets(%dma_start3A_142 : memref<128xi32, #tpu.memory_space<vmem>>) semaphore(%arg32 : memref<!tpu.dma_semaphore, #tpu.memory_space<semaphore_mem>>) {add = true}
        %ge3A_146 = arith.constant 1 : i32
        %ge3A_147 = arith.cmpi sge, %add3A_132, %ge3A_146 : i32
        %convert_element_type3A_148 = arith.extui %ge3A_147 : i1 to i32
        %cond3A_149 = arith.constant 0 : i32
        %cond3A_150 = arith.cmpi ne, %convert_element_type3A_148, %cond3A_149 : i32
        scf.if %cond3A_150 {
          %dma_wait3A_187 = arith.constant 0 : i32
          %dma_wait3A_188 = arith.constant 0 : i32
          %dma_wait3A_189 = tpu.memref_slice %arg22[%dma_wait3A_187, %dma_wait3A_188] : memref<79x128xi32, #tpu.memory_space<vmem>> -> memref<1x128xi32, #tpu.memory_space<vmem>>
          %dma_wait3A_190 = tpu.memref_squeeze %dma_wait3A_189 : memref<1x128xi32, #tpu.memory_space<vmem>> -> memref<128xi32, #tpu.memory_space<vmem>>
          %dma_wait3A_191 = arith.constant 0 : i32
          %dma_wait3A_192 = arith.constant 0 : i32
          %dma_wait3A_193 = tpu.memref_slice %arg27[%dma_wait3A_191, %dma_wait3A_192] : memref<10112x64xf32, #tpu.memory_space<vmem_shared>> -> memref<10112x64xf32, #tpu.memory_space<vmem_shared>>
          tpu.wait_indirect_dma semaphore(%arg31 : memref<!tpu.dma_semaphore, #tpu.memory_space<semaphore_mem>>) src(%arg23 : memref<128x64xf32, #tpu.memory_space<vmem>>) dst(%dma_wait3A_193 : memref<10112x64xf32, #tpu.memory_space<vmem_shared>>)
        } else {
        }
        %add3A_151 = arith.constant 2 : i32
        %add3A_152 = arith.addi %add3A_132, %add3A_151 : i32
        %lt3A_153 = arith.constant 79 : i32
        %lt3A_154 = arith.cmpi slt, %add3A_152, %lt3A_153 : i32
        %convert_element_type3A_155 = arith.extui %lt3A_154 : i1 to i32
        %cond3A_156 = arith.constant 0 : i32
        %cond3A_157 = arith.cmpi ne, %convert_element_type3A_155, %cond3A_156 : i32
        scf.if %cond3A_157 {
          %add3A_187 = arith.constant 2 : i32
          %add3A_188 = arith.addi %add3A_132, %add3A_187 : i32
          %dma_start3A_189 = arith.constant 0 : i32
          %dma_start3A_190 = tpu.memref_slice %arg21[%add3A_188, %dma_start3A_189] : memref<79x128xi32, #tpu.memory_space<vmem>> -> memref<1x128xi32, #tpu.memory_space<vmem>>
          %dma_start3A_191 = tpu.memref_squeeze %dma_start3A_190 : memref<1x128xi32, #tpu.memory_space<vmem>> -> memref<128xi32, #tpu.memory_space<vmem>>
          %dma_start3A_192 = arith.constant 0 : i32
          %dma_start3A_193 = arith.constant 0 : i32
          %dma_start3A_194 = tpu.memref_slice %arg26[%dma_start3A_192, %dma_start3A_193] : memref<10000x64xf32, #tpu.memory_space<vmem_shared>> -> memref<10000x64xf32, #tpu.memory_space<vmem_shared>>
          tpu.enqueue_indirect_dma source(%dma_start3A_194 : memref<10000x64xf32, #tpu.memory_space<vmem_shared>>) target(%arg23 : memref<128x64xf32, #tpu.memory_space<vmem>>) offsets(%dma_start3A_191 : memref<128xi32, #tpu.memory_space<vmem>>) semaphore(%arg28 : memref<!tpu.dma_semaphore, #tpu.memory_space<semaphore_mem>>)
        } else {
        }
        %mul3A_158 = arith.constant 3 : i32
        %mul3A_159 = arith.muli %mul3A_158, %scan3A_101 : i32
        %add3A_160 = arith.constant 2 : i32
        %add3A_161 = arith.addi %mul3A_159, %add3A_160 : i32
        %dma_wait3A_162 = arith.constant 0 : i32
        %dma_wait3A_163 = arith.constant 0 : i32
        %dma_wait3A_164 = tpu.memref_slice %arg21[%dma_wait3A_162, %dma_wait3A_163] : memref<79x128xi32, #tpu.memory_space<vmem>> -> memref<1x128xi32, #tpu.memory_space<vmem>>
        %dma_wait3A_165 = tpu.memref_squeeze %dma_wait3A_164 : memref<1x128xi32, #tpu.memory_space<vmem>> -> memref<128xi32, #tpu.memory_space<vmem>>
        %dma_wait3A_166 = arith.constant 0 : i32
        %dma_wait3A_167 = arith.constant 0 : i32
        %dma_wait3A_168 = tpu.memref_slice %arg26[%dma_wait3A_166, %dma_wait3A_167] : memref<10000x64xf32, #tpu.memory_space<vmem_shared>> -> memref<10000x64xf32, #tpu.memory_space<vmem_shared>>
        tpu.wait_indirect_dma semaphore(%arg30 : memref<!tpu.dma_semaphore, #tpu.memory_space<semaphore_mem>>) src(%dma_wait3A_168 : memref<10000x64xf32, #tpu.memory_space<vmem_shared>>) dst(%arg25 : memref<128x64xf32, #tpu.memory_space<vmem>>)
        %dma_start3A_169 = arith.constant 0 : i32
        %dma_start3A_170 = tpu.memref_slice %arg22[%add3A_161, %dma_start3A_169] : memref<79x128xi32, #tpu.memory_space<vmem>> -> memref<1x128xi32, #tpu.memory_space<vmem>>
        %dma_start3A_171 = tpu.memref_squeeze %dma_start3A_170 : memref<1x128xi32, #tpu.memory_space<vmem>> -> memref<128xi32, #tpu.memory_space<vmem>>
        %dma_start3A_172 = arith.constant 0 : i32
        %dma_start3A_173 = arith.constant 0 : i32
        %dma_start3A_174 = tpu.memref_slice %arg27[%dma_start3A_172, %dma_start3A_173] : memref<10112x64xf32, #tpu.memory_space<vmem_shared>> -> memref<10112x64xf32, #tpu.memory_space<vmem_shared>>
        tpu.enqueue_indirect_dma source(%arg25 : memref<128x64xf32, #tpu.memory_space<vmem>>) target(%dma_start3A_174 : memref<10112x64xf32, #tpu.memory_space<vmem_shared>>) offsets(%dma_start3A_171 : memref<128xi32, #tpu.memory_space<vmem>>) semaphore(%arg33 : memref<!tpu.dma_semaphore, #tpu.memory_space<semaphore_mem>>) {add = true}
        %ge3A_175 = arith.constant 1 : i32
        %ge3A_176 = arith.cmpi sge, %add3A_161, %ge3A_175 : i32
        %convert_element_type3A_177 = arith.extui %ge3A_176 : i1 to i32
        %cond3A_178 = arith.constant 0 : i32
        %cond3A_179 = arith.cmpi ne, %convert_element_type3A_177, %cond3A_178 : i32
        scf.if %cond3A_179 {
          %dma_wait3A_187 = arith.constant 0 : i32
          %dma_wait3A_188 = arith.constant 0 : i32
          %dma_wait3A_189 = tpu.memref_slice %arg22[%dma_wait3A_187, %dma_wait3A_188] : memref<79x128xi32, #tpu.memory_space<vmem>> -> memref<1x128xi32, #tpu.memory_space<vmem>>
          %dma_wait3A_190 = tpu.memref_squeeze %dma_wait3A_189 : memref<1x128xi32, #tpu.memory_space<vmem>> -> memref<128xi32, #tpu.memory_space<vmem>>
          %dma_wait3A_191 = arith.constant 0 : i32
          %dma_wait3A_192 = arith.constant 0 : i32
          %dma_wait3A_193 = tpu.memref_slice %arg27[%dma_wait3A_191, %dma_wait3A_192] : memref<10112x64xf32, #tpu.memory_space<vmem_shared>> -> memref<10112x64xf32, #tpu.memory_space<vmem_shared>>
          tpu.wait_indirect_dma semaphore(%arg32 : memref<!tpu.dma_semaphore, #tpu.memory_space<semaphore_mem>>) src(%arg24 : memref<128x64xf32, #tpu.memory_space<vmem>>) dst(%dma_wait3A_193 : memref<10112x64xf32, #tpu.memory_space<vmem_shared>>)
        } else {
        }
        %add3A_180 = arith.constant 2 : i32
        %add3A_181 = arith.addi %add3A_161, %add3A_180 : i32
        %lt3A_182 = arith.constant 79 : i32
        %lt3A_183 = arith.cmpi slt, %add3A_181, %lt3A_182 : i32
        %convert_element_type3A_184 = arith.extui %lt3A_183 : i1 to i32
        %cond3A_185 = arith.constant 0 : i32
        %cond3A_186 = arith.cmpi ne, %convert_element_type3A_184, %cond3A_185 : i32
        scf.if %cond3A_186 {
          %add3A_187 = arith.constant 2 : i32
          %add3A_188 = arith.addi %add3A_161, %add3A_187 : i32
          %dma_start3A_189 = arith.constant 0 : i32
          %dma_start3A_190 = tpu.memref_slice %arg21[%add3A_188, %dma_start3A_189] : memref<79x128xi32, #tpu.memory_space<vmem>> -> memref<1x128xi32, #tpu.memory_space<vmem>>
          %dma_start3A_191 = tpu.memref_squeeze %dma_start3A_190 : memref<1x128xi32, #tpu.memory_space<vmem>> -> memref<128xi32, #tpu.memory_space<vmem>>
          %dma_start3A_192 = arith.constant 0 : i32
          %dma_start3A_193 = arith.constant 0 : i32
          %dma_start3A_194 = tpu.memref_slice %arg26[%dma_start3A_192, %dma_start3A_193] : memref<10000x64xf32, #tpu.memory_space<vmem_shared>> -> memref<10000x64xf32, #tpu.memory_space<vmem_shared>>
          tpu.enqueue_indirect_dma source(%dma_start3A_194 : memref<10000x64xf32, #tpu.memory_space<vmem_shared>>) target(%arg24 : memref<128x64xf32, #tpu.memory_space<vmem>>) offsets(%dma_start3A_191 : memref<128xi32, #tpu.memory_space<vmem>>) semaphore(%arg29 : memref<!tpu.dma_semaphore, #tpu.memory_space<semaphore_mem>>)
        } else {
        }
      }
      %scan3A_68 = arith.constant 26 : i32
      %dma_wait3A = arith.constant 0 : i32
      %dma_wait3A_69 = arith.constant 0 : i32
      %dma_wait3A_70 = tpu.memref_slice %arg21[%dma_wait3A, %dma_wait3A_69] : memref<79x128xi32, #tpu.memory_space<vmem>> -> memref<1x128xi32, #tpu.memory_space<vmem>>
      %dma_wait3A_71 = tpu.memref_squeeze %dma_wait3A_70 : memref<1x128xi32, #tpu.memory_space<vmem>> -> memref<128xi32, #tpu.memory_space<vmem>>
      %dma_wait3A_72 = arith.constant 0 : i32
      %dma_wait3A_73 = arith.constant 0 : i32
      %dma_wait3A_74 = tpu.memref_slice %arg26[%dma_wait3A_72, %dma_wait3A_73] : memref<10000x64xf32, #tpu.memory_space<vmem_shared>> -> memref<10000x64xf32, #tpu.memory_space<vmem_shared>>
      tpu.wait_indirect_dma semaphore(%arg28 : memref<!tpu.dma_semaphore, #tpu.memory_space<semaphore_mem>>) src(%dma_wait3A_74 : memref<10000x64xf32, #tpu.memory_space<vmem_shared>>) dst(%arg23 : memref<128x64xf32, #tpu.memory_space<vmem>>)
      %dma_start3A_75 = arith.constant 78 : i32
      %dma_start3A_76 = arith.constant 0 : i32
      %dma_start3A_77 = tpu.memref_slice %arg22[%dma_start3A_75, %dma_start3A_76] : memref<79x128xi32, #tpu.memory_space<vmem>> -> memref<1x128xi32, #tpu.memory_space<vmem>>
      %dma_start3A_78 = tpu.memref_squeeze %dma_start3A_77 : memref<1x128xi32, #tpu.memory_space<vmem>> -> memref<128xi32, #tpu.memory_space<vmem>>
      %dma_start3A_79 = arith.constant 0 : i32
      %dma_start3A_80 = arith.constant 0 : i32
      %dma_start3A_81 = tpu.memref_slice %arg27[%dma_start3A_79, %dma_start3A_80] : memref<10112x64xf32, #tpu.memory_space<vmem_shared>> -> memref<10112x64xf32, #tpu.memory_space<vmem_shared>>
      tpu.enqueue_indirect_dma source(%arg23 : memref<128x64xf32, #tpu.memory_space<vmem>>) target(%dma_start3A_81 : memref<10112x64xf32, #tpu.memory_space<vmem_shared>>) offsets(%dma_start3A_78 : memref<128xi32, #tpu.memory_space<vmem>>) semaphore(%arg31 : memref<!tpu.dma_semaphore, #tpu.memory_space<semaphore_mem>>) {add = true}
      %dma_wait3A_82 = arith.constant 0 : i32
      %dma_wait3A_83 = arith.constant 0 : i32
      %dma_wait3A_84 = tpu.memref_slice %arg22[%dma_wait3A_82, %dma_wait3A_83] : memref<79x128xi32, #tpu.memory_space<vmem>> -> memref<1x128xi32, #tpu.memory_space<vmem>>
      %dma_wait3A_85 = tpu.memref_squeeze %dma_wait3A_84 : memref<1x128xi32, #tpu.memory_space<vmem>> -> memref<128xi32, #tpu.memory_space<vmem>>
      %dma_wait3A_86 = arith.constant 0 : i32
      %dma_wait3A_87 = arith.constant 0 : i32
      %dma_wait3A_88 = tpu.memref_slice %arg27[%dma_wait3A_86, %dma_wait3A_87] : memref<10112x64xf32, #tpu.memory_space<vmem_shared>> -> memref<10112x64xf32, #tpu.memory_space<vmem_shared>>
      tpu.wait_indirect_dma semaphore(%arg33 : memref<!tpu.dma_semaphore, #tpu.memory_space<semaphore_mem>>) src(%arg25 : memref<128x64xf32, #tpu.memory_space<vmem>>) dst(%dma_wait3A_88 : memref<10112x64xf32, #tpu.memory_space<vmem_shared>>)
      %dma_wait3A_89 = arith.constant 0 : i32
      %dma_wait3A_90 = arith.constant 0 : i32
      %dma_wait3A_91 = tpu.memref_slice %arg22[%dma_wait3A_89, %dma_wait3A_90] : memref<79x128xi32, #tpu.memory_space<vmem>> -> memref<1x128xi32, #tpu.memory_space<vmem>>
      %dma_wait3A_92 = tpu.memref_squeeze %dma_wait3A_91 : memref<1x128xi32, #tpu.memory_space<vmem>> -> memref<128xi32, #tpu.memory_space<vmem>>
      %dma_wait3A_93 = arith.constant 0 : i32
      %dma_wait3A_94 = arith.constant 0 : i32
      %dma_wait3A_95 = tpu.memref_slice %arg27[%dma_wait3A_93, %dma_wait3A_94] : memref<10112x64xf32, #tpu.memory_space<vmem_shared>> -> memref<10112x64xf32, #tpu.memory_space<vmem_shared>>
      tpu.wait_indirect_dma semaphore(%arg31 : memref<!tpu.dma_semaphore, #tpu.memory_space<semaphore_mem>>) src(%arg23 : memref<128x64xf32, #tpu.memory_space<vmem>>) dst(%dma_wait3A_95 : memref<10112x64xf32, #tpu.memory_space<vmem_shared>>)
      %barrier3A_96 = arith.constant 0 : index
      tpu.barrier barrier_id(%barrier3A_96)
      %mul3A_97 = arith.constant 632 : i32
      %mul3A_98 = arith.muli %arg1, %mul3A_97 : i32
      %mul3A_99 = arith.constant 632 : i32
      %mul3A_100 = arith.muli %arg1, %mul3A_99 : i32
      "tpu.region"() ({
        %run_scoped3A = tpu.sem_alloc : memref<!tpu.dma_semaphore, #tpu.memory_space<semaphore_mem>>
        %dma_start3A_101 = arith.constant 0 : i32
        %dma_start3A_102 = tpu.memref_slice %arg19[%mul3A_100, %dma_start3A_101] : memref<10112x64xf32, #tpu.memory_space<hbm>> -> memref<632x64xf32, #tpu.memory_space<hbm>>
        %dma_start3A_103 = arith.constant 0 : i32
        %dma_start3A_104 = tpu.memref_slice %arg27[%mul3A_98, %dma_start3A_103] : memref<10112x64xf32, #tpu.memory_space<vmem_shared>> -> memref<632x64xf32, #tpu.memory_space<vmem_shared>>
        tpu.enqueue_dma source(%dma_start3A_104 : memref<632x64xf32, #tpu.memory_space<vmem_shared>>) target(%dma_start3A_102 : memref<632x64xf32, #tpu.memory_space<hbm>>) target_semaphore(%run_scoped3A : memref<!tpu.dma_semaphore, #tpu.memory_space<semaphore_mem>>)
        %dma_wait3A_105 = arith.constant 0 : i32
        %dma_wait3A_106 = tpu.memref_slice %arg19[%mul3A_100, %dma_wait3A_105] : memref<10112x64xf32, #tpu.memory_space<hbm>> -> memref<632x64xf32, #tpu.memory_space<hbm>>
        %dma_wait3A_107 = arith.constant 0 : i32
        %dma_wait3A_108 = tpu.memref_slice %arg27[%mul3A_98, %dma_wait3A_107] : memref<10112x64xf32, #tpu.memory_space<vmem_shared>> -> memref<632x64xf32, #tpu.memory_space<vmem_shared>>
        tpu.wait_dma2 semaphore(%run_scoped3A : memref<!tpu.dma_semaphore, #tpu.memory_space<semaphore_mem>>) src(%dma_wait3A_108 : memref<632x64xf32, #tpu.memory_space<vmem_shared>>) dst(%dma_wait3A_106 : memref<632x64xf32, #tpu.memory_space<hbm>>)
        tpu.yield
      }) : () -> ()
    } else {
    }
    %barrier3A_28 = arith.constant 0 : index
    tpu.barrier barrier_id(%barrier3A_28)
    %eq3A_29 = arith.constant 0 : i32
    %eq3A_30 = arith.cmpi eq, %arg0, %eq3A_29 : i32
    %convert_element_type3A_31 = arith.extui %eq3A_30 : i1 to i32
    %cond3A_32 = arith.constant 0 : i32
    %cond3A_33 = arith.cmpi ne, %convert_element_type3A_31, %cond3A_32 : i32
    scf.if %cond3A_33 {
      %lt3A = arith.constant 15 : i32
      %lt3A_40 = arith.cmpi slt, %arg1, %lt3A : i32
      %convert_element_type3A_41 = arith.extui %lt3A_40 : i1 to i32
      %cond3A_42 = arith.constant 0 : i32
      %cond3A_43 = arith.cmpi ne, %convert_element_type3A_41, %cond3A_42 : i32
      scf.if %cond3A_43 {
        %mul3A_101 = arith.constant 632 : i32
        %mul3A_102 = arith.muli %arg1, %mul3A_101 : i32
        %mul3A_103 = arith.constant 632 : i32
        %mul3A_104 = arith.muli %arg1, %mul3A_103 : i32
        "tpu.region"() ({
          %run_scoped3A = tpu.sem_alloc : memref<!tpu.dma_semaphore, #tpu.memory_space<semaphore_mem>>
          %dma_start3A_105 = arith.constant 0 : i32
          %dma_start3A_106 = tpu.memref_slice %arg26[%mul3A_104, %dma_start3A_105] : memref<10000x64xf32, #tpu.memory_space<vmem_shared>> -> memref<632x64xf32, #tpu.memory_space<vmem_shared>>
          %dma_start3A_107 = arith.constant 0 : i32
          %dma_start3A_108 = tpu.memref_slice %arg5[%mul3A_102, %dma_start3A_107] : memref<10000x64xf32, #tpu.memory_space<hbm>> -> memref<632x64xf32, #tpu.memory_space<hbm>>
          tpu.enqueue_dma source(%dma_start3A_108 : memref<632x64xf32, #tpu.memory_space<hbm>>) target(%dma_start3A_106 : memref<632x64xf32, #tpu.memory_space<vmem_shared>>) target_semaphore(%run_scoped3A : memref<!tpu.dma_semaphore, #tpu.memory_space<semaphore_mem>>)
          %dma_wait3A_109 = arith.constant 0 : i32
          %dma_wait3A_110 = tpu.memref_slice %arg26[%mul3A_104, %dma_wait3A_109] : memref<10000x64xf32, #tpu.memory_space<vmem_shared>> -> memref<632x64xf32, #tpu.memory_space<vmem_shared>>
          %dma_wait3A_111 = arith.constant 0 : i32
          %dma_wait3A_112 = tpu.memref_slice %arg5[%mul3A_102, %dma_wait3A_111] : memref<10000x64xf32, #tpu.memory_space<hbm>> -> memref<632x64xf32, #tpu.memory_space<hbm>>
          tpu.wait_dma2 semaphore(%run_scoped3A : memref<!tpu.dma_semaphore, #tpu.memory_space<semaphore_mem>>) src(%dma_wait3A_112 : memref<632x64xf32, #tpu.memory_space<hbm>>) dst(%dma_wait3A_110 : memref<632x64xf32, #tpu.memory_space<vmem_shared>>)
          tpu.yield
        }) : () -> ()
      } else {
      }
      %eq3A_44 = arith.constant 15 : i32
      %eq3A_45 = arith.cmpi eq, %arg1, %eq3A_44 : i32
      %convert_element_type3A_46 = arith.extui %eq3A_45 : i1 to i32
      %cond3A_47 = arith.constant 0 : i32
      %cond3A_48 = arith.cmpi ne, %convert_element_type3A_46, %cond3A_47 : i32
      scf.if %cond3A_48 {
        "tpu.region"() ({
          %run_scoped3A = tpu.sem_alloc : memref<!tpu.dma_semaphore, #tpu.memory_space<semaphore_mem>>
          %dma_start3A_101 = arith.constant 9480 : i32
          %dma_start3A_102 = arith.constant 0 : i32
          %dma_start3A_103 = tpu.memref_slice %arg26[%dma_start3A_101, %dma_start3A_102] : memref<10000x64xf32, #tpu.memory_space<vmem_shared>> -> memref<520x64xf32, #tpu.memory_space<vmem_shared>>
          %dma_start3A_104 = arith.constant 9480 : i32
          %dma_start3A_105 = arith.constant 0 : i32
          %dma_start3A_106 = tpu.memref_slice %arg5[%dma_start3A_104, %dma_start3A_105] : memref<10000x64xf32, #tpu.memory_space<hbm>> -> memref<520x64xf32, #tpu.memory_space<hbm>>
          tpu.enqueue_dma source(%dma_start3A_106 : memref<520x64xf32, #tpu.memory_space<hbm>>) target(%dma_start3A_103 : memref<520x64xf32, #tpu.memory_space<vmem_shared>>) target_semaphore(%run_scoped3A : memref<!tpu.dma_semaphore, #tpu.memory_space<semaphore_mem>>)
          %dma_wait3A_107 = arith.constant 9480 : i32
          %dma_wait3A_108 = arith.constant 0 : i32
          %dma_wait3A_109 = tpu.memref_slice %arg26[%dma_wait3A_107, %dma_wait3A_108] : memref<10000x64xf32, #tpu.memory_space<vmem_shared>> -> memref<520x64xf32, #tpu.memory_space<vmem_shared>>
          %dma_wait3A_110 = arith.constant 9480 : i32
          %dma_wait3A_111 = arith.constant 0 : i32
          %dma_wait3A_112 = tpu.memref_slice %arg5[%dma_wait3A_110, %dma_wait3A_111] : memref<10000x64xf32, #tpu.memory_space<hbm>> -> memref<520x64xf32, #tpu.memory_space<hbm>>
          tpu.wait_dma2 semaphore(%run_scoped3A : memref<!tpu.dma_semaphore, #tpu.memory_space<semaphore_mem>>) src(%dma_wait3A_112 : memref<520x64xf32, #tpu.memory_space<hbm>>) dst(%dma_wait3A_109 : memref<520x64xf32, #tpu.memory_space<vmem_shared>>)
          tpu.yield
        }) : () -> ()
      } else {
      }
      %mul3A = arith.constant 632 : i32
      %mul3A_49 = arith.muli %arg1, %mul3A : i32
      "tpu.region"() ({
        %run_scoped3A = tpu.sem_alloc : memref<!tpu.dma_semaphore, #tpu.memory_space<semaphore_mem>>
        %dma_start3A_101 = arith.constant 0 : i32
        %dma_start3A_102 = tpu.memref_slice %arg27[%mul3A_49, %dma_start3A_101] : memref<10112x64xf32, #tpu.memory_space<vmem_shared>> -> memref<632x64xf32, #tpu.memory_space<vmem_shared>>
        tpu.enqueue_dma source(%arg12 : memref<632x64xf32, #tpu.memory_space<hbm>>) target(%dma_start3A_102 : memref<632x64xf32, #tpu.memory_space<vmem_shared>>) target_semaphore(%run_scoped3A : memref<!tpu.dma_semaphore, #tpu.memory_space<semaphore_mem>>)
        %dma_wait3A_103 = arith.constant 0 : i32
        %dma_wait3A_104 = tpu.memref_slice %arg27[%mul3A_49, %dma_wait3A_103] : memref<10112x64xf32, #tpu.memory_space<vmem_shared>> -> memref<632x64xf32, #tpu.memory_space<vmem_shared>>
        tpu.wait_dma2 semaphore(%run_scoped3A : memref<!tpu.dma_semaphore, #tpu.memory_space<semaphore_mem>>) src(%arg12 : memref<632x64xf32, #tpu.memory_space<hbm>>) dst(%dma_wait3A_104 : memref<632x64xf32, #tpu.memory_space<vmem_shared>>)
        tpu.yield
      }) : () -> ()
      %barrier3A_50 = arith.constant 0 : index
      tpu.barrier barrier_id(%barrier3A_50)
      %dma_start3A = arith.constant 0 : i32
      %dma_start3A_51 = arith.constant 0 : i32
      %dma_start3A_52 = tpu.memref_slice %arg21[%dma_start3A, %dma_start3A_51] : memref<79x128xi32, #tpu.memory_space<vmem>> -> memref<1x128xi32, #tpu.memory_space<vmem>>
      %dma_start3A_53 = tpu.memref_squeeze %dma_start3A_52 : memref<1x128xi32, #tpu.memory_space<vmem>> -> memref<128xi32, #tpu.memory_space<vmem>>
      %dma_start3A_54 = arith.constant 0 : i32
      %dma_start3A_55 = arith.constant 0 : i32
      %dma_start3A_56 = tpu.memref_slice %arg26[%dma_start3A_54, %dma_start3A_55] : memref<10000x64xf32, #tpu.memory_space<vmem_shared>> -> memref<10000x64xf32, #tpu.memory_space<vmem_shared>>
      tpu.enqueue_indirect_dma source(%dma_start3A_56 : memref<10000x64xf32, #tpu.memory_space<vmem_shared>>) target(%arg23 : memref<128x64xf32, #tpu.memory_space<vmem>>) offsets(%dma_start3A_53 : memref<128xi32, #tpu.memory_space<vmem>>) semaphore(%arg28 : memref<!tpu.dma_semaphore, #tpu.memory_space<semaphore_mem>>)
      %dma_start3A_57 = arith.constant 1 : i32
      %dma_start3A_58 = arith.constant 0 : i32
      %dma_start3A_59 = tpu.memref_slice %arg21[%dma_start3A_57, %dma_start3A_58] : memref<79x128xi32, #tpu.memory_space<vmem>> -> memref<1x128xi32, #tpu.memory_space<vmem>>
      %dma_start3A_60 = tpu.memref_squeeze %dma_start3A_59 : memref<1x128xi32, #tpu.memory_space<vmem>> -> memref<128xi32, #tpu.memory_space<vmem>>
      %dma_start3A_61 = arith.constant 0 : i32
      %dma_start3A_62 = arith.constant 0 : i32
      %dma_start3A_63 = tpu.memref_slice %arg26[%dma_start3A_61, %dma_start3A_62] : memref<10000x64xf32, #tpu.memory_space<vmem_shared>> -> memref<10000x64xf32, #tpu.memory_space<vmem_shared>>
      tpu.enqueue_indirect_dma source(%dma_start3A_63 : memref<10000x64xf32, #tpu.memory_space<vmem_shared>>) target(%arg24 : memref<128x64xf32, #tpu.memory_space<vmem>>) offsets(%dma_start3A_60 : memref<128xi32, #tpu.memory_space<vmem>>) semaphore(%arg29 : memref<!tpu.dma_semaphore, #tpu.memory_space<semaphore_mem>>)
      %scan3A = arith.constant 0 : i32
      %scan3A_64 = arith.constant 0 : i32
      %scan3A_65 = arith.constant 26 : i32
      %scan3A_66 = arith.addi %scan3A_64, %scan3A_65 : i32
      %scan3A_67 = arith.constant 1 : i32
      scf.for %scan3A_101 = %scan3A_64 to %scan3A_66 step %scan3A_67  : i32 {
        %mul3A_102 = arith.constant 3 : i32
        %mul3A_103 = arith.muli %mul3A_102, %scan3A_101 : i32
        %add3A = arith.constant 0 : i32
        %add3A_104 = arith.addi %mul3A_103, %add3A : i32
        %dma_wait3A_105 = arith.constant 0 : i32
        %dma_wait3A_106 = arith.constant 0 : i32
        %dma_wait3A_107 = tpu.memref_slice %arg21[%dma_wait3A_105, %dma_wait3A_106] : memref<79x128xi32, #tpu.memory_space<vmem>> -> memref<1x128xi32, #tpu.memory_space<vmem>>
        %dma_wait3A_108 = tpu.memref_squeeze %dma_wait3A_107 : memref<1x128xi32, #tpu.memory_space<vmem>> -> memref<128xi32, #tpu.memory_space<vmem>>
        %dma_wait3A_109 = arith.constant 0 : i32
        %dma_wait3A_110 = arith.constant 0 : i32
        %dma_wait3A_111 = tpu.memref_slice %arg26[%dma_wait3A_109, %dma_wait3A_110] : memref<10000x64xf32, #tpu.memory_space<vmem_shared>> -> memref<10000x64xf32, #tpu.memory_space<vmem_shared>>
        tpu.wait_indirect_dma semaphore(%arg28 : memref<!tpu.dma_semaphore, #tpu.memory_space<semaphore_mem>>) src(%dma_wait3A_111 : memref<10000x64xf32, #tpu.memory_space<vmem_shared>>) dst(%arg23 : memref<128x64xf32, #tpu.memory_space<vmem>>)
        %dma_start3A_112 = arith.constant 0 : i32
        %dma_start3A_113 = tpu.memref_slice %arg22[%add3A_104, %dma_start3A_112] : memref<79x128xi32, #tpu.memory_space<vmem>> -> memref<1x128xi32, #tpu.memory_space<vmem>>
        %dma_start3A_114 = tpu.memref_squeeze %dma_start3A_113 : memref<1x128xi32, #tpu.memory_space<vmem>> -> memref<128xi32, #tpu.memory_space<vmem>>
        %dma_start3A_115 = arith.constant 0 : i32
        %dma_start3A_116 = arith.constant 0 : i32
        %dma_start3A_117 = tpu.memref_slice %arg27[%dma_start3A_115, %dma_start3A_116] : memref<10112x64xf32, #tpu.memory_space<vmem_shared>> -> memref<10112x64xf32, #tpu.memory_space<vmem_shared>>
        tpu.enqueue_indirect_dma source(%arg23 : memref<128x64xf32, #tpu.memory_space<vmem>>) target(%dma_start3A_117 : memref<10112x64xf32, #tpu.memory_space<vmem_shared>>) offsets(%dma_start3A_114 : memref<128xi32, #tpu.memory_space<vmem>>) semaphore(%arg31 : memref<!tpu.dma_semaphore, #tpu.memory_space<semaphore_mem>>) {add = true}
        %ge3A = arith.constant 1 : i32
        %ge3A_118 = arith.cmpi sge, %add3A_104, %ge3A : i32
        %convert_element_type3A_119 = arith.extui %ge3A_118 : i1 to i32
        %cond3A_120 = arith.constant 0 : i32
        %cond3A_121 = arith.cmpi ne, %convert_element_type3A_119, %cond3A_120 : i32
        scf.if %cond3A_121 {
          %dma_wait3A_187 = arith.constant 0 : i32
          %dma_wait3A_188 = arith.constant 0 : i32
          %dma_wait3A_189 = tpu.memref_slice %arg22[%dma_wait3A_187, %dma_wait3A_188] : memref<79x128xi32, #tpu.memory_space<vmem>> -> memref<1x128xi32, #tpu.memory_space<vmem>>
          %dma_wait3A_190 = tpu.memref_squeeze %dma_wait3A_189 : memref<1x128xi32, #tpu.memory_space<vmem>> -> memref<128xi32, #tpu.memory_space<vmem>>
          %dma_wait3A_191 = arith.constant 0 : i32
          %dma_wait3A_192 = arith.constant 0 : i32
          %dma_wait3A_193 = tpu.memref_slice %arg27[%dma_wait3A_191, %dma_wait3A_192] : memref<10112x64xf32, #tpu.memory_space<vmem_shared>> -> memref<10112x64xf32, #tpu.memory_space<vmem_shared>>
          tpu.wait_indirect_dma semaphore(%arg33 : memref<!tpu.dma_semaphore, #tpu.memory_space<semaphore_mem>>) src(%arg25 : memref<128x64xf32, #tpu.memory_space<vmem>>) dst(%dma_wait3A_193 : memref<10112x64xf32, #tpu.memory_space<vmem_shared>>)
        } else {
        }
        %add3A_122 = arith.constant 2 : i32
        %add3A_123 = arith.addi %add3A_104, %add3A_122 : i32
        %lt3A_124 = arith.constant 79 : i32
        %lt3A_125 = arith.cmpi slt, %add3A_123, %lt3A_124 : i32
        %convert_element_type3A_126 = arith.extui %lt3A_125 : i1 to i32
        %cond3A_127 = arith.constant 0 : i32
        %cond3A_128 = arith.cmpi ne, %convert_element_type3A_126, %cond3A_127 : i32
        scf.if %cond3A_128 {
          %add3A_187 = arith.constant 2 : i32
          %add3A_188 = arith.addi %add3A_104, %add3A_187 : i32
          %dma_start3A_189 = arith.constant 0 : i32
          %dma_start3A_190 = tpu.memref_slice %arg21[%add3A_188, %dma_start3A_189] : memref<79x128xi32, #tpu.memory_space<vmem>> -> memref<1x128xi32, #tpu.memory_space<vmem>>
          %dma_start3A_191 = tpu.memref_squeeze %dma_start3A_190 : memref<1x128xi32, #tpu.memory_space<vmem>> -> memref<128xi32, #tpu.memory_space<vmem>>
          %dma_start3A_192 = arith.constant 0 : i32
          %dma_start3A_193 = arith.constant 0 : i32
          %dma_start3A_194 = tpu.memref_slice %arg26[%dma_start3A_192, %dma_start3A_193] : memref<10000x64xf32, #tpu.memory_space<vmem_shared>> -> memref<10000x64xf32, #tpu.memory_space<vmem_shared>>
          tpu.enqueue_indirect_dma source(%dma_start3A_194 : memref<10000x64xf32, #tpu.memory_space<vmem_shared>>) target(%arg25 : memref<128x64xf32, #tpu.memory_space<vmem>>) offsets(%dma_start3A_191 : memref<128xi32, #tpu.memory_space<vmem>>) semaphore(%arg30 : memref<!tpu.dma_semaphore, #tpu.memory_space<semaphore_mem>>)
        } else {
        }
        %mul3A_129 = arith.constant 3 : i32
        %mul3A_130 = arith.muli %mul3A_129, %scan3A_101 : i32
        %add3A_131 = arith.constant 1 : i32
        %add3A_132 = arith.addi %mul3A_130, %add3A_131 : i32
        %dma_wait3A_133 = arith.constant 0 : i32
        %dma_wait3A_134 = arith.constant 0 : i32
        %dma_wait3A_135 = tpu.memref_slice %arg21[%dma_wait3A_133, %dma_wait3A_134] : memref<79x128xi32, #tpu.memory_space<vmem>> -> memref<1x128xi32, #tpu.memory_space<vmem>>
        %dma_wait3A_136 = tpu.memref_squeeze %dma_wait3A_135 : memref<1x128xi32, #tpu.memory_space<vmem>> -> memref<128xi32, #tpu.memory_space<vmem>>
        %dma_wait3A_137 = arith.constant 0 : i32
        %dma_wait3A_138 = arith.constant 0 : i32
        %dma_wait3A_139 = tpu.memref_slice %arg26[%dma_wait3A_137, %dma_wait3A_138] : memref<10000x64xf32, #tpu.memory_space<vmem_shared>> -> memref<10000x64xf32, #tpu.memory_space<vmem_shared>>
        tpu.wait_indirect_dma semaphore(%arg29 : memref<!tpu.dma_semaphore, #tpu.memory_space<semaphore_mem>>) src(%dma_wait3A_139 : memref<10000x64xf32, #tpu.memory_space<vmem_shared>>) dst(%arg24 : memref<128x64xf32, #tpu.memory_space<vmem>>)
        %dma_start3A_140 = arith.constant 0 : i32
        %dma_start3A_141 = tpu.memref_slice %arg22[%add3A_132, %dma_start3A_140] : memref<79x128xi32, #tpu.memory_space<vmem>> -> memref<1x128xi32, #tpu.memory_space<vmem>>
        %dma_start3A_142 = tpu.memref_squeeze %dma_start3A_141 : memref<1x128xi32, #tpu.memory_space<vmem>> -> memref<128xi32, #tpu.memory_space<vmem>>
        %dma_start3A_143 = arith.constant 0 : i32
        %dma_start3A_144 = arith.constant 0 : i32
        %dma_start3A_145 = tpu.memref_slice %arg27[%dma_start3A_143, %dma_start3A_144] : memref<10112x64xf32, #tpu.memory_space<vmem_shared>> -> memref<10112x64xf32, #tpu.memory_space<vmem_shared>>
        tpu.enqueue_indirect_dma source(%arg24 : memref<128x64xf32, #tpu.memory_space<vmem>>) target(%dma_start3A_145 : memref<10112x64xf32, #tpu.memory_space<vmem_shared>>) offsets(%dma_start3A_142 : memref<128xi32, #tpu.memory_space<vmem>>) semaphore(%arg32 : memref<!tpu.dma_semaphore, #tpu.memory_space<semaphore_mem>>) {add = true}
        %ge3A_146 = arith.constant 1 : i32
        %ge3A_147 = arith.cmpi sge, %add3A_132, %ge3A_146 : i32
        %convert_element_type3A_148 = arith.extui %ge3A_147 : i1 to i32
        %cond3A_149 = arith.constant 0 : i32
        %cond3A_150 = arith.cmpi ne, %convert_element_type3A_148, %cond3A_149 : i32
        scf.if %cond3A_150 {
          %dma_wait3A_187 = arith.constant 0 : i32
          %dma_wait3A_188 = arith.constant 0 : i32
          %dma_wait3A_189 = tpu.memref_slice %arg22[%dma_wait3A_187, %dma_wait3A_188] : memref<79x128xi32, #tpu.memory_space<vmem>> -> memref<1x128xi32, #tpu.memory_space<vmem>>
          %dma_wait3A_190 = tpu.memref_squeeze %dma_wait3A_189 : memref<1x128xi32, #tpu.memory_space<vmem>> -> memref<128xi32, #tpu.memory_space<vmem>>
          %dma_wait3A_191 = arith.constant 0 : i32
          %dma_wait3A_192 = arith.constant 0 : i32
          %dma_wait3A_193 = tpu.memref_slice %arg27[%dma_wait3A_191, %dma_wait3A_192] : memref<10112x64xf32, #tpu.memory_space<vmem_shared>> -> memref<10112x64xf32, #tpu.memory_space<vmem_shared>>
          tpu.wait_indirect_dma semaphore(%arg31 : memref<!tpu.dma_semaphore, #tpu.memory_space<semaphore_mem>>) src(%arg23 : memref<128x64xf32, #tpu.memory_space<vmem>>) dst(%dma_wait3A_193 : memref<10112x64xf32, #tpu.memory_space<vmem_shared>>)
        } else {
        }
        %add3A_151 = arith.constant 2 : i32
        %add3A_152 = arith.addi %add3A_132, %add3A_151 : i32
        %lt3A_153 = arith.constant 79 : i32
        %lt3A_154 = arith.cmpi slt, %add3A_152, %lt3A_153 : i32
        %convert_element_type3A_155 = arith.extui %lt3A_154 : i1 to i32
        %cond3A_156 = arith.constant 0 : i32
        %cond3A_157 = arith.cmpi ne, %convert_element_type3A_155, %cond3A_156 : i32
        scf.if %cond3A_157 {
          %add3A_187 = arith.constant 2 : i32
          %add3A_188 = arith.addi %add3A_132, %add3A_187 : i32
          %dma_start3A_189 = arith.constant 0 : i32
          %dma_start3A_190 = tpu.memref_slice %arg21[%add3A_188, %dma_start3A_189] : memref<79x128xi32, #tpu.memory_space<vmem>> -> memref<1x128xi32, #tpu.memory_space<vmem>>
          %dma_start3A_191 = tpu.memref_squeeze %dma_start3A_190 : memref<1x128xi32, #tpu.memory_space<vmem>> -> memref<128xi32, #tpu.memory_space<vmem>>
          %dma_start3A_192 = arith.constant 0 : i32
          %dma_start3A_193 = arith.constant 0 : i32
          %dma_start3A_194 = tpu.memref_slice %arg26[%dma_start3A_192, %dma_start3A_193] : memref<10000x64xf32, #tpu.memory_space<vmem_shared>> -> memref<10000x64xf32, #tpu.memory_space<vmem_shared>>
          tpu.enqueue_indirect_dma source(%dma_start3A_194 : memref<10000x64xf32, #tpu.memory_space<vmem_shared>>) target(%arg23 : memref<128x64xf32, #tpu.memory_space<vmem>>) offsets(%dma_start3A_191 : memref<128xi32, #tpu.memory_space<vmem>>) semaphore(%arg28 : memref<!tpu.dma_semaphore, #tpu.memory_space<semaphore_mem>>)
        } else {
        }
        %mul3A_158 = arith.constant 3 : i32
        %mul3A_159 = arith.muli %mul3A_158, %scan3A_101 : i32
        %add3A_160 = arith.constant 2 : i32
        %add3A_161 = arith.addi %mul3A_159, %add3A_160 : i32
        %dma_wait3A_162 = arith.constant 0 : i32
        %dma_wait3A_163 = arith.constant 0 : i32
        %dma_wait3A_164 = tpu.memref_slice %arg21[%dma_wait3A_162, %dma_wait3A_163] : memref<79x128xi32, #tpu.memory_space<vmem>> -> memref<1x128xi32, #tpu.memory_space<vmem>>
        %dma_wait3A_165 = tpu.memref_squeeze %dma_wait3A_164 : memref<1x128xi32, #tpu.memory_space<vmem>> -> memref<128xi32, #tpu.memory_space<vmem>>
        %dma_wait3A_166 = arith.constant 0 : i32
        %dma_wait3A_167 = arith.constant 0 : i32
        %dma_wait3A_168 = tpu.memref_slice %arg26[%dma_wait3A_166, %dma_wait3A_167] : memref<10000x64xf32, #tpu.memory_space<vmem_shared>> -> memref<10000x64xf32, #tpu.memory_space<vmem_shared>>
        tpu.wait_indirect_dma semaphore(%arg30 : memref<!tpu.dma_semaphore, #tpu.memory_space<semaphore_mem>>) src(%dma_wait3A_168 : memref<10000x64xf32, #tpu.memory_space<vmem_shared>>) dst(%arg25 : memref<128x64xf32, #tpu.memory_space<vmem>>)
        %dma_start3A_169 = arith.constant 0 : i32
        %dma_start3A_170 = tpu.memref_slice %arg22[%add3A_161, %dma_start3A_169] : memref<79x128xi32, #tpu.memory_space<vmem>> -> memref<1x128xi32, #tpu.memory_space<vmem>>
        %dma_start3A_171 = tpu.memref_squeeze %dma_start3A_170 : memref<1x128xi32, #tpu.memory_space<vmem>> -> memref<128xi32, #tpu.memory_space<vmem>>
        %dma_start3A_172 = arith.constant 0 : i32
        %dma_start3A_173 = arith.constant 0 : i32
        %dma_start3A_174 = tpu.memref_slice %arg27[%dma_start3A_172, %dma_start3A_173] : memref<10112x64xf32, #tpu.memory_space<vmem_shared>> -> memref<10112x64xf32, #tpu.memory_space<vmem_shared>>
        tpu.enqueue_indirect_dma source(%arg25 : memref<128x64xf32, #tpu.memory_space<vmem>>) target(%dma_start3A_174 : memref<10112x64xf32, #tpu.memory_space<vmem_shared>>) offsets(%dma_start3A_171 : memref<128xi32, #tpu.memory_space<vmem>>) semaphore(%arg33 : memref<!tpu.dma_semaphore, #tpu.memory_space<semaphore_mem>>) {add = true}
        %ge3A_175 = arith.constant 1 : i32
        %ge3A_176 = arith.cmpi sge, %add3A_161, %ge3A_175 : i32
        %convert_element_type3A_177 = arith.extui %ge3A_176 : i1 to i32
        %cond3A_178 = arith.constant 0 : i32
        %cond3A_179 = arith.cmpi ne, %convert_element_type3A_177, %cond3A_178 : i32
        scf.if %cond3A_179 {
          %dma_wait3A_187 = arith.constant 0 : i32
          %dma_wait3A_188 = arith.constant 0 : i32
          %dma_wait3A_189 = tpu.memref_slice %arg22[%dma_wait3A_187, %dma_wait3A_188] : memref<79x128xi32, #tpu.memory_space<vmem>> -> memref<1x128xi32, #tpu.memory_space<vmem>>
          %dma_wait3A_190 = tpu.memref_squeeze %dma_wait3A_189 : memref<1x128xi32, #tpu.memory_space<vmem>> -> memref<128xi32, #tpu.memory_space<vmem>>
          %dma_wait3A_191 = arith.constant 0 : i32
          %dma_wait3A_192 = arith.constant 0 : i32
          %dma_wait3A_193 = tpu.memref_slice %arg27[%dma_wait3A_191, %dma_wait3A_192] : memref<10112x64xf32, #tpu.memory_space<vmem_shared>> -> memref<10112x64xf32, #tpu.memory_space<vmem_shared>>
          tpu.wait_indirect_dma semaphore(%arg32 : memref<!tpu.dma_semaphore, #tpu.memory_space<semaphore_mem>>) src(%arg24 : memref<128x64xf32, #tpu.memory_space<vmem>>) dst(%dma_wait3A_193 : memref<10112x64xf32, #tpu.memory_space<vmem_shared>>)
        } else {
        }
        %add3A_180 = arith.constant 2 : i32
        %add3A_181 = arith.addi %add3A_161, %add3A_180 : i32
        %lt3A_182 = arith.constant 79 : i32
        %lt3A_183 = arith.cmpi slt, %add3A_181, %lt3A_182 : i32
        %convert_element_type3A_184 = arith.extui %lt3A_183 : i1 to i32
        %cond3A_185 = arith.constant 0 : i32
        %cond3A_186 = arith.cmpi ne, %convert_element_type3A_184, %cond3A_185 : i32
        scf.if %cond3A_186 {
          %add3A_187 = arith.constant 2 : i32
          %add3A_188 = arith.addi %add3A_161, %add3A_187 : i32
          %dma_start3A_189 = arith.constant 0 : i32
          %dma_start3A_190 = tpu.memref_slice %arg21[%add3A_188, %dma_start3A_189] : memref<79x128xi32, #tpu.memory_space<vmem>> -> memref<1x128xi32, #tpu.memory_space<vmem>>
          %dma_start3A_191 = tpu.memref_squeeze %dma_start3A_190 : memref<1x128xi32, #tpu.memory_space<vmem>> -> memref<128xi32, #tpu.memory_space<vmem>>
          %dma_start3A_192 = arith.constant 0 : i32
          %dma_start3A_193 = arith.constant 0 : i32
          %dma_start3A_194 = tpu.memref_slice %arg26[%dma_start3A_192, %dma_start3A_193] : memref<10000x64xf32, #tpu.memory_space<vmem_shared>> -> memref<10000x64xf32, #tpu.memory_space<vmem_shared>>
          tpu.enqueue_indirect_dma source(%dma_start3A_194 : memref<10000x64xf32, #tpu.memory_space<vmem_shared>>) target(%arg24 : memref<128x64xf32, #tpu.memory_space<vmem>>) offsets(%dma_start3A_191 : memref<128xi32, #tpu.memory_space<vmem>>) semaphore(%arg29 : memref<!tpu.dma_semaphore, #tpu.memory_space<semaphore_mem>>)
        } else {
        }
      }
      %scan3A_68 = arith.constant 26 : i32
      %dma_wait3A = arith.constant 0 : i32
      %dma_wait3A_69 = arith.constant 0 : i32
      %dma_wait3A_70 = tpu.memref_slice %arg21[%dma_wait3A, %dma_wait3A_69] : memref<79x128xi32, #tpu.memory_space<vmem>> -> memref<1x128xi32, #tpu.memory_space<vmem>>
      %dma_wait3A_71 = tpu.memref_squeeze %dma_wait3A_70 : memref<1x128xi32, #tpu.memory_space<vmem>> -> memref<128xi32, #tpu.memory_space<vmem>>
      %dma_wait3A_72 = arith.constant 0 : i32
      %dma_wait3A_73 = arith.constant 0 : i32
      %dma_wait3A_74 = tpu.memref_slice %arg26[%dma_wait3A_72, %dma_wait3A_73] : memref<10000x64xf32, #tpu.memory_space<vmem_shared>> -> memref<10000x64xf32, #tpu.memory_space<vmem_shared>>
      tpu.wait_indirect_dma semaphore(%arg28 : memref<!tpu.dma_semaphore, #tpu.memory_space<semaphore_mem>>) src(%dma_wait3A_74 : memref<10000x64xf32, #tpu.memory_space<vmem_shared>>) dst(%arg23 : memref<128x64xf32, #tpu.memory_space<vmem>>)
      %dma_start3A_75 = arith.constant 78 : i32
      %dma_start3A_76 = arith.constant 0 : i32
      %dma_start3A_77 = tpu.memref_slice %arg22[%dma_start3A_75, %dma_start3A_76] : memref<79x128xi32, #tpu.memory_space<vmem>> -> memref<1x128xi32, #tpu.memory_space<vmem>>
      %dma_start3A_78 = tpu.memref_squeeze %dma_start3A_77 : memref<1x128xi32, #tpu.memory_space<vmem>> -> memref<128xi32, #tpu.memory_space<vmem>>
      %dma_start3A_79 = arith.constant 0 : i32
      %dma_start3A_80 = arith.constant 0 : i32
      %dma_start3A_81 = tpu.memref_slice %arg27[%dma_start3A_79, %dma_start3A_80] : memref<10112x64xf32, #tpu.memory_space<vmem_shared>> -> memref<10112x64xf32, #tpu.memory_space<vmem_shared>>
      tpu.enqueue_indirect_dma source(%arg23 : memref<128x64xf32, #tpu.memory_space<vmem>>) target(%dma_start3A_81 : memref<10112x64xf32, #tpu.memory_space<vmem_shared>>) offsets(%dma_start3A_78 : memref<128xi32, #tpu.memory_space<vmem>>) semaphore(%arg31 : memref<!tpu.dma_semaphore, #tpu.memory_space<semaphore_mem>>) {add = true}
      %dma_wait3A_82 = arith.constant 0 : i32
      %dma_wait3A_83 = arith.constant 0 : i32
      %dma_wait3A_84 = tpu.memref_slice %arg22[%dma_wait3A_82, %dma_wait3A_83] : memref<79x128xi32, #tpu.memory_space<vmem>> -> memref<1x128xi32, #tpu.memory_space<vmem>>
      %dma_wait3A_85 = tpu.memref_squeeze %dma_wait3A_84 : memref<1x128xi32, #tpu.memory_space<vmem>> -> memref<128xi32, #tpu.memory_space<vmem>>
      %dma_wait3A_86 = arith.constant 0 : i32
      %dma_wait3A_87 = arith.constant 0 : i32
      %dma_wait3A_88 = tpu.memref_slice %arg27[%dma_wait3A_86, %dma_wait3A_87] : memref<10112x64xf32, #tpu.memory_space<vmem_shared>> -> memref<10112x64xf32, #tpu.memory_space<vmem_shared>>
      tpu.wait_indirect_dma semaphore(%arg33 : memref<!tpu.dma_semaphore, #tpu.memory_space<semaphore_mem>>) src(%arg25 : memref<128x64xf32, #tpu.memory_space<vmem>>) dst(%dma_wait3A_88 : memref<10112x64xf32, #tpu.memory_space<vmem_shared>>)
      %dma_wait3A_89 = arith.constant 0 : i32
      %dma_wait3A_90 = arith.constant 0 : i32
      %dma_wait3A_91 = tpu.memref_slice %arg22[%dma_wait3A_89, %dma_wait3A_90] : memref<79x128xi32, #tpu.memory_space<vmem>> -> memref<1x128xi32, #tpu.memory_space<vmem>>
      %dma_wait3A_92 = tpu.memref_squeeze %dma_wait3A_91 : memref<1x128xi32, #tpu.memory_space<vmem>> -> memref<128xi32, #tpu.memory_space<vmem>>
      %dma_wait3A_93 = arith.constant 0 : i32
      %dma_wait3A_94 = arith.constant 0 : i32
      %dma_wait3A_95 = tpu.memref_slice %arg27[%dma_wait3A_93, %dma_wait3A_94] : memref<10112x64xf32, #tpu.memory_space<vmem_shared>> -> memref<10112x64xf32, #tpu.memory_space<vmem_shared>>
      tpu.wait_indirect_dma semaphore(%arg31 : memref<!tpu.dma_semaphore, #tpu.memory_space<semaphore_mem>>) src(%arg23 : memref<128x64xf32, #tpu.memory_space<vmem>>) dst(%dma_wait3A_95 : memref<10112x64xf32, #tpu.memory_space<vmem_shared>>)
      %barrier3A_96 = arith.constant 0 : index
      tpu.barrier barrier_id(%barrier3A_96)
      %mul3A_97 = arith.constant 632 : i32
      %mul3A_98 = arith.muli %arg1, %mul3A_97 : i32
      %mul3A_99 = arith.constant 632 : i32
      %mul3A_100 = arith.muli %arg1, %mul3A_99 : i32
      "tpu.region"() ({
        %run_scoped3A = tpu.sem_alloc : memref<!tpu.dma_semaphore, #tpu.memory_space<semaphore_mem>>
        %dma_start3A_101 = arith.constant 0 : i32
        %dma_start3A_102 = tpu.memref_slice %arg16[%mul3A_100, %dma_start3A_101] : memref<10112x64xf32, #tpu.memory_space<hbm>> -> memref<632x64xf32, #tpu.memory_space<hbm>>
        %dma_start3A_103 = arith.constant 0 : i32
        %dma_start3A_104 = tpu.memref_slice %arg27[%mul3A_98, %dma_start3A_103] : memref<10112x64xf32, #tpu.memory_space<vmem_shared>> -> memref<632x64xf32, #tpu.memory_space<vmem_shared>>
        tpu.enqueue_dma source(%dma_start3A_104 : memref<632x64xf32, #tpu.memory_space<vmem_shared>>) target(%dma_start3A_102 : memref<632x64xf32, #tpu.memory_space<hbm>>) target_semaphore(%run_scoped3A : memref<!tpu.dma_semaphore, #tpu.memory_space<semaphore_mem>>)
        %dma_wait3A_105 = arith.constant 0 : i32
        %dma_wait3A_106 = tpu.memref_slice %arg16[%mul3A_100, %dma_wait3A_105] : memref<10112x64xf32, #tpu.memory_space<hbm>> -> memref<632x64xf32, #tpu.memory_space<hbm>>
        %dma_wait3A_107 = arith.constant 0 : i32
        %dma_wait3A_108 = tpu.memref_slice %arg27[%mul3A_98, %dma_wait3A_107] : memref<10112x64xf32, #tpu.memory_space<vmem_shared>> -> memref<632x64xf32, #tpu.memory_space<vmem_shared>>
        tpu.wait_dma2 semaphore(%run_scoped3A : memref<!tpu.dma_semaphore, #tpu.memory_space<semaphore_mem>>) src(%dma_wait3A_108 : memref<632x64xf32, #tpu.memory_space<vmem_shared>>) dst(%dma_wait3A_106 : memref<632x64xf32, #tpu.memory_space<hbm>>)
        tpu.yield
      }) : () -> ()
    } else {
    }
    %eq3A_34 = arith.constant 1 : i32
    %eq3A_35 = arith.cmpi eq, %arg0, %eq3A_34 : i32
    %convert_element_type3A_36 = arith.extui %eq3A_35 : i1 to i32
    %cond3A_37 = arith.constant 0 : i32
    %cond3A_38 = arith.cmpi ne, %convert_element_type3A_36, %cond3A_37 : i32
    scf.if %cond3A_38 {
      %lt3A = arith.constant 15 : i32
      %lt3A_40 = arith.cmpi slt, %arg1, %lt3A : i32
      %convert_element_type3A_41 = arith.extui %lt3A_40 : i1 to i32
      %cond3A_42 = arith.constant 0 : i32
      %cond3A_43 = arith.cmpi ne, %convert_element_type3A_41, %cond3A_42 : i32
      scf.if %cond3A_43 {
        %mul3A_101 = arith.constant 632 : i32
        %mul3A_102 = arith.muli %arg1, %mul3A_101 : i32
        %mul3A_103 = arith.constant 632 : i32
        %mul3A_104 = arith.muli %arg1, %mul3A_103 : i32
        "tpu.region"() ({
          %run_scoped3A = tpu.sem_alloc : memref<!tpu.dma_semaphore, #tpu.memory_space<semaphore_mem>>
          %dma_start3A_105 = arith.constant 0 : i32
          %dma_start3A_106 = tpu.memref_slice %arg26[%mul3A_104, %dma_start3A_105] : memref<10000x64xf32, #tpu.memory_space<vmem_shared>> -> memref<632x64xf32, #tpu.memory_space<vmem_shared>>
          %dma_start3A_107 = arith.constant 0 : i32
          %dma_start3A_108 = tpu.memref_slice %arg9[%mul3A_102, %dma_start3A_107] : memref<10000x64xf32, #tpu.memory_space<hbm>> -> memref<632x64xf32, #tpu.memory_space<hbm>>
          tpu.enqueue_dma source(%dma_start3A_108 : memref<632x64xf32, #tpu.memory_space<hbm>>) target(%dma_start3A_106 : memref<632x64xf32, #tpu.memory_space<vmem_shared>>) target_semaphore(%run_scoped3A : memref<!tpu.dma_semaphore, #tpu.memory_space<semaphore_mem>>)
          %dma_wait3A_109 = arith.constant 0 : i32
          %dma_wait3A_110 = tpu.memref_slice %arg26[%mul3A_104, %dma_wait3A_109] : memref<10000x64xf32, #tpu.memory_space<vmem_shared>> -> memref<632x64xf32, #tpu.memory_space<vmem_shared>>
          %dma_wait3A_111 = arith.constant 0 : i32
          %dma_wait3A_112 = tpu.memref_slice %arg9[%mul3A_102, %dma_wait3A_111] : memref<10000x64xf32, #tpu.memory_space<hbm>> -> memref<632x64xf32, #tpu.memory_space<hbm>>
          tpu.wait_dma2 semaphore(%run_scoped3A : memref<!tpu.dma_semaphore, #tpu.memory_space<semaphore_mem>>) src(%dma_wait3A_112 : memref<632x64xf32, #tpu.memory_space<hbm>>) dst(%dma_wait3A_110 : memref<632x64xf32, #tpu.memory_space<vmem_shared>>)
          tpu.yield
        }) : () -> ()
      } else {
      }
      %eq3A_44 = arith.constant 15 : i32
      %eq3A_45 = arith.cmpi eq, %arg1, %eq3A_44 : i32
      %convert_element_type3A_46 = arith.extui %eq3A_45 : i1 to i32
      %cond3A_47 = arith.constant 0 : i32
      %cond3A_48 = arith.cmpi ne, %convert_element_type3A_46, %cond3A_47 : i32
      scf.if %cond3A_48 {
        "tpu.region"() ({
          %run_scoped3A = tpu.sem_alloc : memref<!tpu.dma_semaphore, #tpu.memory_space<semaphore_mem>>
          %dma_start3A_101 = arith.constant 9480 : i32
          %dma_start3A_102 = arith.constant 0 : i32
          %dma_start3A_103 = tpu.memref_slice %arg26[%dma_start3A_101, %dma_start3A_102] : memref<10000x64xf32, #tpu.memory_space<vmem_shared>> -> memref<520x64xf32, #tpu.memory_space<vmem_shared>>
          %dma_start3A_104 = arith.constant 9480 : i32
          %dma_start3A_105 = arith.constant 0 : i32
          %dma_start3A_106 = tpu.memref_slice %arg9[%dma_start3A_104, %dma_start3A_105] : memref<10000x64xf32, #tpu.memory_space<hbm>> -> memref<520x64xf32, #tpu.memory_space<hbm>>
          tpu.enqueue_dma source(%dma_start3A_106 : memref<520x64xf32, #tpu.memory_space<hbm>>) target(%dma_start3A_103 : memref<520x64xf32, #tpu.memory_space<vmem_shared>>) target_semaphore(%run_scoped3A : memref<!tpu.dma_semaphore, #tpu.memory_space<semaphore_mem>>)
          %dma_wait3A_107 = arith.constant 9480 : i32
          %dma_wait3A_108 = arith.constant 0 : i32
          %dma_wait3A_109 = tpu.memref_slice %arg26[%dma_wait3A_107, %dma_wait3A_108] : memref<10000x64xf32, #tpu.memory_space<vmem_shared>> -> memref<520x64xf32, #tpu.memory_space<vmem_shared>>
          %dma_wait3A_110 = arith.constant 9480 : i32
          %dma_wait3A_111 = arith.constant 0 : i32
          %dma_wait3A_112 = tpu.memref_slice %arg9[%dma_wait3A_110, %dma_wait3A_111] : memref<10000x64xf32, #tpu.memory_space<hbm>> -> memref<520x64xf32, #tpu.memory_space<hbm>>
          tpu.wait_dma2 semaphore(%run_scoped3A : memref<!tpu.dma_semaphore, #tpu.memory_space<semaphore_mem>>) src(%dma_wait3A_112 : memref<520x64xf32, #tpu.memory_space<hbm>>) dst(%dma_wait3A_109 : memref<520x64xf32, #tpu.memory_space<vmem_shared>>)
          tpu.yield
        }) : () -> ()
      } else {
      }
      %mul3A = arith.constant 632 : i32
      %mul3A_49 = arith.muli %arg1, %mul3A : i32
      "tpu.region"() ({
        %run_scoped3A = tpu.sem_alloc : memref<!tpu.dma_semaphore, #tpu.memory_space<semaphore_mem>>
        %dma_start3A_101 = arith.constant 0 : i32
        %dma_start3A_102 = tpu.memref_slice %arg27[%mul3A_49, %dma_start3A_101] : memref<10112x64xf32, #tpu.memory_space<vmem_shared>> -> memref<632x64xf32, #tpu.memory_space<vmem_shared>>
        tpu.enqueue_dma source(%arg12 : memref<632x64xf32, #tpu.memory_space<hbm>>) target(%dma_start3A_102 : memref<632x64xf32, #tpu.memory_space<vmem_shared>>) target_semaphore(%run_scoped3A : memref<!tpu.dma_semaphore, #tpu.memory_space<semaphore_mem>>)
        %dma_wait3A_103 = arith.constant 0 : i32
        %dma_wait3A_104 = tpu.memref_slice %arg27[%mul3A_49, %dma_wait3A_103] : memref<10112x64xf32, #tpu.memory_space<vmem_shared>> -> memref<632x64xf32, #tpu.memory_space<vmem_shared>>
        tpu.wait_dma2 semaphore(%run_scoped3A : memref<!tpu.dma_semaphore, #tpu.memory_space<semaphore_mem>>) src(%arg12 : memref<632x64xf32, #tpu.memory_space<hbm>>) dst(%dma_wait3A_104 : memref<632x64xf32, #tpu.memory_space<vmem_shared>>)
        tpu.yield
      }) : () -> ()
      %barrier3A_50 = arith.constant 0 : index
      tpu.barrier barrier_id(%barrier3A_50)
      %dma_start3A = arith.constant 0 : i32
      %dma_start3A_51 = arith.constant 0 : i32
      %dma_start3A_52 = tpu.memref_slice %arg21[%dma_start3A, %dma_start3A_51] : memref<79x128xi32, #tpu.memory_space<vmem>> -> memref<1x128xi32, #tpu.memory_space<vmem>>
      %dma_start3A_53 = tpu.memref_squeeze %dma_start3A_52 : memref<1x128xi32, #tpu.memory_space<vmem>> -> memref<128xi32, #tpu.memory_space<vmem>>
      %dma_start3A_54 = arith.constant 0 : i32
      %dma_start3A_55 = arith.constant 0 : i32
      %dma_start3A_56 = tpu.memref_slice %arg26[%dma_start3A_54, %dma_start3A_55] : memref<10000x64xf32, #tpu.memory_space<vmem_shared>> -> memref<10000x64xf32, #tpu.memory_space<vmem_shared>>
      tpu.enqueue_indirect_dma source(%dma_start3A_56 : memref<10000x64xf32, #tpu.memory_space<vmem_shared>>) target(%arg23 : memref<128x64xf32, #tpu.memory_space<vmem>>) offsets(%dma_start3A_53 : memref<128xi32, #tpu.memory_space<vmem>>) semaphore(%arg28 : memref<!tpu.dma_semaphore, #tpu.memory_space<semaphore_mem>>)
      %dma_start3A_57 = arith.constant 1 : i32
      %dma_start3A_58 = arith.constant 0 : i32
      %dma_start3A_59 = tpu.memref_slice %arg21[%dma_start3A_57, %dma_start3A_58] : memref<79x128xi32, #tpu.memory_space<vmem>> -> memref<1x128xi32, #tpu.memory_space<vmem>>
      %dma_start3A_60 = tpu.memref_squeeze %dma_start3A_59 : memref<1x128xi32, #tpu.memory_space<vmem>> -> memref<128xi32, #tpu.memory_space<vmem>>
      %dma_start3A_61 = arith.constant 0 : i32
      %dma_start3A_62 = arith.constant 0 : i32
      %dma_start3A_63 = tpu.memref_slice %arg26[%dma_start3A_61, %dma_start3A_62] : memref<10000x64xf32, #tpu.memory_space<vmem_shared>> -> memref<10000x64xf32, #tpu.memory_space<vmem_shared>>
      tpu.enqueue_indirect_dma source(%dma_start3A_63 : memref<10000x64xf32, #tpu.memory_space<vmem_shared>>) target(%arg24 : memref<128x64xf32, #tpu.memory_space<vmem>>) offsets(%dma_start3A_60 : memref<128xi32, #tpu.memory_space<vmem>>) semaphore(%arg29 : memref<!tpu.dma_semaphore, #tpu.memory_space<semaphore_mem>>)
      %scan3A = arith.constant 0 : i32
      %scan3A_64 = arith.constant 0 : i32
      %scan3A_65 = arith.constant 26 : i32
      %scan3A_66 = arith.addi %scan3A_64, %scan3A_65 : i32
      %scan3A_67 = arith.constant 1 : i32
      scf.for %scan3A_101 = %scan3A_64 to %scan3A_66 step %scan3A_67  : i32 {
        %mul3A_102 = arith.constant 3 : i32
        %mul3A_103 = arith.muli %mul3A_102, %scan3A_101 : i32
        %add3A = arith.constant 0 : i32
        %add3A_104 = arith.addi %mul3A_103, %add3A : i32
        %dma_wait3A_105 = arith.constant 0 : i32
        %dma_wait3A_106 = arith.constant 0 : i32
        %dma_wait3A_107 = tpu.memref_slice %arg21[%dma_wait3A_105, %dma_wait3A_106] : memref<79x128xi32, #tpu.memory_space<vmem>> -> memref<1x128xi32, #tpu.memory_space<vmem>>
        %dma_wait3A_108 = tpu.memref_squeeze %dma_wait3A_107 : memref<1x128xi32, #tpu.memory_space<vmem>> -> memref<128xi32, #tpu.memory_space<vmem>>
        %dma_wait3A_109 = arith.constant 0 : i32
        %dma_wait3A_110 = arith.constant 0 : i32
        %dma_wait3A_111 = tpu.memref_slice %arg26[%dma_wait3A_109, %dma_wait3A_110] : memref<10000x64xf32, #tpu.memory_space<vmem_shared>> -> memref<10000x64xf32, #tpu.memory_space<vmem_shared>>
        tpu.wait_indirect_dma semaphore(%arg28 : memref<!tpu.dma_semaphore, #tpu.memory_space<semaphore_mem>>) src(%dma_wait3A_111 : memref<10000x64xf32, #tpu.memory_space<vmem_shared>>) dst(%arg23 : memref<128x64xf32, #tpu.memory_space<vmem>>)
        %dma_start3A_112 = arith.constant 0 : i32
        %dma_start3A_113 = tpu.memref_slice %arg22[%add3A_104, %dma_start3A_112] : memref<79x128xi32, #tpu.memory_space<vmem>> -> memref<1x128xi32, #tpu.memory_space<vmem>>
        %dma_start3A_114 = tpu.memref_squeeze %dma_start3A_113 : memref<1x128xi32, #tpu.memory_space<vmem>> -> memref<128xi32, #tpu.memory_space<vmem>>
        %dma_start3A_115 = arith.constant 0 : i32
        %dma_start3A_116 = arith.constant 0 : i32
        %dma_start3A_117 = tpu.memref_slice %arg27[%dma_start3A_115, %dma_start3A_116] : memref<10112x64xf32, #tpu.memory_space<vmem_shared>> -> memref<10112x64xf32, #tpu.memory_space<vmem_shared>>
        tpu.enqueue_indirect_dma source(%arg23 : memref<128x64xf32, #tpu.memory_space<vmem>>) target(%dma_start3A_117 : memref<10112x64xf32, #tpu.memory_space<vmem_shared>>) offsets(%dma_start3A_114 : memref<128xi32, #tpu.memory_space<vmem>>) semaphore(%arg31 : memref<!tpu.dma_semaphore, #tpu.memory_space<semaphore_mem>>) {add = true}
        %ge3A = arith.constant 1 : i32
        %ge3A_118 = arith.cmpi sge, %add3A_104, %ge3A : i32
        %convert_element_type3A_119 = arith.extui %ge3A_118 : i1 to i32
        %cond3A_120 = arith.constant 0 : i32
        %cond3A_121 = arith.cmpi ne, %convert_element_type3A_119, %cond3A_120 : i32
        scf.if %cond3A_121 {
          %dma_wait3A_187 = arith.constant 0 : i32
          %dma_wait3A_188 = arith.constant 0 : i32
          %dma_wait3A_189 = tpu.memref_slice %arg22[%dma_wait3A_187, %dma_wait3A_188] : memref<79x128xi32, #tpu.memory_space<vmem>> -> memref<1x128xi32, #tpu.memory_space<vmem>>
          %dma_wait3A_190 = tpu.memref_squeeze %dma_wait3A_189 : memref<1x128xi32, #tpu.memory_space<vmem>> -> memref<128xi32, #tpu.memory_space<vmem>>
          %dma_wait3A_191 = arith.constant 0 : i32
          %dma_wait3A_192 = arith.constant 0 : i32
          %dma_wait3A_193 = tpu.memref_slice %arg27[%dma_wait3A_191, %dma_wait3A_192] : memref<10112x64xf32, #tpu.memory_space<vmem_shared>> -> memref<10112x64xf32, #tpu.memory_space<vmem_shared>>
          tpu.wait_indirect_dma semaphore(%arg33 : memref<!tpu.dma_semaphore, #tpu.memory_space<semaphore_mem>>) src(%arg25 : memref<128x64xf32, #tpu.memory_space<vmem>>) dst(%dma_wait3A_193 : memref<10112x64xf32, #tpu.memory_space<vmem_shared>>)
        } else {
        }
        %add3A_122 = arith.constant 2 : i32
        %add3A_123 = arith.addi %add3A_104, %add3A_122 : i32
        %lt3A_124 = arith.constant 79 : i32
        %lt3A_125 = arith.cmpi slt, %add3A_123, %lt3A_124 : i32
        %convert_element_type3A_126 = arith.extui %lt3A_125 : i1 to i32
        %cond3A_127 = arith.constant 0 : i32
        %cond3A_128 = arith.cmpi ne, %convert_element_type3A_126, %cond3A_127 : i32
        scf.if %cond3A_128 {
          %add3A_187 = arith.constant 2 : i32
          %add3A_188 = arith.addi %add3A_104, %add3A_187 : i32
          %dma_start3A_189 = arith.constant 0 : i32
          %dma_start3A_190 = tpu.memref_slice %arg21[%add3A_188, %dma_start3A_189] : memref<79x128xi32, #tpu.memory_space<vmem>> -> memref<1x128xi32, #tpu.memory_space<vmem>>
          %dma_start3A_191 = tpu.memref_squeeze %dma_start3A_190 : memref<1x128xi32, #tpu.memory_space<vmem>> -> memref<128xi32, #tpu.memory_space<vmem>>
          %dma_start3A_192 = arith.constant 0 : i32
          %dma_start3A_193 = arith.constant 0 : i32
          %dma_start3A_194 = tpu.memref_slice %arg26[%dma_start3A_192, %dma_start3A_193] : memref<10000x64xf32, #tpu.memory_space<vmem_shared>> -> memref<10000x64xf32, #tpu.memory_space<vmem_shared>>
          tpu.enqueue_indirect_dma source(%dma_start3A_194 : memref<10000x64xf32, #tpu.memory_space<vmem_shared>>) target(%arg25 : memref<128x64xf32, #tpu.memory_space<vmem>>) offsets(%dma_start3A_191 : memref<128xi32, #tpu.memory_space<vmem>>) semaphore(%arg30 : memref<!tpu.dma_semaphore, #tpu.memory_space<semaphore_mem>>)
        } else {
        }
        %mul3A_129 = arith.constant 3 : i32
        %mul3A_130 = arith.muli %mul3A_129, %scan3A_101 : i32
        %add3A_131 = arith.constant 1 : i32
        %add3A_132 = arith.addi %mul3A_130, %add3A_131 : i32
        %dma_wait3A_133 = arith.constant 0 : i32
        %dma_wait3A_134 = arith.constant 0 : i32
        %dma_wait3A_135 = tpu.memref_slice %arg21[%dma_wait3A_133, %dma_wait3A_134] : memref<79x128xi32, #tpu.memory_space<vmem>> -> memref<1x128xi32, #tpu.memory_space<vmem>>
        %dma_wait3A_136 = tpu.memref_squeeze %dma_wait3A_135 : memref<1x128xi32, #tpu.memory_space<vmem>> -> memref<128xi32, #tpu.memory_space<vmem>>
        %dma_wait3A_137 = arith.constant 0 : i32
        %dma_wait3A_138 = arith.constant 0 : i32
        %dma_wait3A_139 = tpu.memref_slice %arg26[%dma_wait3A_137, %dma_wait3A_138] : memref<10000x64xf32, #tpu.memory_space<vmem_shared>> -> memref<10000x64xf32, #tpu.memory_space<vmem_shared>>
        tpu.wait_indirect_dma semaphore(%arg29 : memref<!tpu.dma_semaphore, #tpu.memory_space<semaphore_mem>>) src(%dma_wait3A_139 : memref<10000x64xf32, #tpu.memory_space<vmem_shared>>) dst(%arg24 : memref<128x64xf32, #tpu.memory_space<vmem>>)
        %dma_start3A_140 = arith.constant 0 : i32
        %dma_start3A_141 = tpu.memref_slice %arg22[%add3A_132, %dma_start3A_140] : memref<79x128xi32, #tpu.memory_space<vmem>> -> memref<1x128xi32, #tpu.memory_space<vmem>>
        %dma_start3A_142 = tpu.memref_squeeze %dma_start3A_141 : memref<1x128xi32, #tpu.memory_space<vmem>> -> memref<128xi32, #tpu.memory_space<vmem>>
        %dma_start3A_143 = arith.constant 0 : i32
        %dma_start3A_144 = arith.constant 0 : i32
        %dma_start3A_145 = tpu.memref_slice %arg27[%dma_start3A_143, %dma_start3A_144] : memref<10112x64xf32, #tpu.memory_space<vmem_shared>> -> memref<10112x64xf32, #tpu.memory_space<vmem_shared>>
        tpu.enqueue_indirect_dma source(%arg24 : memref<128x64xf32, #tpu.memory_space<vmem>>) target(%dma_start3A_145 : memref<10112x64xf32, #tpu.memory_space<vmem_shared>>) offsets(%dma_start3A_142 : memref<128xi32, #tpu.memory_space<vmem>>) semaphore(%arg32 : memref<!tpu.dma_semaphore, #tpu.memory_space<semaphore_mem>>) {add = true}
        %ge3A_146 = arith.constant 1 : i32
        %ge3A_147 = arith.cmpi sge, %add3A_132, %ge3A_146 : i32
        %convert_element_type3A_148 = arith.extui %ge3A_147 : i1 to i32
        %cond3A_149 = arith.constant 0 : i32
        %cond3A_150 = arith.cmpi ne, %convert_element_type3A_148, %cond3A_149 : i32
        scf.if %cond3A_150 {
          %dma_wait3A_187 = arith.constant 0 : i32
          %dma_wait3A_188 = arith.constant 0 : i32
          %dma_wait3A_189 = tpu.memref_slice %arg22[%dma_wait3A_187, %dma_wait3A_188] : memref<79x128xi32, #tpu.memory_space<vmem>> -> memref<1x128xi32, #tpu.memory_space<vmem>>
          %dma_wait3A_190 = tpu.memref_squeeze %dma_wait3A_189 : memref<1x128xi32, #tpu.memory_space<vmem>> -> memref<128xi32, #tpu.memory_space<vmem>>
          %dma_wait3A_191 = arith.constant 0 : i32
          %dma_wait3A_192 = arith.constant 0 : i32
          %dma_wait3A_193 = tpu.memref_slice %arg27[%dma_wait3A_191, %dma_wait3A_192] : memref<10112x64xf32, #tpu.memory_space<vmem_shared>> -> memref<10112x64xf32, #tpu.memory_space<vmem_shared>>
          tpu.wait_indirect_dma semaphore(%arg31 : memref<!tpu.dma_semaphore, #tpu.memory_space<semaphore_mem>>) src(%arg23 : memref<128x64xf32, #tpu.memory_space<vmem>>) dst(%dma_wait3A_193 : memref<10112x64xf32, #tpu.memory_space<vmem_shared>>)
        } else {
        }
        %add3A_151 = arith.constant 2 : i32
        %add3A_152 = arith.addi %add3A_132, %add3A_151 : i32
        %lt3A_153 = arith.constant 79 : i32
        %lt3A_154 = arith.cmpi slt, %add3A_152, %lt3A_153 : i32
        %convert_element_type3A_155 = arith.extui %lt3A_154 : i1 to i32
        %cond3A_156 = arith.constant 0 : i32
        %cond3A_157 = arith.cmpi ne, %convert_element_type3A_155, %cond3A_156 : i32
        scf.if %cond3A_157 {
          %add3A_187 = arith.constant 2 : i32
          %add3A_188 = arith.addi %add3A_132, %add3A_187 : i32
          %dma_start3A_189 = arith.constant 0 : i32
          %dma_start3A_190 = tpu.memref_slice %arg21[%add3A_188, %dma_start3A_189] : memref<79x128xi32, #tpu.memory_space<vmem>> -> memref<1x128xi32, #tpu.memory_space<vmem>>
          %dma_start3A_191 = tpu.memref_squeeze %dma_start3A_190 : memref<1x128xi32, #tpu.memory_space<vmem>> -> memref<128xi32, #tpu.memory_space<vmem>>
          %dma_start3A_192 = arith.constant 0 : i32
          %dma_start3A_193 = arith.constant 0 : i32
          %dma_start3A_194 = tpu.memref_slice %arg26[%dma_start3A_192, %dma_start3A_193] : memref<10000x64xf32, #tpu.memory_space<vmem_shared>> -> memref<10000x64xf32, #tpu.memory_space<vmem_shared>>
          tpu.enqueue_indirect_dma source(%dma_start3A_194 : memref<10000x64xf32, #tpu.memory_space<vmem_shared>>) target(%arg23 : memref<128x64xf32, #tpu.memory_space<vmem>>) offsets(%dma_start3A_191 : memref<128xi32, #tpu.memory_space<vmem>>) semaphore(%arg28 : memref<!tpu.dma_semaphore, #tpu.memory_space<semaphore_mem>>)
        } else {
        }
        %mul3A_158 = arith.constant 3 : i32
        %mul3A_159 = arith.muli %mul3A_158, %scan3A_101 : i32
        %add3A_160 = arith.constant 2 : i32
        %add3A_161 = arith.addi %mul3A_159, %add3A_160 : i32
        %dma_wait3A_162 = arith.constant 0 : i32
        %dma_wait3A_163 = arith.constant 0 : i32
        %dma_wait3A_164 = tpu.memref_slice %arg21[%dma_wait3A_162, %dma_wait3A_163] : memref<79x128xi32, #tpu.memory_space<vmem>> -> memref<1x128xi32, #tpu.memory_space<vmem>>
        %dma_wait3A_165 = tpu.memref_squeeze %dma_wait3A_164 : memref<1x128xi32, #tpu.memory_space<vmem>> -> memref<128xi32, #tpu.memory_space<vmem>>
        %dma_wait3A_166 = arith.constant 0 : i32
        %dma_wait3A_167 = arith.constant 0 : i32
        %dma_wait3A_168 = tpu.memref_slice %arg26[%dma_wait3A_166, %dma_wait3A_167] : memref<10000x64xf32, #tpu.memory_space<vmem_shared>> -> memref<10000x64xf32, #tpu.memory_space<vmem_shared>>
        tpu.wait_indirect_dma semaphore(%arg30 : memref<!tpu.dma_semaphore, #tpu.memory_space<semaphore_mem>>) src(%dma_wait3A_168 : memref<10000x64xf32, #tpu.memory_space<vmem_shared>>) dst(%arg25 : memref<128x64xf32, #tpu.memory_space<vmem>>)
        %dma_start3A_169 = arith.constant 0 : i32
        %dma_start3A_170 = tpu.memref_slice %arg22[%add3A_161, %dma_start3A_169] : memref<79x128xi32, #tpu.memory_space<vmem>> -> memref<1x128xi32, #tpu.memory_space<vmem>>
        %dma_start3A_171 = tpu.memref_squeeze %dma_start3A_170 : memref<1x128xi32, #tpu.memory_space<vmem>> -> memref<128xi32, #tpu.memory_space<vmem>>
        %dma_start3A_172 = arith.constant 0 : i32
        %dma_start3A_173 = arith.constant 0 : i32
        %dma_start3A_174 = tpu.memref_slice %arg27[%dma_start3A_172, %dma_start3A_173] : memref<10112x64xf32, #tpu.memory_space<vmem_shared>> -> memref<10112x64xf32, #tpu.memory_space<vmem_shared>>
        tpu.enqueue_indirect_dma source(%arg25 : memref<128x64xf32, #tpu.memory_space<vmem>>) target(%dma_start3A_174 : memref<10112x64xf32, #tpu.memory_space<vmem_shared>>) offsets(%dma_start3A_171 : memref<128xi32, #tpu.memory_space<vmem>>) semaphore(%arg33 : memref<!tpu.dma_semaphore, #tpu.memory_space<semaphore_mem>>) {add = true}
        %ge3A_175 = arith.constant 1 : i32
        %ge3A_176 = arith.cmpi sge, %add3A_161, %ge3A_175 : i32
        %convert_element_type3A_177 = arith.extui %ge3A_176 : i1 to i32
        %cond3A_178 = arith.constant 0 : i32
        %cond3A_179 = arith.cmpi ne, %convert_element_type3A_177, %cond3A_178 : i32
        scf.if %cond3A_179 {
          %dma_wait3A_187 = arith.constant 0 : i32
          %dma_wait3A_188 = arith.constant 0 : i32
          %dma_wait3A_189 = tpu.memref_slice %arg22[%dma_wait3A_187, %dma_wait3A_188] : memref<79x128xi32, #tpu.memory_space<vmem>> -> memref<1x128xi32, #tpu.memory_space<vmem>>
          %dma_wait3A_190 = tpu.memref_squeeze %dma_wait3A_189 : memref<1x128xi32, #tpu.memory_space<vmem>> -> memref<128xi32, #tpu.memory_space<vmem>>
          %dma_wait3A_191 = arith.constant 0 : i32
          %dma_wait3A_192 = arith.constant 0 : i32
          %dma_wait3A_193 = tpu.memref_slice %arg27[%dma_wait3A_191, %dma_wait3A_192] : memref<10112x64xf32, #tpu.memory_space<vmem_shared>> -> memref<10112x64xf32, #tpu.memory_space<vmem_shared>>
          tpu.wait_indirect_dma semaphore(%arg32 : memref<!tpu.dma_semaphore, #tpu.memory_space<semaphore_mem>>) src(%arg24 : memref<128x64xf32, #tpu.memory_space<vmem>>) dst(%dma_wait3A_193 : memref<10112x64xf32, #tpu.memory_space<vmem_shared>>)
        } else {
        }
        %add3A_180 = arith.constant 2 : i32
        %add3A_181 = arith.addi %add3A_161, %add3A_180 : i32
        %lt3A_182 = arith.constant 79 : i32
        %lt3A_183 = arith.cmpi slt, %add3A_181, %lt3A_182 : i32
        %convert_element_type3A_184 = arith.extui %lt3A_183 : i1 to i32
        %cond3A_185 = arith.constant 0 : i32
        %cond3A_186 = arith.cmpi ne, %convert_element_type3A_184, %cond3A_185 : i32
        scf.if %cond3A_186 {
          %add3A_187 = arith.constant 2 : i32
          %add3A_188 = arith.addi %add3A_161, %add3A_187 : i32
          %dma_start3A_189 = arith.constant 0 : i32
          %dma_start3A_190 = tpu.memref_slice %arg21[%add3A_188, %dma_start3A_189] : memref<79x128xi32, #tpu.memory_space<vmem>> -> memref<1x128xi32, #tpu.memory_space<vmem>>
          %dma_start3A_191 = tpu.memref_squeeze %dma_start3A_190 : memref<1x128xi32, #tpu.memory_space<vmem>> -> memref<128xi32, #tpu.memory_space<vmem>>
          %dma_start3A_192 = arith.constant 0 : i32
          %dma_start3A_193 = arith.constant 0 : i32
          %dma_start3A_194 = tpu.memref_slice %arg26[%dma_start3A_192, %dma_start3A_193] : memref<10000x64xf32, #tpu.memory_space<vmem_shared>> -> memref<10000x64xf32, #tpu.memory_space<vmem_shared>>
          tpu.enqueue_indirect_dma source(%dma_start3A_194 : memref<10000x64xf32, #tpu.memory_space<vmem_shared>>) target(%arg24 : memref<128x64xf32, #tpu.memory_space<vmem>>) offsets(%dma_start3A_191 : memref<128xi32, #tpu.memory_space<vmem>>) semaphore(%arg29 : memref<!tpu.dma_semaphore, #tpu.memory_space<semaphore_mem>>)
        } else {
        }
      }
      %scan3A_68 = arith.constant 26 : i32
      %dma_wait3A = arith.constant 0 : i32
      %dma_wait3A_69 = arith.constant 0 : i32
      %dma_wait3A_70 = tpu.memref_slice %arg21[%dma_wait3A, %dma_wait3A_69] : memref<79x128xi32, #tpu.memory_space<vmem>> -> memref<1x128xi32, #tpu.memory_space<vmem>>
      %dma_wait3A_71 = tpu.memref_squeeze %dma_wait3A_70 : memref<1x128xi32, #tpu.memory_space<vmem>> -> memref<128xi32, #tpu.memory_space<vmem>>
      %dma_wait3A_72 = arith.constant 0 : i32
      %dma_wait3A_73 = arith.constant 0 : i32
      %dma_wait3A_74 = tpu.memref_slice %arg26[%dma_wait3A_72, %dma_wait3A_73] : memref<10000x64xf32, #tpu.memory_space<vmem_shared>> -> memref<10000x64xf32, #tpu.memory_space<vmem_shared>>
      tpu.wait_indirect_dma semaphore(%arg28 : memref<!tpu.dma_semaphore, #tpu.memory_space<semaphore_mem>>) src(%dma_wait3A_74 : memref<10000x64xf32, #tpu.memory_space<vmem_shared>>) dst(%arg23 : memref<128x64xf32, #tpu.memory_space<vmem>>)
      %dma_start3A_75 = arith.constant 78 : i32
      %dma_start3A_76 = arith.constant 0 : i32
      %dma_start3A_77 = tpu.memref_slice %arg22[%dma_start3A_75, %dma_start3A_76] : memref<79x128xi32, #tpu.memory_space<vmem>> -> memref<1x128xi32, #tpu.memory_space<vmem>>
      %dma_start3A_78 = tpu.memref_squeeze %dma_start3A_77 : memref<1x128xi32, #tpu.memory_space<vmem>> -> memref<128xi32, #tpu.memory_space<vmem>>
      %dma_start3A_79 = arith.constant 0 : i32
      %dma_start3A_80 = arith.constant 0 : i32
      %dma_start3A_81 = tpu.memref_slice %arg27[%dma_start3A_79, %dma_start3A_80] : memref<10112x64xf32, #tpu.memory_space<vmem_shared>> -> memref<10112x64xf32, #tpu.memory_space<vmem_shared>>
      tpu.enqueue_indirect_dma source(%arg23 : memref<128x64xf32, #tpu.memory_space<vmem>>) target(%dma_start3A_81 : memref<10112x64xf32, #tpu.memory_space<vmem_shared>>) offsets(%dma_start3A_78 : memref<128xi32, #tpu.memory_space<vmem>>) semaphore(%arg31 : memref<!tpu.dma_semaphore, #tpu.memory_space<semaphore_mem>>) {add = true}
      %dma_wait3A_82 = arith.constant 0 : i32
      %dma_wait3A_83 = arith.constant 0 : i32
      %dma_wait3A_84 = tpu.memref_slice %arg22[%dma_wait3A_82, %dma_wait3A_83] : memref<79x128xi32, #tpu.memory_space<vmem>> -> memref<1x128xi32, #tpu.memory_space<vmem>>
      %dma_wait3A_85 = tpu.memref_squeeze %dma_wait3A_84 : memref<1x128xi32, #tpu.memory_space<vmem>> -> memref<128xi32, #tpu.memory_space<vmem>>
      %dma_wait3A_86 = arith.constant 0 : i32
      %dma_wait3A_87 = arith.constant 0 : i32
      %dma_wait3A_88 = tpu.memref_slice %arg27[%dma_wait3A_86, %dma_wait3A_87] : memref<10112x64xf32, #tpu.memory_space<vmem_shared>> -> memref<10112x64xf32, #tpu.memory_space<vmem_shared>>
      tpu.wait_indirect_dma semaphore(%arg33 : memref<!tpu.dma_semaphore, #tpu.memory_space<semaphore_mem>>) src(%arg25 : memref<128x64xf32, #tpu.memory_space<vmem>>) dst(%dma_wait3A_88 : memref<10112x64xf32, #tpu.memory_space<vmem_shared>>)
      %dma_wait3A_89 = arith.constant 0 : i32
      %dma_wait3A_90 = arith.constant 0 : i32
      %dma_wait3A_91 = tpu.memref_slice %arg22[%dma_wait3A_89, %dma_wait3A_90] : memref<79x128xi32, #tpu.memory_space<vmem>> -> memref<1x128xi32, #tpu.memory_space<vmem>>
      %dma_wait3A_92 = tpu.memref_squeeze %dma_wait3A_91 : memref<1x128xi32, #tpu.memory_space<vmem>> -> memref<128xi32, #tpu.memory_space<vmem>>
      %dma_wait3A_93 = arith.constant 0 : i32
      %dma_wait3A_94 = arith.constant 0 : i32
      %dma_wait3A_95 = tpu.memref_slice %arg27[%dma_wait3A_93, %dma_wait3A_94] : memref<10112x64xf32, #tpu.memory_space<vmem_shared>> -> memref<10112x64xf32, #tpu.memory_space<vmem_shared>>
      tpu.wait_indirect_dma semaphore(%arg31 : memref<!tpu.dma_semaphore, #tpu.memory_space<semaphore_mem>>) src(%arg23 : memref<128x64xf32, #tpu.memory_space<vmem>>) dst(%dma_wait3A_95 : memref<10112x64xf32, #tpu.memory_space<vmem_shared>>)
      %barrier3A_96 = arith.constant 0 : index
      tpu.barrier barrier_id(%barrier3A_96)
      %mul3A_97 = arith.constant 632 : i32
      %mul3A_98 = arith.muli %arg1, %mul3A_97 : i32
      %mul3A_99 = arith.constant 632 : i32
      %mul3A_100 = arith.muli %arg1, %mul3A_99 : i32
      "tpu.region"() ({
        %run_scoped3A = tpu.sem_alloc : memref<!tpu.dma_semaphore, #tpu.memory_space<semaphore_mem>>
        %dma_start3A_101 = arith.constant 0 : i32
        %dma_start3A_102 = tpu.memref_slice %arg20[%mul3A_100, %dma_start3A_101] : memref<10112x64xf32, #tpu.memory_space<hbm>> -> memref<632x64xf32, #tpu.memory_space<hbm>>
        %dma_start3A_103 = arith.constant 0 : i32
        %dma_start3A_104 = tpu.memref_slice %arg27[%mul3A_98, %dma_start3A_103] : memref<10112x64xf32, #tpu.memory_space<vmem_shared>> -> memref<632x64xf32, #tpu.memory_space<vmem_shared>>
        tpu.enqueue_dma source(%dma_start3A_104 : memref<632x64xf32, #tpu.memory_space<vmem_shared>>) target(%dma_start3A_102 : memref<632x64xf32, #tpu.memory_space<hbm>>) target_semaphore(%run_scoped3A : memref<!tpu.dma_semaphore, #tpu.memory_space<semaphore_mem>>)
        %dma_wait3A_105 = arith.constant 0 : i32
        %dma_wait3A_106 = tpu.memref_slice %arg20[%mul3A_100, %dma_wait3A_105] : memref<10112x64xf32, #tpu.memory_space<hbm>> -> memref<632x64xf32, #tpu.memory_space<hbm>>
        %dma_wait3A_107 = arith.constant 0 : i32
        %dma_wait3A_108 = tpu.memref_slice %arg27[%mul3A_98, %dma_wait3A_107] : memref<10112x64xf32, #tpu.memory_space<vmem_shared>> -> memref<632x64xf32, #tpu.memory_space<vmem_shared>>
        tpu.wait_dma2 semaphore(%run_scoped3A : memref<!tpu.dma_semaphore, #tpu.memory_space<semaphore_mem>>) src(%dma_wait3A_108 : memref<632x64xf32, #tpu.memory_space<vmem_shared>>) dst(%dma_wait3A_106 : memref<632x64xf32, #tpu.memory_space<hbm>>)
        tpu.yield
      }) : () -> ()
    } else {
    }
    %barrier3A_39 = arith.constant 0 : index
    tpu.barrier barrier_id(%barrier3A_39)
    return
  }
}

module attributes {stable_mosaic.version = 14 : i64} {
  func.func @_dense_body(%arg0: i32, %arg1: memref<1000x64xf32, #tpu.memory_space<vmem>>, %arg2: memref<1000x64xf32, #tpu.memory_space<vmem>>, %arg3: memref<1000x64xf32, #tpu.memory_space<vmem>>, %arg4: memref<1000x64xf32, #tpu.memory_space<vmem>>, %arg5: memref<1000x16xf32, #tpu.memory_space<vmem>>, %arg6: memref<1000x16xf32, #tpu.memory_space<vmem>>, %arg7: memref<1000x256xf32, #tpu.memory_space<vmem>>, %arg8: memref<256x512xf32, #tpu.memory_space<vmem>>, %arg9: memref<256x512xf32, #tpu.memory_space<vmem>>, %arg10: memref<1x512xf32, #tpu.memory_space<vmem>>, %arg11: memref<1000x64xf32, #tpu.memory_space<vmem>>, %arg12: memref<1000x64xf32, #tpu.memory_space<vmem>>, %arg13: memref<1000x64xf32, #tpu.memory_space<vmem>>, %arg14: memref<1000x64xf32, #tpu.memory_space<vmem>>, %arg15: memref<1000x64xf32, #tpu.memory_space<vmem>>, %arg16: memref<1000x64xf32, #tpu.memory_space<vmem>>, %arg17: memref<1000x64xf32, #tpu.memory_space<vmem>>, %arg18: memref<1000x64xf32, #tpu.memory_space<vmem>>) attributes {dimension_semantics = [#tpu.dimension_semantics<arbitrary>], iteration_bounds = array<i64: 10>, scalar_prefetch = 0 : i64, scratch_operands = 0 : i64, tpu.core_type = #tpu.core_type<tc>, window_params = [{transform_indices = @transform_0, window_bounds = array<i64: 1000, 64>}, {transform_indices = @transform_1, window_bounds = array<i64: 1000, 64>}, {transform_indices = @transform_2, window_bounds = array<i64: 1000, 64>}, {transform_indices = @transform_3, window_bounds = array<i64: 1000, 64>}, {transform_indices = @transform_4, window_bounds = array<i64: 1000, 16>}, {transform_indices = @transform_5, window_bounds = array<i64: 1000, 16>}, {transform_indices = @transform_6, window_bounds = array<i64: 1000, 256>}, {pipeline_mode = #tpu.pipeline_mode<synchronous>, transform_indices = @transform_7, window_bounds = array<i64: 256, 512>}, {pipeline_mode = #tpu.pipeline_mode<synchronous>, transform_indices = @transform_8, window_bounds = array<i64: 256, 512>}, {pipeline_mode = #tpu.pipeline_mode<synchronous>, transform_indices = @transform_9, window_bounds = array<i64: 1, 512>}, {transform_indices = @transform_10, window_bounds = array<i64: 1000, 64>}, {transform_indices = @transform_11, window_bounds = array<i64: 1000, 64>}, {transform_indices = @transform_12, window_bounds = array<i64: 1000, 64>}, {transform_indices = @transform_13, window_bounds = array<i64: 1000, 64>}, {transform_indices = @transform_14, window_bounds = array<i64: 1000, 64>}, {transform_indices = @transform_15, window_bounds = array<i64: 1000, 64>}, {transform_indices = @transform_16, window_bounds = array<i64: 1000, 64>}, {transform_indices = @transform_17, window_bounds = array<i64: 1000, 64>}]} {
    %get3A = arith.constant 0 : index
    %get3A_0 = arith.constant 0 : index
    %get3A_1 = vector.load %arg5[%get3A, %get3A_0] : memref<1000x16xf32, #tpu.memory_space<vmem>>, vector<1000x1xf32>
    %get3A_2 = arith.constant 0 : index
    %get3A_3 = arith.constant 0 : index
    %get3A_4 = vector.load %arg6[%get3A_2, %get3A_3] : memref<1000x16xf32, #tpu.memory_space<vmem>>, vector<1000x1xf32>
    %add3A = arith.addf %get3A_1, %get3A_4 : vector<1000x1xf32>
    %max3A = arith.constant 1.000000e+00 : f32
    %max3A_5 = vector.broadcast %max3A : f32 to vector<1000x1xf32>
    %max3A_6 = arith.maximumf %add3A, %max3A_5 : vector<1000x1xf32>
    %div3A = arith.constant 1.000000e+00 : f32
    %div3A_7 = vector.broadcast %div3A : f32 to vector<1000x1xf32>
    %div3A_8 = arith.divf %div3A_7, %max3A_6 : vector<1000x1xf32>
    %get3A_9 = arith.constant 0 : index
    %get3A_10 = arith.constant 0 : index
    %get3A_11 = vector.load %arg1[%get3A_9, %get3A_10] : memref<1000x64xf32, #tpu.memory_space<vmem>>, vector<1000x64xf32>
    %mul3A = vector.broadcast %div3A_8 : vector<1000x1xf32> to vector<1000x64xf32>
    %mul3A_12 = arith.mulf %get3A_11, %mul3A : vector<1000x64xf32>
    %get3A_13 = arith.constant 0 : index
    %get3A_14 = arith.constant 0 : index
    %get3A_15 = vector.load %arg2[%get3A_13, %get3A_14] : memref<1000x64xf32, #tpu.memory_space<vmem>>, vector<1000x64xf32>
    %mul3A_16 = vector.broadcast %div3A_8 : vector<1000x1xf32> to vector<1000x64xf32>
    %mul3A_17 = arith.mulf %get3A_15, %mul3A_16 : vector<1000x64xf32>
    %get3A_18 = arith.constant 0 : index
    %get3A_19 = arith.constant 0 : index
    %get3A_20 = vector.load %arg3[%get3A_18, %get3A_19] : memref<1000x64xf32, #tpu.memory_space<vmem>>, vector<1000x64xf32>
    %mul3A_21 = vector.broadcast %div3A_8 : vector<1000x1xf32> to vector<1000x64xf32>
    %mul3A_22 = arith.mulf %get3A_20, %mul3A_21 : vector<1000x64xf32>
    %get3A_23 = arith.constant 0 : index
    %get3A_24 = arith.constant 0 : index
    %get3A_25 = vector.load %arg4[%get3A_23, %get3A_24] : memref<1000x64xf32, #tpu.memory_space<vmem>>, vector<1000x64xf32>
    %mul3A_26 = vector.broadcast %div3A_8 : vector<1000x1xf32> to vector<1000x64xf32>
    %mul3A_27 = arith.mulf %get3A_25, %mul3A_26 : vector<1000x64xf32>
    %concatenate3A = tpu.concatenate %mul3A_12, %mul3A_17, %mul3A_22, %mul3A_27 in 1 : vector<1000x64xf32>, vector<1000x64xf32>, vector<1000x64xf32>, vector<1000x64xf32> -> vector<1000x256xf32>
    %get3A_28 = arith.constant 0 : index
    %get3A_29 = arith.constant 0 : index
    %get3A_30 = vector.load %arg7[%get3A_28, %get3A_29] : memref<1000x256xf32, #tpu.memory_space<vmem>>, vector<1000x256xf32>
    %get3A_31 = arith.constant 0 : index
    %get3A_32 = arith.constant 0 : index
    %get3A_33 = vector.load %arg8[%get3A_31, %get3A_32] : memref<256x512xf32, #tpu.memory_space<vmem>>, vector<256x512xf32>
    %dot_general3A = arith.constant dense<0.000000e+00> : vector<1000x512xf32>
    %dot_general3A_34 = tpu.matmul %concatenate3A, %get3A_33, %dot_general3A {dimension_numbers = #tpu.dot_dimension_numbers<[1], [0], [0], [1], [0, 0, 1, 1], [], []>, transpose_lhs_hint = false} : vector<1000x256xf32>, vector<256x512xf32>, vector<1000x512xf32> -> vector<1000x512xf32>
    %get3A_35 = arith.constant 0 : index
    %get3A_36 = arith.constant 0 : index
    %get3A_37 = vector.load %arg9[%get3A_35, %get3A_36] : memref<256x512xf32, #tpu.memory_space<vmem>>, vector<256x512xf32>
    %dot_general3A_38 = arith.constant dense<0.000000e+00> : vector<1000x512xf32>
    %dot_general3A_39 = tpu.matmul %get3A_30, %get3A_37, %dot_general3A_38 {dimension_numbers = #tpu.dot_dimension_numbers<[1], [0], [0], [1], [0, 0, 1, 1], [], []>, transpose_lhs_hint = false} : vector<1000x256xf32>, vector<256x512xf32>, vector<1000x512xf32> -> vector<1000x512xf32>
    %add3A_40 = arith.addf %dot_general3A_34, %dot_general3A_39 : vector<1000x512xf32>
    %get3A_41 = arith.constant 0 : index
    %get3A_42 = arith.constant 0 : index
    %get3A_43 = vector.load %arg10[%get3A_41, %get3A_42] : memref<1x512xf32, #tpu.memory_space<vmem>>, vector<1x512xf32>
    %add3A_44 = vector.broadcast %get3A_43 : vector<1x512xf32> to vector<1000x512xf32>
    %add3A_45 = arith.addf %add3A_40, %add3A_44 : vector<1000x512xf32>
    %max3A_46 = arith.constant 0.000000e+00 : f32
    %max3A_47 = vector.broadcast %max3A_46 : f32 to vector<1000x512xf32>
    %max3A_48 = arith.maximumf %add3A_45, %max3A_47 : vector<1000x512xf32>
    %slice3A = vector.extract_strided_slice %max3A_48 {offsets = [0, 0], sizes = [1000, 64], strides = [1, 1]} : vector<1000x512xf32> to vector<1000x64xf32>
    %swap3A = arith.constant 0 : index
    %swap3A_49 = arith.constant 0 : index
    %swap3A_50 = vector.load %arg11[%swap3A, %swap3A_49] : memref<1000x64xf32, #tpu.memory_space<vmem>>, vector<1000x64xf32>
    tpu.vector_store %arg11[%swap3A, %swap3A_49], %slice3A {strides = array<i32>} : memref<1000x64xf32, #tpu.memory_space<vmem>>, vector<1000x64xf32>,
    %slice3A_51 = vector.extract_strided_slice %max3A_48 {offsets = [0, 64], sizes = [1000, 64], strides = [1, 1]} : vector<1000x512xf32> to vector<1000x64xf32>
    %swap3A_52 = arith.constant 0 : index
    %swap3A_53 = arith.constant 0 : index
    %swap3A_54 = vector.load %arg12[%swap3A_52, %swap3A_53] : memref<1000x64xf32, #tpu.memory_space<vmem>>, vector<1000x64xf32>
    tpu.vector_store %arg12[%swap3A_52, %swap3A_53], %slice3A_51 {strides = array<i32>} : memref<1000x64xf32, #tpu.memory_space<vmem>>, vector<1000x64xf32>,
    %slice3A_55 = vector.extract_strided_slice %max3A_48 {offsets = [0, 128], sizes = [1000, 64], strides = [1, 1]} : vector<1000x512xf32> to vector<1000x64xf32>
    %swap3A_56 = arith.constant 0 : index
    %swap3A_57 = arith.constant 0 : index
    %swap3A_58 = vector.load %arg13[%swap3A_56, %swap3A_57] : memref<1000x64xf32, #tpu.memory_space<vmem>>, vector<1000x64xf32>
    tpu.vector_store %arg13[%swap3A_56, %swap3A_57], %slice3A_55 {strides = array<i32>} : memref<1000x64xf32, #tpu.memory_space<vmem>>, vector<1000x64xf32>,
    %slice3A_59 = vector.extract_strided_slice %max3A_48 {offsets = [0, 192], sizes = [1000, 64], strides = [1, 1]} : vector<1000x512xf32> to vector<1000x64xf32>
    %swap3A_60 = arith.constant 0 : index
    %swap3A_61 = arith.constant 0 : index
    %swap3A_62 = vector.load %arg14[%swap3A_60, %swap3A_61] : memref<1000x64xf32, #tpu.memory_space<vmem>>, vector<1000x64xf32>
    tpu.vector_store %arg14[%swap3A_60, %swap3A_61], %slice3A_59 {strides = array<i32>} : memref<1000x64xf32, #tpu.memory_space<vmem>>, vector<1000x64xf32>,
    %slice3A_63 = vector.extract_strided_slice %max3A_48 {offsets = [0, 256], sizes = [1000, 64], strides = [1, 1]} : vector<1000x512xf32> to vector<1000x64xf32>
    %swap3A_64 = arith.constant 0 : index
    %swap3A_65 = arith.constant 0 : index
    %swap3A_66 = vector.load %arg15[%swap3A_64, %swap3A_65] : memref<1000x64xf32, #tpu.memory_space<vmem>>, vector<1000x64xf32>
    tpu.vector_store %arg15[%swap3A_64, %swap3A_65], %slice3A_63 {strides = array<i32>} : memref<1000x64xf32, #tpu.memory_space<vmem>>, vector<1000x64xf32>,
    %slice3A_67 = vector.extract_strided_slice %max3A_48 {offsets = [0, 320], sizes = [1000, 64], strides = [1, 1]} : vector<1000x512xf32> to vector<1000x64xf32>
    %swap3A_68 = arith.constant 0 : index
    %swap3A_69 = arith.constant 0 : index
    %swap3A_70 = vector.load %arg16[%swap3A_68, %swap3A_69] : memref<1000x64xf32, #tpu.memory_space<vmem>>, vector<1000x64xf32>
    tpu.vector_store %arg16[%swap3A_68, %swap3A_69], %slice3A_67 {strides = array<i32>} : memref<1000x64xf32, #tpu.memory_space<vmem>>, vector<1000x64xf32>,
    %slice3A_71 = vector.extract_strided_slice %max3A_48 {offsets = [0, 384], sizes = [1000, 64], strides = [1, 1]} : vector<1000x512xf32> to vector<1000x64xf32>
    %swap3A_72 = arith.constant 0 : index
    %swap3A_73 = arith.constant 0 : index
    %swap3A_74 = vector.load %arg17[%swap3A_72, %swap3A_73] : memref<1000x64xf32, #tpu.memory_space<vmem>>, vector<1000x64xf32>
    tpu.vector_store %arg17[%swap3A_72, %swap3A_73], %slice3A_71 {strides = array<i32>} : memref<1000x64xf32, #tpu.memory_space<vmem>>, vector<1000x64xf32>,
    %slice3A_75 = vector.extract_strided_slice %max3A_48 {offsets = [0, 448], sizes = [1000, 64], strides = [1, 1]} : vector<1000x512xf32> to vector<1000x64xf32>
    %swap3A_76 = arith.constant 0 : index
    %swap3A_77 = arith.constant 0 : index
    %swap3A_78 = vector.load %arg18[%swap3A_76, %swap3A_77] : memref<1000x64xf32, #tpu.memory_space<vmem>>, vector<1000x64xf32>
    tpu.vector_store %arg18[%swap3A_76, %swap3A_77], %slice3A_75 {strides = array<i32>} : memref<1000x64xf32, #tpu.memory_space<vmem>>, vector<1000x64xf32>,
    return
  }
  func.func @transform_0(%arg0: i32) -> (i32, i32) {
    %c0_i32 = arith.constant 0 : i32
    %c0_i32_0 = arith.constant 0 : i32
    return %arg0, %c0_i32 : i32, i32
  }
  func.func @transform_1(%arg0: i32) -> (i32, i32) {
    %c0_i32 = arith.constant 0 : i32
    %c0_i32_0 = arith.constant 0 : i32
    return %arg0, %c0_i32 : i32, i32
  }
  func.func @transform_2(%arg0: i32) -> (i32, i32) {
    %c0_i32 = arith.constant 0 : i32
    %c0_i32_0 = arith.constant 0 : i32
    return %arg0, %c0_i32 : i32, i32
  }
  func.func @transform_3(%arg0: i32) -> (i32, i32) {
    %c0_i32 = arith.constant 0 : i32
    %c0_i32_0 = arith.constant 0 : i32
    return %arg0, %c0_i32 : i32, i32
  }
  func.func @transform_4(%arg0: i32) -> (i32, i32) {
    %c0_i32 = arith.constant 0 : i32
    %c0_i32_0 = arith.constant 0 : i32
    return %arg0, %c0_i32 : i32, i32
  }
  func.func @transform_5(%arg0: i32) -> (i32, i32) {
    %c0_i32 = arith.constant 0 : i32
    %c0_i32_0 = arith.constant 0 : i32
    return %arg0, %c0_i32 : i32, i32
  }
  func.func @transform_6(%arg0: i32) -> (i32, i32) {
    %c0_i32 = arith.constant 0 : i32
    %c0_i32_0 = arith.constant 0 : i32
    return %arg0, %c0_i32 : i32, i32
  }
  func.func @transform_7(%arg0: i32) -> (i32, i32) {
    %c0_i32 = arith.constant 0 : i32
    %c0_i32_0 = arith.constant 0 : i32
    %c0_i32_1 = arith.constant 0 : i32
    return %c0_i32, %c0_i32_0 : i32, i32
  }
  func.func @transform_8(%arg0: i32) -> (i32, i32) {
    %c0_i32 = arith.constant 0 : i32
    %c0_i32_0 = arith.constant 0 : i32
    %c0_i32_1 = arith.constant 0 : i32
    return %c0_i32, %c0_i32_0 : i32, i32
  }
  func.func @transform_9(%arg0: i32) -> (i32, i32) {
    %c0_i32 = arith.constant 0 : i32
    %c0_i32_0 = arith.constant 0 : i32
    %c0_i32_1 = arith.constant 0 : i32
    return %c0_i32, %c0_i32_0 : i32, i32
  }
  func.func @transform_10(%arg0: i32) -> (i32, i32) {
    %c0_i32 = arith.constant 0 : i32
    %c0_i32_0 = arith.constant 0 : i32
    return %arg0, %c0_i32 : i32, i32
  }
  func.func @transform_11(%arg0: i32) -> (i32, i32) {
    %c0_i32 = arith.constant 0 : i32
    %c0_i32_0 = arith.constant 0 : i32
    return %arg0, %c0_i32 : i32, i32
  }
  func.func @transform_12(%arg0: i32) -> (i32, i32) {
    %c0_i32 = arith.constant 0 : i32
    %c0_i32_0 = arith.constant 0 : i32
    return %arg0, %c0_i32 : i32, i32
  }
  func.func @transform_13(%arg0: i32) -> (i32, i32) {
    %c0_i32 = arith.constant 0 : i32
    %c0_i32_0 = arith.constant 0 : i32
    return %arg0, %c0_i32 : i32, i32
  }
  func.func @transform_14(%arg0: i32) -> (i32, i32) {
    %c0_i32 = arith.constant 0 : i32
    %c0_i32_0 = arith.constant 0 : i32
    return %arg0, %c0_i32 : i32, i32
  }
  func.func @transform_15(%arg0: i32) -> (i32, i32) {
    %c0_i32 = arith.constant 0 : i32
    %c0_i32_0 = arith.constant 0 : i32
    return %arg0, %c0_i32 : i32, i32
  }
  func.func @transform_16(%arg0: i32) -> (i32, i32) {
    %c0_i32 = arith.constant 0 : i32
    %c0_i32_0 = arith.constant 0 : i32
    return %arg0, %c0_i32 : i32, i32
  }
  func.func @transform_17(%arg0: i32) -> (i32, i32) {
    %c0_i32 = arith.constant 0 : i32
    %c0_i32_0 = arith.constant 0 : i32
    return %arg0, %c0_i32 : i32, i32
  }
}

module attributes {stable_mosaic.version = 14 : i64} {
  func.func @_dense_body(%arg0: i32, %arg1: memref<1000x64xf32, #tpu.memory_space<vmem>>, %arg2: memref<1000x64xf32, #tpu.memory_space<vmem>>, %arg3: memref<1000x64xf32, #tpu.memory_space<vmem>>, %arg4: memref<1000x64xf32, #tpu.memory_space<vmem>>, %arg5: memref<1000x64xf32, #tpu.memory_space<vmem>>, %arg6: memref<1000x64xf32, #tpu.memory_space<vmem>>, %arg7: memref<1000x64xf32, #tpu.memory_space<vmem>>, %arg8: memref<1000x64xf32, #tpu.memory_space<vmem>>, %arg9: memref<1000x16xf32, #tpu.memory_space<vmem>>, %arg10: memref<1000x16xf32, #tpu.memory_space<vmem>>, %arg11: memref<1000x64xf32, #tpu.memory_space<vmem>>, %arg12: memref<1000x64xf32, #tpu.memory_space<vmem>>, %arg13: memref<1000x64xf32, #tpu.memory_space<vmem>>, %arg14: memref<1000x64xf32, #tpu.memory_space<vmem>>, %arg15: memref<1000x64xf32, #tpu.memory_space<vmem>>, %arg16: memref<1000x64xf32, #tpu.memory_space<vmem>>, %arg17: memref<1000x64xf32, #tpu.memory_space<vmem>>, %arg18: memref<1000x64xf32, #tpu.memory_space<vmem>>, %arg19: memref<512x512xf32, #tpu.memory_space<vmem>>, %arg20: memref<512x512xf32, #tpu.memory_space<vmem>>, %arg21: memref<1x512xf32, #tpu.memory_space<vmem>>, %arg22: memref<1000x512xf32, #tpu.memory_space<vmem>>) attributes {dimension_semantics = [#tpu.dimension_semantics<arbitrary>], iteration_bounds = array<i64: 10>, scalar_prefetch = 0 : i64, scratch_operands = 0 : i64, tpu.core_type = #tpu.core_type<tc>, window_params = [{transform_indices = @transform_0, window_bounds = array<i64: 1000, 64>}, {transform_indices = @transform_1, window_bounds = array<i64: 1000, 64>}, {transform_indices = @transform_2, window_bounds = array<i64: 1000, 64>}, {transform_indices = @transform_3, window_bounds = array<i64: 1000, 64>}, {transform_indices = @transform_4, window_bounds = array<i64: 1000, 64>}, {transform_indices = @transform_5, window_bounds = array<i64: 1000, 64>}, {transform_indices = @transform_6, window_bounds = array<i64: 1000, 64>}, {transform_indices = @transform_7, window_bounds = array<i64: 1000, 64>}, {transform_indices = @transform_8, window_bounds = array<i64: 1000, 16>}, {transform_indices = @transform_9, window_bounds = array<i64: 1000, 16>}, {transform_indices = @transform_10, window_bounds = array<i64: 1000, 64>}, {transform_indices = @transform_11, window_bounds = array<i64: 1000, 64>}, {transform_indices = @transform_12, window_bounds = array<i64: 1000, 64>}, {transform_indices = @transform_13, window_bounds = array<i64: 1000, 64>}, {transform_indices = @transform_14, window_bounds = array<i64: 1000, 64>}, {transform_indices = @transform_15, window_bounds = array<i64: 1000, 64>}, {transform_indices = @transform_16, window_bounds = array<i64: 1000, 64>}, {transform_indices = @transform_17, window_bounds = array<i64: 1000, 64>}, {pipeline_mode = #tpu.pipeline_mode<synchronous>, transform_indices = @transform_18, window_bounds = array<i64: 512, 512>}, {pipeline_mode = #tpu.pipeline_mode<synchronous>, transform_indices = @transform_19, window_bounds = array<i64: 512, 512>}, {pipeline_mode = #tpu.pipeline_mode<synchronous>, transform_indices = @transform_20, window_bounds = array<i64: 1, 512>}, {transform_indices = @transform_21, window_bounds = array<i64: 1000, 512>}]} {
    %get3A = arith.constant 0 : index
    %get3A_0 = arith.constant 0 : index
    %get3A_1 = vector.load %arg9[%get3A, %get3A_0] : memref<1000x16xf32, #tpu.memory_space<vmem>>, vector<1000x1xf32>
    %get3A_2 = arith.constant 0 : index
    %get3A_3 = arith.constant 0 : index
    %get3A_4 = vector.load %arg10[%get3A_2, %get3A_3] : memref<1000x16xf32, #tpu.memory_space<vmem>>, vector<1000x1xf32>
    %add3A = arith.addf %get3A_1, %get3A_4 : vector<1000x1xf32>
    %max3A = arith.constant 1.000000e+00 : f32
    %max3A_5 = vector.broadcast %max3A : f32 to vector<1000x1xf32>
    %max3A_6 = arith.maximumf %add3A, %max3A_5 : vector<1000x1xf32>
    %div3A = arith.constant 1.000000e+00 : f32
    %div3A_7 = vector.broadcast %div3A : f32 to vector<1000x1xf32>
    %div3A_8 = arith.divf %div3A_7, %max3A_6 : vector<1000x1xf32>
    %get3A_9 = arith.constant 0 : index
    %get3A_10 = arith.constant 0 : index
    %get3A_11 = vector.load %arg1[%get3A_9, %get3A_10] : memref<1000x64xf32, #tpu.memory_space<vmem>>, vector<1000x64xf32>
    %mul3A = vector.broadcast %div3A_8 : vector<1000x1xf32> to vector<1000x64xf32>
    %mul3A_12 = arith.mulf %get3A_11, %mul3A : vector<1000x64xf32>
    %get3A_13 = arith.constant 0 : index
    %get3A_14 = arith.constant 0 : index
    %get3A_15 = vector.load %arg2[%get3A_13, %get3A_14] : memref<1000x64xf32, #tpu.memory_space<vmem>>, vector<1000x64xf32>
    %mul3A_16 = vector.broadcast %div3A_8 : vector<1000x1xf32> to vector<1000x64xf32>
    %mul3A_17 = arith.mulf %get3A_15, %mul3A_16 : vector<1000x64xf32>
    %get3A_18 = arith.constant 0 : index
    %get3A_19 = arith.constant 0 : index
    %get3A_20 = vector.load %arg3[%get3A_18, %get3A_19] : memref<1000x64xf32, #tpu.memory_space<vmem>>, vector<1000x64xf32>
    %mul3A_21 = vector.broadcast %div3A_8 : vector<1000x1xf32> to vector<1000x64xf32>
    %mul3A_22 = arith.mulf %get3A_20, %mul3A_21 : vector<1000x64xf32>
    %get3A_23 = arith.constant 0 : index
    %get3A_24 = arith.constant 0 : index
    %get3A_25 = vector.load %arg4[%get3A_23, %get3A_24] : memref<1000x64xf32, #tpu.memory_space<vmem>>, vector<1000x64xf32>
    %mul3A_26 = vector.broadcast %div3A_8 : vector<1000x1xf32> to vector<1000x64xf32>
    %mul3A_27 = arith.mulf %get3A_25, %mul3A_26 : vector<1000x64xf32>
    %get3A_28 = arith.constant 0 : index
    %get3A_29 = arith.constant 0 : index
    %get3A_30 = vector.load %arg5[%get3A_28, %get3A_29] : memref<1000x64xf32, #tpu.memory_space<vmem>>, vector<1000x64xf32>
    %mul3A_31 = vector.broadcast %div3A_8 : vector<1000x1xf32> to vector<1000x64xf32>
    %mul3A_32 = arith.mulf %get3A_30, %mul3A_31 : vector<1000x64xf32>
    %get3A_33 = arith.constant 0 : index
    %get3A_34 = arith.constant 0 : index
    %get3A_35 = vector.load %arg6[%get3A_33, %get3A_34] : memref<1000x64xf32, #tpu.memory_space<vmem>>, vector<1000x64xf32>
    %mul3A_36 = vector.broadcast %div3A_8 : vector<1000x1xf32> to vector<1000x64xf32>
    %mul3A_37 = arith.mulf %get3A_35, %mul3A_36 : vector<1000x64xf32>
    %get3A_38 = arith.constant 0 : index
    %get3A_39 = arith.constant 0 : index
    %get3A_40 = vector.load %arg7[%get3A_38, %get3A_39] : memref<1000x64xf32, #tpu.memory_space<vmem>>, vector<1000x64xf32>
    %mul3A_41 = vector.broadcast %div3A_8 : vector<1000x1xf32> to vector<1000x64xf32>
    %mul3A_42 = arith.mulf %get3A_40, %mul3A_41 : vector<1000x64xf32>
    %get3A_43 = arith.constant 0 : index
    %get3A_44 = arith.constant 0 : index
    %get3A_45 = vector.load %arg8[%get3A_43, %get3A_44] : memref<1000x64xf32, #tpu.memory_space<vmem>>, vector<1000x64xf32>
    %mul3A_46 = vector.broadcast %div3A_8 : vector<1000x1xf32> to vector<1000x64xf32>
    %mul3A_47 = arith.mulf %get3A_45, %mul3A_46 : vector<1000x64xf32>
    %concatenate3A = tpu.concatenate %mul3A_12, %mul3A_17, %mul3A_22, %mul3A_27, %mul3A_32, %mul3A_37, %mul3A_42, %mul3A_47 in 1 : vector<1000x64xf32>, vector<1000x64xf32>, vector<1000x64xf32>, vector<1000x64xf32>, vector<1000x64xf32>, vector<1000x64xf32>, vector<1000x64xf32>, vector<1000x64xf32> -> vector<1000x512xf32>
    %get3A_48 = arith.constant 0 : index
    %get3A_49 = arith.constant 0 : index
    %get3A_50 = vector.load %arg11[%get3A_48, %get3A_49] : memref<1000x64xf32, #tpu.memory_space<vmem>>, vector<1000x64xf32>
    %get3A_51 = arith.constant 0 : index
    %get3A_52 = arith.constant 0 : index
    %get3A_53 = vector.load %arg12[%get3A_51, %get3A_52] : memref<1000x64xf32, #tpu.memory_space<vmem>>, vector<1000x64xf32>
    %get3A_54 = arith.constant 0 : index
    %get3A_55 = arith.constant 0 : index
    %get3A_56 = vector.load %arg13[%get3A_54, %get3A_55] : memref<1000x64xf32, #tpu.memory_space<vmem>>, vector<1000x64xf32>
    %get3A_57 = arith.constant 0 : index
    %get3A_58 = arith.constant 0 : index
    %get3A_59 = vector.load %arg14[%get3A_57, %get3A_58] : memref<1000x64xf32, #tpu.memory_space<vmem>>, vector<1000x64xf32>
    %get3A_60 = arith.constant 0 : index
    %get3A_61 = arith.constant 0 : index
    %get3A_62 = vector.load %arg15[%get3A_60, %get3A_61] : memref<1000x64xf32, #tpu.memory_space<vmem>>, vector<1000x64xf32>
    %get3A_63 = arith.constant 0 : index
    %get3A_64 = arith.constant 0 : index
    %get3A_65 = vector.load %arg16[%get3A_63, %get3A_64] : memref<1000x64xf32, #tpu.memory_space<vmem>>, vector<1000x64xf32>
    %get3A_66 = arith.constant 0 : index
    %get3A_67 = arith.constant 0 : index
    %get3A_68 = vector.load %arg17[%get3A_66, %get3A_67] : memref<1000x64xf32, #tpu.memory_space<vmem>>, vector<1000x64xf32>
    %get3A_69 = arith.constant 0 : index
    %get3A_70 = arith.constant 0 : index
    %get3A_71 = vector.load %arg18[%get3A_69, %get3A_70] : memref<1000x64xf32, #tpu.memory_space<vmem>>, vector<1000x64xf32>
    %concatenate3A_72 = tpu.concatenate %get3A_50, %get3A_53, %get3A_56, %get3A_59, %get3A_62, %get3A_65, %get3A_68, %get3A_71 in 1 : vector<1000x64xf32>, vector<1000x64xf32>, vector<1000x64xf32>, vector<1000x64xf32>, vector<1000x64xf32>, vector<1000x64xf32>, vector<1000x64xf32>, vector<1000x64xf32> -> vector<1000x512xf32>
    %get3A_73 = arith.constant 0 : index
    %get3A_74 = arith.constant 0 : index
    %get3A_75 = vector.load %arg19[%get3A_73, %get3A_74] : memref<512x512xf32, #tpu.memory_space<vmem>>, vector<512x512xf32>
    %dot_general3A = arith.constant dense<0.000000e+00> : vector<1000x512xf32>
    %dot_general3A_76 = tpu.matmul %concatenate3A, %get3A_75, %dot_general3A {dimension_numbers = #tpu.dot_dimension_numbers<[1], [0], [0], [1], [0, 0, 1, 1], [], []>, transpose_lhs_hint = false} : vector<1000x512xf32>, vector<512x512xf32>, vector<1000x512xf32> -> vector<1000x512xf32>
    %get3A_77 = arith.constant 0 : index
    %get3A_78 = arith.constant 0 : index
    %get3A_79 = vector.load %arg20[%get3A_77, %get3A_78] : memref<512x512xf32, #tpu.memory_space<vmem>>, vector<512x512xf32>
    %dot_general3A_80 = arith.constant dense<0.000000e+00> : vector<1000x512xf32>
    %dot_general3A_81 = tpu.matmul %concatenate3A_72, %get3A_79, %dot_general3A_80 {dimension_numbers = #tpu.dot_dimension_numbers<[1], [0], [0], [1], [0, 0, 1, 1], [], []>, transpose_lhs_hint = false} : vector<1000x512xf32>, vector<512x512xf32>, vector<1000x512xf32> -> vector<1000x512xf32>
    %add3A_82 = arith.addf %dot_general3A_76, %dot_general3A_81 : vector<1000x512xf32>
    %get3A_83 = arith.constant 0 : index
    %get3A_84 = arith.constant 0 : index
    %get3A_85 = vector.load %arg21[%get3A_83, %get3A_84] : memref<1x512xf32, #tpu.memory_space<vmem>>, vector<1x512xf32>
    %add3A_86 = vector.broadcast %get3A_85 : vector<1x512xf32> to vector<1000x512xf32>
    %add3A_87 = arith.addf %add3A_82, %add3A_86 : vector<1000x512xf32>
    %swap3A = arith.constant 0 : index
    %swap3A_88 = arith.constant 0 : index
    %swap3A_89 = vector.load %arg22[%swap3A, %swap3A_88] : memref<1000x512xf32, #tpu.memory_space<vmem>>, vector<1000x512xf32>
    tpu.vector_store %arg22[%swap3A, %swap3A_88], %add3A_87 {strides = array<i32>} : memref<1000x512xf32, #tpu.memory_space<vmem>>, vector<1000x512xf32>,
    return
  }
  func.func @transform_0(%arg0: i32) -> (i32, i32) {
    %c0_i32 = arith.constant 0 : i32
    %c0_i32_0 = arith.constant 0 : i32
    return %arg0, %c0_i32 : i32, i32
  }
  func.func @transform_1(%arg0: i32) -> (i32, i32) {
    %c0_i32 = arith.constant 0 : i32
    %c0_i32_0 = arith.constant 0 : i32
    return %arg0, %c0_i32 : i32, i32
  }
  func.func @transform_2(%arg0: i32) -> (i32, i32) {
    %c0_i32 = arith.constant 0 : i32
    %c0_i32_0 = arith.constant 0 : i32
    return %arg0, %c0_i32 : i32, i32
  }
  func.func @transform_3(%arg0: i32) -> (i32, i32) {
    %c0_i32 = arith.constant 0 : i32
    %c0_i32_0 = arith.constant 0 : i32
    return %arg0, %c0_i32 : i32, i32
  }
  func.func @transform_4(%arg0: i32) -> (i32, i32) {
    %c0_i32 = arith.constant 0 : i32
    %c0_i32_0 = arith.constant 0 : i32
    return %arg0, %c0_i32 : i32, i32
  }
  func.func @transform_5(%arg0: i32) -> (i32, i32) {
    %c0_i32 = arith.constant 0 : i32
    %c0_i32_0 = arith.constant 0 : i32
    return %arg0, %c0_i32 : i32, i32
  }
  func.func @transform_6(%arg0: i32) -> (i32, i32) {
    %c0_i32 = arith.constant 0 : i32
    %c0_i32_0 = arith.constant 0 : i32
    return %arg0, %c0_i32 : i32, i32
  }
  func.func @transform_7(%arg0: i32) -> (i32, i32) {
    %c0_i32 = arith.constant 0 : i32
    %c0_i32_0 = arith.constant 0 : i32
    return %arg0, %c0_i32 : i32, i32
  }
  func.func @transform_8(%arg0: i32) -> (i32, i32) {
    %c0_i32 = arith.constant 0 : i32
    %c0_i32_0 = arith.constant 0 : i32
    return %arg0, %c0_i32 : i32, i32
  }
  func.func @transform_9(%arg0: i32) -> (i32, i32) {
    %c0_i32 = arith.constant 0 : i32
    %c0_i32_0 = arith.constant 0 : i32
    return %arg0, %c0_i32 : i32, i32
  }
  func.func @transform_10(%arg0: i32) -> (i32, i32) {
    %c0_i32 = arith.constant 0 : i32
    %c0_i32_0 = arith.constant 0 : i32
    return %arg0, %c0_i32 : i32, i32
  }
  func.func @transform_11(%arg0: i32) -> (i32, i32) {
    %c0_i32 = arith.constant 0 : i32
    %c0_i32_0 = arith.constant 0 : i32
    return %arg0, %c0_i32 : i32, i32
  }
  func.func @transform_12(%arg0: i32) -> (i32, i32) {
    %c0_i32 = arith.constant 0 : i32
    %c0_i32_0 = arith.constant 0 : i32
    return %arg0, %c0_i32 : i32, i32
  }
  func.func @transform_13(%arg0: i32) -> (i32, i32) {
    %c0_i32 = arith.constant 0 : i32
    %c0_i32_0 = arith.constant 0 : i32
    return %arg0, %c0_i32 : i32, i32
  }
  func.func @transform_14(%arg0: i32) -> (i32, i32) {
    %c0_i32 = arith.constant 0 : i32
    %c0_i32_0 = arith.constant 0 : i32
    return %arg0, %c0_i32 : i32, i32
  }
  func.func @transform_15(%arg0: i32) -> (i32, i32) {
    %c0_i32 = arith.constant 0 : i32
    %c0_i32_0 = arith.constant 0 : i32
    return %arg0, %c0_i32 : i32, i32
  }
  func.func @transform_16(%arg0: i32) -> (i32, i32) {
    %c0_i32 = arith.constant 0 : i32
    %c0_i32_0 = arith.constant 0 : i32
    return %arg0, %c0_i32 : i32, i32
  }
  func.func @transform_17(%arg0: i32) -> (i32, i32) {
    %c0_i32 = arith.constant 0 : i32
    %c0_i32_0 = arith.constant 0 : i32
    return %arg0, %c0_i32 : i32, i32
  }
  func.func @transform_18(%arg0: i32) -> (i32, i32) {
    %c0_i32 = arith.constant 0 : i32
    %c0_i32_0 = arith.constant 0 : i32
    %c0_i32_1 = arith.constant 0 : i32
    return %c0_i32, %c0_i32_0 : i32, i32
  }
  func.func @transform_19(%arg0: i32) -> (i32, i32) {
    %c0_i32 = arith.constant 0 : i32
    %c0_i32_0 = arith.constant 0 : i32
    %c0_i32_1 = arith.constant 0 : i32
    return %c0_i32, %c0_i32_0 : i32, i32
  }
  func.func @transform_20(%arg0: i32) -> (i32, i32) {
    %c0_i32 = arith.constant 0 : i32
    %c0_i32_0 = arith.constant 0 : i32
    %c0_i32_1 = arith.constant 0 : i32
    return %c0_i32, %c0_i32_0 : i32, i32
  }
  func.func @transform_21(%arg0: i32) -> (i32, i32) {
    %c0_i32 = arith.constant 0 : i32
    %c0_i32_0 = arith.constant 0 : i32
    return %arg0, %c0_i32 : i32, i32
  }
}

</mosaic_0001>

<sc_bundles>
// kernel: kernel.6.cloned.1.call-start
scs
__scs_entry_jumppad:
0x0: {  	(pc) =	sbr.rel $0x88, $3  }
0x1: {  	(tag) =	ssettag $0x0;
	lr =	simm.s32 $0x1  }
0x2: {  	[smem:$0x3F99] =	sst lr;
	_ =	strace $0xD0000000  }
0x3: {  	_ = 	snop  }
0x4: {  	_ = 	snop  }
0x5: {  	_ = 	snop  }
0x6: {  	_ = 	snop  }
0x7: {  	_ = 	snop  }
__scs_overlays_trampoline_lowered:
0x8: {  	[smem:$0x3FA8] =	sst s0  }
0x9: {  	[smem:$0x3FA9] =	sst s1  }
0xa: {  	[smem:$0x3FAA] =	sst s2  }
0xb: {  	[smem:$0x3FAB] =	sst s3  }
0xc: {  	[smem:$0x3FAC] =	sst s4  }
0xd: {  	[smem:$0x3FAD] =	sst s5  }
0xe: {  	[smem:$0x3FAE] =	sst s6  }
0xf: {  	[smem:$0x3FAF] =	sst s7  }
0x10: {  	[smem:$0x3FB0] =	sst s8  }
0x11: {  	[smem:$0x3FB1] =	sst s9;
	s0 =	simm.s32 @!p0 $0x0  }
0x12: {  	s1 =	sld [smem:$0x3F97];
	s0 =	simm.s32 @p0 $0x1  }
0x13: {  	[smem:$0x3FB2] =	sst s0;
	s0 =	simm.s32 @!p1 $0x0  }
0x14: {  	s2 =	sld [smem:$0x3F96];
	s0 =	simm.s32 @p1 $0x1  }
0x15: {  	[smem:$0x3FB3] =	sst s0;
	s0 =	simm.s32 @!p2 $0x0  }
0x16: {  	s3 =	sld [smem:$0x3FDB];
	s0 =	simm.s32 @p2 $0x1  }
0x17: {  	s4 =	simm.s32 $0x1BF5;
	[smem:$0x3FB5] =	sst s0  }
0x18: {  	s0 =	sld [smem:$0x3F98];
	_ =	swait.ge [sflag:s4], $0x0  }
0x19: {  	s7 =	sld [smem:$0x3F99]  }
0x1a: {  	s8 =	sadd.s32 $0xFFFFE003, lr  }
0x1b: {  	s9 =	sadd.s32 $0xFFFFFEF7, lr;
	s5 =	simm.s32 $0xFFFFFFFF;
	p2 =	slt.u32 s8, $0xFFFFF086  }
0x1c: {  	p1 =	slt.u32 s9, $0xF7A;
	s5 =	simm.s32 @!p2 $0x0  }
0x1d: {  	s5 =	simm.s32 @p1 $0x1;
	p0 =	seq.s32 s7, s2  }
0x1e: {  	s7 =	smul.u32 @!p0 $0xF7A, s2;
	p2 =	seq.s32 @!p0 s5, $0x0  }
0x1f: {  	s9 =	smul.u32 $0xF7A, s1;
	s8 =	simm.s32 @!p0 $0x1BF5;
	p2 =	por !p2, p0  }
0x20: {  	[sflag:s8] =	ssyncset.s32 @!p0 $0xFFFFF086;
	s6 =	sadd.s32 @!p0 s3, s7;
	s7 =	simm.s32 @!p0 $0x108  }
0x21: {  	s3 =	sadd.s32 s3, s9;
	s6 =	sadd.s32 @!p0 $0x88, s6;
	s7 =	simm.s32 @p2 $0x1082  }
0x22: {  	[simem:s7], [sflag:s8] =	dma.local @!p0 [hbm:s6], $0xF7A  }
0x23: {  	s9 =	sor.u32 $0xD0000000, s2;
	s6 =	simm.s32 $0x108;
	_ =	swait.ge @!p0 [sflag:s8], $0x0  }
0x24: {  	s3 =	sadd.s32 $0x88, s3;
	s6 =	simm.s32 @!p1 $0x1082;
	[sflag:s4] =	ssyncset.s32 $0xFFFFF086  }
0x25: {  	[simem:s6], [sflag:s4] =	dma.local [hbm:s3], $0xF7A  }
0x26: {  	[smem:$0x3F99] =	sst s1;
	(tag) =	ssettag s2;
	_ =	strace s9  }
0x27: {  	s1 =	sld [smem:$0x3FA9]  }
0x28: {  	s2 =	sld [smem:$0x3FAA]  }
0x29: {  	s4 =	sld [smem:$0x3FAC]  }
0x2a: {  	p0 =	seq.s32 s5, $0x0;
	s5 =	sld [smem:$0x3FAD]  }
0x2b: {  	s6 =	sld [smem:$0x3FAE]  }
0x2c: {  	s7 =	sld [smem:$0x3FAF]  }
0x2d: {  	s3 =	simm.s32 $0x108;
	s8 =	sld [smem:$0x3FB0]  }
0x2e: {  	s3 =	simm.s32 @!p0 $0x1082;
	s9 =	sld [smem:$0x3FB1]  }
0x2f: {  	lr =	sadd.s32 s0, s3;
	s0 =	sld [smem:$0x3FA8]  }
0x30: {  	s3 =	sld [smem:$0x3FAB]  }
0x31: {  	[smem:$0x3FB4] =	sst s10  }
0x32: {  	s10 =	sld [smem:$0x3FB2];
	_ =	sdelay $0x3  }
0x33: {  	p0 =	seq.s32 s10, $0x1;
	s10 =	sld [smem:$0x3FB4];
	_ =	sdelay $0x3  }
0x34: {  	[smem:$0x3FB4] =	sst s10  }
0x35: {  	s10 =	sld [smem:$0x3FB3];
	_ =	sdelay $0x3  }
0x36: {  	p1 =	seq.s32 s10, $0x1;
	s10 =	sld [smem:$0x3FB4];
	_ =	sdelay $0x3  }
0x37: {  	[smem:$0x3FB4] =	sst s10  }
0x38: {  	s10 =	sld [smem:$0x3FB5]  }
0x39: {  	_ = 	snop;
	(pc) =	sbr.ind lr, $3  }
0x3a: {  	_ = 	snop  }
0x3b: {  	_ = 	snop  }
0x3c: {  	p2 =	seq.s32 s10, $0x1;
	s10 =	sld [smem:$0x3FB4]  }
0x3d: {  	_ =	shalt  }
0x3e: {  	_ =	shalt  }
0x3f: {  	_ =	shalt  }
0x40: {  	_ =	shalt  }
0x41: {  	_ =	shalt  }
0x42: {  	_ =	shalt  }
0x43: {  	_ =	shalt  }
0x44: {  	_ =	shalt  }
0x45: {  	_ =	shalt  }
0x46: {  	_ =	shalt  }
0x47: {  	_ =	shalt  }
0x48: {  	_ =	shalt  }
0x49: {  	_ =	shalt  }
0x4a: {  	_ =	shalt  }
0x4b: {  	_ =	shalt  }
0x4c: {  	_ =	shalt  }
0x4d: {  	_ =	shalt  }
0x4e: {  	_ =	shalt  }
0x4f: {  	_ =	shalt  }
0x50: {  	_ =	shalt  }
0x51: {  	_ =	shalt  }
0x52: {  	_ =	shalt  }
0x53: {  	_ =	shalt  }
0x54: {  	_ =	shalt  }
0x55: {  	_ =	shalt  }
0x56: {  	_ =	shalt  }
0x57: {  	_ =	shalt  }
0x58: {  	_ =	shalt  }
0x59: {  	_ =	shalt  }
0x5a: {  	_ =	shalt  }
0x5b: {  	_ =	shalt  }
0x5c: {  	_ =	shalt  }
0x5d: {  	_ =	shalt  }
0x5e: {  	_ =	shalt  }
0x5f: {  	_ =	shalt  }
0x60: {  	_ =	shalt  }
0x61: {  	_ =	shalt  }
0x62: {  	_ =	shalt  }
0x63: {  	_ =	shalt  }
0x64: {  	_ =	shalt  }
0x65: {  	_ =	shalt  }
0x66: {  	_ =	shalt  }
0x67: {  	_ =	shalt  }
0x68: {  	_ =	shalt  }
0x69: {  	_ =	shalt  }
0x6a: {  	_ =	shalt  }
0x6b: {  	_ =	shalt  }
0x6c: {  	_ =	shalt  }
0x6d: {  	_ =	shalt  }
0x6e: {  	_ =	shalt  }
0x6f: {  	_ =	shalt  }
0x70: {  	_ =	shalt  }
0x71: {  	_ =	shalt  }
0x72: {  	_ =	shalt  }
0x73: {  	_ =	shalt  }
0x74: {  	_ =	shalt  }
0x75: {  	_ =	shalt  }
0x76: {  	_ =	shalt  }
0x77: {  	_ =	shalt  }
0x78: {  	_ =	shalt  }
0x79: {  	_ =	shalt  }
0x7a: {  	_ =	shalt  }
0x7b: {  	_ =	shalt  }
0x7c: {  	_ =	shalt  }
0x7d: {  	_ =	shalt  }
0x7e: {  	_ =	shalt  }
0x7f: {  	_ =	shalt  }
0x80: {  	_ =	shalt  }
0x81: {  	_ =	shalt  }
0x82: {  	_ =	shalt  }
0x83: {  	_ =	shalt  }
0x84: {  	_ =	shalt  }
0x85: {  	_ =	shalt  }
0x86: {  	_ =	shalt  }
0x87: {  	_ =	shalt  }
.Lfunc_end0:
.L_simem_size_0:
called_computation_lowered:
.L_overlay_start_0:
0x88: {  	s2 =	sld [smem:$0x3FD9]  }
0x89: {  	s3 =	sld [smem:$0x3FFE];
	_ =	sdelay $0x1  }
0x8a: {  	s1 =	srdreg.scid  }
0x8b: {  	s0 =	sand.u32 $0x1, s1  }
0x8c: {  	s17 =	sshll.u32 s0, $0xA;
	s2 =	sadd.s32 s3, s2  }
0x8d: {  	s2 =	sadd.s32 s2, s17  }
0x8e: {  	[smem:$0x3FC0] =	sst s2  }
0x8f: {  	_ = 	snop  }
0x90: {  	s2 =	sld [smem:$0x3FD0];
	(tm) =	ssettm $0x1  }
0x91: {  	s18 =	sld [smem:$0x3FFB];
	_ =	sdelay $0x3  }
0x92: {  	_ =	strace s18  }
0x93: {  	s3 =	sld [smem:$0x3FFC];
	_ =	sdelay $0x3  }
0x94: {  	_ =	strace s3  }
0x95: {  	s3 =	sld [smem:$0x3FFD];
	_ =	sdelay $0x3  }
0x96: {  	_ =	strace s3  }
0x97: {  	_ =	strace $0x8FFFFFFF  }
0x98: {  	s19 =	sld [smem:$0x3FDB];
	_ =	sdelay $0x1  }
0x99: {  	s4 =	simm.s32 $_scs_section_size  }
0x9a: {  	s5 =	simm.s32 $_size__tile_overlayer_lowered;
	s6 =	simm.s32 $_tile_overlayer_lowered  }
0x9b: {  	s22 =	simm.s32 $0x1BFF;
	s21 =	sshll.u32 s6, $0x1;
	s3 =	sadd.s32 s4, s19  }
0x9c: {  	s7 =	simm.s32 $0x0;
	s20 =	sshll.u32 s5, $0x1;
	s5 =	sadd.s32 s21, s3  }
0x9d: {  	[timem:s7], [sflag:s22] =	dma.local [hbm:s5], s20  }
0x9e: {  	_ =	swait.ge [sflag:s22], s20  }
0x9f: {  	s4 =	ssub.s32 $0x0, s20;
	[sflag:s22] =	ssyncset.done $0x0  }
0xa0: {  	[sflag:s22] =	ssyncadd.s32 s4;
	_ =	sdelay $0x1  }
0xa1: {  	s23 =	simm.s32 $0x1B8B  }
0xa2: {  	_ =	swait.ge [sflag:s23], $0x1  }
0xa3: {  	[sflag:s23] =	ssyncset.done $0x0  }
0xa4: {  	s25 =	simm.s32 $0x1B8E;
	s24 =	sld [smem:$0x3FFE];
	[sflag:s23] =	ssyncadd.s32 $0xFFFFFFFF  }
0xa5: {  	s26 =	simm.s32 $execute0_lowered;
	[smem:$0x3FD2] =	sst s25  }
0xa6: {  	s5 =	sshll.u32 s26, $0x1;
	_ =	strace $0x80000046;
	[dreg:$0x1] =	wrdreg $0xFFFFFFFF  }
0xa7: {  	s28 =	simm.s32 $_size_execute0_lowered;
	s3 =	sadd.s32 s3, s5;
	[dreg:$0x0] =	wrdreg $0x0  }
0xa8: {  	s5 =	sshll.u32 s28, $0x1;
	[dreg:$0x2] =	wrdreg s3  }
0xa9: {  	[dreg:$0x3] =	wrdreg s5  }
0xaa: {  	[dreg:$0x4] =	wrdreg $0xC0  }
0xab: {  	_ =	task [dreg:s7], $0x5FFFF  }
0xac: {  	[dreg:$0x1] =	wrdreg $0xFFFFFFFF  }
0xad: {  	[dreg:$0x0] =	wrdreg $0x60  }
0xae: {  	[dreg:$0x2] =	wrdreg s24  }
0xaf: {  	[dreg:$0x3] =	wrdreg s2  }
0xb0: {  	[dreg:$0x4] =	wrdreg $0x8F000  }
0xb1: {  	[dreg:$0x5] =	wrdreg $0x12B400  }
0xb2: {  	[dreg:$0x6] =	wrdreg $0x1D1400  }
0xb3: {  	[dreg:$0x7] =	wrdreg $0x9  }
0xb4: {  	_ =	task.clear_ibuf [dreg:s7], $0x8FFFF;
	_ =	strace $0x90000046  }
0xb5: {  	s29 =	simm.s32 $0x9;
	_ =	strace $0x80000048  }
0xb6: {  	_ =	swait.ge [sflag:s29], $0x1  }
0xb7: {  	[sflag:s29] =	ssyncadd.s32 $0xFFFFFFFF  }
0xb8: {  	_ =	strace $0x90000048  }
0xb9: {  	_ =	sfence  }
0xba: {  	s30 =	sld [smem:$0x0];
	_ =	sdelay $0x2  }
0xbb: {  	s31 =	sshll.u32 s1, $0xD;
	s1 =	sshrl.u32 s1, $0x2  }
0xbc: {  	s3 =	sand.u32 $0x4000, s31;
	s1 =	sadd.s32 s1, s30  }
0xbd: {  	s0 =	sor.u32 s3, s0;
	s1 =	sshll.u32 s1, $0x11  }
0xbe: {  	s0 =	sor.u32 s1, s0  }
0xbf: {  	s0 =	sadd.s32 $0x8F2B, s0  }
0xc0: {  	[sflag:s0] =	ssyncadd.remote.s32 $0x1  }
0xc1: {  	_ =	sfence.sel $0xFFFF  }
0xc2: {  	[dreg:$0x0] =	wrdreg $0xFFFFFFFF;
	(pc) =	sbr.abs _section_cstart, $3  }
0xc3: {  	[dreg:$0x1] =	wrdreg $0xFFFFFFFF  }
0xc4: {  	_ =	task.clear_ibuf [dreg:s7], $0x2FFFF;
	_ =	strace $0x9FFFFFFF  }
0xc5: {  	(tm) =	ssettm $0x7FFFFFFF  }
tec
execute0_lowered:
.L_overlay_start_1:
0x0: {  	(tag) =	ssettag $0x1  }
0x1: {  	s0 =	rddreg [dreg:$0x0]  }
0x2: {  	s9 =	rddreg [dreg:$0x1]  }
0x3: {  	s1 =	rddreg [dreg:$0x2]  }
0x4: {  	s3 =	rddreg [dreg:$0x3]  }
0x5: {  	s4 =	rddreg [dreg:$0x4];
	s5 =	simm.s32 $0x0;
	s2 =	stileid.u32  }
0x6: {  	s7 =	srdreg.scid;
	[smem:$0x7FF] =	sst s5;
	s22 =	sadd.s32 $0x5D000, s0  }
0x7: {  	s23 =	sadd.s32 $0x5D200, s0;
	_ =	strace $0x80000047;
	[dreg:$0x6] =	wrdreg s22  }
0x8: {  	s6 =	smul.u32 $0x4F0, s2;
	s24 =	sadd.s32 $0x72800, s0;
	[dreg:$0x7] =	wrdreg s23  }
0x9: {  	s10 =	smul.u32 $0x9E00, s2;
	s25 =	sadd.s32 $0x77800, s0;
	[dreg:$0x8] =	wrdreg s24  }
0xa: {  	s14 =	sand.u32 $0x1, s7;
	s7 =	sadd.s32 $0x2AA40, s0;
	[dreg:$0x9] =	wrdreg s25  }
0xb: {  	s19 =	sadd.s32 $0x51E40, s0;
	p1 =	seq.s32 s2, $0xF;
	[dreg:$0xb] =	wrdreg s7  }
0xc: {  	s31 =	sadd.s32 $0x94200, s1;
	s11 =	ssub.s32 $0x2, s14;
	[dreg:$0xe] =	wrdreg s19  }
0xd: {  	p0 =	sne.s32 s14, $0x0;
	s22 =	sadd.s32 $0x3E440, s0;
	s23 =	smul.u32 $0x2780, s2  }
0xe: {  	s14 =	simm.s32 $0x1;
	s19 =	simm.s32 $0x1C940;
	s12 =	sadd.s32 s6, s0  }
0xf: {  	s6 =	sadd.s32 $0x5D800, s0;
	s15 =	sshrl.u32 s10, $0x3;
	s13 =	sshrl.u32 s11, $0x1  }
0x10: {  	s16 =	sadd.s32 s10, s3;
	[dreg:$0x11] =	wrdreg s22;
	s17 =	sadd.s32 s15, s0  }
0x11: {  	s18 =	ssub.s32 s11, s13;
	s11 =	sadd.s32 $0x58000, s12;
	s12 =	sadd.s32 $0x53000, s12  }
0x12: {  	s13 =	sadd.s32 s10, s1;
	s20 =	sadd.s32 s9, s15;
	s0 =	sadd.s32 $0x17040, s0  }
0x13: {  	s28 =	sadd.s32 s23, s4;
	s29 =	sshrl.u32 s23, $0x3;
	[dreg:$0xf] =	wrdreg s20  }
0x14: {  	s9 =	simm.s32 $0x80;
	s26 =	sadd.s32 $0x18200, s17;
	[dreg:$0x12] =	wrdreg s0  }
0x15: {  	s15 =	simm.s32 $0x4F00;
	s8 =	sadd.s32 $0x7C800, s17;
	[dreg:$0xa] =	wrdreg s26  }
0x16: {  	s10 =	sadd.s32 $0x3F600, s17;
	s21 =	sadd.s32 $0x2BC00, s17;
	[dreg:$0xc] =	wrdreg s8  }
.Ltmp0:
0x17: {  	s24 =	sadd.s32 $0x5EC00, s17;
	[dreg:$0xd] =	wrdreg s10;
	(pc) =	sbr.rel .LBB2_1-.Ltmp0, $4  }
0x18: {  	s25 =	sadd.s32 $0x4800, s17;
	s30 =	smax.u32 s18, $0x1;
	[dreg:$0x10] =	wrdreg s21  }
0x19: {  	s0 =	simm.s32 $0x3;
	s18 =	simm.s32 $0x4E80;
	[dreg:$0x13] =	wrdreg s24  }
0x1a: {  	s20 =	simm.s32 $0x0;
	[dreg:$0x14] =	wrdreg s25;
	s26 =	sadd.s32 $0x90400, s17  }
0x1b: {  	s10 =	simm.s32 $0x6F00;
	s17 =	simm.s32 $0x2;
	[dreg:$0x15] =	wrdreg s26  }
.LBB2_15:
0x1c: {  	[sflag:s0] =	ssyncset.done $0x0  }
0x1d: {  	s22 =	rddreg [dreg:$0x9];
	[sflag:s0] =	ssyncadd.s32 $0xFFFFF800  }
.LBB2_16:
0x1e: {  	s20 =	sadd.s32 $0x1, s20  }
0x1f: {  	s5 =	sadd.s32 s22, s29;
	p2 =	sne.s32 s20, s30  }
.Ltmp1:
0x20: {  	[bflag:$0x0] =	sbarrier.arrive $0xFFFF;
	s7 =	sshrl.u32 s28, $0x3;
	(pc) =	sbr.rel @!p2 .LBB2_17-.Ltmp1, $4  }
0x21: {  	[hbm:s5], [sflag:s21] =	dma.local [spmem:s7], $0x4F0  }
0x22: {  	_ =	swait.ge [sflag:s0], $0x4F0  }
0x23: {  	[sflag:s0] =	ssyncset.done $0x0  }
0x24: {  	[sflag:s0] =	ssyncadd.s32 $0xFFFFFB10  }
.LBB2_1:
0x25: {  	s5 =	simm.s32 $0x0  }
0x26: {  	[tilespmem:s5], [sflag:$0x3] =	stream.linear.gather [hbm4b:s11+s5], $0x2780, $0x38;
	[tilespmem:$0x1F8C0] =	vst v63  }
0x27: {  	_ =	swait.ge [sflag:s0], $0x2780  }
0x28: {  	[sflag:s0] =	ssyncset.done $0x0  }
.Ltmp2:
0x29: {  	s7 =	simm.s32 $0x2780;
	[sflag:s0] =	ssyncadd.s32 $0xFFFFD880;
	(pc) =	sbr.rel @p0 .LBB2_9-.Ltmp2, $4  }
0x2a: {  	[tilespmem:s7], [sflag:$0x3] =	stream.linear.gather [hbm4b:s12+s5], $0x2780, $0x38;
	[tilespmem:$0x1F8C0] =	vst v63  }
0x2b: {  	_ =	swait.ge [sflag:s0], $0x2780  }
0x2c: {  	s21 =	sshll.u32 @!p1 s2, $0x6;
	s23 =	sshrl.u32 @p1 s31, $0x3;
	[sflag:s0] =	ssyncset.done $0x0  }
0x2d: {  	s22 =	sshrl.u32 @!p1 s13, $0x3;
	s21 =	sor.u32 @!p1 $0x1C03, s21;
	[sflag:s0] =	ssyncadd.s32 $0xFFFFD880  }
0x2e: {  	s24 =	simm.s32 @p1 $0x1FC3;
	s5 =	rddreg [dreg:$0xe]  }
0x2f: {  	[spmem:s23], [sflag:s24] =	dma.local @p1 [hbm:s5], $0x1040  }
0x30: {  	s24 =	simm.s32 @p1 $0x3  }
0x31: {  	_ =	swait.ge @p1 [sflag:s24], $0x1040  }
0x32: {  	[sflag:s24] =	ssyncset.done @p1 $0x0  }
0x33: {  	s5 =	rddreg [dreg:$0xd];
	[sflag:s24] =	ssyncadd.s32 @p1 $0xFFFFEFC0  }
0x34: {  	[spmem:s22], [sflag:s21] =	dma.local @!p1 [hbm:s5], $0x13C0  }
0x35: {  	s21 =	simm.s32 @!p1 $0x3  }
0x36: {  	_ =	swait.ge @!p1 [sflag:s21], $0x13C0  }
0x37: {  	s26 =	sshll.u32 s2, $0x6;
	[sflag:s21] =	ssyncset.done @!p1 $0x0  }
0x38: {  	s24 =	sshrl.u32 s16, $0x3;
	[sflag:s21] =	ssyncadd.s32 @!p1 $0xFFFFEC40;
	s21 =	sor.u32 $0x1C03, s26  }
0x39: {  	[spmem:s24], [sflag:s21] =	dma.local [hbm:s6], $0x13C0  }
0x3a: {  	_ =	swait.ge [sflag:s0], $0x13C0  }
0x3b: {  	[sflag:s0] =	ssyncset.done $0x0  }
0x3c: {  	[sflag:s0] =	ssyncadd.s32 $0xFFFFEC40  }
0x3d: {  	s25 =	simm.s32 $0x0;
	[bflag:$0x0] =	sbarrier.arrive $0xFFFF  }
0x3e: {  	[tilespmem:s15], [sflag:$0x1] =	stream.indirect.gather [spmem:s1], $0x40, s25, s9, $0xb8;
	[tilespmem:$0x1F8C0] =	vst v63  }
0x3f: {  	s5 =	simm.s32 $0x80  }
0x40: {  	[tilespmem:s10], [sflag:$0x2] =	stream.indirect.gather [spmem:s1], $0x40, s5, s9, $0xb8;
	[tilespmem:$0x1F8C0] =	vst v63  }
0x41: {  	_ =	swait.ge [sflag:s14], $0x2000  }
0x42: {  	[sflag:s14] =	ssyncset.done $0x0  }
0x43: {  	s7 =	simm.s32 $0x2780;
	[sflag:s14] =	ssyncadd.s32 $0xFFFFE000  }
0x44: {  	[spmem:s3] =	stream.indirect.scatter.add.f32 [tilespmem:s15], [sflag:$0x3], $0x40, s7, s9, $0xb8;
	[tilespmem:$0x1F8C0] =	vst v63  }
0x45: {  	_ =	swait.ge [sflag:s0], $0x2000  }
0x46: {  	[sflag:s0] =	ssyncset.done $0x0  }
0x47: {  	s8 =	simm.s32 $0x100;
	[sflag:s0] =	ssyncadd.s32 $0xFFFFE000  }
0x48: {  	[tilespmem:s15], [sflag:$0x1] =	stream.indirect.gather [spmem:s1], $0x40, s8, s9, $0xb8;
	[tilespmem:$0x1F8C0] =	vst v63  }
0x49: {  	_ =	swait.ge [sflag:s17], $0x2000  }
0x4a: {  	[sflag:s17] =	ssyncset.done $0x0  }
0x4b: {  	s26 =	simm.s32 $0x2800;
	[sflag:s17] =	ssyncadd.s32 $0xFFFFE000  }
0x4c: {  	[spmem:s3] =	stream.indirect.scatter.add.f32 [tilespmem:s10], [sflag:$0x3], $0x40, s26, s9, $0xb8;
	[tilespmem:$0x1F8C0] =	vst v63  }
0x4d: {  	_ =	swait.ge [sflag:s0], $0x2000  }
0x4e: {  	s25 =	simm.s32 $0x100;
	s26 =	simm.s32 $0x800;
	[sflag:s0] =	ssyncset.done $0x0  }
.LBB2_3:
0x4f: {  	s5 =	sadd.s32 $0x80, s25  }
0x50: {  	[sflag:s0] =	ssyncadd.s32 $0xFFFFE000;
	s7 =	smov.u32 s26;
	s8 =	sadd.s32 $0x400, s26  }
0x51: {  	[tilespmem:s10], [sflag:$0x2] =	stream.indirect.gather [spmem:s1], $0x40, s5, s9, $0xb8;
	[tilespmem:$0x1F8C0] =	vst v63  }
0x52: {  	p2 =	sne.s32 s26, $0x9800;
	_ =	swait.ge [sflag:s14], $0x2000  }
0x53: {  	[sflag:s14] =	ssyncset.done $0x0  }
0x54: {  	s5 =	sadd.s32 $0x2780, s25;
	[sflag:s14] =	ssyncadd.s32 $0xFFFFE000  }
0x55: {  	[spmem:s3] =	stream.indirect.scatter.add.f32 [tilespmem:s15], [sflag:$0x3], $0x40, s5, s9, $0xb8;
	[tilespmem:$0x1F8C0] =	vst v63  }
0x56: {  	_ =	swait.ge [sflag:s0], $0x2000  }
0x57: {  	[sflag:s0] =	ssyncset.done $0x0  }
0x58: {  	s5 =	sadd.s32 $0x100, s25;
	[sflag:s0] =	ssyncadd.s32 $0xFFFFE000  }
0x59: {  	[tilespmem:s15], [sflag:$0x1] =	stream.indirect.gather [spmem:s1], $0x40, s5, s9, $0xb8;
	[tilespmem:$0x1F8C0] =	vst v63  }
0x5a: {  	_ =	swait.ge [sflag:s17], $0x2000  }
.Ltmp3:
0x5b: {  	[sflag:s17] =	ssyncset.done $0x0;
	(pc) =	sbr.rel @p2 .LBB2_3-.Ltmp3, $4  }
0x5c: {  	s5 =	sadd.s32 $0x2800, s25;
	[sflag:s17] =	ssyncadd.s32 $0xFFFFE000  }
0x5d: {  	[spmem:s3] =	stream.indirect.scatter.add.f32 [tilespmem:s10], [sflag:$0x3], $0x40, s5, s9, $0xb8;
	[tilespmem:$0x1F8C0] =	vst v63  }
0x5e: {  	_ =	swait.ge [sflag:s0], $0x2000  }
0x5f: {  	s26 =	smov.u32 s8;
	s25 =	sshra.s32 s7, $0x2;
	[sflag:s0] =	ssyncset.done $0x0  }
0x60: {  	s5 =	sadd.s32 $0x80, s25;
	[sflag:s0] =	ssyncadd.s32 $0xFFFFE000  }
0x61: {  	[tilespmem:s10], [sflag:$0x2] =	stream.indirect.gather [spmem:s1], $0x40, s5, s9, $0xb8;
	[tilespmem:$0x1F8C0] =	vst v63  }
0x62: {  	_ =	swait.ge [sflag:s14], $0x2000  }
0x63: {  	[sflag:s14] =	ssyncset.done $0x0  }
0x64: {  	s7 =	sadd.s32 $0x2780, s25;
	[sflag:s14] =	ssyncadd.s32 $0xFFFFE000  }
0x65: {  	[spmem:s3] =	stream.indirect.scatter.add.f32 [tilespmem:s15], [sflag:$0x3], $0x40, s7, s9, $0xb8;
	[tilespmem:$0x1F8C0] =	vst v63  }
0x66: {  	_ =	swait.ge [sflag:s0], $0x2000  }
0x67: {  	[sflag:s0] =	ssyncset.done $0x0  }
0x68: {  	s8 =	sadd.s32 $0x100, s25;
	[sflag:s0] =	ssyncadd.s32 $0xFFFFE000  }
0x69: {  	[tilespmem:s15], [sflag:$0x1] =	stream.indirect.gather [spmem:s1], $0x40, s8, s9, $0xb8;
	[tilespmem:$0x1F8C0] =	vst v63  }
0x6a: {  	_ =	swait.ge [sflag:s17], $0x2000  }
0x6b: {  	[sflag:s17] =	ssyncset.done $0x0  }
0x6c: {  	s26 =	sadd.s32 $0x2800, s25;
	[sflag:s17] =	ssyncadd.s32 $0xFFFFE000  }
0x6d: {  	[spmem:s3] =	stream.indirect.scatter.add.f32 [tilespmem:s10], [sflag:$0x3], $0x40, s26, s9, $0xb8;
	[tilespmem:$0x1F8C0] =	vst v63  }
0x6e: {  	_ =	swait.ge [sflag:s0], $0x2000  }
0x6f: {  	[sflag:s0] =	ssyncset.done $0x0  }
0x70: {  	[sflag:s0] =	ssyncadd.s32 $0xFFFFE000  }
0x71: {  	_ =	swait.ge [sflag:s14], $0x2000  }
0x72: {  	[sflag:s14] =	ssyncset.done $0x0  }
0x73: {  	[sflag:s14] =	ssyncadd.s32 $0xFFFFE000  }
0x74: {  	[spmem:s3] =	stream.indirect.scatter.add.f32 [tilespmem:s15], [sflag:$0x3], $0x40, s18, s9, $0xb8;
	[tilespmem:$0x1F8C0] =	vst v63  }
0x75: {  	_ =	swait.ge [sflag:s0], $0x2000  }
0x76: {  	[sflag:s0] =	ssyncset.done $0x0  }
0x77: {  	[sflag:s0] =	ssyncadd.s32 $0xFFFFE000  }
0x78: {  	[bflag:$0x0] =	sbarrier.arrive $0xFFFF  }
0x79: {  	s7 =	rddreg [dreg:$0xf]  }
0x7a: {  	[hbm:s7], [sflag:s21] =	dma.local [spmem:s24], $0x13C0  }
0x7b: {  	_ =	swait.ge [sflag:s0], $0x13C0  }
0x7c: {  	[sflag:s0] =	ssyncset.done $0x0  }
0x7d: {  	[sflag:s0] =	ssyncadd.s32 $0xFFFFEC40  }
0x7e: {  	[bflag:$0x0] =	sbarrier.arrive $0xFFFF  }
0x7f: {  	s5 =	simm.s32 @p1 $0x1FC3;
	s7 =	rddreg [dreg:$0x11]  }
0x80: {  	[spmem:s23], [sflag:s5] =	dma.local @p1 [hbm:s7], $0x1040  }
0x81: {  	s5 =	simm.s32 @p1 $0x3  }
0x82: {  	_ =	swait.ge @p1 [sflag:s5], $0x1040  }
0x83: {  	[sflag:s5] =	ssyncset.done @p1 $0x0  }
0x84: {  	[sflag:s5] =	ssyncadd.s32 @p1 $0xFFFFEFC0;
	s5 =	rddreg [dreg:$0x10]  }
0x85: {  	[spmem:s22], [sflag:s21] =	dma.local @!p1 [hbm:s5], $0x13C0  }
0x86: {  	s5 =	simm.s32 @!p1 $0x3  }
0x87: {  	_ =	swait.ge @!p1 [sflag:s5], $0x13C0  }
0x88: {  	[sflag:s5] =	ssyncset.done @!p1 $0x0  }
0x89: {  	[sflag:s5] =	ssyncadd.s32 @!p1 $0xFFFFEC40  }
0x8a: {  	[spmem:s24], [sflag:s21] =	dma.local [hbm:s6], $0x13C0  }
0x8b: {  	_ =	swait.ge [sflag:s0], $0x13C0  }
0x8c: {  	[sflag:s0] =	ssyncset.done $0x0  }
0x8d: {  	[sflag:s0] =	ssyncadd.s32 $0xFFFFEC40  }
0x8e: {  	s8 =	simm.s32 $0x0;
	[bflag:$0x0] =	sbarrier.arrive $0xFFFF  }
0x8f: {  	[tilespmem:s15], [sflag:$0x1] =	stream.indirect.gather [spmem:s1], $0x40, s8, s9, $0xb8;
	[tilespmem:$0x1F8C0] =	vst v63  }
0x90: {  	s22 =	simm.s32 $0x80  }
0x91: {  	[tilespmem:s10], [sflag:$0x2] =	stream.indirect.gather [spmem:s1], $0x40, s22, s9, $0xb8;
	[tilespmem:$0x1F8C0] =	vst v63  }
0x92: {  	_ =	swait.ge [sflag:s14], $0x2000  }
0x93: {  	[sflag:s14] =	ssyncset.done $0x0  }
0x94: {  	s23 =	simm.s32 $0x2780;
	[sflag:s14] =	ssyncadd.s32 $0xFFFFE000  }
0x95: {  	[spmem:s3] =	stream.indirect.scatter.add.f32 [tilespmem:s15], [sflag:$0x3], $0x40, s23, s9, $0xb8;
	[tilespmem:$0x1F8C0] =	vst v63  }
0x96: {  	_ =	swait.ge [sflag:s0], $0x2000  }
0x97: {  	[sflag:s0] =	ssyncset.done $0x0  }
0x98: {  	s25 =	simm.s32 $0x100;
	[sflag:s0] =	ssyncadd.s32 $0xFFFFE000  }
0x99: {  	[tilespmem:s15], [sflag:$0x1] =	stream.indirect.gather [spmem:s1], $0x40, s25, s9, $0xb8;
	[tilespmem:$0x1F8C0] =	vst v63  }
0x9a: {  	_ =	swait.ge [sflag:s17], $0x2000  }
0x9b: {  	[sflag:s17] =	ssyncset.done $0x0  }
0x9c: {  	s26 =	simm.s32 $0x2800;
	[sflag:s17] =	ssyncadd.s32 $0xFFFFE000  }
0x9d: {  	[spmem:s3] =	stream.indirect.scatter.add.f32 [tilespmem:s10], [sflag:$0x3], $0x40, s26, s9, $0xb8;
	[tilespmem:$0x1F8C0] =	vst v63  }
0x9e: {  	_ =	swait.ge [sflag:s0], $0x2000  }
0x9f: {  	s22 =	simm.s32 $0x100;
	s23 =	simm.s32 $0x800;
	[sflag:s0] =	ssyncset.done $0x0  }
.LBB2_5:
0xa0: {  	s5 =	sadd.s32 $0x80, s22  }
0xa1: {  	[sflag:s0] =	ssyncadd.s32 $0xFFFFE000;
	s7 =	smov.u32 s23;
	s8 =	sadd.s32 $0x400, s23  }
0xa2: {  	[tilespmem:s10], [sflag:$0x2] =	stream.indirect.gather [spmem:s1], $0x40, s5, s9, $0xb8;
	[tilespmem:$0x1F8C0] =	vst v63  }
0xa3: {  	p2 =	seq.s32 s23, $0x9800;
	_ =	swait.ge [sflag:s14], $0x2000  }
0xa4: {  	[sflag:s14] =	ssyncset.done $0x0  }
0xa5: {  	s5 =	sadd.s32 $0x2780, s22;
	[sflag:s14] =	ssyncadd.s32 $0xFFFFE000  }
0xa6: {  	[spmem:s3] =	stream.indirect.scatter.add.f32 [tilespmem:s15], [sflag:$0x3], $0x40, s5, s9, $0xb8;
	[tilespmem:$0x1F8C0] =	vst v63  }
0xa7: {  	_ =	swait.ge [sflag:s0], $0x2000  }
0xa8: {  	[sflag:s0] =	ssyncset.done $0x0  }
0xa9: {  	s5 =	sadd.s32 $0x100, s22;
	[sflag:s0] =	ssyncadd.s32 $0xFFFFE000  }
0xaa: {  	[tilespmem:s15], [sflag:$0x1] =	stream.indirect.gather [spmem:s1], $0x40, s5, s9, $0xb8;
	[tilespmem:$0x1F8C0] =	vst v63  }
0xab: {  	_ =	swait.ge [sflag:s17], $0x2000  }
.Ltmp4:
0xac: {  	[sflag:s17] =	ssyncset.done $0x0;
	(pc) =	sbr.rel @!p2 .LBB2_5-.Ltmp4, $4  }
0xad: {  	s5 =	sadd.s32 $0x2800, s22;
	[sflag:s17] =	ssyncadd.s32 $0xFFFFE000  }
0xae: {  	[spmem:s3] =	stream.indirect.scatter.add.f32 [tilespmem:s10], [sflag:$0x3], $0x40, s5, s9, $0xb8;
	[tilespmem:$0x1F8C0] =	vst v63  }
0xaf: {  	_ =	swait.ge [sflag:s0], $0x2000  }
0xb0: {  	s23 =	smov.u32 s8;
	s22 =	sshra.s32 s7, $0x2;
	[sflag:s0] =	ssyncset.done $0x0  }
0xb1: {  	s5 =	sadd.s32 $0x80, s22;
	[sflag:s0] =	ssyncadd.s32 $0xFFFFE000  }
0xb2: {  	[tilespmem:s10], [sflag:$0x2] =	stream.indirect.gather [spmem:s1], $0x40, s5, s9, $0xb8;
	[tilespmem:$0x1F8C0] =	vst v63  }
0xb3: {  	_ =	swait.ge [sflag:s14], $0x2000  }
0xb4: {  	[sflag:s14] =	ssyncset.done $0x0  }
0xb5: {  	s26 =	sadd.s32 $0x2780, s22;
	[sflag:s14] =	ssyncadd.s32 $0xFFFFE000  }
0xb6: {  	[spmem:s3] =	stream.indirect.scatter.add.f32 [tilespmem:s15], [sflag:$0x3], $0x40, s26, s9, $0xb8;
	[tilespmem:$0x1F8C0] =	vst v63  }
0xb7: {  	_ =	swait.ge [sflag:s0], $0x2000  }
0xb8: {  	[sflag:s0] =	ssyncset.done $0x0  }
0xb9: {  	s7 =	sadd.s32 $0x100, s22;
	[sflag:s0] =	ssyncadd.s32 $0xFFFFE000  }
0xba: {  	[tilespmem:s15], [sflag:$0x1] =	stream.indirect.gather [spmem:s1], $0x40, s7, s9, $0xb8;
	[tilespmem:$0x1F8C0] =	vst v63  }
0xbb: {  	_ =	swait.ge [sflag:s17], $0x2000  }
0xbc: {  	[sflag:s17] =	ssyncset.done $0x0  }
0xbd: {  	s8 =	sadd.s32 $0x2800, s22;
	[sflag:s17] =	ssyncadd.s32 $0xFFFFE000  }
0xbe: {  	[spmem:s3] =	stream.indirect.scatter.add.f32 [tilespmem:s10], [sflag:$0x3], $0x40, s8, s9, $0xb8;
	[tilespmem:$0x1F8C0] =	vst v63  }
0xbf: {  	_ =	swait.ge [sflag:s0], $0x2000  }
0xc0: {  	[sflag:s0] =	ssyncset.done $0x0  }
0xc1: {  	[sflag:s0] =	ssyncadd.s32 $0xFFFFE000  }
0xc2: {  	_ =	swait.ge [sflag:s14], $0x2000  }
0xc3: {  	[sflag:s14] =	ssyncset.done $0x0  }
0xc4: {  	[sflag:s14] =	ssyncadd.s32 $0xFFFFE000  }
0xc5: {  	[spmem:s3] =	stream.indirect.scatter.add.f32 [tilespmem:s15], [sflag:$0x3], $0x40, s18, s9, $0xb8;
	[tilespmem:$0x1F8C0] =	vst v63  }
0xc6: {  	_ =	swait.ge [sflag:s0], $0x2000  }
0xc7: {  	[sflag:s0] =	ssyncset.done $0x0  }
0xc8: {  	[sflag:s0] =	ssyncadd.s32 $0xFFFFE000  }
0xc9: {  	[bflag:$0x0] =	sbarrier.arrive $0xFFFF  }
0xca: {  	s22 =	rddreg [dreg:$0x13]  }
0xcb: {  	[hbm:s22], [sflag:s21] =	dma.local [spmem:s24], $0x13C0  }
0xcc: {  	_ =	swait.ge [sflag:s0], $0x13C0  }
0xcd: {  	[sflag:s0] =	ssyncset.done $0x0  }
0xce: {  	[sflag:s0] =	ssyncadd.s32 $0xFFFFEC40  }
0xcf: {  	[bflag:$0x0] =	sbarrier.arrive $0xFFFF  }
0xd0: {  	s23 =	simm.s32 $0x0;
	s7 =	rddreg [dreg:$0x6]  }
0xd1: {  	[tilespmem:s19], [sflag:$0x3] =	stream.linear.gather [hbm4b:s7+s23], $0x800, $0x38;
	[tilespmem:$0x1F8C0] =	vst v63  }
0xd2: {  	_ =	swait.ge [sflag:s0], $0x800  }
0xd3: {  	[sflag:s0] =	ssyncset.done $0x0  }
0xd4: {  	s24 =	sshrl.u32 s28, $0x3;
	s25 =	rddreg [dreg:$0x7];
	[sflag:s0] =	ssyncadd.s32 $0xFFFFF800  }
0xd5: {  	[spmem:s24], [sflag:s21] =	dma.local [hbm:s25], $0x4F0  }
0xd6: {  	_ =	swait.ge [sflag:s0], $0x4F0  }
0xd7: {  	[sflag:s0] =	ssyncset.done $0x0  }
0xd8: {  	[sflag:s0] =	ssyncadd.s32 $0xFFFFFB10  }
0xd9: {  	s26 =	simm.s32 $0x2780;
	[bflag:$0x0] =	sbarrier.arrive $0xFFFF  }
0xda: {  	[spmem:s4] =	stream.indirect.scatter.add.f32 [tilespmem:s19], [sflag:$0x3], $0x10, s26, s9, $0xb8;
	[tilespmem:$0x1F8C0] =	vst v63  }
0xdb: {  	s22 =	simm.s32 $0x200;
	_ =	swait.ge [sflag:s0], $0x800  }
.LBB2_7:
0xdc: {  	s5 =	sshra.s32 s22, $0x2;
	[sflag:s0] =	ssyncset.done $0x0;
	p2 =	seq.s32 s22, $0x4C00  }
.Ltmp5:
0xdd: {  	s5 =	sadd.s32 $0x2780, s5;
	[sflag:s0] =	ssyncadd.s32 $0xFFFFF800;
	(pc) =	sbr.rel @!p2 .LBB2_7-.Ltmp5, $3  }
0xde: {  	[spmem:s4] =	stream.indirect.scatter.add.f32 [tilespmem:s19], [sflag:$0x3], $0x10, s5, s9, $0xb8;
	[tilespmem:$0x1F8C0] =	vst v63  }
0xdf: {  	s22 =	sadd.s32 $0x200, s22;
	_ =	sdelay $0x1  }
0xe0: {  	_ =	swait.ge [sflag:s0], $0x800  }
.Ltmp6:
0xe1: {  	(pc) =	sbr.rel .LBB2_16-.Ltmp6, $3  }
0xe2: {  	_ =	sdelay $0x1  }
0xe3: {  	[sflag:s0] =	ssyncset.done $0x0  }
0xe4: {  	s22 =	rddreg [dreg:$0x8];
	[sflag:s0] =	ssyncadd.s32 $0xFFFFF800  }
.LBB2_9:
0xe5: {  	s5 =	simm.s32 @p1 $0x1FC3;
	s7 =	rddreg [dreg:$0xb]  }
0xe6: {  	[spmem:s23], [sflag:s5] =	dma.local @p1 [hbm:s7], $0x1040  }
0xe7: {  	s5 =	simm.s32 @p1 $0x3  }
0xe8: {  	_ =	swait.ge @p1 [sflag:s5], $0x1040  }
0xe9: {  	[sflag:s5] =	ssyncset.done @p1 $0x0  }
0xea: {  	[sflag:s5] =	ssyncadd.s32 @p1 $0xFFFFEFC0;
	s5 =	rddreg [dreg:$0xa]  }
0xeb: {  	[spmem:s22], [sflag:s21] =	dma.local @!p1 [hbm:s5], $0x13C0  }
0xec: {  	s5 =	simm.s32 @!p1 $0x3  }
0xed: {  	_ =	swait.ge @!p1 [sflag:s5], $0x13C0  }
0xee: {  	s25 =	sshll.u32 s2, $0x6;
	[sflag:s5] =	ssyncset.done @!p1 $0x0  }
0xef: {  	s24 =	sshrl.u32 s16, $0x3;
	s21 =	sor.u32 $0x1C03, s25;
	[sflag:s5] =	ssyncadd.s32 @!p1 $0xFFFFEC40  }
0xf0: {  	[spmem:s24], [sflag:s21] =	dma.local [hbm:s6], $0x13C0  }
0xf1: {  	_ =	swait.ge [sflag:s0], $0x13C0  }
0xf2: {  	[sflag:s0] =	ssyncset.done $0x0  }
0xf3: {  	[sflag:s0] =	ssyncadd.s32 $0xFFFFEC40  }
0xf4: {  	s26 =	simm.s32 $0x0;
	[bflag:$0x0] =	sbarrier.arrive $0xFFFF  }
0xf5: {  	[tilespmem:s15], [sflag:$0x1] =	stream.indirect.gather [spmem:s1], $0x40, s26, s9, $0xb8;
	[tilespmem:$0x1F8C0] =	vst v63  }
0xf6: {  	s7 =	simm.s32 $0x80  }
0xf7: {  	[tilespmem:s10], [sflag:$0x2] =	stream.indirect.gather [spmem:s1], $0x40, s7, s9, $0xb8;
	[tilespmem:$0x1F8C0] =	vst v63  }
0xf8: {  	_ =	swait.ge [sflag:s14], $0x2000  }
0xf9: {  	[sflag:s14] =	ssyncset.done $0x0  }
0xfa: {  	s8 =	simm.s32 $0x2780;
	[sflag:s14] =	ssyncadd.s32 $0xFFFFE000  }
0xfb: {  	[spmem:s3] =	stream.indirect.scatter.add.f32 [tilespmem:s15], [sflag:$0x3], $0x40, s8, s9, $0xb8;
	[tilespmem:$0x1F8C0] =	vst v63  }
0xfc: {  	_ =	swait.ge [sflag:s0], $0x2000  }
0xfd: {  	[sflag:s0] =	ssyncset.done $0x0  }
0xfe: {  	s25 =	simm.s32 $0x100;
	[sflag:s0] =	ssyncadd.s32 $0xFFFFE000  }
0xff: {  	[tilespmem:s15], [sflag:$0x1] =	stream.indirect.gather [spmem:s1], $0x40, s25, s9, $0xb8;
	[tilespmem:$0x1F8C0] =	vst v63  }
0x100: {  	_ =	swait.ge [sflag:s17], $0x2000  }
0x101: {  	[sflag:s17] =	ssyncset.done $0x0  }
0x102: {  	s26 =	simm.s32 $0x2800;
	[sflag:s17] =	ssyncadd.s32 $0xFFFFE000  }
0x103: {  	[spmem:s3] =	stream.indirect.scatter.add.f32 [tilespmem:s10], [sflag:$0x3], $0x40, s26, s9, $0xb8;
	[tilespmem:$0x1F8C0] =	vst v63  }
0x104: {  	_ =	swait.ge [sflag:s0], $0x2000  }
0x105: {  	s25 =	simm.s32 $0x100;
	s26 =	simm.s32 $0x800;
	[sflag:s0] =	ssyncset.done $0x0  }
.LBB2_10:
0x106: {  	s5 =	sadd.s32 $0x80, s25  }
0x107: {  	[sflag:s0] =	ssyncadd.s32 $0xFFFFE000;
	s7 =	smov.u32 s26;
	s8 =	sadd.s32 $0x400, s26  }
0x108: {  	[tilespmem:s10], [sflag:$0x2] =	stream.indirect.gather [spmem:s1], $0x40, s5, s9, $0xb8;
	[tilespmem:$0x1F8C0] =	vst v63  }
0x109: {  	p2 =	seq.s32 s26, $0x9800;
	_ =	swait.ge [sflag:s14], $0x2000  }
0x10a: {  	[sflag:s14] =	ssyncset.done $0x0  }
0x10b: {  	s5 =	sadd.s32 $0x2780, s25;
	[sflag:s14] =	ssyncadd.s32 $0xFFFFE000  }
0x10c: {  	[spmem:s3] =	stream.indirect.scatter.add.f32 [tilespmem:s15], [sflag:$0x3], $0x40, s5, s9, $0xb8;
	[tilespmem:$0x1F8C0] =	vst v63  }
0x10d: {  	_ =	swait.ge [sflag:s0], $0x2000  }
0x10e: {  	[sflag:s0] =	ssyncset.done $0x0  }
0x10f: {  	s5 =	sadd.s32 $0x100, s25;
	[sflag:s0] =	ssyncadd.s32 $0xFFFFE000  }
0x110: {  	[tilespmem:s15], [sflag:$0x1] =	stream.indirect.gather [spmem:s1], $0x40, s5, s9, $0xb8;
	[tilespmem:$0x1F8C0] =	vst v63  }
0x111: {  	_ =	swait.ge [sflag:s17], $0x2000  }
.Ltmp7:
0x112: {  	[sflag:s17] =	ssyncset.done $0x0;
	(pc) =	sbr.rel @!p2 .LBB2_10-.Ltmp7, $4  }
0x113: {  	s5 =	sadd.s32 $0x2800, s25;
	[sflag:s17] =	ssyncadd.s32 $0xFFFFE000  }
0x114: {  	[spmem:s3] =	stream.indirect.scatter.add.f32 [tilespmem:s10], [sflag:$0x3], $0x40, s5, s9, $0xb8;
	[tilespmem:$0x1F8C0] =	vst v63  }
0x115: {  	_ =	swait.ge [sflag:s0], $0x2000  }
0x116: {  	s26 =	smov.u32 s8;
	s25 =	sshra.s32 s7, $0x2;
	[sflag:s0] =	ssyncset.done $0x0  }
0x117: {  	s5 =	sadd.s32 $0x80, s25;
	[sflag:s0] =	ssyncadd.s32 $0xFFFFE000  }
0x118: {  	[tilespmem:s10], [sflag:$0x2] =	stream.indirect.gather [spmem:s1], $0x40, s5, s9, $0xb8;
	[tilespmem:$0x1F8C0] =	vst v63  }
0x119: {  	_ =	swait.ge [sflag:s14], $0x2000  }
0x11a: {  	[sflag:s14] =	ssyncset.done $0x0  }
0x11b: {  	s7 =	sadd.s32 $0x2780, s25;
	[sflag:s14] =	ssyncadd.s32 $0xFFFFE000  }
0x11c: {  	[spmem:s3] =	stream.indirect.scatter.add.f32 [tilespmem:s15], [sflag:$0x3], $0x40, s7, s9, $0xb8;
	[tilespmem:$0x1F8C0] =	vst v63  }
0x11d: {  	_ =	swait.ge [sflag:s0], $0x2000  }
0x11e: {  	[sflag:s0] =	ssyncset.done $0x0  }
0x11f: {  	s8 =	sadd.s32 $0x100, s25;
	[sflag:s0] =	ssyncadd.s32 $0xFFFFE000  }
0x120: {  	[tilespmem:s15], [sflag:$0x1] =	stream.indirect.gather [spmem:s1], $0x40, s8, s9, $0xb8;
	[tilespmem:$0x1F8C0] =	vst v63  }
0x121: {  	_ =	swait.ge [sflag:s17], $0x2000  }
0x122: {  	[sflag:s17] =	ssyncset.done $0x0  }
0x123: {  	s26 =	sadd.s32 $0x2800, s25;
	[sflag:s17] =	ssyncadd.s32 $0xFFFFE000  }
0x124: {  	[spmem:s3] =	stream.indirect.scatter.add.f32 [tilespmem:s10], [sflag:$0x3], $0x40, s26, s9, $0xb8;
	[tilespmem:$0x1F8C0] =	vst v63  }
0x125: {  	_ =	swait.ge [sflag:s0], $0x2000  }
0x126: {  	[sflag:s0] =	ssyncset.done $0x0  }
0x127: {  	[sflag:s0] =	ssyncadd.s32 $0xFFFFE000  }
0x128: {  	_ =	swait.ge [sflag:s14], $0x2000  }
0x129: {  	[sflag:s14] =	ssyncset.done $0x0  }
0x12a: {  	[sflag:s14] =	ssyncadd.s32 $0xFFFFE000  }
0x12b: {  	[spmem:s3] =	stream.indirect.scatter.add.f32 [tilespmem:s15], [sflag:$0x3], $0x40, s18, s9, $0xb8;
	[tilespmem:$0x1F8C0] =	vst v63  }
0x12c: {  	_ =	swait.ge [sflag:s0], $0x2000  }
0x12d: {  	[sflag:s0] =	ssyncset.done $0x0  }
0x12e: {  	[sflag:s0] =	ssyncadd.s32 $0xFFFFE000  }
0x12f: {  	[bflag:$0x0] =	sbarrier.arrive $0xFFFF  }
0x130: {  	s7 =	rddreg [dreg:$0xc]  }
0x131: {  	[hbm:s7], [sflag:s21] =	dma.local [spmem:s24], $0x13C0  }
0x132: {  	_ =	swait.ge [sflag:s0], $0x13C0  }
0x133: {  	[sflag:s0] =	ssyncset.done $0x0  }
0x134: {  	[sflag:s0] =	ssyncadd.s32 $0xFFFFEC40  }
0x135: {  	[bflag:$0x0] =	sbarrier.arrive $0xFFFF  }
0x136: {  	s5 =	simm.s32 @p1 $0x1FC3;
	s7 =	rddreg [dreg:$0x12]  }
0x137: {  	[spmem:s23], [sflag:s5] =	dma.local @p1 [hbm:s7], $0x1040  }
0x138: {  	s5 =	simm.s32 @p1 $0x3  }
0x139: {  	_ =	swait.ge @p1 [sflag:s5], $0x1040  }
0x13a: {  	[sflag:s5] =	ssyncset.done @p1 $0x0  }
0x13b: {  	[sflag:s5] =	ssyncadd.s32 @p1 $0xFFFFEFC0;
	s5 =	rddreg [dreg:$0x14]  }
0x13c: {  	[spmem:s22], [sflag:s21] =	dma.local @!p1 [hbm:s5], $0x13C0  }
0x13d: {  	s5 =	simm.s32 @!p1 $0x3  }
0x13e: {  	_ =	swait.ge @!p1 [sflag:s5], $0x13C0  }
0x13f: {  	[sflag:s5] =	ssyncset.done @!p1 $0x0  }
0x140: {  	[sflag:s5] =	ssyncadd.s32 @!p1 $0xFFFFEC40  }
0x141: {  	[spmem:s24], [sflag:s21] =	dma.local [hbm:s6], $0x13C0  }
0x142: {  	_ =	swait.ge [sflag:s0], $0x13C0  }
0x143: {  	[sflag:s0] =	ssyncset.done $0x0  }
0x144: {  	[sflag:s0] =	ssyncadd.s32 $0xFFFFEC40  }
0x145: {  	s8 =	simm.s32 $0x0;
	[bflag:$0x0] =	sbarrier.arrive $0xFFFF  }
0x146: {  	[tilespmem:s15], [sflag:$0x1] =	stream.indirect.gather [spmem:s1], $0x40, s8, s9, $0xb8;
	[tilespmem:$0x1F8C0] =	vst v63  }
0x147: {  	s22 =	simm.s32 $0x80  }
0x148: {  	[tilespmem:s10], [sflag:$0x2] =	stream.indirect.gather [spmem:s1], $0x40, s22, s9, $0xb8;
	[tilespmem:$0x1F8C0] =	vst v63  }
0x149: {  	_ =	swait.ge [sflag:s14], $0x2000  }
0x14a: {  	[sflag:s14] =	ssyncset.done $0x0  }
0x14b: {  	s23 =	simm.s32 $0x2780;
	[sflag:s14] =	ssyncadd.s32 $0xFFFFE000  }
0x14c: {  	[spmem:s3] =	stream.indirect.scatter.add.f32 [tilespmem:s15], [sflag:$0x3], $0x40, s23, s9, $0xb8;
	[tilespmem:$0x1F8C0] =	vst v63  }
0x14d: {  	_ =	swait.ge [sflag:s0], $0x2000  }
0x14e: {  	[sflag:s0] =	ssyncset.done $0x0  }
0x14f: {  	s25 =	simm.s32 $0x100;
	[sflag:s0] =	ssyncadd.s32 $0xFFFFE000  }
0x150: {  	[tilespmem:s15], [sflag:$0x1] =	stream.indirect.gather [spmem:s1], $0x40, s25, s9, $0xb8;
	[tilespmem:$0x1F8C0] =	vst v63  }
0x151: {  	_ =	swait.ge [sflag:s17], $0x2000  }
0x152: {  	[sflag:s17] =	ssyncset.done $0x0  }
0x153: {  	s26 =	simm.s32 $0x2800;
	[sflag:s17] =	ssyncadd.s32 $0xFFFFE000  }
0x154: {  	[spmem:s3] =	stream.indirect.scatter.add.f32 [tilespmem:s10], [sflag:$0x3], $0x40, s26, s9, $0xb8;
	[tilespmem:$0x1F8C0] =	vst v63  }
0x155: {  	_ =	swait.ge [sflag:s0], $0x2000  }
0x156: {  	s22 =	simm.s32 $0x100;
	s23 =	simm.s32 $0x800;
	[sflag:s0] =	ssyncset.done $0x0  }
.LBB2_12:
0x157: {  	s5 =	sadd.s32 $0x80, s22  }
0x158: {  	[sflag:s0] =	ssyncadd.s32 $0xFFFFE000;
	s7 =	smov.u32 s23;
	s8 =	sadd.s32 $0x400, s23  }
0x159: {  	[tilespmem:s10], [sflag:$0x2] =	stream.indirect.gather [spmem:s1], $0x40, s5, s9, $0xb8;
	[tilespmem:$0x1F8C0] =	vst v63  }
0x15a: {  	p2 =	seq.s32 s23, $0x9800;
	_ =	swait.ge [sflag:s14], $0x2000  }
0x15b: {  	[sflag:s14] =	ssyncset.done $0x0  }
0x15c: {  	s5 =	sadd.s32 $0x2780, s22;
	[sflag:s14] =	ssyncadd.s32 $0xFFFFE000  }
0x15d: {  	[spmem:s3] =	stream.indirect.scatter.add.f32 [tilespmem:s15], [sflag:$0x3], $0x40, s5, s9, $0xb8;
	[tilespmem:$0x1F8C0] =	vst v63  }
0x15e: {  	_ =	swait.ge [sflag:s0], $0x2000  }
0x15f: {  	[sflag:s0] =	ssyncset.done $0x0  }
0x160: {  	s5 =	sadd.s32 $0x100, s22;
	[sflag:s0] =	ssyncadd.s32 $0xFFFFE000  }
0x161: {  	[tilespmem:s15], [sflag:$0x1] =	stream.indirect.gather [spmem:s1], $0x40, s5, s9, $0xb8;
	[tilespmem:$0x1F8C0] =	vst v63  }
0x162: {  	_ =	swait.ge [sflag:s17], $0x2000  }
.Ltmp8:
0x163: {  	[sflag:s17] =	ssyncset.done $0x0;
	(pc) =	sbr.rel @!p2 .LBB2_12-.Ltmp8, $4  }
0x164: {  	s5 =	sadd.s32 $0x2800, s22;
	[sflag:s17] =	ssyncadd.s32 $0xFFFFE000  }
0x165: {  	[spmem:s3] =	stream.indirect.scatter.add.f32 [tilespmem:s10], [sflag:$0x3], $0x40, s5, s9, $0xb8;
	[tilespmem:$0x1F8C0] =	vst v63  }
0x166: {  	_ =	swait.ge [sflag:s0], $0x2000  }
0x167: {  	s23 =	smov.u32 s8;
	s22 =	sshra.s32 s7, $0x2;
	[sflag:s0] =	ssyncset.done $0x0  }
0x168: {  	s5 =	sadd.s32 $0x80, s22;
	[sflag:s0] =	ssyncadd.s32 $0xFFFFE000  }
0x169: {  	[tilespmem:s10], [sflag:$0x2] =	stream.indirect.gather [spmem:s1], $0x40, s5, s9, $0xb8;
	[tilespmem:$0x1F8C0] =	vst v63  }
0x16a: {  	_ =	swait.ge [sflag:s14], $0x2000  }
0x16b: {  	[sflag:s14] =	ssyncset.done $0x0  }
0x16c: {  	s26 =	sadd.s32 $0x2780, s22;
	[sflag:s14] =	ssyncadd.s32 $0xFFFFE000  }
0x16d: {  	[spmem:s3] =	stream.indirect.scatter.add.f32 [tilespmem:s15], [sflag:$0x3], $0x40, s26, s9, $0xb8;
	[tilespmem:$0x1F8C0] =	vst v63  }
0x16e: {  	_ =	swait.ge [sflag:s0], $0x2000  }
0x16f: {  	[sflag:s0] =	ssyncset.done $0x0  }
0x170: {  	s7 =	sadd.s32 $0x100, s22;
	[sflag:s0] =	ssyncadd.s32 $0xFFFFE000  }
0x171: {  	[tilespmem:s15], [sflag:$0x1] =	stream.indirect.gather [spmem:s1], $0x40, s7, s9, $0xb8;
	[tilespmem:$0x1F8C0] =	vst v63  }
0x172: {  	_ =	swait.ge [sflag:s17], $0x2000  }
0x173: {  	[sflag:s17] =	ssyncset.done $0x0  }
0x174: {  	s8 =	sadd.s32 $0x2800, s22;
	[sflag:s17] =	ssyncadd.s32 $0xFFFFE000  }
0x175: {  	[spmem:s3] =	stream.indirect.scatter.add.f32 [tilespmem:s10], [sflag:$0x3], $0x40, s8, s9, $0xb8;
	[tilespmem:$0x1F8C0] =	vst v63  }
0x176: {  	_ =	swait.ge [sflag:s0], $0x2000  }
0x177: {  	[sflag:s0] =	ssyncset.done $0x0  }
0x178: {  	[sflag:s0] =	ssyncadd.s32 $0xFFFFE000  }
0x179: {  	_ =	swait.ge [sflag:s14], $0x2000  }
0x17a: {  	[sflag:s14] =	ssyncset.done $0x0  }
0x17b: {  	[sflag:s14] =	ssyncadd.s32 $0xFFFFE000  }
0x17c: {  	[spmem:s3] =	stream.indirect.scatter.add.f32 [tilespmem:s15], [sflag:$0x3], $0x40, s18, s9, $0xb8;
	[tilespmem:$0x1F8C0] =	vst v63  }
0x17d: {  	_ =	swait.ge [sflag:s0], $0x2000  }
0x17e: {  	[sflag:s0] =	ssyncset.done $0x0  }
0x17f: {  	[sflag:s0] =	ssyncadd.s32 $0xFFFFE000  }
0x180: {  	[bflag:$0x0] =	sbarrier.arrive $0xFFFF  }
0x181: {  	s22 =	rddreg [dreg:$0x15]  }
0x182: {  	[hbm:s22], [sflag:s21] =	dma.local [spmem:s24], $0x13C0  }
0x183: {  	_ =	swait.ge [sflag:s0], $0x13C0  }
0x184: {  	[sflag:s0] =	ssyncset.done $0x0  }
0x185: {  	[sflag:s0] =	ssyncadd.s32 $0xFFFFEC40  }
0x186: {  	[bflag:$0x0] =	sbarrier.arrive $0xFFFF  }
0x187: {  	s23 =	simm.s32 $0x0;
	s7 =	rddreg [dreg:$0x6]  }
0x188: {  	[tilespmem:s19], [sflag:$0x3] =	stream.linear.gather [hbm4b:s7+s23], $0x800, $0x38;
	[tilespmem:$0x1F8C0] =	vst v63  }
0x189: {  	_ =	swait.ge [sflag:s0], $0x800  }
0x18a: {  	[sflag:s0] =	ssyncset.done $0x0  }
0x18b: {  	s24 =	sshrl.u32 s28, $0x3;
	s25 =	rddreg [dreg:$0x7];
	[sflag:s0] =	ssyncadd.s32 $0xFFFFF800  }
0x18c: {  	[spmem:s24], [sflag:s21] =	dma.local [hbm:s25], $0x4F0  }
0x18d: {  	_ =	swait.ge [sflag:s0], $0x4F0  }
0x18e: {  	[sflag:s0] =	ssyncset.done $0x0  }
0x18f: {  	[sflag:s0] =	ssyncadd.s32 $0xFFFFFB10  }
0x190: {  	s26 =	simm.s32 $0x3B00;
	[bflag:$0x0] =	sbarrier.arrive $0xFFFF  }
0x191: {  	[spmem:s4] =	stream.indirect.scatter.add.f32 [tilespmem:s19], [sflag:$0x3], $0x10, s26, s9, $0xb8;
	[tilespmem:$0x1F8C0] =	vst v63  }
0x192: {  	s22 =	simm.s32 $0x200;
	_ =	swait.ge [sflag:s0], $0x800  }
.LBB2_14:
0x193: {  	s5 =	sshra.s32 s22, $0x2;
	[sflag:s0] =	ssyncset.done $0x0;
	p2 =	sne.s32 s22, $0x4E00  }
.Ltmp9:
0x194: {  	s5 =	sadd.s32 $0x3B00, s5;
	[sflag:s0] =	ssyncadd.s32 $0xFFFFF800;
	(pc) =	sbr.rel @p2 .LBB2_14-.Ltmp9, $3  }
0x195: {  	[spmem:s4] =	stream.indirect.scatter.add.f32 [tilespmem:s19], [sflag:$0x3], $0x10, s5, s9, $0xb8;
	[tilespmem:$0x1F8C0] =	vst v63  }
0x196: {  	s22 =	sadd.s32 $0x200, s22;
	_ =	sdelay $0x1  }
0x197: {  	_ =	swait.ge [sflag:s0], $0x800  }
.Ltmp10:
0x198: {  	_ = 	snop;
	(pc) =	sbr.rel .LBB2_15-.Ltmp10, $1  }
0x199: {  	_ =	sdelay $0x3  }
.LBB2_17:
0x19a: {  	_ =	sfence.sel $0x180000  }
0x19b: {  	[bflag:$0x0] =	sbarrier.arrive $0xFFFF  }
0x19c: {  	_ =	strace $0x90000047  }
0x19d: {  	[bflag:$0x2] =	sbarrier.arrive $0xFFFF  }
0x19e: {  	p0 =	sne.s32 s2, $0x0;
	s0 =	rddreg [dreg:$0x5]  }
0x19f: {  	s0 =	sadd.s32 @!p0 $0x100000, s0  }
0x1a0: {  	[sflag:s0] =	ssyncadd.tile.s32 @!p0 $0x1;
	_ =	shalt  }
.Lfunc_end2:
_tile_overlayer_lowered:
.L_overlay_start_2:
0x1a1: {  	(tag) =	ssettag $0x2  }
0x1a2: {  	s0 =	rddreg [dreg:$0x0];
	s2 =	stileid.u32  }
0x1a3: {  	s1 =	rddreg [dreg:$0x1];
	p0 =	sne.s32 s2, $0x0  }
0x1a4: {  	s3 =	rddreg [dreg:$0x2];
	[bflag:$0x3] =	sbarrier.arrive $0xFFFF;
	s2 =	simm.s32 @!p0 $0x1C03  }
0x1a5: {  	[timem:s3], [sflag:s2] =	dma.local @!p0 [hbm:s0], s1  }
0x1a6: {  	s0 =	simm.s32 @!p0 $0x3  }
0x1a7: {  	_ =	swait.ge @!p0 [sflag:s0], s1  }
0x1a8: {  	s1 =	ssub.s32 @!p0 $0x0, s1;
	[sflag:s0] =	ssyncset.done @!p0 $0x0  }
0x1a9: {  	[sflag:s0] =	ssyncadd.s32 @!p0 s1  }
0x1aa: {  	[bflag:$0x3] =	sbarrier.arrive $0xFFFF  }
0x1ab: {  	_ =	shalt  }

// kernel: kernel.9.cloned.1.call-start
scs
__scs_entry_jumppad:
0x0: {  	(pc) =	sbr.rel $0x88, $3  }
0x1: {  	(tag) =	ssettag $0x0;
	lr =	simm.s32 $0x1  }
0x2: {  	[smem:$0x3F99] =	sst lr;
	_ =	strace $0xD0000000  }
0x3: {  	_ = 	snop  }
0x4: {  	_ = 	snop  }
0x5: {  	_ = 	snop  }
0x6: {  	_ = 	snop  }
0x7: {  	_ = 	snop  }
__scs_overlays_trampoline_lowered:
0x8: {  	[smem:$0x3FA8] =	sst s0  }
0x9: {  	[smem:$0x3FA9] =	sst s1  }
0xa: {  	[smem:$0x3FAA] =	sst s2  }
0xb: {  	[smem:$0x3FAB] =	sst s3  }
0xc: {  	[smem:$0x3FAC] =	sst s4  }
0xd: {  	[smem:$0x3FAD] =	sst s5  }
0xe: {  	[smem:$0x3FAE] =	sst s6  }
0xf: {  	[smem:$0x3FAF] =	sst s7  }
0x10: {  	[smem:$0x3FB0] =	sst s8  }
0x11: {  	[smem:$0x3FB1] =	sst s9;
	s0 =	simm.s32 @!p0 $0x0  }
0x12: {  	s1 =	sld [smem:$0x3F97];
	s0 =	simm.s32 @p0 $0x1  }
0x13: {  	[smem:$0x3FB2] =	sst s0;
	s0 =	simm.s32 @!p1 $0x0  }
0x14: {  	s2 =	sld [smem:$0x3F96];
	s0 =	simm.s32 @p1 $0x1  }
0x15: {  	[smem:$0x3FB3] =	sst s0;
	s0 =	simm.s32 @!p2 $0x0  }
0x16: {  	s3 =	sld [smem:$0x3FDB];
	s0 =	simm.s32 @p2 $0x1  }
0x17: {  	s4 =	simm.s32 $0x1BF5;
	[smem:$0x3FB5] =	sst s0  }
0x18: {  	s0 =	sld [smem:$0x3F98];
	_ =	swait.ge [sflag:s4], $0x0  }
0x19: {  	s7 =	sld [smem:$0x3F99]  }
0x1a: {  	s8 =	sadd.s32 $0xFFFFE003, lr  }
0x1b: {  	s9 =	sadd.s32 $0xFFFFFEF7, lr;
	s5 =	simm.s32 $0xFFFFFFFF;
	p2 =	slt.u32 s8, $0xFFFFF086  }
0x1c: {  	p1 =	slt.u32 s9, $0xF7A;
	s5 =	simm.s32 @!p2 $0x0  }
0x1d: {  	s5 =	simm.s32 @p1 $0x1;
	p0 =	seq.s32 s7, s2  }
0x1e: {  	s7 =	smul.u32 @!p0 $0xF7A, s2;
	p2 =	seq.s32 @!p0 s5, $0x0  }
0x1f: {  	s9 =	smul.u32 $0xF7A, s1;
	s8 =	simm.s32 @!p0 $0x1BF5;
	p2 =	por !p2, p0  }
0x20: {  	[sflag:s8] =	ssyncset.s32 @!p0 $0xFFFFF086;
	s6 =	sadd.s32 @!p0 s3, s7;
	s7 =	simm.s32 @!p0 $0x108  }
0x21: {  	s3 =	sadd.s32 s3, s9;
	s6 =	sadd.s32 @!p0 $0x88, s6;
	s7 =	simm.s32 @p2 $0x1082  }
0x22: {  	[simem:s7], [sflag:s8] =	dma.local @!p0 [hbm:s6], $0xF7A  }
0x23: {  	s9 =	sor.u32 $0xD0000000, s2;
	s6 =	simm.s32 $0x108;
	_ =	swait.ge @!p0 [sflag:s8], $0x0  }
0x24: {  	s3 =	sadd.s32 $0x88, s3;
	s6 =	simm.s32 @!p1 $0x1082;
	[sflag:s4] =	ssyncset.s32 $0xFFFFF086  }
0x25: {  	[simem:s6], [sflag:s4] =	dma.local [hbm:s3], $0xF7A  }
0x26: {  	[smem:$0x3F99] =	sst s1;
	(tag) =	ssettag s2;
	_ =	strace s9  }
0x27: {  	s1 =	sld [smem:$0x3FA9]  }
0x28: {  	s2 =	sld [smem:$0x3FAA]  }
0x29: {  	s4 =	sld [smem:$0x3FAC]  }
0x2a: {  	p0 =	seq.s32 s5, $0x0;
	s5 =	sld [smem:$0x3FAD]  }
0x2b: {  	s6 =	sld [smem:$0x3FAE]  }
0x2c: {  	s7 =	sld [smem:$0x3FAF]  }
0x2d: {  	s3 =	simm.s32 $0x108;
	s8 =	sld [smem:$0x3FB0]  }
0x2e: {  	s3 =	simm.s32 @!p0 $0x1082;
	s9 =	sld [smem:$0x3FB1]  }
0x2f: {  	lr =	sadd.s32 s0, s3;
	s0 =	sld [smem:$0x3FA8]  }
0x30: {  	s3 =	sld [smem:$0x3FAB]  }
0x31: {  	[smem:$0x3FB4] =	sst s10  }
0x32: {  	s10 =	sld [smem:$0x3FB2];
	_ =	sdelay $0x3  }
0x33: {  	p0 =	seq.s32 s10, $0x1;
	s10 =	sld [smem:$0x3FB4];
	_ =	sdelay $0x3  }
0x34: {  	[smem:$0x3FB4] =	sst s10  }
0x35: {  	s10 =	sld [smem:$0x3FB3];
	_ =	sdelay $0x3  }
0x36: {  	p1 =	seq.s32 s10, $0x1;
	s10 =	sld [smem:$0x3FB4];
	_ =	sdelay $0x3  }
0x37: {  	[smem:$0x3FB4] =	sst s10  }
0x38: {  	s10 =	sld [smem:$0x3FB5]  }
0x39: {  	_ = 	snop;
	(pc) =	sbr.ind lr, $3  }
0x3a: {  	_ = 	snop  }
0x3b: {  	_ = 	snop  }
0x3c: {  	p2 =	seq.s32 s10, $0x1;
	s10 =	sld [smem:$0x3FB4]  }
0x3d: {  	_ =	shalt  }
0x3e: {  	_ =	shalt  }
0x3f: {  	_ =	shalt  }
0x40: {  	_ =	shalt  }
0x41: {  	_ =	shalt  }
0x42: {  	_ =	shalt  }
0x43: {  	_ =	shalt  }
0x44: {  	_ =	shalt  }
0x45: {  	_ =	shalt  }
0x46: {  	_ =	shalt  }
0x47: {  	_ =	shalt  }
0x48: {  	_ =	shalt  }
0x49: {  	_ =	shalt  }
0x4a: {  	_ =	shalt  }
0x4b: {  	_ =	shalt  }
0x4c: {  	_ =	shalt  }
0x4d: {  	_ =	shalt  }
0x4e: {  	_ =	shalt  }
0x4f: {  	_ =	shalt  }
0x50: {  	_ =	shalt  }
0x51: {  	_ =	shalt  }
0x52: {  	_ =	shalt  }
0x53: {  	_ =	shalt  }
0x54: {  	_ =	shalt  }
0x55: {  	_ =	shalt  }
0x56: {  	_ =	shalt  }
0x57: {  	_ =	shalt  }
0x58: {  	_ =	shalt  }
0x59: {  	_ =	shalt  }
0x5a: {  	_ =	shalt  }
0x5b: {  	_ =	shalt  }
0x5c: {  	_ =	shalt  }
0x5d: {  	_ =	shalt  }
0x5e: {  	_ =	shalt  }
0x5f: {  	_ =	shalt  }
0x60: {  	_ =	shalt  }
0x61: {  	_ =	shalt  }
0x62: {  	_ =	shalt  }
0x63: {  	_ =	shalt  }
0x64: {  	_ =	shalt  }
0x65: {  	_ =	shalt  }
0x66: {  	_ =	shalt  }
0x67: {  	_ =	shalt  }
0x68: {  	_ =	shalt  }
0x69: {  	_ =	shalt  }
0x6a: {  	_ =	shalt  }
0x6b: {  	_ =	shalt  }
0x6c: {  	_ =	shalt  }
0x6d: {  	_ =	shalt  }
0x6e: {  	_ =	shalt  }
0x6f: {  	_ =	shalt  }
0x70: {  	_ =	shalt  }
0x71: {  	_ =	shalt  }
0x72: {  	_ =	shalt  }
0x73: {  	_ =	shalt  }
0x74: {  	_ =	shalt  }
0x75: {  	_ =	shalt  }
0x76: {  	_ =	shalt  }
0x77: {  	_ =	shalt  }
0x78: {  	_ =	shalt  }
0x79: {  	_ =	shalt  }
0x7a: {  	_ =	shalt  }
0x7b: {  	_ =	shalt  }
0x7c: {  	_ =	shalt  }
0x7d: {  	_ =	shalt  }
0x7e: {  	_ =	shalt  }
0x7f: {  	_ =	shalt  }
0x80: {  	_ =	shalt  }
0x81: {  	_ =	shalt  }
0x82: {  	_ =	shalt  }
0x83: {  	_ =	shalt  }
0x84: {  	_ =	shalt  }
0x85: {  	_ =	shalt  }
0x86: {  	_ =	shalt  }
0x87: {  	_ =	shalt  }
.Lfunc_end0:
.L_simem_size_0:
called_computation.1_lowered:
.L_overlay_start_0:
0x88: {  	s2 =	sld [smem:$0x3FD9]  }
0x89: {  	s3 =	sld [smem:$0x3FFE];
	_ =	sdelay $0x1  }
0x8a: {  	s1 =	srdreg.scid  }
0x8b: {  	s0 =	sand.u32 $0x1, s1  }
0x8c: {  	s17 =	sshll.u32 s0, $0xA;
	s2 =	sadd.s32 s3, s2  }
0x8d: {  	s2 =	sadd.s32 s2, s17  }
0x8e: {  	[smem:$0x3FC0] =	sst s2  }
0x8f: {  	_ = 	snop  }
0x90: {  	s2 =	sld [smem:$0x3FD0];
	(tm) =	ssettm $0x1  }
0x91: {  	s18 =	sld [smem:$0x3FFB];
	_ =	sdelay $0x3  }
0x92: {  	_ =	strace s18  }
0x93: {  	s3 =	sld [smem:$0x3FFC];
	_ =	sdelay $0x3  }
0x94: {  	_ =	strace s3  }
0x95: {  	s3 =	sld [smem:$0x3FFD];
	_ =	sdelay $0x3  }
0x96: {  	_ =	strace s3  }
0x97: {  	_ =	strace $0x8FFFFFFF  }
0x98: {  	s19 =	sld [smem:$0x3FDB];
	_ =	sdelay $0x1  }
0x99: {  	s4 =	simm.s32 $_scs_section_size  }
0x9a: {  	s5 =	simm.s32 $_size__tile_overlayer_lowered;
	s6 =	simm.s32 $_tile_overlayer_lowered  }
0x9b: {  	s22 =	simm.s32 $0x1BFF;
	s21 =	sshll.u32 s6, $0x1;
	s3 =	sadd.s32 s4, s19  }
0x9c: {  	s7 =	simm.s32 $0x0;
	s20 =	sshll.u32 s5, $0x1;
	s5 =	sadd.s32 s21, s3  }
0x9d: {  	[timem:s7], [sflag:s22] =	dma.local [hbm:s5], s20  }
0x9e: {  	_ =	swait.ge [sflag:s22], s20  }
0x9f: {  	s4 =	ssub.s32 $0x0, s20;
	[sflag:s22] =	ssyncset.done $0x0  }
0xa0: {  	[sflag:s22] =	ssyncadd.s32 s4;
	_ =	sdelay $0x1  }
0xa1: {  	s23 =	simm.s32 $0x1B8B  }
0xa2: {  	_ =	swait.ge [sflag:s23], $0x1  }
0xa3: {  	[sflag:s23] =	ssyncset.done $0x0  }
0xa4: {  	s25 =	simm.s32 $0x1B8E;
	s24 =	sld [smem:$0x3FFE];
	[sflag:s23] =	ssyncadd.s32 $0xFFFFFFFF  }
0xa5: {  	s26 =	simm.s32 $execute0_lowered;
	[smem:$0x3FD2] =	sst s25  }
0xa6: {  	s5 =	sshll.u32 s26, $0x1;
	_ =	strace $0x80000049;
	[dreg:$0x1] =	wrdreg $0xFFFFFFFF  }
0xa7: {  	s28 =	simm.s32 $_size_execute0_lowered;
	s3 =	sadd.s32 s3, s5;
	[dreg:$0x0] =	wrdreg $0x0  }
0xa8: {  	s5 =	sshll.u32 s28, $0x1;
	[dreg:$0x2] =	wrdreg s3  }
0xa9: {  	[dreg:$0x3] =	wrdreg s5  }
0xaa: {  	[dreg:$0x4] =	wrdreg $0xC0  }
0xab: {  	_ =	task [dreg:s7], $0x5FFFF  }
0xac: {  	[dreg:$0x1] =	wrdreg $0xFFFFFFFF  }
0xad: {  	[dreg:$0x0] =	wrdreg $0x60  }
0xae: {  	[dreg:$0x2] =	wrdreg s24  }
0xaf: {  	[dreg:$0x3] =	wrdreg s2  }
0xb0: {  	[dreg:$0x4] =	wrdreg $0xAF000  }
0xb1: {  	[dreg:$0x5] =	wrdreg $0x14B400  }
0xb2: {  	[dreg:$0x6] =	wrdreg $0x9  }
0xb3: {  	_ =	task.clear_ibuf [dreg:s7], $0x7FFFF;
	_ =	strace $0x90000049  }
0xb4: {  	s29 =	simm.s32 $0x9;
	_ =	strace $0x8000004B  }
0xb5: {  	_ =	swait.ge [sflag:s29], $0x1  }
0xb6: {  	[sflag:s29] =	ssyncadd.s32 $0xFFFFFFFF  }
0xb7: {  	_ =	strace $0x9000004B  }
0xb8: {  	_ =	sfence  }
0xb9: {  	s30 =	sld [smem:$0x0];
	_ =	sdelay $0x2  }
0xba: {  	s31 =	sshll.u32 s1, $0xD;
	s1 =	sshrl.u32 s1, $0x2  }
0xbb: {  	s3 =	sand.u32 $0x4000, s31;
	s1 =	sadd.s32 s1, s30  }
0xbc: {  	s0 =	sor.u32 s3, s0;
	s1 =	sshll.u32 s1, $0x11  }
0xbd: {  	s0 =	sor.u32 s1, s0  }
0xbe: {  	s0 =	sadd.s32 $0x8F2B, s0  }
0xbf: {  	[sflag:s0] =	ssyncadd.remote.s32 $0x1  }
0xc0: {  	_ =	sfence.sel $0xFFFF  }
0xc1: {  	[dreg:$0x0] =	wrdreg $0xFFFFFFFF;
	(pc) =	sbr.abs _section_cstart, $3  }
0xc2: {  	[dreg:$0x1] =	wrdreg $0xFFFFFFFF  }
0xc3: {  	_ =	task.clear_ibuf [dreg:s7], $0x2FFFF;
	_ =	strace $0x9FFFFFFF  }
0xc4: {  	(tm) =	ssettm $0x7FFFFFFF  }
0xc5: {  	_ =	shalt  }
tec
execute0_lowered:
.L_overlay_start_1:
0x0: {  	(tag) =	ssettag $0x1  }
0x1: {  	s0 =	rddreg [dreg:$0x0]  }
0x2: {  	s1 =	rddreg [dreg:$0x1]  }
0x3: {  	s2 =	rddreg [dreg:$0x2]  }
0x4: {  	s3 =	rddreg [dreg:$0x3]  }
0x5: {  	s12 =	stileid.u32;
	s6 =	simm.s32 $0x0;
	s5 =	srdreg.scid  }
0x6: {  	s4 =	smul.u32 $0x4F0, s12;
	[smem:$0x7FF] =	sst s6;
	s21 =	sadd.s32 $0x98840, s0  }
0x7: {  	s25 =	sadd.s32 $0x105840, s0;
	_ =	strace $0x8000004A;
	[dreg:$0x8] =	wrdreg s21  }
0x8: {  	s6 =	smul.u32 $0x9E00, s12;
	s13 =	sadd.s32 $0x71440, s0;
	[dreg:$0xc] =	wrdreg s25  }
0x9: {  	s7 =	sand.u32 $0x1, s5;
	s14 =	sadd.s32 $0x2AA40, s0;
	[dreg:$0x12] =	wrdreg s13  }
0xa: {  	s15 =	sadd.s32 $0x84E40, s0;
	s8 =	ssub.s32 $0x2, s7;
	[dreg:$0x13] =	wrdreg s14  }
0xb: {  	[dreg:$0x14] =	wrdreg s15;
	s4 =	sadd.s32 s4, s0;
	s24 =	sadd.s32 s6, s2  }
0xc: {  	s9 =	sshrl.u32 s6, $0x3;
	s19 =	sadd.s32 $0x58000, s4;
	[dreg:$0xb] =	wrdreg s24  }
0xd: {  	s10 =	sshrl.u32 s8, $0x1;
	s4 =	sadd.s32 $0x53000, s4;
	[dreg:$0x5] =	wrdreg s19  }
0xe: {  	s11 =	sadd.s32 s9, s0;
	s1 =	sadd.s32 s1, s9;
	[dreg:$0x6] =	wrdreg s4  }
0xf: {  	s8 =	ssub.s32 s8, s10;
	s10 =	sadd.s32 $0x17040, s0;
	[dreg:$0xe] =	wrdreg s1  }
0x10: {  	s20 =	sadd.s32 $0x86000, s11;
	[dreg:$0x11] =	wrdreg s10  }
0x11: {  	s28 =	simm.s32 $0x2880;
	s22 =	sadd.s32 $0x1F2400, s11;
	[dreg:$0x7] =	wrdreg s20  }
0x12: {  	s29 =	simm.s32 $0x5;
	s23 =	sadd.s32 $0xF3000, s11;
	[dreg:$0x9] =	wrdreg s22  }
0x13: {  	s30 =	simm.s32 $0x200;
	s26 =	sadd.s32 $0x106A00, s11;
	[dreg:$0xa] =	wrdreg s23  }
0x14: {  	s31 =	simm.s32 $0x6;
	s4 =	sadd.s32 $0x119240, s0;
	[dreg:$0xd] =	wrdreg s26  }
0x15: {  	s5 =	sadd.s32 $0x5D800, s0;
	s9 =	sadd.s32 $0x1B7000, s11;
	[dreg:$0xf] =	wrdreg s4  }
0x16: {  	p1 =	seq.s32 s12, $0xF;
	s0 =	sadd.s32 $0x3E440, s0;
	[dreg:$0x10] =	wrdreg s9  }
0x17: {  	p0 =	sne.s32 s7, $0x0;
	s16 =	sadd.s32 $0x4800, s11;
	[dreg:$0x15] =	wrdreg s0  }
0x18: {  	s13 =	simm.s32 $0x7;
	s17 =	sadd.s32 $0x206000, s11;
	[dreg:$0x16] =	wrdreg s16  }
0x19: {  	s14 =	simm.s32 $0x2780;
	s18 =	sadd.s32 $0x5EC00, s11;
	[dreg:$0x17] =	wrdreg s17  }
0x1a: {  	s15 =	simm.s32 $0x80;
	s19 =	sadd.s32 s6, s3;
	[dreg:$0x18] =	wrdreg s18  }
0x1b: {  	s21 =	sadd.s32 $0x219C00, s11;
	s24 =	sadd.s32 $0x1DE800, s11;
	[dreg:$0x19] =	wrdreg s19  }
0x1c: {  	s25 =	sadd.s32 $0x2BC00, s11;
	s10 =	smax.u32 s8, $0x1;
	[dreg:$0x1b] =	wrdreg s21  }
0x1d: {  	s8 =	simm.s32 $0x0;
	s20 =	sadd.s32 $0x1CAC00, s11;
	[dreg:$0x1e] =	wrdreg s24  }
0x1e: {  	s22 =	sadd.s32 $0x18200, s11;
	s23 =	sadd.s32 $0x72600, s11;
	[dreg:$0x1f] =	wrdreg s25  }
0x1f: {  	s26 =	sadd.s32 $0x22D800, s11;
	s11 =	sadd.s32 $0x94200, s2;
	s16 =	simm.s32 $0x4F00  }
.Ltmp0:
0x20: {  	s17 =	simm.s32 $0x6F00;
	[dreg:$0x1a] =	wrdreg s20;
	(pc) =	sbr.rel .LBB2_1-.Ltmp0, $4  }
0x21: {  	s18 =	simm.s32 $0x1;
	s19 =	simm.s32 $0x100;
	[dreg:$0x1c] =	wrdreg s22  }
0x22: {  	s21 =	simm.s32 $0x2;
	s24 =	simm.s32 $0x180;
	[dreg:$0x1d] =	wrdreg s23  }
0x23: {  	s25 =	simm.s32 $0x3;
	s0 =	simm.s32 $0x4E80;
	[smem:$0x7FD] =	sst s26  }
0x24: {  	s20 =	simm.s32 $0x8F00;
	s22 =	simm.s32 $0x2800;
	s23 =	simm.s32 $0x4  }
.LBB2_27:
0x25: {  	_ =	swait.ge [sflag:s18], $0x2000  }
0x26: {  	[sflag:s18] =	ssyncset.done $0x0  }
0x27: {  	[sflag:s18] =	ssyncadd.s32 $0xFFFFE000  }
0x28: {  	[spmem:s3] =	stream.indirect.scatter.add.f32 [tilespmem:s16], [sflag:$0x4], $0x40, s0, s15, $0xb8;
	[tilespmem:$0x1E940] =	vst v63  }
0x29: {  	_ =	swait.ge [sflag:s31], $0x2000  }
0x2a: {  	[sflag:s31] =	ssyncset.done $0x0  }
0x2b: {  	[sflag:s31] =	ssyncadd.s32 $0xFFFFE000  }
0x2c: {  	_ =	swait.ge [sflag:s23], $0x2000  }
0x2d: {  	[sflag:s23] =	ssyncset.done $0x0  }
0x2e: {  	[sflag:s23] =	ssyncadd.s32 $0xFFFFE000  }
0x2f: {  	[bflag:$0x0] =	sbarrier.arrive $0xFFFF  }
0x30: {  	s1 =	sld [smem:$0x7FD];
	_ =	sdelay $0x2  }
0x31: {  	[hbm:s1], [sflag:s6] =	dma.local [spmem:s7], $0x13C0  }
0x32: {  	_ =	swait.ge [sflag:s13], $0x13C0  }
0x33: {  	[sflag:s13] =	ssyncset.done $0x0  }
0x34: {  	[sflag:s13] =	ssyncadd.s32 $0xFFFFEC40  }
.LBB2_28:
0x35: {  	s8 =	sadd.s32 $0x1, s8  }
0x36: {  	p2 =	sne.s32 s8, s10  }
.Ltmp1:
0x37: {  	_ = 	snop;
	(pc) =	sbr.rel @!p2 .LBB2_29-.Ltmp1, $2  }
0x38: {  	_ =	sdelay $0x1  }
0x39: {  	[bflag:$0x0] =	sbarrier.arrive $0xFFFF;
	_ =	sdelay $0x1  }
.LBB2_1:
0x3a: {  	s1 =	simm.s32 $0x0;
	s4 =	rddreg [dreg:$0x5]  }
0x3b: {  	[tilespmem:s1], [sflag:$0x7] =	stream.linear.gather [hbm4b:s4+s1], $0x2780, $0x38;
	[tilespmem:$0x1E940] =	vst v63  }
0x3c: {  	_ =	swait.ge [sflag:s13], $0x2780  }
0x3d: {  	[sflag:s13] =	ssyncset.done $0x0  }
.Ltmp2:
0x3e: {  	s26 =	rddreg [dreg:$0x6];
	[sflag:s13] =	ssyncadd.s32 $0xFFFFD880;
	(pc) =	sbr.rel @p0 .LBB2_5-.Ltmp2, $4  }
0x3f: {  	[tilespmem:s14], [sflag:$0x7] =	stream.linear.gather [hbm4b:s26+s1], $0x2780, $0x38;
	[tilespmem:$0x1E940] =	vst v63  }
0x40: {  	s4 =	sshrl.u32 @p1 s11, $0x3;
	_ =	swait.ge [sflag:s13], $0x2780  }
0x41: {  	s1 =	sshll.u32 @!p1 s12, $0x6;
	[sflag:s13] =	ssyncset.done $0x0;
	s6 =	rddreg [dreg:$0xb]  }
0x42: {  	s1 =	sor.u32 @!p1 $0x1C07, s1;
	[sflag:s13] =	ssyncadd.s32 $0xFFFFD880;
	s9 =	sshrl.u32 @!p1 s6, $0x3  }
0x43: {  	s6 =	simm.s32 @p1 $0x1FC7;
	s7 =	rddreg [dreg:$0xc]  }
0x44: {  	[spmem:s4], [sflag:s6] =	dma.local @p1 [hbm:s7], $0x1040  }
0x45: {  	s6 =	simm.s32 @p1 $0x7  }
0x46: {  	_ =	swait.ge @p1 [sflag:s6], $0x1040  }
0x47: {  	[sflag:s6] =	ssyncset.done @p1 $0x0  }
0x48: {  	[sflag:s6] =	ssyncadd.s32 @p1 $0xFFFFEFC0;
	s6 =	rddreg [dreg:$0xa]  }
0x49: {  	[spmem:s9], [sflag:s1] =	dma.local @!p1 [hbm:s6], $0x13C0  }
0x4a: {  	s1 =	simm.s32 @!p1 $0x7  }
0x4b: {  	_ =	swait.ge @!p1 [sflag:s1], $0x13C0  }
0x4c: {  	s12 =	sshll.u32 s12, $0x6;
	[sflag:s1] =	ssyncset.done @!p1 $0x0;
	s26 =	rddreg [dreg:$0x19]  }
0x4d: {  	s6 =	sor.u32 $0x1C07, s12;
	[sflag:s1] =	ssyncadd.s32 @!p1 $0xFFFFEC40;
	s7 =	sshrl.u32 s26, $0x3  }
0x4e: {  	[spmem:s7], [sflag:s6] =	dma.local [hbm:s5], $0x13C0  }
0x4f: {  	_ =	swait.ge [sflag:s13], $0x13C0  }
0x50: {  	[sflag:s13] =	ssyncset.done $0x0  }
0x51: {  	[sflag:s13] =	ssyncadd.s32 $0xFFFFEC40  }
0x52: {  	s12 =	simm.s32 $0x0;
	[bflag:$0x0] =	sbarrier.arrive $0xFFFF  }
0x53: {  	[tilespmem:s16], [sflag:$0x1] =	stream.indirect.gather [spmem:s2], $0x40, s12, s15, $0xb8;
	[tilespmem:$0x1E940] =	vst v63  }
0x54: {  	_ = 	snop  }
0x55: {  	[tilespmem:s17], [sflag:$0x2] =	stream.indirect.gather [spmem:s2], $0x40, s15, s15, $0xb8;
	[tilespmem:$0x1E940] =	vst v63  }
0x56: {  	_ =	swait.ge [sflag:s18], $0x2000  }
0x57: {  	[sflag:s18] =	ssyncset.done $0x0  }
0x58: {  	[sflag:s18] =	ssyncadd.s32 $0xFFFFE000  }
0x59: {  	[spmem:s3] =	stream.indirect.scatter.add.f32 [tilespmem:s16], [sflag:$0x4], $0x40, s14, s15, $0xb8;
	[tilespmem:$0x1E940] =	vst v63  }
0x5a: {  	_ = 	snop  }
0x5b: {  	[tilespmem:s20], [sflag:$0x3] =	stream.indirect.gather [spmem:s2], $0x40, s19, s15, $0xb8;
	[tilespmem:$0x1E940] =	vst v63  }
0x5c: {  	_ =	swait.ge [sflag:s21], $0x2000  }
0x5d: {  	[sflag:s21] =	ssyncset.done $0x0  }
0x5e: {  	[sflag:s21] =	ssyncadd.s32 $0xFFFFE000  }
0x5f: {  	[spmem:s3] =	stream.indirect.scatter.add.f32 [tilespmem:s17], [sflag:$0x5], $0x40, s22, s15, $0xb8;
	[tilespmem:$0x1E940] =	vst v63  }
0x60: {  	_ =	swait.ge [sflag:s23], $0x2000  }
0x61: {  	[sflag:s23] =	ssyncset.done $0x0  }
0x62: {  	[sflag:s23] =	ssyncadd.s32 $0xFFFFE000  }
0x63: {  	[tilespmem:s16], [sflag:$0x1] =	stream.indirect.gather [spmem:s2], $0x40, s24, s15, $0xb8;
	[tilespmem:$0x1E940] =	vst v63  }
0x64: {  	_ =	swait.ge [sflag:s25], $0x2000  }
0x65: {  	[sflag:s25] =	ssyncset.done $0x0  }
0x66: {  	[sflag:s25] =	ssyncadd.s32 $0xFFFFE000  }
0x67: {  	[spmem:s3] =	stream.indirect.scatter.add.f32 [tilespmem:s20], [sflag:$0x6], $0x40, s28, s15, $0xb8;
	[tilespmem:$0x1E940] =	vst v63  }
0x68: {  	_ =	swait.ge [sflag:s29], $0x2000  }
0x69: {  	[sflag:s29] =	ssyncset.done $0x0  }
0x6a: {  	[sflag:s29] =	ssyncadd.s32 $0xFFFFE000  }
0x6b: {  	[tilespmem:s17], [sflag:$0x2] =	stream.indirect.gather [spmem:s2], $0x40, s30, s15, $0xb8;
	[tilespmem:$0x1E940] =	vst v63  }
.LBB2_3:
0x6c: {  	_ =	swait.ge [sflag:s18], $0x2000  }
0x6d: {  	s1 =	sshra.s32 s12, $0x2;
	[sflag:s18] =	ssyncset.done $0x0  }
0x6e: {  	s26 =	sadd.s32 $0x2900, s1;
	[sflag:s18] =	ssyncadd.s32 $0xFFFFE000  }
0x6f: {  	[spmem:s3] =	stream.indirect.scatter.add.f32 [tilespmem:s16], [sflag:$0x4], $0x40, s26, s15, $0xb8;
	[tilespmem:$0x1E940] =	vst v63  }
0x70: {  	_ =	swait.ge [sflag:s31], $0x2000  }
0x71: {  	[sflag:s31] =	ssyncset.done $0x0  }
0x72: {  	s26 =	sadd.s32 $0x280, s1;
	[sflag:s31] =	ssyncadd.s32 $0xFFFFE000  }
0x73: {  	[tilespmem:s20], [sflag:$0x3] =	stream.indirect.gather [spmem:s2], $0x40, s26, s15, $0xb8;
	[tilespmem:$0x1E940] =	vst v63  }
0x74: {  	_ =	swait.ge [sflag:s21], $0x2000  }
0x75: {  	[sflag:s21] =	ssyncset.done $0x0  }
0x76: {  	s26 =	sadd.s32 $0x2980, s1;
	[sflag:s21] =	ssyncadd.s32 $0xFFFFE000  }
0x77: {  	[spmem:s3] =	stream.indirect.scatter.add.f32 [tilespmem:s17], [sflag:$0x5], $0x40, s26, s15, $0xb8;
	[tilespmem:$0x1E940] =	vst v63  }
0x78: {  	_ =	swait.ge [sflag:s23], $0x2000  }
0x79: {  	[sflag:s23] =	ssyncset.done $0x0  }
0x7a: {  	s26 =	sadd.s32 $0x300, s1;
	[sflag:s23] =	ssyncadd.s32 $0xFFFFE000  }
0x7b: {  	[tilespmem:s16], [sflag:$0x1] =	stream.indirect.gather [spmem:s2], $0x40, s26, s15, $0xb8;
	[tilespmem:$0x1E940] =	vst v63  }
0x7c: {  	_ =	swait.ge [sflag:s25], $0x2000  }
0x7d: {  	p2 =	seq.s32 s12, $0x9000;
	[sflag:s25] =	ssyncset.done $0x0  }
.Ltmp3:
0x7e: {  	s26 =	sadd.s32 $0x2A00, s1;
	[sflag:s25] =	ssyncadd.s32 $0xFFFFE000;
	(pc) =	sbr.rel @p2 .LBB2_8-.Ltmp3, $4  }
0x7f: {  	[spmem:s3] =	stream.indirect.scatter.add.f32 [tilespmem:s20], [sflag:$0x6], $0x40, s26, s15, $0xb8;
	[tilespmem:$0x1E940] =	vst v63  }
0x80: {  	_ =	swait.ge [sflag:s29], $0x2000  }
0x81: {  	[sflag:s29] =	ssyncset.done $0x0  }
0x82: {  	[sflag:s29] =	ssyncadd.s32 $0xFFFFE000  }
.Ltmp4:
0x83: {  	(pc) =	sbr.rel .LBB2_3-.Ltmp4, $3  }
0x84: {  	_ =	sdelay $0x1  }
0x85: {  	s1 =	sadd.s32 $0x380, s1;
	s12 =	sadd.s32 $0x600, s12  }
0x86: {  	[tilespmem:s17], [sflag:$0x2] =	stream.indirect.gather [spmem:s2], $0x40, s1, s15, $0xb8;
	[tilespmem:$0x1E940] =	vst v63  }
.LBB2_5:
0x87: {  	s6 =	simm.s32 @p1 $0x1FC7;
	s7 =	rddreg [dreg:$0x8]  }
0x88: {  	[spmem:s4], [sflag:s6] =	dma.local @p1 [hbm:s7], $0x1040  }
0x89: {  	s6 =	simm.s32 @p1 $0x7  }
0x8a: {  	_ =	swait.ge @p1 [sflag:s6], $0x1040  }
0x8b: {  	[sflag:s6] =	ssyncset.done @p1 $0x0  }
0x8c: {  	[sflag:s6] =	ssyncadd.s32 @p1 $0xFFFFEFC0;
	s6 =	rddreg [dreg:$0x7]  }
0x8d: {  	[spmem:s9], [sflag:s1] =	dma.local @!p1 [hbm:s6], $0x13C0  }
0x8e: {  	s1 =	simm.s32 @!p1 $0x7  }
0x8f: {  	_ =	swait.ge @!p1 [sflag:s1], $0x13C0  }
0x90: {  	s12 =	sshll.u32 s12, $0x6;
	[sflag:s1] =	ssyncset.done @!p1 $0x0;
	s26 =	rddreg [dreg:$0x19]  }
0x91: {  	s6 =	sor.u32 $0x1C07, s12;
	[sflag:s1] =	ssyncadd.s32 @!p1 $0xFFFFEC40;
	s7 =	sshrl.u32 s26, $0x3  }
0x92: {  	[spmem:s7], [sflag:s6] =	dma.local [hbm:s5], $0x13C0  }
0x93: {  	_ =	swait.ge [sflag:s13], $0x13C0  }
0x94: {  	[sflag:s13] =	ssyncset.done $0x0  }
0x95: {  	[sflag:s13] =	ssyncadd.s32 $0xFFFFEC40  }
0x96: {  	s12 =	simm.s32 $0x0;
	[bflag:$0x0] =	sbarrier.arrive $0xFFFF  }
0x97: {  	[tilespmem:s16], [sflag:$0x1] =	stream.indirect.gather [spmem:s2], $0x40, s12, s15, $0xb8;
	[tilespmem:$0x1E940] =	vst v63  }
0x98: {  	_ = 	snop  }
0x99: {  	[tilespmem:s17], [sflag:$0x2] =	stream.indirect.gather [spmem:s2], $0x40, s15, s15, $0xb8;
	[tilespmem:$0x1E940] =	vst v63  }
0x9a: {  	_ =	swait.ge [sflag:s18], $0x2000  }
0x9b: {  	[sflag:s18] =	ssyncset.done $0x0  }
0x9c: {  	[sflag:s18] =	ssyncadd.s32 $0xFFFFE000  }
0x9d: {  	[spmem:s3] =	stream.indirect.scatter.add.f32 [tilespmem:s16], [sflag:$0x4], $0x40, s14, s15, $0xb8;
	[tilespmem:$0x1E940] =	vst v63  }
0x9e: {  	_ = 	snop  }
0x9f: {  	[tilespmem:s20], [sflag:$0x3] =	stream.indirect.gather [spmem:s2], $0x40, s19, s15, $0xb8;
	[tilespmem:$0x1E940] =	vst v63  }
0xa0: {  	_ =	swait.ge [sflag:s21], $0x2000  }
0xa1: {  	[sflag:s21] =	ssyncset.done $0x0  }
0xa2: {  	[sflag:s21] =	ssyncadd.s32 $0xFFFFE000  }
0xa3: {  	[spmem:s3] =	stream.indirect.scatter.add.f32 [tilespmem:s17], [sflag:$0x5], $0x40, s22, s15, $0xb8;
	[tilespmem:$0x1E940] =	vst v63  }
0xa4: {  	_ =	swait.ge [sflag:s23], $0x2000  }
0xa5: {  	[sflag:s23] =	ssyncset.done $0x0  }
0xa6: {  	[sflag:s23] =	ssyncadd.s32 $0xFFFFE000  }
0xa7: {  	[tilespmem:s16], [sflag:$0x1] =	stream.indirect.gather [spmem:s2], $0x40, s24, s15, $0xb8;
	[tilespmem:$0x1E940] =	vst v63  }
0xa8: {  	_ =	swait.ge [sflag:s25], $0x2000  }
0xa9: {  	[sflag:s25] =	ssyncset.done $0x0  }
0xaa: {  	[sflag:s25] =	ssyncadd.s32 $0xFFFFE000  }
0xab: {  	[spmem:s3] =	stream.indirect.scatter.add.f32 [tilespmem:s20], [sflag:$0x6], $0x40, s28, s15, $0xb8;
	[tilespmem:$0x1E940] =	vst v63  }
0xac: {  	_ =	swait.ge [sflag:s29], $0x2000  }
0xad: {  	[sflag:s29] =	ssyncset.done $0x0  }
0xae: {  	[sflag:s29] =	ssyncadd.s32 $0xFFFFE000  }
0xaf: {  	[tilespmem:s17], [sflag:$0x2] =	stream.indirect.gather [spmem:s2], $0x40, s30, s15, $0xb8;
	[tilespmem:$0x1E940] =	vst v63  }
.LBB2_6:
0xb0: {  	_ =	swait.ge [sflag:s18], $0x2000  }
0xb1: {  	s1 =	sshra.s32 s12, $0x2;
	[sflag:s18] =	ssyncset.done $0x0  }
0xb2: {  	s26 =	sadd.s32 $0x2900, s1;
	[sflag:s18] =	ssyncadd.s32 $0xFFFFE000  }
0xb3: {  	[spmem:s3] =	stream.indirect.scatter.add.f32 [tilespmem:s16], [sflag:$0x4], $0x40, s26, s15, $0xb8;
	[tilespmem:$0x1E940] =	vst v63  }
0xb4: {  	_ =	swait.ge [sflag:s31], $0x2000  }
0xb5: {  	[sflag:s31] =	ssyncset.done $0x0  }
0xb6: {  	s26 =	sadd.s32 $0x280, s1;
	[sflag:s31] =	ssyncadd.s32 $0xFFFFE000  }
0xb7: {  	[tilespmem:s20], [sflag:$0x3] =	stream.indirect.gather [spmem:s2], $0x40, s26, s15, $0xb8;
	[tilespmem:$0x1E940] =	vst v63  }
0xb8: {  	_ =	swait.ge [sflag:s21], $0x2000  }
0xb9: {  	[sflag:s21] =	ssyncset.done $0x0  }
0xba: {  	s26 =	sadd.s32 $0x2980, s1;
	[sflag:s21] =	ssyncadd.s32 $0xFFFFE000  }
0xbb: {  	[spmem:s3] =	stream.indirect.scatter.add.f32 [tilespmem:s17], [sflag:$0x5], $0x40, s26, s15, $0xb8;
	[tilespmem:$0x1E940] =	vst v63  }
0xbc: {  	_ =	swait.ge [sflag:s23], $0x2000  }
0xbd: {  	[sflag:s23] =	ssyncset.done $0x0  }
0xbe: {  	s26 =	sadd.s32 $0x300, s1;
	[sflag:s23] =	ssyncadd.s32 $0xFFFFE000  }
0xbf: {  	[tilespmem:s16], [sflag:$0x1] =	stream.indirect.gather [spmem:s2], $0x40, s26, s15, $0xb8;
	[tilespmem:$0x1E940] =	vst v63  }
0xc0: {  	_ =	swait.ge [sflag:s25], $0x2000  }
0xc1: {  	p2 =	seq.s32 s12, $0x9000;
	[sflag:s25] =	ssyncset.done $0x0  }
.Ltmp5:
0xc2: {  	s26 =	sadd.s32 $0x2A00, s1;
	[sflag:s25] =	ssyncadd.s32 $0xFFFFE000;
	(pc) =	sbr.rel @p2 .LBB2_11-.Ltmp5, $4  }
0xc3: {  	[spmem:s3] =	stream.indirect.scatter.add.f32 [tilespmem:s20], [sflag:$0x6], $0x40, s26, s15, $0xb8;
	[tilespmem:$0x1E940] =	vst v63  }
0xc4: {  	_ =	swait.ge [sflag:s29], $0x2000  }
0xc5: {  	[sflag:s29] =	ssyncset.done $0x0  }
0xc6: {  	[sflag:s29] =	ssyncadd.s32 $0xFFFFE000  }
.Ltmp6:
0xc7: {  	(pc) =	sbr.rel .LBB2_6-.Ltmp6, $3  }
0xc8: {  	_ =	sdelay $0x1  }
0xc9: {  	s1 =	sadd.s32 $0x380, s1;
	s12 =	sadd.s32 $0x600, s12  }
0xca: {  	[tilespmem:s17], [sflag:$0x2] =	stream.indirect.gather [spmem:s2], $0x40, s1, s15, $0xb8;
	[tilespmem:$0x1E940] =	vst v63  }
.LBB2_8:
0xcb: {  	_ =	swait.ge [sflag:s18], $0x2000  }
0xcc: {  	[sflag:s18] =	ssyncset.done $0x0  }
0xcd: {  	[sflag:s18] =	ssyncadd.s32 $0xFFFFE000  }
0xce: {  	[spmem:s3] =	stream.indirect.scatter.add.f32 [tilespmem:s16], [sflag:$0x4], $0x40, s0, s15, $0xb8;
	[tilespmem:$0x1E940] =	vst v63  }
0xcf: {  	_ =	swait.ge [sflag:s31], $0x2000  }
0xd0: {  	[sflag:s31] =	ssyncset.done $0x0  }
0xd1: {  	[sflag:s31] =	ssyncadd.s32 $0xFFFFE000  }
0xd2: {  	_ =	swait.ge [sflag:s23], $0x2000  }
0xd3: {  	[sflag:s23] =	ssyncset.done $0x0  }
0xd4: {  	[sflag:s23] =	ssyncadd.s32 $0xFFFFE000  }
0xd5: {  	[bflag:$0x0] =	sbarrier.arrive $0xFFFF  }
0xd6: {  	s1 =	rddreg [dreg:$0xe]  }
0xd7: {  	[hbm:s1], [sflag:s6] =	dma.local [spmem:s7], $0x13C0  }
0xd8: {  	_ =	swait.ge [sflag:s13], $0x13C0  }
0xd9: {  	[sflag:s13] =	ssyncset.done $0x0  }
0xda: {  	[sflag:s13] =	ssyncadd.s32 $0xFFFFEC40  }
0xdb: {  	[bflag:$0x0] =	sbarrier.arrive $0xFFFF  }
0xdc: {  	s1 =	simm.s32 @p1 $0x1FC7;
	s12 =	rddreg [dreg:$0xf]  }
0xdd: {  	[spmem:s4], [sflag:s1] =	dma.local @p1 [hbm:s12], $0x1040  }
0xde: {  	s1 =	simm.s32 @p1 $0x7  }
0xdf: {  	_ =	swait.ge @p1 [sflag:s1], $0x1040  }
0xe0: {  	[sflag:s1] =	ssyncset.done @p1 $0x0  }
0xe1: {  	[sflag:s1] =	ssyncadd.s32 @p1 $0xFFFFEFC0;
	s1 =	rddreg [dreg:$0xd]  }
0xe2: {  	[spmem:s9], [sflag:s6] =	dma.local @!p1 [hbm:s1], $0x13C0  }
0xe3: {  	s1 =	simm.s32 @!p1 $0x7  }
0xe4: {  	_ =	swait.ge @!p1 [sflag:s1], $0x13C0  }
0xe5: {  	[sflag:s1] =	ssyncset.done @!p1 $0x0  }
0xe6: {  	[sflag:s1] =	ssyncadd.s32 @!p1 $0xFFFFEC40  }
0xe7: {  	[spmem:s7], [sflag:s6] =	dma.local [hbm:s5], $0x13C0  }
0xe8: {  	_ =	swait.ge [sflag:s13], $0x13C0  }
0xe9: {  	[sflag:s13] =	ssyncset.done $0x0  }
0xea: {  	[sflag:s13] =	ssyncadd.s32 $0xFFFFEC40  }
0xeb: {  	s12 =	simm.s32 $0x0;
	[bflag:$0x0] =	sbarrier.arrive $0xFFFF  }
0xec: {  	[tilespmem:s16], [sflag:$0x1] =	stream.indirect.gather [spmem:s2], $0x40, s12, s15, $0xb8;
	[tilespmem:$0x1E940] =	vst v63  }
0xed: {  	_ = 	snop  }
0xee: {  	[tilespmem:s17], [sflag:$0x2] =	stream.indirect.gather [spmem:s2], $0x40, s15, s15, $0xb8;
	[tilespmem:$0x1E940] =	vst v63  }
0xef: {  	_ =	swait.ge [sflag:s18], $0x2000  }
0xf0: {  	[sflag:s18] =	ssyncset.done $0x0  }
0xf1: {  	[sflag:s18] =	ssyncadd.s32 $0xFFFFE000  }
0xf2: {  	[spmem:s3] =	stream.indirect.scatter.add.f32 [tilespmem:s16], [sflag:$0x4], $0x40, s14, s15, $0xb8;
	[tilespmem:$0x1E940] =	vst v63  }
0xf3: {  	_ = 	snop  }
0xf4: {  	[tilespmem:s20], [sflag:$0x3] =	stream.indirect.gather [spmem:s2], $0x40, s19, s15, $0xb8;
	[tilespmem:$0x1E940] =	vst v63  }
0xf5: {  	_ =	swait.ge [sflag:s21], $0x2000  }
0xf6: {  	[sflag:s21] =	ssyncset.done $0x0  }
0xf7: {  	[sflag:s21] =	ssyncadd.s32 $0xFFFFE000  }
0xf8: {  	[spmem:s3] =	stream.indirect.scatter.add.f32 [tilespmem:s17], [sflag:$0x5], $0x40, s22, s15, $0xb8;
	[tilespmem:$0x1E940] =	vst v63  }
0xf9: {  	_ =	swait.ge [sflag:s23], $0x2000  }
0xfa: {  	[sflag:s23] =	ssyncset.done $0x0  }
0xfb: {  	[sflag:s23] =	ssyncadd.s32 $0xFFFFE000  }
0xfc: {  	[tilespmem:s16], [sflag:$0x1] =	stream.indirect.gather [spmem:s2], $0x40, s24, s15, $0xb8;
	[tilespmem:$0x1E940] =	vst v63  }
0xfd: {  	_ =	swait.ge [sflag:s25], $0x2000  }
0xfe: {  	[sflag:s25] =	ssyncset.done $0x0  }
0xff: {  	[sflag:s25] =	ssyncadd.s32 $0xFFFFE000  }
0x100: {  	[spmem:s3] =	stream.indirect.scatter.add.f32 [tilespmem:s20], [sflag:$0x6], $0x40, s28, s15, $0xb8;
	[tilespmem:$0x1E940] =	vst v63  }
0x101: {  	_ =	swait.ge [sflag:s29], $0x2000  }
0x102: {  	[sflag:s29] =	ssyncset.done $0x0  }
0x103: {  	[sflag:s29] =	ssyncadd.s32 $0xFFFFE000  }
0x104: {  	[tilespmem:s17], [sflag:$0x2] =	stream.indirect.gather [spmem:s2], $0x40, s30, s15, $0xb8;
	[tilespmem:$0x1E940] =	vst v63  }
.LBB2_9:
0x105: {  	_ =	swait.ge [sflag:s18], $0x2000  }
0x106: {  	s1 =	sshra.s32 s12, $0x2;
	[sflag:s18] =	ssyncset.done $0x0  }
0x107: {  	s26 =	sadd.s32 $0x2900, s1;
	[sflag:s18] =	ssyncadd.s32 $0xFFFFE000  }
0x108: {  	[spmem:s3] =	stream.indirect.scatter.add.f32 [tilespmem:s16], [sflag:$0x4], $0x40, s26, s15, $0xb8;
	[tilespmem:$0x1E940] =	vst v63  }
0x109: {  	_ =	swait.ge [sflag:s31], $0x2000  }
0x10a: {  	[sflag:s31] =	ssyncset.done $0x0  }
0x10b: {  	s26 =	sadd.s32 $0x280, s1;
	[sflag:s31] =	ssyncadd.s32 $0xFFFFE000  }
0x10c: {  	[tilespmem:s20], [sflag:$0x3] =	stream.indirect.gather [spmem:s2], $0x40, s26, s15, $0xb8;
	[tilespmem:$0x1E940] =	vst v63  }
0x10d: {  	_ =	swait.ge [sflag:s21], $0x2000  }
0x10e: {  	[sflag:s21] =	ssyncset.done $0x0  }
0x10f: {  	s26 =	sadd.s32 $0x2980, s1;
	[sflag:s21] =	ssyncadd.s32 $0xFFFFE000  }
0x110: {  	[spmem:s3] =	stream.indirect.scatter.add.f32 [tilespmem:s17], [sflag:$0x5], $0x40, s26, s15, $0xb8;
	[tilespmem:$0x1E940] =	vst v63  }
0x111: {  	_ =	swait.ge [sflag:s23], $0x2000  }
0x112: {  	[sflag:s23] =	ssyncset.done $0x0  }
0x113: {  	s26 =	sadd.s32 $0x300, s1;
	[sflag:s23] =	ssyncadd.s32 $0xFFFFE000  }
0x114: {  	[tilespmem:s16], [sflag:$0x1] =	stream.indirect.gather [spmem:s2], $0x40, s26, s15, $0xb8;
	[tilespmem:$0x1E940] =	vst v63  }
0x115: {  	_ =	swait.ge [sflag:s25], $0x2000  }
0x116: {  	p2 =	seq.s32 s12, $0x9000;
	[sflag:s25] =	ssyncset.done $0x0  }
.Ltmp7:
0x117: {  	s26 =	sadd.s32 $0x2A00, s1;
	[sflag:s25] =	ssyncadd.s32 $0xFFFFE000;
	(pc) =	sbr.rel @p2 .LBB2_14-.Ltmp7, $4  }
0x118: {  	[spmem:s3] =	stream.indirect.scatter.add.f32 [tilespmem:s20], [sflag:$0x6], $0x40, s26, s15, $0xb8;
	[tilespmem:$0x1E940] =	vst v63  }
0x119: {  	_ =	swait.ge [sflag:s29], $0x2000  }
0x11a: {  	[sflag:s29] =	ssyncset.done $0x0  }
0x11b: {  	[sflag:s29] =	ssyncadd.s32 $0xFFFFE000  }
.Ltmp8:
0x11c: {  	(pc) =	sbr.rel .LBB2_9-.Ltmp8, $3  }
0x11d: {  	_ =	sdelay $0x1  }
0x11e: {  	s1 =	sadd.s32 $0x380, s1;
	s12 =	sadd.s32 $0x600, s12  }
0x11f: {  	[tilespmem:s17], [sflag:$0x2] =	stream.indirect.gather [spmem:s2], $0x40, s1, s15, $0xb8;
	[tilespmem:$0x1E940] =	vst v63  }
.LBB2_11:
0x120: {  	_ =	swait.ge [sflag:s18], $0x2000  }
0x121: {  	[sflag:s18] =	ssyncset.done $0x0  }
0x122: {  	[sflag:s18] =	ssyncadd.s32 $0xFFFFE000  }
0x123: {  	[spmem:s3] =	stream.indirect.scatter.add.f32 [tilespmem:s16], [sflag:$0x4], $0x40, s0, s15, $0xb8;
	[tilespmem:$0x1E940] =	vst v63  }
0x124: {  	_ =	swait.ge [sflag:s31], $0x2000  }
0x125: {  	[sflag:s31] =	ssyncset.done $0x0  }
0x126: {  	[sflag:s31] =	ssyncadd.s32 $0xFFFFE000  }
0x127: {  	_ =	swait.ge [sflag:s23], $0x2000  }
0x128: {  	[sflag:s23] =	ssyncset.done $0x0  }
0x129: {  	[sflag:s23] =	ssyncadd.s32 $0xFFFFE000  }
0x12a: {  	[bflag:$0x0] =	sbarrier.arrive $0xFFFF  }
0x12b: {  	s1 =	rddreg [dreg:$0x9]  }
0x12c: {  	[hbm:s1], [sflag:s6] =	dma.local [spmem:s7], $0x13C0  }
0x12d: {  	_ =	swait.ge [sflag:s13], $0x13C0  }
0x12e: {  	[sflag:s13] =	ssyncset.done $0x0  }
0x12f: {  	[sflag:s13] =	ssyncadd.s32 $0xFFFFEC40  }
0x130: {  	[bflag:$0x0] =	sbarrier.arrive $0xFFFF  }
0x131: {  	s1 =	simm.s32 @p1 $0x1FC7;
	s12 =	rddreg [dreg:$0x11]  }
0x132: {  	[spmem:s4], [sflag:s1] =	dma.local @p1 [hbm:s12], $0x1040  }
0x133: {  	s1 =	simm.s32 @p1 $0x7  }
0x134: {  	_ =	swait.ge @p1 [sflag:s1], $0x1040  }
0x135: {  	[sflag:s1] =	ssyncset.done @p1 $0x0  }
0x136: {  	[sflag:s1] =	ssyncadd.s32 @p1 $0xFFFFEFC0;
	s1 =	rddreg [dreg:$0x16]  }
0x137: {  	[spmem:s9], [sflag:s6] =	dma.local @!p1 [hbm:s1], $0x13C0  }
0x138: {  	s1 =	simm.s32 @!p1 $0x7  }
0x139: {  	_ =	swait.ge @!p1 [sflag:s1], $0x13C0  }
0x13a: {  	[sflag:s1] =	ssyncset.done @!p1 $0x0  }
0x13b: {  	[sflag:s1] =	ssyncadd.s32 @!p1 $0xFFFFEC40  }
0x13c: {  	[spmem:s7], [sflag:s6] =	dma.local [hbm:s5], $0x13C0  }
0x13d: {  	_ =	swait.ge [sflag:s13], $0x13C0  }
0x13e: {  	[sflag:s13] =	ssyncset.done $0x0  }
0x13f: {  	[sflag:s13] =	ssyncadd.s32 $0xFFFFEC40  }
0x140: {  	s12 =	simm.s32 $0x0;
	[bflag:$0x0] =	sbarrier.arrive $0xFFFF  }
0x141: {  	[tilespmem:s16], [sflag:$0x1] =	stream.indirect.gather [spmem:s2], $0x40, s12, s15, $0xb8;
	[tilespmem:$0x1E940] =	vst v63  }
0x142: {  	_ = 	snop  }
0x143: {  	[tilespmem:s17], [sflag:$0x2] =	stream.indirect.gather [spmem:s2], $0x40, s15, s15, $0xb8;
	[tilespmem:$0x1E940] =	vst v63  }
0x144: {  	_ =	swait.ge [sflag:s18], $0x2000  }
0x145: {  	[sflag:s18] =	ssyncset.done $0x0  }
0x146: {  	[sflag:s18] =	ssyncadd.s32 $0xFFFFE000  }
0x147: {  	[spmem:s3] =	stream.indirect.scatter.add.f32 [tilespmem:s16], [sflag:$0x4], $0x40, s14, s15, $0xb8;
	[tilespmem:$0x1E940] =	vst v63  }
0x148: {  	_ = 	snop  }
0x149: {  	[tilespmem:s20], [sflag:$0x3] =	stream.indirect.gather [spmem:s2], $0x40, s19, s15, $0xb8;
	[tilespmem:$0x1E940] =	vst v63  }
0x14a: {  	_ =	swait.ge [sflag:s21], $0x2000  }
0x14b: {  	[sflag:s21] =	ssyncset.done $0x0  }
0x14c: {  	[sflag:s21] =	ssyncadd.s32 $0xFFFFE000  }
0x14d: {  	[spmem:s3] =	stream.indirect.scatter.add.f32 [tilespmem:s17], [sflag:$0x5], $0x40, s22, s15, $0xb8;
	[tilespmem:$0x1E940] =	vst v63  }
0x14e: {  	_ =	swait.ge [sflag:s23], $0x2000  }
0x14f: {  	[sflag:s23] =	ssyncset.done $0x0  }
0x150: {  	[sflag:s23] =	ssyncadd.s32 $0xFFFFE000  }
0x151: {  	[tilespmem:s16], [sflag:$0x1] =	stream.indirect.gather [spmem:s2], $0x40, s24, s15, $0xb8;
	[tilespmem:$0x1E940] =	vst v63  }
0x152: {  	_ =	swait.ge [sflag:s25], $0x2000  }
0x153: {  	[sflag:s25] =	ssyncset.done $0x0  }
0x154: {  	[sflag:s25] =	ssyncadd.s32 $0xFFFFE000  }
0x155: {  	[spmem:s3] =	stream.indirect.scatter.add.f32 [tilespmem:s20], [sflag:$0x6], $0x40, s28, s15, $0xb8;
	[tilespmem:$0x1E940] =	vst v63  }
0x156: {  	_ =	swait.ge [sflag:s29], $0x2000  }
0x157: {  	[sflag:s29] =	ssyncset.done $0x0  }
0x158: {  	[sflag:s29] =	ssyncadd.s32 $0xFFFFE000  }
0x159: {  	[tilespmem:s17], [sflag:$0x2] =	stream.indirect.gather [spmem:s2], $0x40, s30, s15, $0xb8;
	[tilespmem:$0x1E940] =	vst v63  }
.LBB2_12:
0x15a: {  	_ =	swait.ge [sflag:s18], $0x2000  }
0x15b: {  	s1 =	sshra.s32 s12, $0x2;
	[sflag:s18] =	ssyncset.done $0x0  }
0x15c: {  	s26 =	sadd.s32 $0x2900, s1;
	[sflag:s18] =	ssyncadd.s32 $0xFFFFE000  }
0x15d: {  	[spmem:s3] =	stream.indirect.scatter.add.f32 [tilespmem:s16], [sflag:$0x4], $0x40, s26, s15, $0xb8;
	[tilespmem:$0x1E940] =	vst v63  }
0x15e: {  	_ =	swait.ge [sflag:s31], $0x2000  }
0x15f: {  	[sflag:s31] =	ssyncset.done $0x0  }
0x160: {  	s26 =	sadd.s32 $0x280, s1;
	[sflag:s31] =	ssyncadd.s32 $0xFFFFE000  }
0x161: {  	[tilespmem:s20], [sflag:$0x3] =	stream.indirect.gather [spmem:s2], $0x40, s26, s15, $0xb8;
	[tilespmem:$0x1E940] =	vst v63  }
0x162: {  	_ =	swait.ge [sflag:s21], $0x2000  }
0x163: {  	[sflag:s21] =	ssyncset.done $0x0  }
0x164: {  	s26 =	sadd.s32 $0x2980, s1;
	[sflag:s21] =	ssyncadd.s32 $0xFFFFE000  }
0x165: {  	[spmem:s3] =	stream.indirect.scatter.add.f32 [tilespmem:s17], [sflag:$0x5], $0x40, s26, s15, $0xb8;
	[tilespmem:$0x1E940] =	vst v63  }
0x166: {  	_ =	swait.ge [sflag:s23], $0x2000  }
0x167: {  	[sflag:s23] =	ssyncset.done $0x0  }
0x168: {  	s26 =	sadd.s32 $0x300, s1;
	[sflag:s23] =	ssyncadd.s32 $0xFFFFE000  }
0x169: {  	[tilespmem:s16], [sflag:$0x1] =	stream.indirect.gather [spmem:s2], $0x40, s26, s15, $0xb8;
	[tilespmem:$0x1E940] =	vst v63  }
0x16a: {  	_ =	swait.ge [sflag:s25], $0x2000  }
0x16b: {  	p2 =	seq.s32 s12, $0x9000;
	[sflag:s25] =	ssyncset.done $0x0  }
.Ltmp9:
0x16c: {  	s26 =	sadd.s32 $0x2A00, s1;
	[sflag:s25] =	ssyncadd.s32 $0xFFFFE000;
	(pc) =	sbr.rel @p2 .LBB2_17-.Ltmp9, $4  }
0x16d: {  	[spmem:s3] =	stream.indirect.scatter.add.f32 [tilespmem:s20], [sflag:$0x6], $0x40, s26, s15, $0xb8;
	[tilespmem:$0x1E940] =	vst v63  }
0x16e: {  	_ =	swait.ge [sflag:s29], $0x2000  }
0x16f: {  	[sflag:s29] =	ssyncset.done $0x0  }
0x170: {  	[sflag:s29] =	ssyncadd.s32 $0xFFFFE000  }
.Ltmp10:
0x171: {  	(pc) =	sbr.rel .LBB2_12-.Ltmp10, $3  }
0x172: {  	_ =	sdelay $0x1  }
0x173: {  	s1 =	sadd.s32 $0x380, s1;
	s12 =	sadd.s32 $0x600, s12  }
0x174: {  	[tilespmem:s17], [sflag:$0x2] =	stream.indirect.gather [spmem:s2], $0x40, s1, s15, $0xb8;
	[tilespmem:$0x1E940] =	vst v63  }
.LBB2_14:
0x175: {  	_ =	swait.ge [sflag:s18], $0x2000  }
0x176: {  	[sflag:s18] =	ssyncset.done $0x0  }
0x177: {  	[sflag:s18] =	ssyncadd.s32 $0xFFFFE000  }
0x178: {  	[spmem:s3] =	stream.indirect.scatter.add.f32 [tilespmem:s16], [sflag:$0x4], $0x40, s0, s15, $0xb8;
	[tilespmem:$0x1E940] =	vst v63  }
0x179: {  	_ =	swait.ge [sflag:s31], $0x2000  }
0x17a: {  	[sflag:s31] =	ssyncset.done $0x0  }
0x17b: {  	[sflag:s31] =	ssyncadd.s32 $0xFFFFE000  }
0x17c: {  	_ =	swait.ge [sflag:s23], $0x2000  }
0x17d: {  	[sflag:s23] =	ssyncset.done $0x0  }
0x17e: {  	[sflag:s23] =	ssyncadd.s32 $0xFFFFE000  }
0x17f: {  	[bflag:$0x0] =	sbarrier.arrive $0xFFFF  }
0x180: {  	s1 =	rddreg [dreg:$0x10]  }
0x181: {  	[hbm:s1], [sflag:s6] =	dma.local [spmem:s7], $0x13C0  }
0x182: {  	_ =	swait.ge [sflag:s13], $0x13C0  }
0x183: {  	[sflag:s13] =	ssyncset.done $0x0  }
0x184: {  	[sflag:s13] =	ssyncadd.s32 $0xFFFFEC40  }
0x185: {  	[bflag:$0x0] =	sbarrier.arrive $0xFFFF  }
0x186: {  	s1 =	simm.s32 @p1 $0x1FC7;
	s12 =	rddreg [dreg:$0x12]  }
0x187: {  	[spmem:s4], [sflag:s1] =	dma.local @p1 [hbm:s12], $0x1040  }
0x188: {  	s1 =	simm.s32 @p1 $0x7  }
0x189: {  	_ =	swait.ge @p1 [sflag:s1], $0x1040  }
0x18a: {  	[sflag:s1] =	ssyncset.done @p1 $0x0  }
0x18b: {  	[sflag:s1] =	ssyncadd.s32 @p1 $0xFFFFEFC0;
	s1 =	rddreg [dreg:$0x18]  }
0x18c: {  	[spmem:s9], [sflag:s6] =	dma.local @!p1 [hbm:s1], $0x13C0  }
0x18d: {  	s1 =	simm.s32 @!p1 $0x7  }
0x18e: {  	_ =	swait.ge @!p1 [sflag:s1], $0x13C0  }
0x18f: {  	[sflag:s1] =	ssyncset.done @!p1 $0x0  }
0x190: {  	[sflag:s1] =	ssyncadd.s32 @!p1 $0xFFFFEC40  }
0x191: {  	[spmem:s7], [sflag:s6] =	dma.local [hbm:s5], $0x13C0  }
0x192: {  	_ =	swait.ge [sflag:s13], $0x13C0  }
0x193: {  	[sflag:s13] =	ssyncset.done $0x0  }
0x194: {  	[sflag:s13] =	ssyncadd.s32 $0xFFFFEC40  }
0x195: {  	s12 =	simm.s32 $0x0;
	[bflag:$0x0] =	sbarrier.arrive $0xFFFF  }
0x196: {  	[tilespmem:s16], [sflag:$0x1] =	stream.indirect.gather [spmem:s2], $0x40, s12, s15, $0xb8;
	[tilespmem:$0x1E940] =	vst v63  }
0x197: {  	_ = 	snop  }
0x198: {  	[tilespmem:s17], [sflag:$0x2] =	stream.indirect.gather [spmem:s2], $0x40, s15, s15, $0xb8;
	[tilespmem:$0x1E940] =	vst v63  }
0x199: {  	_ =	swait.ge [sflag:s18], $0x2000  }
0x19a: {  	[sflag:s18] =	ssyncset.done $0x0  }
0x19b: {  	[sflag:s18] =	ssyncadd.s32 $0xFFFFE000  }
0x19c: {  	[spmem:s3] =	stream.indirect.scatter.add.f32 [tilespmem:s16], [sflag:$0x4], $0x40, s14, s15, $0xb8;
	[tilespmem:$0x1E940] =	vst v63  }
0x19d: {  	_ = 	snop  }
0x19e: {  	[tilespmem:s20], [sflag:$0x3] =	stream.indirect.gather [spmem:s2], $0x40, s19, s15, $0xb8;
	[tilespmem:$0x1E940] =	vst v63  }
0x19f: {  	_ =	swait.ge [sflag:s21], $0x2000  }
0x1a0: {  	[sflag:s21] =	ssyncset.done $0x0  }
0x1a1: {  	[sflag:s21] =	ssyncadd.s32 $0xFFFFE000  }
0x1a2: {  	[spmem:s3] =	stream.indirect.scatter.add.f32 [tilespmem:s17], [sflag:$0x5], $0x40, s22, s15, $0xb8;
	[tilespmem:$0x1E940] =	vst v63  }
0x1a3: {  	_ =	swait.ge [sflag:s23], $0x2000  }
0x1a4: {  	[sflag:s23] =	ssyncset.done $0x0  }
0x1a5: {  	[sflag:s23] =	ssyncadd.s32 $0xFFFFE000  }
0x1a6: {  	[tilespmem:s16], [sflag:$0x1] =	stream.indirect.gather [spmem:s2], $0x40, s24, s15, $0xb8;
	[tilespmem:$0x1E940] =	vst v63  }
0x1a7: {  	_ =	swait.ge [sflag:s25], $0x2000  }
0x1a8: {  	[sflag:s25] =	ssyncset.done $0x0  }
0x1a9: {  	[sflag:s25] =	ssyncadd.s32 $0xFFFFE000  }
0x1aa: {  	[spmem:s3] =	stream.indirect.scatter.add.f32 [tilespmem:s20], [sflag:$0x6], $0x40, s28, s15, $0xb8;
	[tilespmem:$0x1E940] =	vst v63  }
0x1ab: {  	_ =	swait.ge [sflag:s29], $0x2000  }
0x1ac: {  	[sflag:s29] =	ssyncset.done $0x0  }
0x1ad: {  	[sflag:s29] =	ssyncadd.s32 $0xFFFFE000  }
0x1ae: {  	[tilespmem:s17], [sflag:$0x2] =	stream.indirect.gather [spmem:s2], $0x40, s30, s15, $0xb8;
	[tilespmem:$0x1E940] =	vst v63  }
.LBB2_15:
0x1af: {  	_ =	swait.ge [sflag:s18], $0x2000  }
0x1b0: {  	s1 =	sshra.s32 s12, $0x2;
	[sflag:s18] =	ssyncset.done $0x0  }
0x1b1: {  	s26 =	sadd.s32 $0x2900, s1;
	[sflag:s18] =	ssyncadd.s32 $0xFFFFE000  }
0x1b2: {  	[spmem:s3] =	stream.indirect.scatter.add.f32 [tilespmem:s16], [sflag:$0x4], $0x40, s26, s15, $0xb8;
	[tilespmem:$0x1E940] =	vst v63  }
0x1b3: {  	_ =	swait.ge [sflag:s31], $0x2000  }
0x1b4: {  	[sflag:s31] =	ssyncset.done $0x0  }
0x1b5: {  	s26 =	sadd.s32 $0x280, s1;
	[sflag:s31] =	ssyncadd.s32 $0xFFFFE000  }
0x1b6: {  	[tilespmem:s20], [sflag:$0x3] =	stream.indirect.gather [spmem:s2], $0x40, s26, s15, $0xb8;
	[tilespmem:$0x1E940] =	vst v63  }
0x1b7: {  	_ =	swait.ge [sflag:s21], $0x2000  }
0x1b8: {  	[sflag:s21] =	ssyncset.done $0x0  }
0x1b9: {  	s26 =	sadd.s32 $0x2980, s1;
	[sflag:s21] =	ssyncadd.s32 $0xFFFFE000  }
0x1ba: {  	[spmem:s3] =	stream.indirect.scatter.add.f32 [tilespmem:s17], [sflag:$0x5], $0x40, s26, s15, $0xb8;
	[tilespmem:$0x1E940] =	vst v63  }
0x1bb: {  	_ =	swait.ge [sflag:s23], $0x2000  }
0x1bc: {  	[sflag:s23] =	ssyncset.done $0x0  }
0x1bd: {  	s26 =	sadd.s32 $0x300, s1;
	[sflag:s23] =	ssyncadd.s32 $0xFFFFE000  }
0x1be: {  	[tilespmem:s16], [sflag:$0x1] =	stream.indirect.gather [spmem:s2], $0x40, s26, s15, $0xb8;
	[tilespmem:$0x1E940] =	vst v63  }
0x1bf: {  	_ =	swait.ge [sflag:s25], $0x2000  }
0x1c0: {  	p2 =	seq.s32 s12, $0x9000;
	[sflag:s25] =	ssyncset.done $0x0  }
.Ltmp11:
0x1c1: {  	s26 =	sadd.s32 $0x2A00, s1;
	[sflag:s25] =	ssyncadd.s32 $0xFFFFE000;
	(pc) =	sbr.rel @p2 .LBB2_20-.Ltmp11, $4  }
0x1c2: {  	[spmem:s3] =	stream.indirect.scatter.add.f32 [tilespmem:s20], [sflag:$0x6], $0x40, s26, s15, $0xb8;
	[tilespmem:$0x1E940] =	vst v63  }
0x1c3: {  	_ =	swait.ge [sflag:s29], $0x2000  }
0x1c4: {  	[sflag:s29] =	ssyncset.done $0x0  }
0x1c5: {  	[sflag:s29] =	ssyncadd.s32 $0xFFFFE000  }
.Ltmp12:
0x1c6: {  	(pc) =	sbr.rel .LBB2_15-.Ltmp12, $3  }
0x1c7: {  	_ =	sdelay $0x1  }
0x1c8: {  	s1 =	sadd.s32 $0x380, s1;
	s12 =	sadd.s32 $0x600, s12  }
0x1c9: {  	[tilespmem:s17], [sflag:$0x2] =	stream.indirect.gather [spmem:s2], $0x40, s1, s15, $0xb8;
	[tilespmem:$0x1E940] =	vst v63  }
.LBB2_17:
0x1ca: {  	_ =	swait.ge [sflag:s18], $0x2000  }
0x1cb: {  	[sflag:s18] =	ssyncset.done $0x0  }
0x1cc: {  	[sflag:s18] =	ssyncadd.s32 $0xFFFFE000  }
0x1cd: {  	[spmem:s3] =	stream.indirect.scatter.add.f32 [tilespmem:s16], [sflag:$0x4], $0x40, s0, s15, $0xb8;
	[tilespmem:$0x1E940] =	vst v63  }
0x1ce: {  	_ =	swait.ge [sflag:s31], $0x2000  }
0x1cf: {  	[sflag:s31] =	ssyncset.done $0x0  }
0x1d0: {  	[sflag:s31] =	ssyncadd.s32 $0xFFFFE000  }
0x1d1: {  	_ =	swait.ge [sflag:s23], $0x2000  }
0x1d2: {  	[sflag:s23] =	ssyncset.done $0x0  }
0x1d3: {  	[sflag:s23] =	ssyncadd.s32 $0xFFFFE000  }
0x1d4: {  	[bflag:$0x0] =	sbarrier.arrive $0xFFFF  }
0x1d5: {  	s1 =	rddreg [dreg:$0x17]  }
0x1d6: {  	[hbm:s1], [sflag:s6] =	dma.local [spmem:s7], $0x13C0  }
0x1d7: {  	_ =	swait.ge [sflag:s13], $0x13C0  }
0x1d8: {  	[sflag:s13] =	ssyncset.done $0x0  }
0x1d9: {  	[sflag:s13] =	ssyncadd.s32 $0xFFFFEC40  }
0x1da: {  	[bflag:$0x0] =	sbarrier.arrive $0xFFFF  }
0x1db: {  	s1 =	simm.s32 @p1 $0x1FC7;
	s12 =	rddreg [dreg:$0x13]  }
0x1dc: {  	[spmem:s4], [sflag:s1] =	dma.local @p1 [hbm:s12], $0x1040  }
0x1dd: {  	s1 =	simm.s32 @p1 $0x7  }
0x1de: {  	_ =	swait.ge @p1 [sflag:s1], $0x1040  }
0x1df: {  	[sflag:s1] =	ssyncset.done @p1 $0x0  }
0x1e0: {  	[sflag:s1] =	ssyncadd.s32 @p1 $0xFFFFEFC0;
	s1 =	rddreg [dreg:$0x1c]  }
0x1e1: {  	[spmem:s9], [sflag:s6] =	dma.local @!p1 [hbm:s1], $0x13C0  }
0x1e2: {  	s1 =	simm.s32 @!p1 $0x7  }
0x1e3: {  	_ =	swait.ge @!p1 [sflag:s1], $0x13C0  }
0x1e4: {  	[sflag:s1] =	ssyncset.done @!p1 $0x0  }
0x1e5: {  	[sflag:s1] =	ssyncadd.s32 @!p1 $0xFFFFEC40  }
0x1e6: {  	[spmem:s7], [sflag:s6] =	dma.local [hbm:s5], $0x13C0  }
0x1e7: {  	_ =	swait.ge [sflag:s13], $0x13C0  }
0x1e8: {  	[sflag:s13] =	ssyncset.done $0x0  }
0x1e9: {  	[sflag:s13] =	ssyncadd.s32 $0xFFFFEC40  }
0x1ea: {  	s12 =	simm.s32 $0x0;
	[bflag:$0x0] =	sbarrier.arrive $0xFFFF  }
0x1eb: {  	[tilespmem:s16], [sflag:$0x1] =	stream.indirect.gather [spmem:s2], $0x40, s12, s15, $0xb8;
	[tilespmem:$0x1E940] =	vst v63  }
0x1ec: {  	_ = 	snop  }
0x1ed: {  	[tilespmem:s17], [sflag:$0x2] =	stream.indirect.gather [spmem:s2], $0x40, s15, s15, $0xb8;
	[tilespmem:$0x1E940] =	vst v63  }
0x1ee: {  	_ =	swait.ge [sflag:s18], $0x2000  }
0x1ef: {  	[sflag:s18] =	ssyncset.done $0x0  }
0x1f0: {  	[sflag:s18] =	ssyncadd.s32 $0xFFFFE000  }
0x1f1: {  	[spmem:s3] =	stream.indirect.scatter.add.f32 [tilespmem:s16], [sflag:$0x4], $0x40, s14, s15, $0xb8;
	[tilespmem:$0x1E940] =	vst v63  }
0x1f2: {  	_ = 	snop  }
0x1f3: {  	[tilespmem:s20], [sflag:$0x3] =	stream.indirect.gather [spmem:s2], $0x40, s19, s15, $0xb8;
	[tilespmem:$0x1E940] =	vst v63  }
0x1f4: {  	_ =	swait.ge [sflag:s21], $0x2000  }
0x1f5: {  	[sflag:s21] =	ssyncset.done $0x0  }
0x1f6: {  	[sflag:s21] =	ssyncadd.s32 $0xFFFFE000  }
0x1f7: {  	[spmem:s3] =	stream.indirect.scatter.add.f32 [tilespmem:s17], [sflag:$0x5], $0x40, s22, s15, $0xb8;
	[tilespmem:$0x1E940] =	vst v63  }
0x1f8: {  	_ =	swait.ge [sflag:s23], $0x2000  }
0x1f9: {  	[sflag:s23] =	ssyncset.done $0x0  }
0x1fa: {  	[sflag:s23] =	ssyncadd.s32 $0xFFFFE000  }
0x1fb: {  	[tilespmem:s16], [sflag:$0x1] =	stream.indirect.gather [spmem:s2], $0x40, s24, s15, $0xb8;
	[tilespmem:$0x1E940] =	vst v63  }
0x1fc: {  	_ =	swait.ge [sflag:s25], $0x2000  }
0x1fd: {  	[sflag:s25] =	ssyncset.done $0x0  }
0x1fe: {  	[sflag:s25] =	ssyncadd.s32 $0xFFFFE000  }
0x1ff: {  	[spmem:s3] =	stream.indirect.scatter.add.f32 [tilespmem:s20], [sflag:$0x6], $0x40, s28, s15, $0xb8;
	[tilespmem:$0x1E940] =	vst v63  }
0x200: {  	_ =	swait.ge [sflag:s29], $0x2000  }
0x201: {  	[sflag:s29] =	ssyncset.done $0x0  }
0x202: {  	[sflag:s29] =	ssyncadd.s32 $0xFFFFE000  }
0x203: {  	[tilespmem:s17], [sflag:$0x2] =	stream.indirect.gather [spmem:s2], $0x40, s30, s15, $0xb8;
	[tilespmem:$0x1E940] =	vst v63  }
.LBB2_18:
0x204: {  	_ =	swait.ge [sflag:s18], $0x2000  }
0x205: {  	s1 =	sshra.s32 s12, $0x2;
	[sflag:s18] =	ssyncset.done $0x0  }
0x206: {  	s26 =	sadd.s32 $0x2900, s1;
	[sflag:s18] =	ssyncadd.s32 $0xFFFFE000  }
0x207: {  	[spmem:s3] =	stream.indirect.scatter.add.f32 [tilespmem:s16], [sflag:$0x4], $0x40, s26, s15, $0xb8;
	[tilespmem:$0x1E940] =	vst v63  }
0x208: {  	_ =	swait.ge [sflag:s31], $0x2000  }
0x209: {  	[sflag:s31] =	ssyncset.done $0x0  }
0x20a: {  	s26 =	sadd.s32 $0x280, s1;
	[sflag:s31] =	ssyncadd.s32 $0xFFFFE000  }
0x20b: {  	[tilespmem:s20], [sflag:$0x3] =	stream.indirect.gather [spmem:s2], $0x40, s26, s15, $0xb8;
	[tilespmem:$0x1E940] =	vst v63  }
0x20c: {  	_ =	swait.ge [sflag:s21], $0x2000  }
0x20d: {  	[sflag:s21] =	ssyncset.done $0x0  }
0x20e: {  	s26 =	sadd.s32 $0x2980, s1;
	[sflag:s21] =	ssyncadd.s32 $0xFFFFE000  }
0x20f: {  	[spmem:s3] =	stream.indirect.scatter.add.f32 [tilespmem:s17], [sflag:$0x5], $0x40, s26, s15, $0xb8;
	[tilespmem:$0x1E940] =	vst v63  }
0x210: {  	_ =	swait.ge [sflag:s23], $0x2000  }
0x211: {  	[sflag:s23] =	ssyncset.done $0x0  }
0x212: {  	s26 =	sadd.s32 $0x300, s1;
	[sflag:s23] =	ssyncadd.s32 $0xFFFFE000  }
0x213: {  	[tilespmem:s16], [sflag:$0x1] =	stream.indirect.gather [spmem:s2], $0x40, s26, s15, $0xb8;
	[tilespmem:$0x1E940] =	vst v63  }
0x214: {  	_ =	swait.ge [sflag:s25], $0x2000  }
0x215: {  	p2 =	seq.s32 s12, $0x9000;
	[sflag:s25] =	ssyncset.done $0x0  }
.Ltmp13:
0x216: {  	s26 =	sadd.s32 $0x2A00, s1;
	[sflag:s25] =	ssyncadd.s32 $0xFFFFE000;
	(pc) =	sbr.rel @p2 .LBB2_24-.Ltmp13, $4  }
0x217: {  	[spmem:s3] =	stream.indirect.scatter.add.f32 [tilespmem:s20], [sflag:$0x6], $0x40, s26, s15, $0xb8;
	[tilespmem:$0x1E940] =	vst v63  }
0x218: {  	_ =	swait.ge [sflag:s29], $0x2000  }
0x219: {  	[sflag:s29] =	ssyncset.done $0x0  }
0x21a: {  	[sflag:s29] =	ssyncadd.s32 $0xFFFFE000  }
.Ltmp14:
0x21b: {  	(pc) =	sbr.rel .LBB2_18-.Ltmp14, $3  }
0x21c: {  	_ =	sdelay $0x1  }
0x21d: {  	s1 =	sadd.s32 $0x380, s1;
	s12 =	sadd.s32 $0x600, s12  }
0x21e: {  	[tilespmem:s17], [sflag:$0x2] =	stream.indirect.gather [spmem:s2], $0x40, s1, s15, $0xb8;
	[tilespmem:$0x1E940] =	vst v63  }
.LBB2_20:
0x21f: {  	_ =	swait.ge [sflag:s18], $0x2000  }
0x220: {  	[sflag:s18] =	ssyncset.done $0x0  }
0x221: {  	[sflag:s18] =	ssyncadd.s32 $0xFFFFE000  }
0x222: {  	[spmem:s3] =	stream.indirect.scatter.add.f32 [tilespmem:s16], [sflag:$0x4], $0x40, s0, s15, $0xb8;
	[tilespmem:$0x1E940] =	vst v63  }
0x223: {  	_ =	swait.ge [sflag:s31], $0x2000  }
0x224: {  	[sflag:s31] =	ssyncset.done $0x0  }
0x225: {  	[sflag:s31] =	ssyncadd.s32 $0xFFFFE000  }
0x226: {  	_ =	swait.ge [sflag:s23], $0x2000  }
0x227: {  	[sflag:s23] =	ssyncset.done $0x0  }
0x228: {  	[sflag:s23] =	ssyncadd.s32 $0xFFFFE000  }
0x229: {  	[bflag:$0x0] =	sbarrier.arrive $0xFFFF  }
0x22a: {  	s1 =	rddreg [dreg:$0x1a]  }
0x22b: {  	[hbm:s1], [sflag:s6] =	dma.local [spmem:s7], $0x13C0  }
0x22c: {  	_ =	swait.ge [sflag:s13], $0x13C0  }
0x22d: {  	[sflag:s13] =	ssyncset.done $0x0  }
0x22e: {  	[sflag:s13] =	ssyncadd.s32 $0xFFFFEC40  }
0x22f: {  	[bflag:$0x0] =	sbarrier.arrive $0xFFFF  }
0x230: {  	s1 =	simm.s32 @p1 $0x1FC7;
	s12 =	rddreg [dreg:$0x14]  }
0x231: {  	[spmem:s4], [sflag:s1] =	dma.local @p1 [hbm:s12], $0x1040  }
0x232: {  	s1 =	simm.s32 @p1 $0x7  }
0x233: {  	_ =	swait.ge @p1 [sflag:s1], $0x1040  }
0x234: {  	[sflag:s1] =	ssyncset.done @p1 $0x0  }
0x235: {  	[sflag:s1] =	ssyncadd.s32 @p1 $0xFFFFEFC0;
	s1 =	rddreg [dreg:$0x1d]  }
0x236: {  	[spmem:s9], [sflag:s6] =	dma.local @!p1 [hbm:s1], $0x13C0  }
0x237: {  	s1 =	simm.s32 @!p1 $0x7  }
0x238: {  	_ =	swait.ge @!p1 [sflag:s1], $0x13C0  }
0x239: {  	[sflag:s1] =	ssyncset.done @!p1 $0x0  }
0x23a: {  	[sflag:s1] =	ssyncadd.s32 @!p1 $0xFFFFEC40  }
0x23b: {  	[spmem:s7], [sflag:s6] =	dma.local [hbm:s5], $0x13C0  }
0x23c: {  	_ =	swait.ge [sflag:s13], $0x13C0  }
0x23d: {  	[sflag:s13] =	ssyncset.done $0x0  }
0x23e: {  	[sflag:s13] =	ssyncadd.s32 $0xFFFFEC40  }
0x23f: {  	s4 =	simm.s32 $0x0;
	[bflag:$0x0] =	sbarrier.arrive $0xFFFF  }
0x240: {  	[tilespmem:s16], [sflag:$0x1] =	stream.indirect.gather [spmem:s2], $0x40, s4, s15, $0xb8;
	[tilespmem:$0x1E940] =	vst v63  }
0x241: {  	_ = 	snop  }
0x242: {  	[tilespmem:s17], [sflag:$0x2] =	stream.indirect.gather [spmem:s2], $0x40, s15, s15, $0xb8;
	[tilespmem:$0x1E940] =	vst v63  }
0x243: {  	_ =	swait.ge [sflag:s18], $0x2000  }
0x244: {  	[sflag:s18] =	ssyncset.done $0x0  }
0x245: {  	[sflag:s18] =	ssyncadd.s32 $0xFFFFE000  }
0x246: {  	[spmem:s3] =	stream.indirect.scatter.add.f32 [tilespmem:s16], [sflag:$0x4], $0x40, s14, s15, $0xb8;
	[tilespmem:$0x1E940] =	vst v63  }
0x247: {  	_ = 	snop  }
0x248: {  	[tilespmem:s20], [sflag:$0x3] =	stream.indirect.gather [spmem:s2], $0x40, s19, s15, $0xb8;
	[tilespmem:$0x1E940] =	vst v63  }
0x249: {  	_ =	swait.ge [sflag:s21], $0x2000  }
0x24a: {  	[sflag:s21] =	ssyncset.done $0x0  }
0x24b: {  	[sflag:s21] =	ssyncadd.s32 $0xFFFFE000  }
0x24c: {  	[spmem:s3] =	stream.indirect.scatter.add.f32 [tilespmem:s17], [sflag:$0x5], $0x40, s22, s15, $0xb8;
	[tilespmem:$0x1E940] =	vst v63  }
0x24d: {  	_ =	swait.ge [sflag:s23], $0x2000  }
0x24e: {  	[sflag:s23] =	ssyncset.done $0x0  }
0x24f: {  	[sflag:s23] =	ssyncadd.s32 $0xFFFFE000  }
0x250: {  	[tilespmem:s16], [sflag:$0x1] =	stream.indirect.gather [spmem:s2], $0x40, s24, s15, $0xb8;
	[tilespmem:$0x1E940] =	vst v63  }
0x251: {  	_ =	swait.ge [sflag:s25], $0x2000  }
0x252: {  	[sflag:s25] =	ssyncset.done $0x0  }
0x253: {  	[sflag:s25] =	ssyncadd.s32 $0xFFFFE000  }
0x254: {  	[spmem:s3] =	stream.indirect.scatter.add.f32 [tilespmem:s20], [sflag:$0x6], $0x40, s28, s15, $0xb8;
	[tilespmem:$0x1E940] =	vst v63  }
0x255: {  	_ =	swait.ge [sflag:s29], $0x2000  }
0x256: {  	[sflag:s29] =	ssyncset.done $0x0  }
0x257: {  	s12 =	stileid.u32;
	[sflag:s29] =	ssyncadd.s32 $0xFFFFE000  }
0x258: {  	[tilespmem:s17], [sflag:$0x2] =	stream.indirect.gather [spmem:s2], $0x40, s30, s15, $0xb8;
	[tilespmem:$0x1E940] =	vst v63  }
.LBB2_21:
0x259: {  	_ =	swait.ge [sflag:s18], $0x2000  }
0x25a: {  	s1 =	sshra.s32 s4, $0x2;
	[sflag:s18] =	ssyncset.done $0x0  }
0x25b: {  	s9 =	sadd.s32 $0x2900, s1;
	[sflag:s18] =	ssyncadd.s32 $0xFFFFE000  }
0x25c: {  	[spmem:s3] =	stream.indirect.scatter.add.f32 [tilespmem:s16], [sflag:$0x4], $0x40, s9, s15, $0xb8;
	[tilespmem:$0x1E940] =	vst v63  }
0x25d: {  	_ =	swait.ge [sflag:s31], $0x2000  }
0x25e: {  	[sflag:s31] =	ssyncset.done $0x0  }
0x25f: {  	s26 =	sadd.s32 $0x280, s1;
	[sflag:s31] =	ssyncadd.s32 $0xFFFFE000  }
0x260: {  	[tilespmem:s20], [sflag:$0x3] =	stream.indirect.gather [spmem:s2], $0x40, s26, s15, $0xb8;
	[tilespmem:$0x1E940] =	vst v63  }
0x261: {  	_ =	swait.ge [sflag:s21], $0x2000  }
0x262: {  	[sflag:s21] =	ssyncset.done $0x0  }
0x263: {  	s26 =	sadd.s32 $0x2980, s1;
	[sflag:s21] =	ssyncadd.s32 $0xFFFFE000  }
0x264: {  	[spmem:s3] =	stream.indirect.scatter.add.f32 [tilespmem:s17], [sflag:$0x5], $0x40, s26, s15, $0xb8;
	[tilespmem:$0x1E940] =	vst v63  }
0x265: {  	_ =	swait.ge [sflag:s23], $0x2000  }
0x266: {  	[sflag:s23] =	ssyncset.done $0x0  }
0x267: {  	s26 =	sadd.s32 $0x300, s1;
	[sflag:s23] =	ssyncadd.s32 $0xFFFFE000  }
0x268: {  	[tilespmem:s16], [sflag:$0x1] =	stream.indirect.gather [spmem:s2], $0x40, s26, s15, $0xb8;
	[tilespmem:$0x1E940] =	vst v63  }
0x269: {  	_ =	swait.ge [sflag:s25], $0x2000  }
0x26a: {  	p2 =	seq.s32 s4, $0x9000;
	[sflag:s25] =	ssyncset.done $0x0  }
.Ltmp15:
0x26b: {  	s26 =	sadd.s32 $0x2A00, s1;
	[sflag:s25] =	ssyncadd.s32 $0xFFFFE000;
	(pc) =	sbr.rel @p2 .LBB2_23-.Ltmp15, $4  }
0x26c: {  	[spmem:s3] =	stream.indirect.scatter.add.f32 [tilespmem:s20], [sflag:$0x6], $0x40, s26, s15, $0xb8;
	[tilespmem:$0x1E940] =	vst v63  }
0x26d: {  	_ =	swait.ge [sflag:s29], $0x2000  }
0x26e: {  	[sflag:s29] =	ssyncset.done $0x0  }
0x26f: {  	[sflag:s29] =	ssyncadd.s32 $0xFFFFE000  }
.Ltmp16:
0x270: {  	(pc) =	sbr.rel .LBB2_21-.Ltmp16, $3  }
0x271: {  	_ =	sdelay $0x1  }
0x272: {  	s1 =	sadd.s32 $0x380, s1;
	s4 =	sadd.s32 $0x600, s4  }
0x273: {  	[tilespmem:s17], [sflag:$0x2] =	stream.indirect.gather [spmem:s2], $0x40, s1, s15, $0xb8;
	[tilespmem:$0x1E940] =	vst v63  }
.LBB2_24:
0x274: {  	_ =	swait.ge [sflag:s18], $0x2000  }
0x275: {  	[sflag:s18] =	ssyncset.done $0x0  }
0x276: {  	[sflag:s18] =	ssyncadd.s32 $0xFFFFE000  }
0x277: {  	[spmem:s3] =	stream.indirect.scatter.add.f32 [tilespmem:s16], [sflag:$0x4], $0x40, s0, s15, $0xb8;
	[tilespmem:$0x1E940] =	vst v63  }
0x278: {  	_ =	swait.ge [sflag:s31], $0x2000  }
0x279: {  	[sflag:s31] =	ssyncset.done $0x0  }
0x27a: {  	[sflag:s31] =	ssyncadd.s32 $0xFFFFE000  }
0x27b: {  	_ =	swait.ge [sflag:s23], $0x2000  }
0x27c: {  	[sflag:s23] =	ssyncset.done $0x0  }
0x27d: {  	[sflag:s23] =	ssyncadd.s32 $0xFFFFE000  }
0x27e: {  	[bflag:$0x0] =	sbarrier.arrive $0xFFFF  }
0x27f: {  	s1 =	rddreg [dreg:$0x1b]  }
0x280: {  	[hbm:s1], [sflag:s6] =	dma.local [spmem:s7], $0x13C0  }
0x281: {  	_ =	swait.ge [sflag:s13], $0x13C0  }
0x282: {  	[sflag:s13] =	ssyncset.done $0x0  }
0x283: {  	[sflag:s13] =	ssyncadd.s32 $0xFFFFEC40  }
0x284: {  	[bflag:$0x0] =	sbarrier.arrive $0xFFFF  }
0x285: {  	s1 =	simm.s32 @p1 $0x1FC7;
	s12 =	rddreg [dreg:$0x15]  }
0x286: {  	[spmem:s4], [sflag:s1] =	dma.local @p1 [hbm:s12], $0x1040  }
0x287: {  	s1 =	simm.s32 @p1 $0x7  }
0x288: {  	_ =	swait.ge @p1 [sflag:s1], $0x1040  }
0x289: {  	[sflag:s1] =	ssyncset.done @p1 $0x0  }
0x28a: {  	[sflag:s1] =	ssyncadd.s32 @p1 $0xFFFFEFC0;
	s1 =	rddreg [dreg:$0x1f]  }
0x28b: {  	[spmem:s9], [sflag:s6] =	dma.local @!p1 [hbm:s1], $0x13C0  }
0x28c: {  	s1 =	simm.s32 @!p1 $0x7  }
0x28d: {  	_ =	swait.ge @!p1 [sflag:s1], $0x13C0  }
0x28e: {  	[sflag:s1] =	ssyncset.done @!p1 $0x0  }
0x28f: {  	[sflag:s1] =	ssyncadd.s32 @!p1 $0xFFFFEC40  }
0x290: {  	[spmem:s7], [sflag:s6] =	dma.local [hbm:s5], $0x13C0  }
0x291: {  	_ =	swait.ge [sflag:s13], $0x13C0  }
0x292: {  	[sflag:s13] =	ssyncset.done $0x0  }
0x293: {  	[sflag:s13] =	ssyncadd.s32 $0xFFFFEC40  }
0x294: {  	s4 =	simm.s32 $0x0;
	[bflag:$0x0] =	sbarrier.arrive $0xFFFF  }
0x295: {  	[tilespmem:s16], [sflag:$0x1] =	stream.indirect.gather [spmem:s2], $0x40, s4, s15, $0xb8;
	[tilespmem:$0x1E940] =	vst v63  }
0x296: {  	_ = 	snop  }
0x297: {  	[tilespmem:s17], [sflag:$0x2] =	stream.indirect.gather [spmem:s2], $0x40, s15, s15, $0xb8;
	[tilespmem:$0x1E940] =	vst v63  }
0x298: {  	_ =	swait.ge [sflag:s18], $0x2000  }
0x299: {  	[sflag:s18] =	ssyncset.done $0x0  }
0x29a: {  	[sflag:s18] =	ssyncadd.s32 $0xFFFFE000  }
0x29b: {  	[spmem:s3] =	stream.indirect.scatter.add.f32 [tilespmem:s16], [sflag:$0x4], $0x40, s14, s15, $0xb8;
	[tilespmem:$0x1E940] =	vst v63  }
0x29c: {  	_ = 	snop  }
0x29d: {  	[tilespmem:s20], [sflag:$0x3] =	stream.indirect.gather [spmem:s2], $0x40, s19, s15, $0xb8;
	[tilespmem:$0x1E940] =	vst v63  }
0x29e: {  	_ =	swait.ge [sflag:s21], $0x2000  }
0x29f: {  	[sflag:s21] =	ssyncset.done $0x0  }
0x2a0: {  	[sflag:s21] =	ssyncadd.s32 $0xFFFFE000  }
0x2a1: {  	[spmem:s3] =	stream.indirect.scatter.add.f32 [tilespmem:s17], [sflag:$0x5], $0x40, s22, s15, $0xb8;
	[tilespmem:$0x1E940] =	vst v63  }
0x2a2: {  	_ =	swait.ge [sflag:s23], $0x2000  }
0x2a3: {  	[sflag:s23] =	ssyncset.done $0x0  }
0x2a4: {  	[sflag:s23] =	ssyncadd.s32 $0xFFFFE000  }
0x2a5: {  	[tilespmem:s16], [sflag:$0x1] =	stream.indirect.gather [spmem:s2], $0x40, s24, s15, $0xb8;
	[tilespmem:$0x1E940] =	vst v63  }
0x2a6: {  	_ =	swait.ge [sflag:s25], $0x2000  }
0x2a7: {  	[sflag:s25] =	ssyncset.done $0x0  }
0x2a8: {  	[sflag:s25] =	ssyncadd.s32 $0xFFFFE000  }
0x2a9: {  	[spmem:s3] =	stream.indirect.scatter.add.f32 [tilespmem:s20], [sflag:$0x6], $0x40, s28, s15, $0xb8;
	[tilespmem:$0x1E940] =	vst v63  }
0x2aa: {  	_ =	swait.ge [sflag:s29], $0x2000  }
0x2ab: {  	[sflag:s29] =	ssyncset.done $0x0  }
0x2ac: {  	s12 =	stileid.u32;
	[sflag:s29] =	ssyncadd.s32 $0xFFFFE000  }
0x2ad: {  	[tilespmem:s17], [sflag:$0x2] =	stream.indirect.gather [spmem:s2], $0x40, s30, s15, $0xb8;
	[tilespmem:$0x1E940] =	vst v63  }
.LBB2_25:
0x2ae: {  	_ =	swait.ge [sflag:s18], $0x2000  }
0x2af: {  	s1 =	sshra.s32 s4, $0x2;
	[sflag:s18] =	ssyncset.done $0x0  }
0x2b0: {  	s9 =	sadd.s32 $0x2900, s1;
	[sflag:s18] =	ssyncadd.s32 $0xFFFFE000  }
0x2b1: {  	[spmem:s3] =	stream.indirect.scatter.add.f32 [tilespmem:s16], [sflag:$0x4], $0x40, s9, s15, $0xb8;
	[tilespmem:$0x1E940] =	vst v63  }
0x2b2: {  	_ =	swait.ge [sflag:s31], $0x2000  }
0x2b3: {  	[sflag:s31] =	ssyncset.done $0x0  }
0x2b4: {  	s26 =	sadd.s32 $0x280, s1;
	[sflag:s31] =	ssyncadd.s32 $0xFFFFE000  }
0x2b5: {  	[tilespmem:s20], [sflag:$0x3] =	stream.indirect.gather [spmem:s2], $0x40, s26, s15, $0xb8;
	[tilespmem:$0x1E940] =	vst v63  }
0x2b6: {  	_ =	swait.ge [sflag:s21], $0x2000  }
0x2b7: {  	[sflag:s21] =	ssyncset.done $0x0  }
0x2b8: {  	s26 =	sadd.s32 $0x2980, s1;
	[sflag:s21] =	ssyncadd.s32 $0xFFFFE000  }
0x2b9: {  	[spmem:s3] =	stream.indirect.scatter.add.f32 [tilespmem:s17], [sflag:$0x5], $0x40, s26, s15, $0xb8;
	[tilespmem:$0x1E940] =	vst v63  }
0x2ba: {  	_ =	swait.ge [sflag:s23], $0x2000  }
0x2bb: {  	[sflag:s23] =	ssyncset.done $0x0  }
0x2bc: {  	s26 =	sadd.s32 $0x300, s1;
	[sflag:s23] =	ssyncadd.s32 $0xFFFFE000  }
0x2bd: {  	[tilespmem:s16], [sflag:$0x1] =	stream.indirect.gather [spmem:s2], $0x40, s26, s15, $0xb8;
	[tilespmem:$0x1E940] =	vst v63  }
0x2be: {  	_ =	swait.ge [sflag:s25], $0x2000  }
0x2bf: {  	p2 =	seq.s32 s4, $0x9000;
	[sflag:s25] =	ssyncset.done $0x0  }
.Ltmp17:
0x2c0: {  	s26 =	sadd.s32 $0x2A00, s1;
	[sflag:s25] =	ssyncadd.s32 $0xFFFFE000;
	(pc) =	sbr.rel @p2 .LBB2_27-.Ltmp17, $4  }
0x2c1: {  	[spmem:s3] =	stream.indirect.scatter.add.f32 [tilespmem:s20], [sflag:$0x6], $0x40, s26, s15, $0xb8;
	[tilespmem:$0x1E940] =	vst v63  }
0x2c2: {  	_ =	swait.ge [sflag:s29], $0x2000  }
0x2c3: {  	[sflag:s29] =	ssyncset.done $0x0  }
0x2c4: {  	[sflag:s29] =	ssyncadd.s32 $0xFFFFE000  }
.Ltmp18:
0x2c5: {  	(pc) =	sbr.rel .LBB2_25-.Ltmp18, $3  }
0x2c6: {  	_ =	sdelay $0x1  }
0x2c7: {  	s1 =	sadd.s32 $0x380, s1;
	s4 =	sadd.s32 $0x600, s4  }
0x2c8: {  	[tilespmem:s17], [sflag:$0x2] =	stream.indirect.gather [spmem:s2], $0x40, s1, s15, $0xb8;
	[tilespmem:$0x1E940] =	vst v63  }
.LBB2_23:
0x2c9: {  	_ =	swait.ge [sflag:s18], $0x2000  }
0x2ca: {  	[sflag:s18] =	ssyncset.done $0x0  }
0x2cb: {  	[sflag:s18] =	ssyncadd.s32 $0xFFFFE000  }
0x2cc: {  	[spmem:s3] =	stream.indirect.scatter.add.f32 [tilespmem:s16], [sflag:$0x4], $0x40, s0, s15, $0xb8;
	[tilespmem:$0x1E940] =	vst v63  }
0x2cd: {  	_ =	swait.ge [sflag:s31], $0x2000  }
0x2ce: {  	[sflag:s31] =	ssyncset.done $0x0  }
0x2cf: {  	[sflag:s31] =	ssyncadd.s32 $0xFFFFE000  }
0x2d0: {  	_ =	swait.ge [sflag:s23], $0x2000  }
0x2d1: {  	[sflag:s23] =	ssyncset.done $0x0  }
0x2d2: {  	[sflag:s23] =	ssyncadd.s32 $0xFFFFE000  }
0x2d3: {  	[bflag:$0x0] =	sbarrier.arrive $0xFFFF  }
.Ltmp19:
0x2d4: {  	s1 =	rddreg [dreg:$0x1e];
	(pc) =	sbr.rel .LBB2_28-.Ltmp19, $4  }
0x2d5: {  	[hbm:s1], [sflag:s6] =	dma.local [spmem:s7], $0x13C0  }
0x2d6: {  	_ =	swait.ge [sflag:s13], $0x13C0  }
0x2d7: {  	[sflag:s13] =	ssyncset.done $0x0  }
0x2d8: {  	[sflag:s13] =	ssyncadd.s32 $0xFFFFEC40  }
.LBB2_29:
0x2d9: {  	_ =	sfence.sel $0x180000  }
0x2da: {  	[bflag:$0x0] =	sbarrier.arrive $0xFFFF  }
0x2db: {  	_ =	strace $0x9000004A  }
0x2dc: {  	[bflag:$0x2] =	sbarrier.arrive $0xFFFF  }
0x2dd: {  	p0 =	sne.s32 s12, $0x0;
	s0 =	rddreg [dreg:$0x4]  }
0x2de: {  	s0 =	sadd.s32 @!p0 $0x100000, s0  }
0x2df: {  	[sflag:s0] =	ssyncadd.tile.s32 @!p0 $0x1;
	_ =	shalt  }
.Lfunc_end2:
_tile_overlayer_lowered:
.L_overlay_start_2:
0x2e0: {  	(tag) =	ssettag $0x2  }
0x2e1: {  	s0 =	rddreg [dreg:$0x0];
	s2 =	stileid.u32  }
0x2e2: {  	s1 =	rddreg [dreg:$0x1];
	p0 =	sne.s32 s2, $0x0  }
0x2e3: {  	s3 =	rddreg [dreg:$0x2];
	[bflag:$0x3] =	sbarrier.arrive $0xFFFF;
	s2 =	simm.s32 @!p0 $0x1C07  }
0x2e4: {  	[timem:s3], [sflag:s2] =	dma.local @!p0 [hbm:s0], s1  }
0x2e5: {  	s0 =	simm.s32 @!p0 $0x7  }
0x2e6: {  	_ =	swait.ge @!p0 [sflag:s0], s1  }
0x2e7: {  	s1 =	ssub.s32 @!p0 $0x0, s1;
	[sflag:s0] =	ssyncset.done @!p0 $0x0  }
0x2e8: {  	[sflag:s0] =	ssyncadd.s32 @!p0 s1  }
0x2e9: {  	[bflag:$0x3] =	sbarrier.arrive $0xFFFF  }
0x2ea: {  	_ =	shalt  }

</sc_bundles>
